<compile_context>
chip_gen: v7x
topology: tpu7x:2x2x1
jax: 0.10.2.dev20260603
libtpu: 0.0.44.dev20260713+nightly
codegen_flags: <defaults>
</compile_context>

<pallas_src>
import jax
import jax.numpy as jnp
from jax import lax
from jax.experimental import pallas as pl
from jax.experimental.pallas import tpu as pltpu
from jax.experimental.pallas import tpu_sc as plsc

N = 10000
E = 320000
D_IN = 128
EMB = 48
K = 7
D_OUT = 10

NS = 16
Np = 10240
Ep = 327680
TE2 = Ep // NS
CH = 256
RI2 = CH // 128
NCH2 = TE2 // CH
NROUND2 = NCH2 // 2
TROW = Np // NS
EWCH = 2048

_mesh1 = plsc.VectorSubcoreMesh(core_axis_name="c", subcore_axis_name="s",
                                num_cores=1, num_subcores=16)


def _mega_body(hp, row2d, col2d, ewf, zn, z48, tflat,
               dacc, acc, rowi, coli, nrm, dis_v, ew_s, r0, r1, adj0, adj1,
               sem_g, sem_s):
    s_id = lax.axis_index("s")
    base_row = s_id * (TE2 // 128)
    ebase = s_id * TE2
    nbase = s_id * TROW
    pltpu.sync_copy(row2d.at[pl.ds(base_row, TE2 // 128)], rowi)
    pltpu.sync_copy(col2d.at[pl.ds(base_row, TE2 // 128)], coli)
    pltpu.sync_copy(zn.at[pl.ds(nbase, TROW)], dacc.at[pl.ds(nbase, TROW)])
    pltpu.sync_copy(z48.at[pl.ds(nbase, TROW)], acc.at[pl.ds(nbase, TROW)])
    pltpu.sync_copy(hp.at[pl.ds(nbase, TROW)], tflat.at[pl.ds(nbase, TROW)])
    plsc.subcore_barrier()

    def dchunk(c, carry):
        pltpu.sync_copy(ewf.at[pl.ds(ebase + c * EWCH, EWCH)], ew_s)
        for j in range(EWCH // 128):
            pltpu.sync_copy(ew_s.at[pl.ds(j * 128, 128)],
                            dacc.at[rowi.at[c * (EWCH // 128) + j]], add=True)
        return carry

    lax.fori_loop(0, TE2 // EWCH, dchunk, 0)
    plsc.subcore_barrier()

    pltpu.sync_copy(dacc, nrm.at[pl.ds(0, Np)])

    def dloop(i, carry):
        d = nrm[pl.ds(i * 16, 16)]
        bits = plsc.bitcast(d, jnp.int32)
        y = plsc.bitcast(jnp.int32(0x5F3759DF) - (bits >> 1), jnp.float32)
        y = y * (1.5 - 0.5 * d * y * y)
        y = y * (1.5 - 0.5 * d * y * y)
        y = y * (1.5 - 0.5 * d * y * y)
        y = y * (1.5 - 0.5 * d * y * y)
        dis_v[pl.ds(i * 16, 16)] = jnp.where(d > 0.0, y, 0.0)
        return carry

    lax.fori_loop(0, Np // 16, dloop, 0)

    def nchunk(c, carry):
        pltpu.sync_copy(ewf.at[pl.ds(ebase + c * EWCH, EWCH)], ew_s)

        def inner(i, c2):
            g = c * (EWCH // 16) + i
            rr = g // 8
            cc = (g % 8) * 16
            r16 = rowi[rr, pl.ds(cc, 16)]
            c16 = coli[rr, pl.ds(cc, 16)]
            a = plsc.load_gather(dis_v, [r16])
            b = plsc.load_gather(dis_v, [c16])
            nrm[pl.ds(g * 16, 16)] = -(a * ew_s[pl.ds(i * 16, 16)] * b)
            return c2

        lax.fori_loop(0, EWCH // 16, inner, 0)
        return carry

    lax.fori_loop(0, TE2 // EWCH, nchunk, 0)

    adjs = (adj0, adj1)
    rbufs = (r0, r1)

    def fire_gather(k_off, c, b):
        for j in range(RI2):
            for q in range(8):
                adjs[b][j, pl.ds(q * 16, 16)] = (
                    rowi[c * RI2 + j, pl.ds(q * 16, 16)] + k_off)
            pltpu.async_copy(tflat.at[adjs[b].at[j]],
                             rbufs[b].at[pl.ds(j * 128, 128)], sem_g)

    def wait_gather(b):
        for j in range(RI2):
            pltpu.make_async_copy(tflat.at[adjs[b].at[j]],
                                  rbufs[b].at[pl.ds(j * 128, 128)],
                                  sem_g).wait()

    def fire_scatter(c, b):
        for j in range(RI2):
            pltpu.async_copy(rbufs[b].at[pl.ds(j * 128, 128)],
                             acc.at[coli.at[c * RI2 + j]], sem_s, add=True)

    def wait_scatter(b):
        for j in range(RI2):
            pltpu.make_async_copy(rbufs[b].at[pl.ds(j * 128, 128)],
                                  acc.at[coli.at[0]], sem_s).wait()

    def scale(c, b):
        buf = rbufs[b]

        def sbody(g2, c2):
            n16 = nrm[pl.ds(c * CH + g2 * 16, 16)]
            for l in range(16):
                s16 = n16.at[jnp.full((16,), l, jnp.int32)].get(
                    mode="promise_in_bounds")
                e = g2 * 16 + l
                for j in range(3):
                    buf[e, pl.ds(j * 16, 16)] = buf[e, pl.ds(j * 16, 16)] * s16
            return c2

        lax.fori_loop(0, CH // 16, sbody, 0)

    def hop(k, carry):
        k_off = (k - 1) * Np
        for b in range(2):
            fire_gather(k_off, b, b)

        def round_body(g, c2):
            for b in range(2):
                wait_gather(b)
                scale(g * 2 + b, b)
                fire_scatter(g * 2 + b, b)

            @pl.when(g < NROUND2 - 1)
            def _():
                for b in range(2):
                    wait_scatter(b)
                    fire_gather(k_off, g * 2 + b + 2, b)

            return c2

        lax.fori_loop(0, NROUND2, round_body, 0)
        for b in range(2):
            wait_scatter(b)
        plsc.subcore_barrier()

        ck = jnp.where(k == 1, 1.0, 2.0)
        dk = jnp.where(k == 1, 0.0, 1.0)
        km2_off = jnp.maximum(k - 2, 0) * Np

        def piece(p, c2):
            rb = nbase + p * 128
            pltpu.sync_copy(acc.at[pl.ds(rb, 128)], r0.at[pl.ds(0, 128)])
            pltpu.sync_copy(tflat.at[pl.ds(km2_off + rb, 128)],
                            r1.at[pl.ds(0, 128)])

            def rrow(r, c3):
                for j in range(3):
                    r0[r, pl.ds(j * 16, 16)] = (
                        ck * r0[r, pl.ds(j * 16, 16)]
                        - dk * r1[r, pl.ds(j * 16, 16)])
                return c3

            lax.fori_loop(0, 128, rrow, 0)
            pltpu.sync_copy(r0.at[pl.ds(0, 128)],
                            tflat.at[pl.ds(k * Np + rb, 128)])
            pltpu.sync_copy(z48.at[pl.ds(rb, 128)], acc.at[pl.ds(rb, 128)])
            return c2

        lax.fori_loop(0, TROW // 128, piece, 0)
        plsc.subcore_barrier()
        return carry

    lax.fori_loop(1, K, hop, 0)


_mega_kernel = pl.kernel(
    _mega_body,
    out_type=jax.ShapeDtypeStruct((K * Np, EMB), jnp.float32),
    mesh=_mesh1,
    compiler_params=pltpu.CompilerParams(needs_layout_passes=False,
                                         use_tc_tiling_on_sc=False),
    scratch_types=[
        pltpu.VMEM_SHARED((Np,), jnp.float32),
        pltpu.VMEM_SHARED((Np, EMB), jnp.float32),
        pltpu.VMEM((TE2 // 128, 128), jnp.int32),
        pltpu.VMEM((TE2 // 128, 128), jnp.int32),
        pltpu.VMEM((TE2,), jnp.float32),
        pltpu.VMEM((Np,), jnp.float32),
        pltpu.VMEM((EWCH,), jnp.float32),
        pltpu.VMEM((CH, EMB), jnp.float32),
        pltpu.VMEM((CH, EMB), jnp.float32),
        pltpu.VMEM((RI2, 128), jnp.int32),
        pltpu.VMEM((RI2, 128), jnp.int32),
        pltpu.SemaphoreType.DMA,
        pltpu.SemaphoreType.DMA,
    ],
)


_BLK = 1000
_NBLK = N // _BLK


def _input_body(x_ref, w_ref, b_ref, o_ref):
    h = jnp.dot(x_ref[...], w_ref[...], preferred_element_type=jnp.float32)
    o_ref[...] = jnp.maximum(h + b_ref[...], 0.0)


_input_kernel = pl.pallas_call(
    _input_body,
    grid=(_NBLK,),
    in_specs=[
        pl.BlockSpec((_BLK, D_IN), lambda i: (i, 0)),
        pl.BlockSpec((D_IN, EMB), lambda i: (0, 0)),
        pl.BlockSpec((1, EMB), lambda i: (0, 0)),
    ],
    out_specs=pl.BlockSpec((_BLK, EMB), lambda i: (i, 0)),
    out_shape=jax.ShapeDtypeStruct((N, EMB), jnp.float32),
)


_FBLK = 640
_FNBLK = Np // _FBLK


def _final_body(t0, t1, t2, t3, t4, t5, t6, cw, cb, wo, bo, o_ref):
    ts = (t0, t1, t2, t3, t4, t5, t6)
    acc = jnp.dot(ts[0][...], cw[0], preferred_element_type=jnp.float32)
    for k in range(1, K):
        acc = acc + jnp.dot(ts[k][...], cw[k],
                            preferred_element_type=jnp.float32)
    acc = jnp.maximum(acc + cb[...], 0.0)
    o_ref[...] = jnp.dot(acc, wo[...],
                         preferred_element_type=jnp.float32) + bo[...]


def _mk_tspec(k2):
    return pl.BlockSpec((_FBLK, EMB), lambda i, kk=k2: (kk * _FNBLK + i, 0))


_final_kernel = pl.pallas_call(
    _final_body,
    grid=(_FNBLK,),
    in_specs=[_mk_tspec(k2) for k2 in range(K)] + [
        pl.BlockSpec((K, EMB, EMB), lambda i: (0, 0, 0)),
        pl.BlockSpec((1, EMB), lambda i: (0, 0)),
        pl.BlockSpec((EMB, D_OUT), lambda i: (0, 0)),
        pl.BlockSpec((1, D_OUT), lambda i: (0, 0)),
    ],
    out_specs=pl.BlockSpec((_FBLK, D_OUT), lambda i: (i, 0)),
    out_shape=jax.ShapeDtypeStruct((Np, D_OUT), jnp.float32),
)


def kernel(x, edge_index, edge_weight, W_in, b_in, cheb_W, cheb_b, W_out,
           b_out):
    row = edge_index[0].astype(jnp.int32)
    col = edge_index[1].astype(jnp.int32)
    pad = Ep - E
    pad_idx = jnp.arange(pad, dtype=jnp.int32) % Np
    row2d = jnp.concatenate([row, pad_idx]).reshape(Ep // 128, 128)
    col2d = jnp.concatenate([col, pad_idx]).reshape(Ep // 128, 128)
    ewp = jnp.concatenate([edge_weight, jnp.zeros((pad,), jnp.float32)])
    zn = jnp.zeros((Np,), jnp.float32)
    z48 = jnp.zeros((Np, EMB), jnp.float32)

    h = _input_kernel(x, W_in, b_in.reshape(1, EMB))
    hp = jnp.concatenate([h, jnp.zeros((Np - N, EMB), jnp.float32)])

    tflat = _mega_kernel(hp, row2d, col2d, ewp, zn, z48)

    out_p = _final_kernel(tflat, tflat, tflat, tflat, tflat, tflat, tflat,
                          cheb_W, cheb_b.reshape(1, EMB), W_out,
                          b_out.reshape(1, D_OUT))
    return (out_p[:N], h)

# --- scband reference (transcript-rebuilt; emitter-appended) ---
"""Pipeline reference for scband-net-74397423501440 (READ-ONLY COPY).

The authoritative reference and input builder live on the scoring server;
editing this copy changes nothing except your own understanding.
"""

import jax, jax.numpy as jnp
import numpy as np

N = 10000
E = 320000
D_IN = 128
EMB = 48
HID = 48
K = 7
D_OUT = 10


def setup_inputs(seed: int = 0) -> dict:
    key = jax.random.key(seed)
    ks = jax.random.split(key, 9)
    x = jax.random.normal(ks[0], (N, D_IN), dtype=jnp.float32)
    edge_index = jax.random.randint(ks[1], (2, E), 0, N)
    edge_weight = jax.random.uniform(ks[2], (E,), dtype=jnp.float32)
    W_in = jax.random.normal(ks[3], (D_IN, EMB), dtype=jnp.float32) * 0.05
    b_in = jnp.zeros((EMB,), dtype=jnp.float32)
    cheb_W = jax.random.normal(ks[4], (K, EMB, HID), dtype=jnp.float32) * 0.05
    cheb_b = jnp.zeros((HID,), dtype=jnp.float32)
    W_out = jax.random.normal(ks[5], (HID, D_OUT), dtype=jnp.float32) * 0.05
    b_out = jnp.zeros((D_OUT,), dtype=jnp.float32)
    return {"x": x, "edge_index": edge_index, "edge_weight": edge_weight,
            "W_in": W_in, "b_in": b_in, "cheb_W": cheb_W, "cheb_b": cheb_b,
            "W_out": W_out, "b_out": b_out}


def reference(x, edge_index, edge_weight, W_in, b_in, cheb_W, cheb_b, W_out, b_out):
    # in_nn[0] + ReLU (dropout = identity in eval)
    h = jax.nn.relu(x @ W_in + b_in)
    xf = h
    # ChebConv normalization (sym, lambda_max=2.0):
    # L_hat = 2L/lambda_max - I = -D^{-1/2} A D^{-1/2} (self-loop diag cancels to 0)
    row = edge_index[0]
    col = edge_index[1]
    deg = jax.ops.segment_sum(edge_weight, row, num_segments=N)
    dis = jnp.where(deg > 0, jax.lax.rsqrt(jnp.where(deg > 0, deg, 1.0)), 0.0)
    norm = -dis[row] * edge_weight * dis[col]

    def prop(t):
        # message: norm_e * t[src], aggregated at dst via scatter-add
        return jax.ops.segment_sum(norm[:, None] * t[row], col, num_segments=N)

    Tx0 = xf
    Tx1 = prop(Tx0)
    out = Tx0 @ cheb_W[0] + Tx1 @ cheb_W[1]
    Tkm2, Tkm1 = Tx0, Tx1
    for k in range(2, K):
        Tk = 2.0 * prop(Tkm1) - Tkm2
        out = out + Tk @ cheb_W[k]
        Tkm2, Tkm1 = Tkm1, Tk
    out = out + cheb_b
    out = jax.nn.relu(out)
    out = out @ W_out + b_out
    return (out, xf)

if __name__ == "__main__":
    import jax
    _d = setup_inputs()
    print(jax.jit(kernel)(*tuple(_d.values())))

</pallas_src>

<mosaic_0001>
#map = affine_map<(d0, d1) -> (0, 0)>
#map1 = affine_map<(d0, d1) -> (0)>
module attributes {stable_mosaic.version = 14 : i64} {
  func.func @_mega_body(%arg0: i32, %arg1: i32, %arg2: memref<10240x48xf32, #tpu.memory_space<hbm>>, %arg3: memref<2560x128xi32, #tpu.memory_space<hbm>>, %arg4: memref<2560x128xi32, #tpu.memory_space<hbm>>, %arg5: memref<327680xf32, #tpu.memory_space<hbm>>, %arg6: memref<10240xf32, #tpu.memory_space<hbm>>, %arg7: memref<10240x48xf32, #tpu.memory_space<hbm>>, %arg8: memref<71680x48xf32, #tpu.memory_space<hbm>>, %arg9: memref<10240xf32, #tpu.memory_space<vmem_shared>>, %arg10: memref<10240x48xf32, #tpu.memory_space<vmem_shared>>, %arg11: memref<160x128xi32, #tpu.memory_space<vmem>>, %arg12: memref<160x128xi32, #tpu.memory_space<vmem>>, %arg13: memref<20480xf32, #tpu.memory_space<vmem>>, %arg14: memref<10240xf32, #tpu.memory_space<vmem>>, %arg15: memref<2048xf32, #tpu.memory_space<vmem>>, %arg16: memref<256x48xf32, #tpu.memory_space<vmem>>, %arg17: memref<256x48xf32, #tpu.memory_space<vmem>>, %arg18: memref<2x128xi32, #tpu.memory_space<vmem>>, %arg19: memref<2x128xi32, #tpu.memory_space<vmem>>, %arg20: memref<!tpu.dma_semaphore, #tpu.memory_space<semaphore_mem>>, %arg21: memref<!tpu.dma_semaphore, #tpu.memory_space<semaphore_mem>>) attributes {dimension_semantics = [#tpu.dimension_semantics<core_parallel>, #tpu.dimension_semantics<subcore_parallel>], iteration_bounds = array<i64: 1, 16>, scalar_prefetch = 0 : i64, scratch_operands = 13 : i64, tpu.core_type = #tpu.core_type<sc_vector_subcore>, window_params = [{transform_indices = #map}, {transform_indices = #map}, {transform_indices = #map}, {transform_indices = #map1}, {transform_indices = #map1}, {transform_indices = #map}, {transform_indices = #map}]} {
    %mul3A = arith.constant 160 : i32
    %mul3A_0 = arith.muli %arg1, %mul3A : i32
    %mul3A_1 = arith.constant 20480 : i32
    %mul3A_2 = arith.muli %arg1, %mul3A_1 : i32
    %mul3A_3 = arith.constant 640 : i32
    %mul3A_4 = arith.muli %arg1, %mul3A_3 : i32
    "tpu.region"() ({
      %run_scoped3A = tpu.sem_alloc : memref<!tpu.dma_semaphore, #tpu.memory_space<semaphore_mem>>
      %dma_start3A = arith.constant 0 : i32
      %dma_start3A_29 = tpu.memref_slice %arg3[%mul3A_0, %dma_start3A] : memref<2560x128xi32, #tpu.memory_space<hbm>> -> memref<160x128xi32, #tpu.memory_space<hbm>>
      %dma_start3A_30 = arith.constant 0 : i32
      %dma_start3A_31 = tpu.memref_slice %arg3[%mul3A_0, %dma_start3A_30] : memref<2560x128xi32, #tpu.memory_space<hbm>> -> memref<160x128xi32, #tpu.memory_space<hbm>>
      tpu.enqueue_dma source(%dma_start3A_31 : memref<160x128xi32, #tpu.memory_space<hbm>>) target(%arg11 : memref<160x128xi32, #tpu.memory_space<vmem>>) target_semaphore(%run_scoped3A : memref<!tpu.dma_semaphore, #tpu.memory_space<semaphore_mem>>)
      %dma_wait3A = arith.constant 0 : i32
      %dma_wait3A_32 = tpu.memref_slice %arg3[%mul3A_0, %dma_wait3A] : memref<2560x128xi32, #tpu.memory_space<hbm>> -> memref<160x128xi32, #tpu.memory_space<hbm>>
      %dma_wait3A_33 = arith.constant 0 : i32
      %dma_wait3A_34 = tpu.memref_slice %arg3[%mul3A_0, %dma_wait3A_33] : memref<2560x128xi32, #tpu.memory_space<hbm>> -> memref<160x128xi32, #tpu.memory_space<hbm>>
      tpu.wait_dma2 semaphore(%run_scoped3A : memref<!tpu.dma_semaphore, #tpu.memory_space<semaphore_mem>>) src(%dma_wait3A_34 : memref<160x128xi32, #tpu.memory_space<hbm>>) dst(%arg11 : memref<160x128xi32, #tpu.memory_space<vmem>>)
      tpu.yield
    }) : () -> ()
    "tpu.region"() ({
      %run_scoped3A = tpu.sem_alloc : memref<!tpu.dma_semaphore, #tpu.memory_space<semaphore_mem>>
      %dma_start3A = arith.constant 0 : i32
      %dma_start3A_29 = tpu.memref_slice %arg4[%mul3A_0, %dma_start3A] : memref<2560x128xi32, #tpu.memory_space<hbm>> -> memref<160x128xi32, #tpu.memory_space<hbm>>
      %dma_start3A_30 = arith.constant 0 : i32
      %dma_start3A_31 = tpu.memref_slice %arg4[%mul3A_0, %dma_start3A_30] : memref<2560x128xi32, #tpu.memory_space<hbm>> -> memref<160x128xi32, #tpu.memory_space<hbm>>
      tpu.enqueue_dma source(%dma_start3A_31 : memref<160x128xi32, #tpu.memory_space<hbm>>) target(%arg12 : memref<160x128xi32, #tpu.memory_space<vmem>>) target_semaphore(%run_scoped3A : memref<!tpu.dma_semaphore, #tpu.memory_space<semaphore_mem>>)
      %dma_wait3A = arith.constant 0 : i32
      %dma_wait3A_32 = tpu.memref_slice %arg4[%mul3A_0, %dma_wait3A] : memref<2560x128xi32, #tpu.memory_space<hbm>> -> memref<160x128xi32, #tpu.memory_space<hbm>>
      %dma_wait3A_33 = arith.constant 0 : i32
      %dma_wait3A_34 = tpu.memref_slice %arg4[%mul3A_0, %dma_wait3A_33] : memref<2560x128xi32, #tpu.memory_space<hbm>> -> memref<160x128xi32, #tpu.memory_space<hbm>>
      tpu.wait_dma2 semaphore(%run_scoped3A : memref<!tpu.dma_semaphore, #tpu.memory_space<semaphore_mem>>) src(%dma_wait3A_34 : memref<160x128xi32, #tpu.memory_space<hbm>>) dst(%arg12 : memref<160x128xi32, #tpu.memory_space<vmem>>)
      tpu.yield
    }) : () -> ()
    "tpu.region"() ({
      %run_scoped3A = tpu.sem_alloc : memref<!tpu.dma_semaphore, #tpu.memory_space<semaphore_mem>>
      %dma_start3A = tpu.memref_slice %arg9[%mul3A_4] : memref<10240xf32, #tpu.memory_space<vmem_shared>> -> memref<640xf32, #tpu.memory_space<vmem_shared>>
      %dma_start3A_29 = tpu.memref_slice %arg6[%mul3A_4] : memref<10240xf32, #tpu.memory_space<hbm>> -> memref<640xf32, #tpu.memory_space<hbm>>
      tpu.enqueue_dma source(%dma_start3A_29 : memref<640xf32, #tpu.memory_space<hbm>>) target(%dma_start3A : memref<640xf32, #tpu.memory_space<vmem_shared>>) target_semaphore(%run_scoped3A : memref<!tpu.dma_semaphore, #tpu.memory_space<semaphore_mem>>)
      %dma_wait3A = tpu.memref_slice %arg9[%mul3A_4] : memref<10240xf32, #tpu.memory_space<vmem_shared>> -> memref<640xf32, #tpu.memory_space<vmem_shared>>
      %dma_wait3A_30 = tpu.memref_slice %arg6[%mul3A_4] : memref<10240xf32, #tpu.memory_space<hbm>> -> memref<640xf32, #tpu.memory_space<hbm>>
      tpu.wait_dma2 semaphore(%run_scoped3A : memref<!tpu.dma_semaphore, #tpu.memory_space<semaphore_mem>>) src(%dma_wait3A_30 : memref<640xf32, #tpu.memory_space<hbm>>) dst(%dma_wait3A : memref<640xf32, #tpu.memory_space<vmem_shared>>)
      tpu.yield
    }) : () -> ()
    "tpu.region"() ({
      %run_scoped3A = tpu.sem_alloc : memref<!tpu.dma_semaphore, #tpu.memory_space<semaphore_mem>>
      %dma_start3A = arith.constant 0 : i32
      %dma_start3A_29 = tpu.memref_slice %arg10[%mul3A_4, %dma_start3A] : memref<10240x48xf32, #tpu.memory_space<vmem_shared>> -> memref<640x48xf32, #tpu.memory_space<vmem_shared>>
      %dma_start3A_30 = arith.constant 0 : i32
      %dma_start3A_31 = tpu.memref_slice %arg7[%mul3A_4, %dma_start3A_30] : memref<10240x48xf32, #tpu.memory_space<hbm>> -> memref<640x48xf32, #tpu.memory_space<hbm>>
      tpu.enqueue_dma source(%dma_start3A_31 : memref<640x48xf32, #tpu.memory_space<hbm>>) target(%dma_start3A_29 : memref<640x48xf32, #tpu.memory_space<vmem_shared>>) target_semaphore(%run_scoped3A : memref<!tpu.dma_semaphore, #tpu.memory_space<semaphore_mem>>)
      %dma_wait3A = arith.constant 0 : i32
      %dma_wait3A_32 = tpu.memref_slice %arg10[%mul3A_4, %dma_wait3A] : memref<10240x48xf32, #tpu.memory_space<vmem_shared>> -> memref<640x48xf32, #tpu.memory_space<vmem_shared>>
      %dma_wait3A_33 = arith.constant 0 : i32
      %dma_wait3A_34 = tpu.memref_slice %arg7[%mul3A_4, %dma_wait3A_33] : memref<10240x48xf32, #tpu.memory_space<hbm>> -> memref<640x48xf32, #tpu.memory_space<hbm>>
      tpu.wait_dma2 semaphore(%run_scoped3A : memref<!tpu.dma_semaphore, #tpu.memory_space<semaphore_mem>>) src(%dma_wait3A_34 : memref<640x48xf32, #tpu.memory_space<hbm>>) dst(%dma_wait3A_32 : memref<640x48xf32, #tpu.memory_space<vmem_shared>>)
      tpu.yield
    }) : () -> ()
    "tpu.region"() ({
      %run_scoped3A = tpu.sem_alloc : memref<!tpu.dma_semaphore, #tpu.memory_space<semaphore_mem>>
      %dma_start3A = arith.constant 0 : i32
      %dma_start3A_29 = tpu.memref_slice %arg8[%mul3A_4, %dma_start3A] : memref<71680x48xf32, #tpu.memory_space<hbm>> -> memref<640x48xf32, #tpu.memory_space<hbm>>
      %dma_start3A_30 = arith.constant 0 : i32
      %dma_start3A_31 = tpu.memref_slice %arg2[%mul3A_4, %dma_start3A_30] : memref<10240x48xf32, #tpu.memory_space<hbm>> -> memref<640x48xf32, #tpu.memory_space<hbm>>
      tpu.enqueue_dma source(%dma_start3A_31 : memref<640x48xf32, #tpu.memory_space<hbm>>) target(%dma_start3A_29 : memref<640x48xf32, #tpu.memory_space<hbm>>) target_semaphore(%run_scoped3A : memref<!tpu.dma_semaphore, #tpu.memory_space<semaphore_mem>>)
      %dma_wait3A = arith.constant 0 : i32
      %dma_wait3A_32 = tpu.memref_slice %arg8[%mul3A_4, %dma_wait3A] : memref<71680x48xf32, #tpu.memory_space<hbm>> -> memref<640x48xf32, #tpu.memory_space<hbm>>
      %dma_wait3A_33 = arith.constant 0 : i32
      %dma_wait3A_34 = tpu.memref_slice %arg2[%mul3A_4, %dma_wait3A_33] : memref<10240x48xf32, #tpu.memory_space<hbm>> -> memref<640x48xf32, #tpu.memory_space<hbm>>
      tpu.wait_dma2 semaphore(%run_scoped3A : memref<!tpu.dma_semaphore, #tpu.memory_space<semaphore_mem>>) src(%dma_wait3A_34 : memref<640x48xf32, #tpu.memory_space<hbm>>) dst(%dma_wait3A_32 : memref<640x48xf32, #tpu.memory_space<hbm>>)
      tpu.yield
    }) : () -> ()
    %barrier3A = arith.constant 0 : index
    tpu.barrier barrier_id(%barrier3A)
    %scan3A = arith.constant 0 : i32
    %scan3A_5 = arith.constant 0 : i32
    %scan3A_6 = arith.constant 10 : i32
    %scan3A_7 = arith.addi %scan3A_5, %scan3A_6 : i32
    %scan3A_8 = arith.constant 1 : i32
    scf.for %scan3A_29 = %scan3A_5 to %scan3A_7 step %scan3A_8  : i32 {
      %mul3A_30 = arith.constant 2048 : i32
      %mul3A_31 = arith.muli %scan3A_29, %mul3A_30 : i32
      %add3A = arith.addi %mul3A_2, %mul3A_31 : i32
      "tpu.region"() ({
        %run_scoped3A = tpu.sem_alloc : memref<!tpu.dma_semaphore, #tpu.memory_space<semaphore_mem>>
        %dma_start3A = tpu.memref_slice %arg5[%add3A] : memref<327680xf32, #tpu.memory_space<hbm>> -> memref<2048xf32, #tpu.memory_space<hbm>>
        %dma_start3A_96 = tpu.memref_slice %arg5[%add3A] : memref<327680xf32, #tpu.memory_space<hbm>> -> memref<2048xf32, #tpu.memory_space<hbm>>
        tpu.enqueue_dma source(%dma_start3A_96 : memref<2048xf32, #tpu.memory_space<hbm>>) target(%arg15 : memref<2048xf32, #tpu.memory_space<vmem>>) target_semaphore(%run_scoped3A : memref<!tpu.dma_semaphore, #tpu.memory_space<semaphore_mem>>)
        %dma_wait3A = tpu.memref_slice %arg5[%add3A] : memref<327680xf32, #tpu.memory_space<hbm>> -> memref<2048xf32, #tpu.memory_space<hbm>>
        %dma_wait3A_97 = tpu.memref_slice %arg5[%add3A] : memref<327680xf32, #tpu.memory_space<hbm>> -> memref<2048xf32, #tpu.memory_space<hbm>>
        tpu.wait_dma2 semaphore(%run_scoped3A : memref<!tpu.dma_semaphore, #tpu.memory_space<semaphore_mem>>) src(%dma_wait3A_97 : memref<2048xf32, #tpu.memory_space<hbm>>) dst(%arg15 : memref<2048xf32, #tpu.memory_space<vmem>>)
        tpu.yield
      }) : () -> ()
      %mul3A_32 = arith.constant 16 : i32
      %mul3A_33 = arith.muli %scan3A_29, %mul3A_32 : i32
      %add3A_34 = arith.constant 0 : i32
      %add3A_35 = arith.addi %mul3A_33, %add3A_34 : i32
      "tpu.region"() ({
        %run_scoped3A = tpu.sem_alloc : memref<!tpu.dma_semaphore, #tpu.memory_space<semaphore_mem>>
        %dma_start3A = arith.constant 0 : i32
        %dma_start3A_96 = tpu.memref_slice %arg15[%dma_start3A] : memref<2048xf32, #tpu.memory_space<vmem>> -> memref<128xf32, #tpu.memory_space<vmem>>
        %dma_start3A_97 = arith.constant 0 : i32
        %dma_start3A_98 = tpu.memref_slice %arg11[%add3A_35, %dma_start3A_97] : memref<160x128xi32, #tpu.memory_space<vmem>> -> memref<1x128xi32, #tpu.memory_space<vmem>>
        %dma_start3A_99 = tpu.memref_squeeze %dma_start3A_98 : memref<1x128xi32, #tpu.memory_space<vmem>> -> memref<128xi32, #tpu.memory_space<vmem>>
        %dma_start3A_100 = arith.constant 0 : i32
        %dma_start3A_101 = tpu.memref_slice %arg9[%dma_start3A_100] : memref<10240xf32, #tpu.memory_space<vmem_shared>> -> memref<10240xf32, #tpu.memory_space<vmem_shared>>
        tpu.enqueue_indirect_dma source(%dma_start3A_96 : memref<128xf32, #tpu.memory_space<vmem>>) target(%dma_start3A_101 : memref<10240xf32, #tpu.memory_space<vmem_shared>>) offsets(%dma_start3A_99 : memref<128xi32, #tpu.memory_space<vmem>>) semaphore(%run_scoped3A : memref<!tpu.dma_semaphore, #tpu.memory_space<semaphore_mem>>) {add = true}
        %dma_wait3A = arith.constant 0 : i32
        %dma_wait3A_102 = tpu.memref_slice %arg15[%dma_wait3A] : memref<2048xf32, #tpu.memory_space<vmem>> -> memref<128xf32, #tpu.memory_space<vmem>>
        %dma_wait3A_103 = arith.constant 0 : i32
        %dma_wait3A_104 = tpu.memref_slice %arg11[%add3A_35, %dma_wait3A_103] : memref<160x128xi32, #tpu.memory_space<vmem>> -> memref<1x128xi32, #tpu.memory_space<vmem>>
        %dma_wait3A_105 = tpu.memref_squeeze %dma_wait3A_104 : memref<1x128xi32, #tpu.memory_space<vmem>> -> memref<128xi32, #tpu.memory_space<vmem>>
        %dma_wait3A_106 = arith.constant 0 : i32
        %dma_wait3A_107 = tpu.memref_slice %arg9[%dma_wait3A_106] : memref<10240xf32, #tpu.memory_space<vmem_shared>> -> memref<10240xf32, #tpu.memory_space<vmem_shared>>
        tpu.wait_indirect_dma semaphore(%run_scoped3A : memref<!tpu.dma_semaphore, #tpu.memory_space<semaphore_mem>>) src(%dma_wait3A_102 : memref<128xf32, #tpu.memory_space<vmem>>) dst(%dma_wait3A_107 : memref<10240xf32, #tpu.memory_space<vmem_shared>>)
        tpu.yield
      }) : () -> ()
      %mul3A_36 = arith.constant 16 : i32
      %mul3A_37 = arith.muli %scan3A_29, %mul3A_36 : i32
      %add3A_38 = arith.constant 1 : i32
      %add3A_39 = arith.addi %mul3A_37, %add3A_38 : i32
      "tpu.region"() ({
        %run_scoped3A = tpu.sem_alloc : memref<!tpu.dma_semaphore, #tpu.memory_space<semaphore_mem>>
        %dma_start3A = arith.constant 128 : i32
        %dma_start3A_96 = tpu.memref_slice %arg15[%dma_start3A] : memref<2048xf32, #tpu.memory_space<vmem>> -> memref<128xf32, #tpu.memory_space<vmem>>
        %dma_start3A_97 = arith.constant 0 : i32
        %dma_start3A_98 = tpu.memref_slice %arg11[%add3A_39, %dma_start3A_97] : memref<160x128xi32, #tpu.memory_space<vmem>> -> memref<1x128xi32, #tpu.memory_space<vmem>>
        %dma_start3A_99 = tpu.memref_squeeze %dma_start3A_98 : memref<1x128xi32, #tpu.memory_space<vmem>> -> memref<128xi32, #tpu.memory_space<vmem>>
        %dma_start3A_100 = arith.constant 0 : i32
        %dma_start3A_101 = tpu.memref_slice %arg9[%dma_start3A_100] : memref<10240xf32, #tpu.memory_space<vmem_shared>> -> memref<10240xf32, #tpu.memory_space<vmem_shared>>
        tpu.enqueue_indirect_dma source(%dma_start3A_96 : memref<128xf32, #tpu.memory_space<vmem>>) target(%dma_start3A_101 : memref<10240xf32, #tpu.memory_space<vmem_shared>>) offsets(%dma_start3A_99 : memref<128xi32, #tpu.memory_space<vmem>>) semaphore(%run_scoped3A : memref<!tpu.dma_semaphore, #tpu.memory_space<semaphore_mem>>) {add = true}
        %dma_wait3A = arith.constant 128 : i32
        %dma_wait3A_102 = tpu.memref_slice %arg15[%dma_wait3A] : memref<2048xf32, #tpu.memory_space<vmem>> -> memref<128xf32, #tpu.memory_space<vmem>>
        %dma_wait3A_103 = arith.constant 0 : i32
        %dma_wait3A_104 = tpu.memref_slice %arg11[%add3A_39, %dma_wait3A_103] : memref<160x128xi32, #tpu.memory_space<vmem>> -> memref<1x128xi32, #tpu.memory_space<vmem>>
        %dma_wait3A_105 = tpu.memref_squeeze %dma_wait3A_104 : memref<1x128xi32, #tpu.memory_space<vmem>> -> memref<128xi32, #tpu.memory_space<vmem>>
        %dma_wait3A_106 = arith.constant 0 : i32
        %dma_wait3A_107 = tpu.memref_slice %arg9[%dma_wait3A_106] : memref<10240xf32, #tpu.memory_space<vmem_shared>> -> memref<10240xf32, #tpu.memory_space<vmem_shared>>
        tpu.wait_indirect_dma semaphore(%run_scoped3A : memref<!tpu.dma_semaphore, #tpu.memory_space<semaphore_mem>>) src(%dma_wait3A_102 : memref<128xf32, #tpu.memory_space<vmem>>) dst(%dma_wait3A_107 : memref<10240xf32, #tpu.memory_space<vmem_shared>>)
        tpu.yield
      }) : () -> ()
      %mul3A_40 = arith.constant 16 : i32
      %mul3A_41 = arith.muli %scan3A_29, %mul3A_40 : i32
      %add3A_42 = arith.constant 2 : i32
      %add3A_43 = arith.addi %mul3A_41, %add3A_42 : i32
      "tpu.region"() ({
        %run_scoped3A = tpu.sem_alloc : memref<!tpu.dma_semaphore, #tpu.memory_space<semaphore_mem>>
        %dma_start3A = arith.constant 256 : i32
        %dma_start3A_96 = tpu.memref_slice %arg15[%dma_start3A] : memref<2048xf32, #tpu.memory_space<vmem>> -> memref<128xf32, #tpu.memory_space<vmem>>
        %dma_start3A_97 = arith.constant 0 : i32
        %dma_start3A_98 = tpu.memref_slice %arg11[%add3A_43, %dma_start3A_97] : memref<160x128xi32, #tpu.memory_space<vmem>> -> memref<1x128xi32, #tpu.memory_space<vmem>>
        %dma_start3A_99 = tpu.memref_squeeze %dma_start3A_98 : memref<1x128xi32, #tpu.memory_space<vmem>> -> memref<128xi32, #tpu.memory_space<vmem>>
        %dma_start3A_100 = arith.constant 0 : i32
        %dma_start3A_101 = tpu.memref_slice %arg9[%dma_start3A_100] : memref<10240xf32, #tpu.memory_space<vmem_shared>> -> memref<10240xf32, #tpu.memory_space<vmem_shared>>
        tpu.enqueue_indirect_dma source(%dma_start3A_96 : memref<128xf32, #tpu.memory_space<vmem>>) target(%dma_start3A_101 : memref<10240xf32, #tpu.memory_space<vmem_shared>>) offsets(%dma_start3A_99 : memref<128xi32, #tpu.memory_space<vmem>>) semaphore(%run_scoped3A : memref<!tpu.dma_semaphore, #tpu.memory_space<semaphore_mem>>) {add = true}
        %dma_wait3A = arith.constant 256 : i32
        %dma_wait3A_102 = tpu.memref_slice %arg15[%dma_wait3A] : memref<2048xf32, #tpu.memory_space<vmem>> -> memref<128xf32, #tpu.memory_space<vmem>>
        %dma_wait3A_103 = arith.constant 0 : i32
        %dma_wait3A_104 = tpu.memref_slice %arg11[%add3A_43, %dma_wait3A_103] : memref<160x128xi32, #tpu.memory_space<vmem>> -> memref<1x128xi32, #tpu.memory_space<vmem>>
        %dma_wait3A_105 = tpu.memref_squeeze %dma_wait3A_104 : memref<1x128xi32, #tpu.memory_space<vmem>> -> memref<128xi32, #tpu.memory_space<vmem>>
        %dma_wait3A_106 = arith.constant 0 : i32
        %dma_wait3A_107 = tpu.memref_slice %arg9[%dma_wait3A_106] : memref<10240xf32, #tpu.memory_space<vmem_shared>> -> memref<10240xf32, #tpu.memory_space<vmem_shared>>
        tpu.wait_indirect_dma semaphore(%run_scoped3A : memref<!tpu.dma_semaphore, #tpu.memory_space<semaphore_mem>>) src(%dma_wait3A_102 : memref<128xf32, #tpu.memory_space<vmem>>) dst(%dma_wait3A_107 : memref<10240xf32, #tpu.memory_space<vmem_shared>>)
        tpu.yield
      }) : () -> ()
      %mul3A_44 = arith.constant 16 : i32
      %mul3A_45 = arith.muli %scan3A_29, %mul3A_44 : i32
      %add3A_46 = arith.constant 3 : i32
      %add3A_47 = arith.addi %mul3A_45, %add3A_46 : i32
      "tpu.region"() ({
        %run_scoped3A = tpu.sem_alloc : memref<!tpu.dma_semaphore, #tpu.memory_space<semaphore_mem>>
        %dma_start3A = arith.constant 384 : i32
        %dma_start3A_96 = tpu.memref_slice %arg15[%dma_start3A] : memref<2048xf32, #tpu.memory_space<vmem>> -> memref<128xf32, #tpu.memory_space<vmem>>
        %dma_start3A_97 = arith.constant 0 : i32
        %dma_start3A_98 = tpu.memref_slice %arg11[%add3A_47, %dma_start3A_97] : memref<160x128xi32, #tpu.memory_space<vmem>> -> memref<1x128xi32, #tpu.memory_space<vmem>>
        %dma_start3A_99 = tpu.memref_squeeze %dma_start3A_98 : memref<1x128xi32, #tpu.memory_space<vmem>> -> memref<128xi32, #tpu.memory_space<vmem>>
        %dma_start3A_100 = arith.constant 0 : i32
        %dma_start3A_101 = tpu.memref_slice %arg9[%dma_start3A_100] : memref<10240xf32, #tpu.memory_space<vmem_shared>> -> memref<10240xf32, #tpu.memory_space<vmem_shared>>
        tpu.enqueue_indirect_dma source(%dma_start3A_96 : memref<128xf32, #tpu.memory_space<vmem>>) target(%dma_start3A_101 : memref<10240xf32, #tpu.memory_space<vmem_shared>>) offsets(%dma_start3A_99 : memref<128xi32, #tpu.memory_space<vmem>>) semaphore(%run_scoped3A : memref<!tpu.dma_semaphore, #tpu.memory_space<semaphore_mem>>) {add = true}
        %dma_wait3A = arith.constant 384 : i32
        %dma_wait3A_102 = tpu.memref_slice %arg15[%dma_wait3A] : memref<2048xf32, #tpu.memory_space<vmem>> -> memref<128xf32, #tpu.memory_space<vmem>>
        %dma_wait3A_103 = arith.constant 0 : i32
        %dma_wait3A_104 = tpu.memref_slice %arg11[%add3A_47, %dma_wait3A_103] : memref<160x128xi32, #tpu.memory_space<vmem>> -> memref<1x128xi32, #tpu.memory_space<vmem>>
        %dma_wait3A_105 = tpu.memref_squeeze %dma_wait3A_104 : memref<1x128xi32, #tpu.memory_space<vmem>> -> memref<128xi32, #tpu.memory_space<vmem>>
        %dma_wait3A_106 = arith.constant 0 : i32
        %dma_wait3A_107 = tpu.memref_slice %arg9[%dma_wait3A_106] : memref<10240xf32, #tpu.memory_space<vmem_shared>> -> memref<10240xf32, #tpu.memory_space<vmem_shared>>
        tpu.wait_indirect_dma semaphore(%run_scoped3A : memref<!tpu.dma_semaphore, #tpu.memory_space<semaphore_mem>>) src(%dma_wait3A_102 : memref<128xf32, #tpu.memory_space<vmem>>) dst(%dma_wait3A_107 : memref<10240xf32, #tpu.memory_space<vmem_shared>>)
        tpu.yield
      }) : () -> ()
      %mul3A_48 = arith.constant 16 : i32
      %mul3A_49 = arith.muli %scan3A_29, %mul3A_48 : i32
      %add3A_50 = arith.constant 4 : i32
      %add3A_51 = arith.addi %mul3A_49, %add3A_50 : i32
      "tpu.region"() ({
        %run_scoped3A = tpu.sem_alloc : memref<!tpu.dma_semaphore, #tpu.memory_space<semaphore_mem>>
        %dma_start3A = arith.constant 512 : i32
        %dma_start3A_96 = tpu.memref_slice %arg15[%dma_start3A] : memref<2048xf32, #tpu.memory_space<vmem>> -> memref<128xf32, #tpu.memory_space<vmem>>
        %dma_start3A_97 = arith.constant 0 : i32
        %dma_start3A_98 = tpu.memref_slice %arg11[%add3A_51, %dma_start3A_97] : memref<160x128xi32, #tpu.memory_space<vmem>> -> memref<1x128xi32, #tpu.memory_space<vmem>>
        %dma_start3A_99 = tpu.memref_squeeze %dma_start3A_98 : memref<1x128xi32, #tpu.memory_space<vmem>> -> memref<128xi32, #tpu.memory_space<vmem>>
        %dma_start3A_100 = arith.constant 0 : i32
        %dma_start3A_101 = tpu.memref_slice %arg9[%dma_start3A_100] : memref<10240xf32, #tpu.memory_space<vmem_shared>> -> memref<10240xf32, #tpu.memory_space<vmem_shared>>
        tpu.enqueue_indirect_dma source(%dma_start3A_96 : memref<128xf32, #tpu.memory_space<vmem>>) target(%dma_start3A_101 : memref<10240xf32, #tpu.memory_space<vmem_shared>>) offsets(%dma_start3A_99 : memref<128xi32, #tpu.memory_space<vmem>>) semaphore(%run_scoped3A : memref<!tpu.dma_semaphore, #tpu.memory_space<semaphore_mem>>) {add = true}
        %dma_wait3A = arith.constant 512 : i32
        %dma_wait3A_102 = tpu.memref_slice %arg15[%dma_wait3A] : memref<2048xf32, #tpu.memory_space<vmem>> -> memref<128xf32, #tpu.memory_space<vmem>>
        %dma_wait3A_103 = arith.constant 0 : i32
        %dma_wait3A_104 = tpu.memref_slice %arg11[%add3A_51, %dma_wait3A_103] : memref<160x128xi32, #tpu.memory_space<vmem>> -> memref<1x128xi32, #tpu.memory_space<vmem>>
        %dma_wait3A_105 = tpu.memref_squeeze %dma_wait3A_104 : memref<1x128xi32, #tpu.memory_space<vmem>> -> memref<128xi32, #tpu.memory_space<vmem>>
        %dma_wait3A_106 = arith.constant 0 : i32
        %dma_wait3A_107 = tpu.memref_slice %arg9[%dma_wait3A_106] : memref<10240xf32, #tpu.memory_space<vmem_shared>> -> memref<10240xf32, #tpu.memory_space<vmem_shared>>
        tpu.wait_indirect_dma semaphore(%run_scoped3A : memref<!tpu.dma_semaphore, #tpu.memory_space<semaphore_mem>>) src(%dma_wait3A_102 : memref<128xf32, #tpu.memory_space<vmem>>) dst(%dma_wait3A_107 : memref<10240xf32, #tpu.memory_space<vmem_shared>>)
        tpu.yield
      }) : () -> ()
      %mul3A_52 = arith.constant 16 : i32
      %mul3A_53 = arith.muli %scan3A_29, %mul3A_52 : i32
      %add3A_54 = arith.constant 5 : i32
      %add3A_55 = arith.addi %mul3A_53, %add3A_54 : i32
      "tpu.region"() ({
        %run_scoped3A = tpu.sem_alloc : memref<!tpu.dma_semaphore, #tpu.memory_space<semaphore_mem>>
        %dma_start3A = arith.constant 640 : i32
        %dma_start3A_96 = tpu.memref_slice %arg15[%dma_start3A] : memref<2048xf32, #tpu.memory_space<vmem>> -> memref<128xf32, #tpu.memory_space<vmem>>
        %dma_start3A_97 = arith.constant 0 : i32
        %dma_start3A_98 = tpu.memref_slice %arg11[%add3A_55, %dma_start3A_97] : memref<160x128xi32, #tpu.memory_space<vmem>> -> memref<1x128xi32, #tpu.memory_space<vmem>>
        %dma_start3A_99 = tpu.memref_squeeze %dma_start3A_98 : memref<1x128xi32, #tpu.memory_space<vmem>> -> memref<128xi32, #tpu.memory_space<vmem>>
        %dma_start3A_100 = arith.constant 0 : i32
        %dma_start3A_101 = tpu.memref_slice %arg9[%dma_start3A_100] : memref<10240xf32, #tpu.memory_space<vmem_shared>> -> memref<10240xf32, #tpu.memory_space<vmem_shared>>
        tpu.enqueue_indirect_dma source(%dma_start3A_96 : memref<128xf32, #tpu.memory_space<vmem>>) target(%dma_start3A_101 : memref<10240xf32, #tpu.memory_space<vmem_shared>>) offsets(%dma_start3A_99 : memref<128xi32, #tpu.memory_space<vmem>>) semaphore(%run_scoped3A : memref<!tpu.dma_semaphore, #tpu.memory_space<semaphore_mem>>) {add = true}
        %dma_wait3A = arith.constant 640 : i32
        %dma_wait3A_102 = tpu.memref_slice %arg15[%dma_wait3A] : memref<2048xf32, #tpu.memory_space<vmem>> -> memref<128xf32, #tpu.memory_space<vmem>>
        %dma_wait3A_103 = arith.constant 0 : i32
        %dma_wait3A_104 = tpu.memref_slice %arg11[%add3A_55, %dma_wait3A_103] : memref<160x128xi32, #tpu.memory_space<vmem>> -> memref<1x128xi32, #tpu.memory_space<vmem>>
        %dma_wait3A_105 = tpu.memref_squeeze %dma_wait3A_104 : memref<1x128xi32, #tpu.memory_space<vmem>> -> memref<128xi32, #tpu.memory_space<vmem>>
        %dma_wait3A_106 = arith.constant 0 : i32
        %dma_wait3A_107 = tpu.memref_slice %arg9[%dma_wait3A_106] : memref<10240xf32, #tpu.memory_space<vmem_shared>> -> memref<10240xf32, #tpu.memory_space<vmem_shared>>
        tpu.wait_indirect_dma semaphore(%run_scoped3A : memref<!tpu.dma_semaphore, #tpu.memory_space<semaphore_mem>>) src(%dma_wait3A_102 : memref<128xf32, #tpu.memory_space<vmem>>) dst(%dma_wait3A_107 : memref<10240xf32, #tpu.memory_space<vmem_shared>>)
        tpu.yield
      }) : () -> ()
      %mul3A_56 = arith.constant 16 : i32
      %mul3A_57 = arith.muli %scan3A_29, %mul3A_56 : i32
      %add3A_58 = arith.constant 6 : i32
      %add3A_59 = arith.addi %mul3A_57, %add3A_58 : i32
      "tpu.region"() ({
        %run_scoped3A = tpu.sem_alloc : memref<!tpu.dma_semaphore, #tpu.memory_space<semaphore_mem>>
        %dma_start3A = arith.constant 768 : i32
        %dma_start3A_96 = tpu.memref_slice %arg15[%dma_start3A] : memref<2048xf32, #tpu.memory_space<vmem>> -> memref<128xf32, #tpu.memory_space<vmem>>
        %dma_start3A_97 = arith.constant 0 : i32
        %dma_start3A_98 = tpu.memref_slice %arg11[%add3A_59, %dma_start3A_97] : memref<160x128xi32, #tpu.memory_space<vmem>> -> memref<1x128xi32, #tpu.memory_space<vmem>>
        %dma_start3A_99 = tpu.memref_squeeze %dma_start3A_98 : memref<1x128xi32, #tpu.memory_space<vmem>> -> memref<128xi32, #tpu.memory_space<vmem>>
        %dma_start3A_100 = arith.constant 0 : i32
        %dma_start3A_101 = tpu.memref_slice %arg9[%dma_start3A_100] : memref<10240xf32, #tpu.memory_space<vmem_shared>> -> memref<10240xf32, #tpu.memory_space<vmem_shared>>
        tpu.enqueue_indirect_dma source(%dma_start3A_96 : memref<128xf32, #tpu.memory_space<vmem>>) target(%dma_start3A_101 : memref<10240xf32, #tpu.memory_space<vmem_shared>>) offsets(%dma_start3A_99 : memref<128xi32, #tpu.memory_space<vmem>>) semaphore(%run_scoped3A : memref<!tpu.dma_semaphore, #tpu.memory_space<semaphore_mem>>) {add = true}
        %dma_wait3A = arith.constant 768 : i32
        %dma_wait3A_102 = tpu.memref_slice %arg15[%dma_wait3A] : memref<2048xf32, #tpu.memory_space<vmem>> -> memref<128xf32, #tpu.memory_space<vmem>>
        %dma_wait3A_103 = arith.constant 0 : i32
        %dma_wait3A_104 = tpu.memref_slice %arg11[%add3A_59, %dma_wait3A_103] : memref<160x128xi32, #tpu.memory_space<vmem>> -> memref<1x128xi32, #tpu.memory_space<vmem>>
        %dma_wait3A_105 = tpu.memref_squeeze %dma_wait3A_104 : memref<1x128xi32, #tpu.memory_space<vmem>> -> memref<128xi32, #tpu.memory_space<vmem>>
        %dma_wait3A_106 = arith.constant 0 : i32
        %dma_wait3A_107 = tpu.memref_slice %arg9[%dma_wait3A_106] : memref<10240xf32, #tpu.memory_space<vmem_shared>> -> memref<10240xf32, #tpu.memory_space<vmem_shared>>
        tpu.wait_indirect_dma semaphore(%run_scoped3A : memref<!tpu.dma_semaphore, #tpu.memory_space<semaphore_mem>>) src(%dma_wait3A_102 : memref<128xf32, #tpu.memory_space<vmem>>) dst(%dma_wait3A_107 : memref<10240xf32, #tpu.memory_space<vmem_shared>>)
        tpu.yield
      }) : () -> ()
      %mul3A_60 = arith.constant 16 : i32
      %mul3A_61 = arith.muli %scan3A_29, %mul3A_60 : i32
      %add3A_62 = arith.constant 7 : i32
      %add3A_63 = arith.addi %mul3A_61, %add3A_62 : i32
      "tpu.region"() ({
        %run_scoped3A = tpu.sem_alloc : memref<!tpu.dma_semaphore, #tpu.memory_space<semaphore_mem>>
        %dma_start3A = arith.constant 896 : i32
        %dma_start3A_96 = tpu.memref_slice %arg15[%dma_start3A] : memref<2048xf32, #tpu.memory_space<vmem>> -> memref<128xf32, #tpu.memory_space<vmem>>
        %dma_start3A_97 = arith.constant 0 : i32
        %dma_start3A_98 = tpu.memref_slice %arg11[%add3A_63, %dma_start3A_97] : memref<160x128xi32, #tpu.memory_space<vmem>> -> memref<1x128xi32, #tpu.memory_space<vmem>>
        %dma_start3A_99 = tpu.memref_squeeze %dma_start3A_98 : memref<1x128xi32, #tpu.memory_space<vmem>> -> memref<128xi32, #tpu.memory_space<vmem>>
        %dma_start3A_100 = arith.constant 0 : i32
        %dma_start3A_101 = tpu.memref_slice %arg9[%dma_start3A_100] : memref<10240xf32, #tpu.memory_space<vmem_shared>> -> memref<10240xf32, #tpu.memory_space<vmem_shared>>
        tpu.enqueue_indirect_dma source(%dma_start3A_96 : memref<128xf32, #tpu.memory_space<vmem>>) target(%dma_start3A_101 : memref<10240xf32, #tpu.memory_space<vmem_shared>>) offsets(%dma_start3A_99 : memref<128xi32, #tpu.memory_space<vmem>>) semaphore(%run_scoped3A : memref<!tpu.dma_semaphore, #tpu.memory_space<semaphore_mem>>) {add = true}
        %dma_wait3A = arith.constant 896 : i32
        %dma_wait3A_102 = tpu.memref_slice %arg15[%dma_wait3A] : memref<2048xf32, #tpu.memory_space<vmem>> -> memref<128xf32, #tpu.memory_space<vmem>>
        %dma_wait3A_103 = arith.constant 0 : i32
        %dma_wait3A_104 = tpu.memref_slice %arg11[%add3A_63, %dma_wait3A_103] : memref<160x128xi32, #tpu.memory_space<vmem>> -> memref<1x128xi32, #tpu.memory_space<vmem>>
        %dma_wait3A_105 = tpu.memref_squeeze %dma_wait3A_104 : memref<1x128xi32, #tpu.memory_space<vmem>> -> memref<128xi32, #tpu.memory_space<vmem>>
        %dma_wait3A_106 = arith.constant 0 : i32
        %dma_wait3A_107 = tpu.memref_slice %arg9[%dma_wait3A_106] : memref<10240xf32, #tpu.memory_space<vmem_shared>> -> memref<10240xf32, #tpu.memory_space<vmem_shared>>
        tpu.wait_indirect_dma semaphore(%run_scoped3A : memref<!tpu.dma_semaphore, #tpu.memory_space<semaphore_mem>>) src(%dma_wait3A_102 : memref<128xf32, #tpu.memory_space<vmem>>) dst(%dma_wait3A_107 : memref<10240xf32, #tpu.memory_space<vmem_shared>>)
        tpu.yield
      }) : () -> ()
      %mul3A_64 = arith.constant 16 : i32
      %mul3A_65 = arith.muli %scan3A_29, %mul3A_64 : i32
      %add3A_66 = arith.constant 8 : i32
      %add3A_67 = arith.addi %mul3A_65, %add3A_66 : i32
      "tpu.region"() ({
        %run_scoped3A = tpu.sem_alloc : memref<!tpu.dma_semaphore, #tpu.memory_space<semaphore_mem>>
        %dma_start3A = arith.constant 1024 : i32
        %dma_start3A_96 = tpu.memref_slice %arg15[%dma_start3A] : memref<2048xf32, #tpu.memory_space<vmem>> -> memref<128xf32, #tpu.memory_space<vmem>>
        %dma_start3A_97 = arith.constant 0 : i32
        %dma_start3A_98 = tpu.memref_slice %arg11[%add3A_67, %dma_start3A_97] : memref<160x128xi32, #tpu.memory_space<vmem>> -> memref<1x128xi32, #tpu.memory_space<vmem>>
        %dma_start3A_99 = tpu.memref_squeeze %dma_start3A_98 : memref<1x128xi32, #tpu.memory_space<vmem>> -> memref<128xi32, #tpu.memory_space<vmem>>
        %dma_start3A_100 = arith.constant 0 : i32
        %dma_start3A_101 = tpu.memref_slice %arg9[%dma_start3A_100] : memref<10240xf32, #tpu.memory_space<vmem_shared>> -> memref<10240xf32, #tpu.memory_space<vmem_shared>>
        tpu.enqueue_indirect_dma source(%dma_start3A_96 : memref<128xf32, #tpu.memory_space<vmem>>) target(%dma_start3A_101 : memref<10240xf32, #tpu.memory_space<vmem_shared>>) offsets(%dma_start3A_99 : memref<128xi32, #tpu.memory_space<vmem>>) semaphore(%run_scoped3A : memref<!tpu.dma_semaphore, #tpu.memory_space<semaphore_mem>>) {add = true}
        %dma_wait3A = arith.constant 1024 : i32
        %dma_wait3A_102 = tpu.memref_slice %arg15[%dma_wait3A] : memref<2048xf32, #tpu.memory_space<vmem>> -> memref<128xf32, #tpu.memory_space<vmem>>
        %dma_wait3A_103 = arith.constant 0 : i32
        %dma_wait3A_104 = tpu.memref_slice %arg11[%add3A_67, %dma_wait3A_103] : memref<160x128xi32, #tpu.memory_space<vmem>> -> memref<1x128xi32, #tpu.memory_space<vmem>>
        %dma_wait3A_105 = tpu.memref_squeeze %dma_wait3A_104 : memref<1x128xi32, #tpu.memory_space<vmem>> -> memref<128xi32, #tpu.memory_space<vmem>>
        %dma_wait3A_106 = arith.constant 0 : i32
        %dma_wait3A_107 = tpu.memref_slice %arg9[%dma_wait3A_106] : memref<10240xf32, #tpu.memory_space<vmem_shared>> -> memref<10240xf32, #tpu.memory_space<vmem_shared>>
        tpu.wait_indirect_dma semaphore(%run_scoped3A : memref<!tpu.dma_semaphore, #tpu.memory_space<semaphore_mem>>) src(%dma_wait3A_102 : memref<128xf32, #tpu.memory_space<vmem>>) dst(%dma_wait3A_107 : memref<10240xf32, #tpu.memory_space<vmem_shared>>)
        tpu.yield
      }) : () -> ()
      %mul3A_68 = arith.constant 16 : i32
      %mul3A_69 = arith.muli %scan3A_29, %mul3A_68 : i32
      %add3A_70 = arith.constant 9 : i32
      %add3A_71 = arith.addi %mul3A_69, %add3A_70 : i32
      "tpu.region"() ({
        %run_scoped3A = tpu.sem_alloc : memref<!tpu.dma_semaphore, #tpu.memory_space<semaphore_mem>>
        %dma_start3A = arith.constant 1152 : i32
        %dma_start3A_96 = tpu.memref_slice %arg15[%dma_start3A] : memref<2048xf32, #tpu.memory_space<vmem>> -> memref<128xf32, #tpu.memory_space<vmem>>
        %dma_start3A_97 = arith.constant 0 : i32
        %dma_start3A_98 = tpu.memref_slice %arg11[%add3A_71, %dma_start3A_97] : memref<160x128xi32, #tpu.memory_space<vmem>> -> memref<1x128xi32, #tpu.memory_space<vmem>>
        %dma_start3A_99 = tpu.memref_squeeze %dma_start3A_98 : memref<1x128xi32, #tpu.memory_space<vmem>> -> memref<128xi32, #tpu.memory_space<vmem>>
        %dma_start3A_100 = arith.constant 0 : i32
        %dma_start3A_101 = tpu.memref_slice %arg9[%dma_start3A_100] : memref<10240xf32, #tpu.memory_space<vmem_shared>> -> memref<10240xf32, #tpu.memory_space<vmem_shared>>
        tpu.enqueue_indirect_dma source(%dma_start3A_96 : memref<128xf32, #tpu.memory_space<vmem>>) target(%dma_start3A_101 : memref<10240xf32, #tpu.memory_space<vmem_shared>>) offsets(%dma_start3A_99 : memref<128xi32, #tpu.memory_space<vmem>>) semaphore(%run_scoped3A : memref<!tpu.dma_semaphore, #tpu.memory_space<semaphore_mem>>) {add = true}
        %dma_wait3A = arith.constant 1152 : i32
        %dma_wait3A_102 = tpu.memref_slice %arg15[%dma_wait3A] : memref<2048xf32, #tpu.memory_space<vmem>> -> memref<128xf32, #tpu.memory_space<vmem>>
        %dma_wait3A_103 = arith.constant 0 : i32
        %dma_wait3A_104 = tpu.memref_slice %arg11[%add3A_71, %dma_wait3A_103] : memref<160x128xi32, #tpu.memory_space<vmem>> -> memref<1x128xi32, #tpu.memory_space<vmem>>
        %dma_wait3A_105 = tpu.memref_squeeze %dma_wait3A_104 : memref<1x128xi32, #tpu.memory_space<vmem>> -> memref<128xi32, #tpu.memory_space<vmem>>
        %dma_wait3A_106 = arith.constant 0 : i32
        %dma_wait3A_107 = tpu.memref_slice %arg9[%dma_wait3A_106] : memref<10240xf32, #tpu.memory_space<vmem_shared>> -> memref<10240xf32, #tpu.memory_space<vmem_shared>>
        tpu.wait_indirect_dma semaphore(%run_scoped3A : memref<!tpu.dma_semaphore, #tpu.memory_space<semaphore_mem>>) src(%dma_wait3A_102 : memref<128xf32, #tpu.memory_space<vmem>>) dst(%dma_wait3A_107 : memref<10240xf32, #tpu.memory_space<vmem_shared>>)
        tpu.yield
      }) : () -> ()
      %mul3A_72 = arith.constant 16 : i32
      %mul3A_73 = arith.muli %scan3A_29, %mul3A_72 : i32
      %add3A_74 = arith.constant 10 : i32
      %add3A_75 = arith.addi %mul3A_73, %add3A_74 : i32
      "tpu.region"() ({
        %run_scoped3A = tpu.sem_alloc : memref<!tpu.dma_semaphore, #tpu.memory_space<semaphore_mem>>
        %dma_start3A = arith.constant 1280 : i32
        %dma_start3A_96 = tpu.memref_slice %arg15[%dma_start3A] : memref<2048xf32, #tpu.memory_space<vmem>> -> memref<128xf32, #tpu.memory_space<vmem>>
        %dma_start3A_97 = arith.constant 0 : i32
        %dma_start3A_98 = tpu.memref_slice %arg11[%add3A_75, %dma_start3A_97] : memref<160x128xi32, #tpu.memory_space<vmem>> -> memref<1x128xi32, #tpu.memory_space<vmem>>
        %dma_start3A_99 = tpu.memref_squeeze %dma_start3A_98 : memref<1x128xi32, #tpu.memory_space<vmem>> -> memref<128xi32, #tpu.memory_space<vmem>>
        %dma_start3A_100 = arith.constant 0 : i32
        %dma_start3A_101 = tpu.memref_slice %arg9[%dma_start3A_100] : memref<10240xf32, #tpu.memory_space<vmem_shared>> -> memref<10240xf32, #tpu.memory_space<vmem_shared>>
        tpu.enqueue_indirect_dma source(%dma_start3A_96 : memref<128xf32, #tpu.memory_space<vmem>>) target(%dma_start3A_101 : memref<10240xf32, #tpu.memory_space<vmem_shared>>) offsets(%dma_start3A_99 : memref<128xi32, #tpu.memory_space<vmem>>) semaphore(%run_scoped3A : memref<!tpu.dma_semaphore, #tpu.memory_space<semaphore_mem>>) {add = true}
        %dma_wait3A = arith.constant 1280 : i32
        %dma_wait3A_102 = tpu.memref_slice %arg15[%dma_wait3A] : memref<2048xf32, #tpu.memory_space<vmem>> -> memref<128xf32, #tpu.memory_space<vmem>>
        %dma_wait3A_103 = arith.constant 0 : i32
        %dma_wait3A_104 = tpu.memref_slice %arg11[%add3A_75, %dma_wait3A_103] : memref<160x128xi32, #tpu.memory_space<vmem>> -> memref<1x128xi32, #tpu.memory_space<vmem>>
        %dma_wait3A_105 = tpu.memref_squeeze %dma_wait3A_104 : memref<1x128xi32, #tpu.memory_space<vmem>> -> memref<128xi32, #tpu.memory_space<vmem>>
        %dma_wait3A_106 = arith.constant 0 : i32
        %dma_wait3A_107 = tpu.memref_slice %arg9[%dma_wait3A_106] : memref<10240xf32, #tpu.memory_space<vmem_shared>> -> memref<10240xf32, #tpu.memory_space<vmem_shared>>
        tpu.wait_indirect_dma semaphore(%run_scoped3A : memref<!tpu.dma_semaphore, #tpu.memory_space<semaphore_mem>>) src(%dma_wait3A_102 : memref<128xf32, #tpu.memory_space<vmem>>) dst(%dma_wait3A_107 : memref<10240xf32, #tpu.memory_space<vmem_shared>>)
        tpu.yield
      }) : () -> ()
      %mul3A_76 = arith.constant 16 : i32
      %mul3A_77 = arith.muli %scan3A_29, %mul3A_76 : i32
      %add3A_78 = arith.constant 11 : i32
      %add3A_79 = arith.addi %mul3A_77, %add3A_78 : i32
      "tpu.region"() ({
        %run_scoped3A = tpu.sem_alloc : memref<!tpu.dma_semaphore, #tpu.memory_space<semaphore_mem>>
        %dma_start3A = arith.constant 1408 : i32
        %dma_start3A_96 = tpu.memref_slice %arg15[%dma_start3A] : memref<2048xf32, #tpu.memory_space<vmem>> -> memref<128xf32, #tpu.memory_space<vmem>>
        %dma_start3A_97 = arith.constant 0 : i32
        %dma_start3A_98 = tpu.memref_slice %arg11[%add3A_79, %dma_start3A_97] : memref<160x128xi32, #tpu.memory_space<vmem>> -> memref<1x128xi32, #tpu.memory_space<vmem>>
        %dma_start3A_99 = tpu.memref_squeeze %dma_start3A_98 : memref<1x128xi32, #tpu.memory_space<vmem>> -> memref<128xi32, #tpu.memory_space<vmem>>
        %dma_start3A_100 = arith.constant 0 : i32
        %dma_start3A_101 = tpu.memref_slice %arg9[%dma_start3A_100] : memref<10240xf32, #tpu.memory_space<vmem_shared>> -> memref<10240xf32, #tpu.memory_space<vmem_shared>>
        tpu.enqueue_indirect_dma source(%dma_start3A_96 : memref<128xf32, #tpu.memory_space<vmem>>) target(%dma_start3A_101 : memref<10240xf32, #tpu.memory_space<vmem_shared>>) offsets(%dma_start3A_99 : memref<128xi32, #tpu.memory_space<vmem>>) semaphore(%run_scoped3A : memref<!tpu.dma_semaphore, #tpu.memory_space<semaphore_mem>>) {add = true}
        %dma_wait3A = arith.constant 1408 : i32
        %dma_wait3A_102 = tpu.memref_slice %arg15[%dma_wait3A] : memref<2048xf32, #tpu.memory_space<vmem>> -> memref<128xf32, #tpu.memory_space<vmem>>
        %dma_wait3A_103 = arith.constant 0 : i32
        %dma_wait3A_104 = tpu.memref_slice %arg11[%add3A_79, %dma_wait3A_103] : memref<160x128xi32, #tpu.memory_space<vmem>> -> memref<1x128xi32, #tpu.memory_space<vmem>>
        %dma_wait3A_105 = tpu.memref_squeeze %dma_wait3A_104 : memref<1x128xi32, #tpu.memory_space<vmem>> -> memref<128xi32, #tpu.memory_space<vmem>>
        %dma_wait3A_106 = arith.constant 0 : i32
        %dma_wait3A_107 = tpu.memref_slice %arg9[%dma_wait3A_106] : memref<10240xf32, #tpu.memory_space<vmem_shared>> -> memref<10240xf32, #tpu.memory_space<vmem_shared>>
        tpu.wait_indirect_dma semaphore(%run_scoped3A : memref<!tpu.dma_semaphore, #tpu.memory_space<semaphore_mem>>) src(%dma_wait3A_102 : memref<128xf32, #tpu.memory_space<vmem>>) dst(%dma_wait3A_107 : memref<10240xf32, #tpu.memory_space<vmem_shared>>)
        tpu.yield
      }) : () -> ()
      %mul3A_80 = arith.constant 16 : i32
      %mul3A_81 = arith.muli %scan3A_29, %mul3A_80 : i32
      %add3A_82 = arith.constant 12 : i32
      %add3A_83 = arith.addi %mul3A_81, %add3A_82 : i32
      "tpu.region"() ({
        %run_scoped3A = tpu.sem_alloc : memref<!tpu.dma_semaphore, #tpu.memory_space<semaphore_mem>>
        %dma_start3A = arith.constant 1536 : i32
        %dma_start3A_96 = tpu.memref_slice %arg15[%dma_start3A] : memref<2048xf32, #tpu.memory_space<vmem>> -> memref<128xf32, #tpu.memory_space<vmem>>
        %dma_start3A_97 = arith.constant 0 : i32
        %dma_start3A_98 = tpu.memref_slice %arg11[%add3A_83, %dma_start3A_97] : memref<160x128xi32, #tpu.memory_space<vmem>> -> memref<1x128xi32, #tpu.memory_space<vmem>>
        %dma_start3A_99 = tpu.memref_squeeze %dma_start3A_98 : memref<1x128xi32, #tpu.memory_space<vmem>> -> memref<128xi32, #tpu.memory_space<vmem>>
        %dma_start3A_100 = arith.constant 0 : i32
        %dma_start3A_101 = tpu.memref_slice %arg9[%dma_start3A_100] : memref<10240xf32, #tpu.memory_space<vmem_shared>> -> memref<10240xf32, #tpu.memory_space<vmem_shared>>
        tpu.enqueue_indirect_dma source(%dma_start3A_96 : memref<128xf32, #tpu.memory_space<vmem>>) target(%dma_start3A_101 : memref<10240xf32, #tpu.memory_space<vmem_shared>>) offsets(%dma_start3A_99 : memref<128xi32, #tpu.memory_space<vmem>>) semaphore(%run_scoped3A : memref<!tpu.dma_semaphore, #tpu.memory_space<semaphore_mem>>) {add = true}
        %dma_wait3A = arith.constant 1536 : i32
        %dma_wait3A_102 = tpu.memref_slice %arg15[%dma_wait3A] : memref<2048xf32, #tpu.memory_space<vmem>> -> memref<128xf32, #tpu.memory_space<vmem>>
        %dma_wait3A_103 = arith.constant 0 : i32
        %dma_wait3A_104 = tpu.memref_slice %arg11[%add3A_83, %dma_wait3A_103] : memref<160x128xi32, #tpu.memory_space<vmem>> -> memref<1x128xi32, #tpu.memory_space<vmem>>
        %dma_wait3A_105 = tpu.memref_squeeze %dma_wait3A_104 : memref<1x128xi32, #tpu.memory_space<vmem>> -> memref<128xi32, #tpu.memory_space<vmem>>
        %dma_wait3A_106 = arith.constant 0 : i32
        %dma_wait3A_107 = tpu.memref_slice %arg9[%dma_wait3A_106] : memref<10240xf32, #tpu.memory_space<vmem_shared>> -> memref<10240xf32, #tpu.memory_space<vmem_shared>>
        tpu.wait_indirect_dma semaphore(%run_scoped3A : memref<!tpu.dma_semaphore, #tpu.memory_space<semaphore_mem>>) src(%dma_wait3A_102 : memref<128xf32, #tpu.memory_space<vmem>>) dst(%dma_wait3A_107 : memref<10240xf32, #tpu.memory_space<vmem_shared>>)
        tpu.yield
      }) : () -> ()
      %mul3A_84 = arith.constant 16 : i32
      %mul3A_85 = arith.muli %scan3A_29, %mul3A_84 : i32
      %add3A_86 = arith.constant 13 : i32
      %add3A_87 = arith.addi %mul3A_85, %add3A_86 : i32
      "tpu.region"() ({
        %run_scoped3A = tpu.sem_alloc : memref<!tpu.dma_semaphore, #tpu.memory_space<semaphore_mem>>
        %dma_start3A = arith.constant 1664 : i32
        %dma_start3A_96 = tpu.memref_slice %arg15[%dma_start3A] : memref<2048xf32, #tpu.memory_space<vmem>> -> memref<128xf32, #tpu.memory_space<vmem>>
        %dma_start3A_97 = arith.constant 0 : i32
        %dma_start3A_98 = tpu.memref_slice %arg11[%add3A_87, %dma_start3A_97] : memref<160x128xi32, #tpu.memory_space<vmem>> -> memref<1x128xi32, #tpu.memory_space<vmem>>
        %dma_start3A_99 = tpu.memref_squeeze %dma_start3A_98 : memref<1x128xi32, #tpu.memory_space<vmem>> -> memref<128xi32, #tpu.memory_space<vmem>>
        %dma_start3A_100 = arith.constant 0 : i32
        %dma_start3A_101 = tpu.memref_slice %arg9[%dma_start3A_100] : memref<10240xf32, #tpu.memory_space<vmem_shared>> -> memref<10240xf32, #tpu.memory_space<vmem_shared>>
        tpu.enqueue_indirect_dma source(%dma_start3A_96 : memref<128xf32, #tpu.memory_space<vmem>>) target(%dma_start3A_101 : memref<10240xf32, #tpu.memory_space<vmem_shared>>) offsets(%dma_start3A_99 : memref<128xi32, #tpu.memory_space<vmem>>) semaphore(%run_scoped3A : memref<!tpu.dma_semaphore, #tpu.memory_space<semaphore_mem>>) {add = true}
        %dma_wait3A = arith.constant 1664 : i32
        %dma_wait3A_102 = tpu.memref_slice %arg15[%dma_wait3A] : memref<2048xf32, #tpu.memory_space<vmem>> -> memref<128xf32, #tpu.memory_space<vmem>>
        %dma_wait3A_103 = arith.constant 0 : i32
        %dma_wait3A_104 = tpu.memref_slice %arg11[%add3A_87, %dma_wait3A_103] : memref<160x128xi32, #tpu.memory_space<vmem>> -> memref<1x128xi32, #tpu.memory_space<vmem>>
        %dma_wait3A_105 = tpu.memref_squeeze %dma_wait3A_104 : memref<1x128xi32, #tpu.memory_space<vmem>> -> memref<128xi32, #tpu.memory_space<vmem>>
        %dma_wait3A_106 = arith.constant 0 : i32
        %dma_wait3A_107 = tpu.memref_slice %arg9[%dma_wait3A_106] : memref<10240xf32, #tpu.memory_space<vmem_shared>> -> memref<10240xf32, #tpu.memory_space<vmem_shared>>
        tpu.wait_indirect_dma semaphore(%run_scoped3A : memref<!tpu.dma_semaphore, #tpu.memory_space<semaphore_mem>>) src(%dma_wait3A_102 : memref<128xf32, #tpu.memory_space<vmem>>) dst(%dma_wait3A_107 : memref<10240xf32, #tpu.memory_space<vmem_shared>>)
        tpu.yield
      }) : () -> ()
      %mul3A_88 = arith.constant 16 : i32
      %mul3A_89 = arith.muli %scan3A_29, %mul3A_88 : i32
      %add3A_90 = arith.constant 14 : i32
      %add3A_91 = arith.addi %mul3A_89, %add3A_90 : i32
      "tpu.region"() ({
        %run_scoped3A = tpu.sem_alloc : memref<!tpu.dma_semaphore, #tpu.memory_space<semaphore_mem>>
        %dma_start3A = arith.constant 1792 : i32
        %dma_start3A_96 = tpu.memref_slice %arg15[%dma_start3A] : memref<2048xf32, #tpu.memory_space<vmem>> -> memref<128xf32, #tpu.memory_space<vmem>>
        %dma_start3A_97 = arith.constant 0 : i32
        %dma_start3A_98 = tpu.memref_slice %arg11[%add3A_91, %dma_start3A_97] : memref<160x128xi32, #tpu.memory_space<vmem>> -> memref<1x128xi32, #tpu.memory_space<vmem>>
        %dma_start3A_99 = tpu.memref_squeeze %dma_start3A_98 : memref<1x128xi32, #tpu.memory_space<vmem>> -> memref<128xi32, #tpu.memory_space<vmem>>
        %dma_start3A_100 = arith.constant 0 : i32
        %dma_start3A_101 = tpu.memref_slice %arg9[%dma_start3A_100] : memref<10240xf32, #tpu.memory_space<vmem_shared>> -> memref<10240xf32, #tpu.memory_space<vmem_shared>>
        tpu.enqueue_indirect_dma source(%dma_start3A_96 : memref<128xf32, #tpu.memory_space<vmem>>) target(%dma_start3A_101 : memref<10240xf32, #tpu.memory_space<vmem_shared>>) offsets(%dma_start3A_99 : memref<128xi32, #tpu.memory_space<vmem>>) semaphore(%run_scoped3A : memref<!tpu.dma_semaphore, #tpu.memory_space<semaphore_mem>>) {add = true}
        %dma_wait3A = arith.constant 1792 : i32
        %dma_wait3A_102 = tpu.memref_slice %arg15[%dma_wait3A] : memref<2048xf32, #tpu.memory_space<vmem>> -> memref<128xf32, #tpu.memory_space<vmem>>
        %dma_wait3A_103 = arith.constant 0 : i32
        %dma_wait3A_104 = tpu.memref_slice %arg11[%add3A_91, %dma_wait3A_103] : memref<160x128xi32, #tpu.memory_space<vmem>> -> memref<1x128xi32, #tpu.memory_space<vmem>>
        %dma_wait3A_105 = tpu.memref_squeeze %dma_wait3A_104 : memref<1x128xi32, #tpu.memory_space<vmem>> -> memref<128xi32, #tpu.memory_space<vmem>>
        %dma_wait3A_106 = arith.constant 0 : i32
        %dma_wait3A_107 = tpu.memref_slice %arg9[%dma_wait3A_106] : memref<10240xf32, #tpu.memory_space<vmem_shared>> -> memref<10240xf32, #tpu.memory_space<vmem_shared>>
        tpu.wait_indirect_dma semaphore(%run_scoped3A : memref<!tpu.dma_semaphore, #tpu.memory_space<semaphore_mem>>) src(%dma_wait3A_102 : memref<128xf32, #tpu.memory_space<vmem>>) dst(%dma_wait3A_107 : memref<10240xf32, #tpu.memory_space<vmem_shared>>)
        tpu.yield
      }) : () -> ()
      %mul3A_92 = arith.constant 16 : i32
      %mul3A_93 = arith.muli %scan3A_29, %mul3A_92 : i32
      %add3A_94 = arith.constant 15 : i32
      %add3A_95 = arith.addi %mul3A_93, %add3A_94 : i32
      "tpu.region"() ({
        %run_scoped3A = tpu.sem_alloc : memref<!tpu.dma_semaphore, #tpu.memory_space<semaphore_mem>>
        %dma_start3A = arith.constant 1920 : i32
        %dma_start3A_96 = tpu.memref_slice %arg15[%dma_start3A] : memref<2048xf32, #tpu.memory_space<vmem>> -> memref<128xf32, #tpu.memory_space<vmem>>
        %dma_start3A_97 = arith.constant 0 : i32
        %dma_start3A_98 = tpu.memref_slice %arg11[%add3A_95, %dma_start3A_97] : memref<160x128xi32, #tpu.memory_space<vmem>> -> memref<1x128xi32, #tpu.memory_space<vmem>>
        %dma_start3A_99 = tpu.memref_squeeze %dma_start3A_98 : memref<1x128xi32, #tpu.memory_space<vmem>> -> memref<128xi32, #tpu.memory_space<vmem>>
        %dma_start3A_100 = arith.constant 0 : i32
        %dma_start3A_101 = tpu.memref_slice %arg9[%dma_start3A_100] : memref<10240xf32, #tpu.memory_space<vmem_shared>> -> memref<10240xf32, #tpu.memory_space<vmem_shared>>
        tpu.enqueue_indirect_dma source(%dma_start3A_96 : memref<128xf32, #tpu.memory_space<vmem>>) target(%dma_start3A_101 : memref<10240xf32, #tpu.memory_space<vmem_shared>>) offsets(%dma_start3A_99 : memref<128xi32, #tpu.memory_space<vmem>>) semaphore(%run_scoped3A : memref<!tpu.dma_semaphore, #tpu.memory_space<semaphore_mem>>) {add = true}
        %dma_wait3A = arith.constant 1920 : i32
        %dma_wait3A_102 = tpu.memref_slice %arg15[%dma_wait3A] : memref<2048xf32, #tpu.memory_space<vmem>> -> memref<128xf32, #tpu.memory_space<vmem>>
        %dma_wait3A_103 = arith.constant 0 : i32
        %dma_wait3A_104 = tpu.memref_slice %arg11[%add3A_95, %dma_wait3A_103] : memref<160x128xi32, #tpu.memory_space<vmem>> -> memref<1x128xi32, #tpu.memory_space<vmem>>
        %dma_wait3A_105 = tpu.memref_squeeze %dma_wait3A_104 : memref<1x128xi32, #tpu.memory_space<vmem>> -> memref<128xi32, #tpu.memory_space<vmem>>
        %dma_wait3A_106 = arith.constant 0 : i32
        %dma_wait3A_107 = tpu.memref_slice %arg9[%dma_wait3A_106] : memref<10240xf32, #tpu.memory_space<vmem_shared>> -> memref<10240xf32, #tpu.memory_space<vmem_shared>>
        tpu.wait_indirect_dma semaphore(%run_scoped3A : memref<!tpu.dma_semaphore, #tpu.memory_space<semaphore_mem>>) src(%dma_wait3A_102 : memref<128xf32, #tpu.memory_space<vmem>>) dst(%dma_wait3A_107 : memref<10240xf32, #tpu.memory_space<vmem_shared>>)
        tpu.yield
      }) : () -> ()
    }
    %scan3A_9 = arith.constant 10 : i32
    %barrier3A_10 = arith.constant 0 : index
    tpu.barrier barrier_id(%barrier3A_10)
    "tpu.region"() ({
      %run_scoped3A = tpu.sem_alloc : memref<!tpu.dma_semaphore, #tpu.memory_space<semaphore_mem>>
      %dma_start3A = arith.constant 0 : i32
      %dma_start3A_29 = tpu.memref_slice %arg13[%dma_start3A] : memref<20480xf32, #tpu.memory_space<vmem>> -> memref<10240xf32, #tpu.memory_space<vmem>>
      %dma_start3A_30 = arith.constant 0 : i32
      %dma_start3A_31 = tpu.memref_slice %arg13[%dma_start3A_30] : memref<20480xf32, #tpu.memory_space<vmem>> -> memref<10240xf32, #tpu.memory_space<vmem>>
      tpu.enqueue_dma source(%arg9 : memref<10240xf32, #tpu.memory_space<vmem_shared>>) target(%dma_start3A_31 : memref<10240xf32, #tpu.memory_space<vmem>>) target_semaphore(%run_scoped3A : memref<!tpu.dma_semaphore, #tpu.memory_space<semaphore_mem>>)
      %dma_wait3A = arith.constant 0 : i32
      %dma_wait3A_32 = tpu.memref_slice %arg13[%dma_wait3A] : memref<20480xf32, #tpu.memory_space<vmem>> -> memref<10240xf32, #tpu.memory_space<vmem>>
      %dma_wait3A_33 = arith.constant 0 : i32
      %dma_wait3A_34 = tpu.memref_slice %arg13[%dma_wait3A_33] : memref<20480xf32, #tpu.memory_space<vmem>> -> memref<10240xf32, #tpu.memory_space<vmem>>
      tpu.wait_dma2 semaphore(%run_scoped3A : memref<!tpu.dma_semaphore, #tpu.memory_space<semaphore_mem>>) src(%arg9 : memref<10240xf32, #tpu.memory_space<vmem_shared>>) dst(%dma_wait3A_34 : memref<10240xf32, #tpu.memory_space<vmem>>)
      tpu.yield
    }) : () -> ()
    %scan3A_11 = arith.constant 0 : i32
    %scan3A_12 = arith.constant 0 : i32
    %scan3A_13 = arith.constant 640 : i32
    %scan3A_14 = arith.addi %scan3A_12, %scan3A_13 : i32
    %scan3A_15 = arith.constant 1 : i32
    scf.for %scan3A_29 = %scan3A_12 to %scan3A_14 step %scan3A_15  : i32 {
      %mul3A_30 = arith.constant 16 : i32
      %mul3A_31 = arith.muli %scan3A_29, %mul3A_30 : i32
      %get3A = arith.index_cast %mul3A_31 : i32 to index
      %get3A_32 = tpu.vector_load %arg13[%get3A] {strides = array<i32>} : memref<20480xf32, #tpu.memory_space<vmem>>, vector<16xf32>,
      %bitcast3A = vector.bitcast %get3A_32 : vector<16xf32> to vector<16xi32>
      %shift_right_arithmetic3A = arith.constant 1 : i32
      %shift_right_arithmetic3A_33 = vector.broadcast %shift_right_arithmetic3A : i32 to vector<16xi32>
      %shift_right_arithmetic3A_34 = arith.shrsi %bitcast3A, %shift_right_arithmetic3A_33 : vector<16xi32>
      %sub3A = arith.constant 1597463007 : i32
      %sub3A_35 = vector.broadcast %sub3A : i32 to vector<16xi32>
      %sub3A_36 = arith.subi %sub3A_35, %shift_right_arithmetic3A_34 : vector<16xi32>
      %bitcast3A_37 = vector.bitcast %sub3A_36 : vector<16xi32> to vector<16xf32>
      %mul3A_38 = arith.constant 5.000000e-01 : f32
      %mul3A_39 = vector.broadcast %mul3A_38 : f32 to vector<16xf32>
      %mul3A_40 = arith.mulf %mul3A_39, %get3A_32 : vector<16xf32>
      %mul3A_41 = arith.mulf %mul3A_40, %bitcast3A_37 : vector<16xf32>
      %mul3A_42 = arith.mulf %mul3A_41, %bitcast3A_37 : vector<16xf32>
      %sub3A_43 = arith.constant 1.500000e+00 : f32
      %sub3A_44 = vector.broadcast %sub3A_43 : f32 to vector<16xf32>
      %sub3A_45 = arith.subf %sub3A_44, %mul3A_42 : vector<16xf32>
      %mul3A_46 = arith.mulf %bitcast3A_37, %sub3A_45 : vector<16xf32>
      %mul3A_47 = arith.constant 5.000000e-01 : f32
      %mul3A_48 = vector.broadcast %mul3A_47 : f32 to vector<16xf32>
      %mul3A_49 = arith.mulf %mul3A_48, %get3A_32 : vector<16xf32>
      %mul3A_50 = arith.mulf %mul3A_49, %mul3A_46 : vector<16xf32>
      %mul3A_51 = arith.mulf %mul3A_50, %mul3A_46 : vector<16xf32>
      %sub3A_52 = arith.constant 1.500000e+00 : f32
      %sub3A_53 = vector.broadcast %sub3A_52 : f32 to vector<16xf32>
      %sub3A_54 = arith.subf %sub3A_53, %mul3A_51 : vector<16xf32>
      %mul3A_55 = arith.mulf %mul3A_46, %sub3A_54 : vector<16xf32>
      %mul3A_56 = arith.constant 5.000000e-01 : f32
      %mul3A_57 = vector.broadcast %mul3A_56 : f32 to vector<16xf32>
      %mul3A_58 = arith.mulf %mul3A_57, %get3A_32 : vector<16xf32>
      %mul3A_59 = arith.mulf %mul3A_58, %mul3A_55 : vector<16xf32>
      %mul3A_60 = arith.mulf %mul3A_59, %mul3A_55 : vector<16xf32>
      %sub3A_61 = arith.constant 1.500000e+00 : f32
      %sub3A_62 = vector.broadcast %sub3A_61 : f32 to vector<16xf32>
      %sub3A_63 = arith.subf %sub3A_62, %mul3A_60 : vector<16xf32>
      %mul3A_64 = arith.mulf %mul3A_55, %sub3A_63 : vector<16xf32>
      %mul3A_65 = arith.constant 5.000000e-01 : f32
      %mul3A_66 = vector.broadcast %mul3A_65 : f32 to vector<16xf32>
      %mul3A_67 = arith.mulf %mul3A_66, %get3A_32 : vector<16xf32>
      %mul3A_68 = arith.mulf %mul3A_67, %mul3A_64 : vector<16xf32>
      %mul3A_69 = arith.mulf %mul3A_68, %mul3A_64 : vector<16xf32>
      %sub3A_70 = arith.constant 1.500000e+00 : f32
      %sub3A_71 = vector.broadcast %sub3A_70 : f32 to vector<16xf32>
      %sub3A_72 = arith.subf %sub3A_71, %mul3A_69 : vector<16xf32>
      %mul3A_73 = arith.mulf %mul3A_64, %sub3A_72 : vector<16xf32>
      %gt3A = arith.constant 0.000000e+00 : f32
      %gt3A_74 = vector.broadcast %gt3A : f32 to vector<16xf32>
      %gt3A_75 = arith.cmpf ogt, %get3A_32, %gt3A_74 : vector<16xf32>
      %jit3A = arith.constant 0.000000e+00 : f32
      %broadcast_in_dim3A = vector.broadcast %jit3A : f32 to vector<16xf32>
      %select_n3A = arith.select %gt3A_75, %mul3A_73, %broadcast_in_dim3A : vector<16xi1>, vector<16xf32>
      %mul3A_76 = arith.constant 16 : i32
      %mul3A_77 = arith.muli %scan3A_29, %mul3A_76 : i32
      %swap3A = arith.index_cast %mul3A_77 : i32 to index
      %swap3A_78 = tpu.vector_load %arg14[%swap3A] {strides = array<i32>} : memref<10240xf32, #tpu.memory_space<vmem>>, vector<16xf32>,
      tpu.vector_store %arg14[%swap3A], %select_n3A {strides = array<i32>} : memref<10240xf32, #tpu.memory_space<vmem>>, vector<16xf32>,
    }
    %scan3A_16 = arith.constant 640 : i32
    %scan3A_17 = arith.constant 0 : i32
    %scan3A_18 = arith.constant 0 : i32
    %scan3A_19 = arith.constant 10 : i32
    %scan3A_20 = arith.addi %scan3A_18, %scan3A_19 : i32
    %scan3A_21 = arith.constant 1 : i32
    scf.for %scan3A_29 = %scan3A_18 to %scan3A_20 step %scan3A_21  : i32 {
      %mul3A_30 = arith.constant 2048 : i32
      %mul3A_31 = arith.muli %scan3A_29, %mul3A_30 : i32
      %add3A = arith.addi %mul3A_2, %mul3A_31 : i32
      "tpu.region"() ({
        %run_scoped3A = tpu.sem_alloc : memref<!tpu.dma_semaphore, #tpu.memory_space<semaphore_mem>>
        %dma_start3A = tpu.memref_slice %arg5[%add3A] : memref<327680xf32, #tpu.memory_space<hbm>> -> memref<2048xf32, #tpu.memory_space<hbm>>
        %dma_start3A_38 = tpu.memref_slice %arg5[%add3A] : memref<327680xf32, #tpu.memory_space<hbm>> -> memref<2048xf32, #tpu.memory_space<hbm>>
        tpu.enqueue_dma source(%dma_start3A_38 : memref<2048xf32, #tpu.memory_space<hbm>>) target(%arg15 : memref<2048xf32, #tpu.memory_space<vmem>>) target_semaphore(%run_scoped3A : memref<!tpu.dma_semaphore, #tpu.memory_space<semaphore_mem>>)
        %dma_wait3A = tpu.memref_slice %arg5[%add3A] : memref<327680xf32, #tpu.memory_space<hbm>> -> memref<2048xf32, #tpu.memory_space<hbm>>
        %dma_wait3A_39 = tpu.memref_slice %arg5[%add3A] : memref<327680xf32, #tpu.memory_space<hbm>> -> memref<2048xf32, #tpu.memory_space<hbm>>
        tpu.wait_dma2 semaphore(%run_scoped3A : memref<!tpu.dma_semaphore, #tpu.memory_space<semaphore_mem>>) src(%dma_wait3A_39 : memref<2048xf32, #tpu.memory_space<hbm>>) dst(%arg15 : memref<2048xf32, #tpu.memory_space<vmem>>)
        tpu.yield
      }) : () -> ()
      %scan3A_32 = arith.constant 0 : i32
      %scan3A_33 = arith.constant 0 : i32
      %scan3A_34 = arith.constant 128 : i32
      %scan3A_35 = arith.addi %scan3A_33, %scan3A_34 : i32
      %scan3A_36 = arith.constant 1 : i32
      scf.for %scan3A_38 = %scan3A_33 to %scan3A_35 step %scan3A_36  : i32 {
        %mul3A_39 = arith.constant 128 : i32
        %mul3A_40 = arith.muli %scan3A_29, %mul3A_39 : i32
        %add3A_41 = arith.addi %mul3A_40, %scan3A_38 : i32
        %jit3A = arith.constant 8 : i32
        %div3A = arith.divsi %add3A_41, %jit3A : i32
        %sign3A = arith.constant 0 : i32
        %sign3A_42 = arith.cmpi sgt, %add3A_41, %sign3A : i32
        %sign3A_43 = arith.extui %sign3A_42 : i1 to i32
        %sign3A_44 = arith.constant 0 : i32
        %sign3A_45 = arith.cmpi slt, %add3A_41, %sign3A_44 : i32
        %sign3A_46 = arith.extui %sign3A_45 : i1 to i32
        %sign3A_47 = arith.subi %sign3A_43, %sign3A_46 : i32
        %sign3A_48 = arith.constant 0 : i32
        %sign3A_49 = arith.cmpi sgt, %jit3A, %sign3A_48 : i32
        %sign3A_50 = arith.extui %sign3A_49 : i1 to i32
        %sign3A_51 = arith.constant 0 : i32
        %sign3A_52 = arith.cmpi slt, %jit3A, %sign3A_51 : i32
        %sign3A_53 = arith.extui %sign3A_52 : i1 to i32
        %sign3A_54 = arith.subi %sign3A_50, %sign3A_53 : i32
        %ne3A = arith.cmpi ne, %sign3A_47, %sign3A_54 : i32
        %rem3A = arith.remsi %add3A_41, %jit3A : i32
        %ne3A_55 = arith.constant 0 : i32
        %ne3A_56 = arith.cmpi ne, %rem3A, %ne3A_55 : i32
        %and3A = arith.andi %ne3A, %ne3A_56 : i1
        %sub3A = arith.constant 1 : i32
        %sub3A_57 = arith.subi %div3A, %sub3A : i32
        %select_n3A = arith.select %and3A, %sub3A_57, %div3A : i32
        %jit3A_58 = arith.constant 8 : i32
        %eq3A = arith.constant 0 : i32
        %eq3A_59 = arith.cmpi eq, %jit3A_58, %eq3A : i32
        %jit3A_60 = arith.constant 1 : i32
        %select_n3A_61 = arith.select %eq3A_59, %jit3A_60, %jit3A_58 : i32
        %rem3A_62 = arith.remsi %add3A_41, %select_n3A_61 : i32
        %ne3A_63 = arith.constant 0 : i32
        %ne3A_64 = arith.cmpi ne, %rem3A_62, %ne3A_63 : i32
        %lt3A = arith.constant 0 : i32
        %lt3A_65 = arith.cmpi slt, %rem3A_62, %lt3A : i32
        %lt3A_66 = arith.constant 0 : i32
        %lt3A_67 = arith.cmpi slt, %select_n3A_61, %lt3A_66 : i32
        %ne3A_68 = arith.xori %lt3A_65, %lt3A_67 : i1
        %and3A_69 = arith.andi %ne3A_68, %ne3A_64 : i1
        %add3A_70 = arith.addi %rem3A_62, %select_n3A_61 : i32
        %select_n3A_71 = arith.select %and3A_69, %add3A_70, %rem3A_62 : i32
        %mul3A_72 = arith.constant 16 : i32
        %mul3A_73 = arith.muli %select_n3A_71, %mul3A_72 : i32
        %get3A = arith.index_cast %select_n3A : i32 to index
        %get3A_74 = arith.index_cast %mul3A_73 : i32 to index
        %get3A_75 = tpu.vector_load %arg11[%get3A, %get3A_74] {strides = array<i32>} : memref<160x128xi32, #tpu.memory_space<vmem>>, vector<16xi32>,
        %get3A_76 = arith.index_cast %select_n3A : i32 to index
        %get3A_77 = arith.index_cast %mul3A_73 : i32 to index
        %get3A_78 = tpu.vector_load %arg12[%get3A_76, %get3A_77] {strides = array<i32>} : memref<160x128xi32, #tpu.memory_space<vmem>>, vector<16xi32>,
        %gather3A = tpu.vector_load_idx %arg14[%get3A_75] : memref<10240xf32, #tpu.memory_space<vmem>>[vector<16xi32>], vector<16xf32>,
        %gather3A_79 = tpu.vector_load_idx %arg14[%get3A_78] : memref<10240xf32, #tpu.memory_space<vmem>>[vector<16xi32>], vector<16xf32>,
        %mul3A_80 = arith.constant 16 : i32
        %mul3A_81 = arith.muli %scan3A_38, %mul3A_80 : i32
        %get3A_82 = arith.index_cast %mul3A_81 : i32 to index
        %get3A_83 = tpu.vector_load %arg15[%get3A_82] {strides = array<i32>} : memref<2048xf32, #tpu.memory_space<vmem>>, vector<16xf32>,
        %mul3A_84 = arith.mulf %gather3A, %get3A_83 : vector<16xf32>
        %mul3A_85 = arith.mulf %mul3A_84, %gather3A_79 : vector<16xf32>
        %neg3A = arith.constant 0.000000e+00 : f32
        %neg3A_86 = vector.broadcast %neg3A : f32 to vector<16xf32>
        %neg3A_87 = arith.subf %neg3A_86, %mul3A_85 : vector<16xf32>
        %mul3A_88 = arith.constant 16 : i32
        %mul3A_89 = arith.muli %add3A_41, %mul3A_88 : i32
        %swap3A = arith.index_cast %mul3A_89 : i32 to index
        %swap3A_90 = tpu.vector_load %arg13[%swap3A] {strides = array<i32>} : memref<20480xf32, #tpu.memory_space<vmem>>, vector<16xf32>,
        tpu.vector_store %arg13[%swap3A], %neg3A_87 {strides = array<i32>} : memref<20480xf32, #tpu.memory_space<vmem>>, vector<16xf32>,
      }
      %scan3A_37 = arith.constant 128 : i32
    }
    %scan3A_22 = arith.constant 10 : i32
    %scan3A_23 = arith.constant 0 : i32
    %scan3A_24 = arith.constant 1 : i32
    %scan3A_25 = arith.constant 6 : i32
    %scan3A_26 = arith.addi %scan3A_24, %scan3A_25 : i32
    %scan3A_27 = arith.constant 1 : i32
    scf.for %scan3A_29 = %scan3A_24 to %scan3A_26 step %scan3A_27  : i32 {
      %sub3A = arith.constant 1 : i32
      %sub3A_30 = arith.subi %scan3A_29, %sub3A : i32
      %mul3A_31 = arith.constant 10240 : i32
      %mul3A_32 = arith.muli %sub3A_30, %mul3A_31 : i32
      %get3A = arith.constant 0 : i32
      %get3A_33 = arith.index_cast %get3A : i32 to index
      %get3A_34 = arith.constant 0 : index
      %get3A_35 = tpu.vector_load %arg11[%get3A_33, %get3A_34] {strides = array<i32>} : memref<160x128xi32, #tpu.memory_space<vmem>>, vector<16xi32>,
      %add3A = vector.broadcast %mul3A_32 : i32 to vector<16xi32>
      %add3A_36 = arith.addi %get3A_35, %add3A : vector<16xi32>
      %swap3A = arith.constant 0 : i32
      %swap3A_37 = arith.index_cast %swap3A : i32 to index
      %swap3A_38 = arith.constant 0 : index
      %swap3A_39 = tpu.vector_load %arg18[%swap3A_37, %swap3A_38] {strides = array<i32>} : memref<2x128xi32, #tpu.memory_space<vmem>>, vector<16xi32>,
      tpu.vector_store %arg18[%swap3A_37, %swap3A_38], %add3A_36 {strides = array<i32>} : memref<2x128xi32, #tpu.memory_space<vmem>>, vector<16xi32>,
      %get3A_40 = arith.constant 0 : i32
      %get3A_41 = arith.index_cast %get3A_40 : i32 to index
      %get3A_42 = arith.constant 16 : index
      %get3A_43 = tpu.vector_load %arg11[%get3A_41, %get3A_42] {strides = array<i32>} : memref<160x128xi32, #tpu.memory_space<vmem>>, vector<16xi32>,
      %add3A_44 = vector.broadcast %mul3A_32 : i32 to vector<16xi32>
      %add3A_45 = arith.addi %get3A_43, %add3A_44 : vector<16xi32>
      %swap3A_46 = arith.constant 0 : i32
      %swap3A_47 = arith.index_cast %swap3A_46 : i32 to index
      %swap3A_48 = arith.constant 16 : index
      %swap3A_49 = tpu.vector_load %arg18[%swap3A_47, %swap3A_48] {strides = array<i32>} : memref<2x128xi32, #tpu.memory_space<vmem>>, vector<16xi32>,
      tpu.vector_store %arg18[%swap3A_47, %swap3A_48], %add3A_45 {strides = array<i32>} : memref<2x128xi32, #tpu.memory_space<vmem>>, vector<16xi32>,
      %get3A_50 = arith.constant 0 : i32
      %get3A_51 = arith.index_cast %get3A_50 : i32 to index
      %get3A_52 = arith.constant 32 : index
      %get3A_53 = tpu.vector_load %arg11[%get3A_51, %get3A_52] {strides = array<i32>} : memref<160x128xi32, #tpu.memory_space<vmem>>, vector<16xi32>,
      %add3A_54 = vector.broadcast %mul3A_32 : i32 to vector<16xi32>
      %add3A_55 = arith.addi %get3A_53, %add3A_54 : vector<16xi32>
      %swap3A_56 = arith.constant 0 : i32
      %swap3A_57 = arith.index_cast %swap3A_56 : i32 to index
      %swap3A_58 = arith.constant 32 : index
      %swap3A_59 = tpu.vector_load %arg18[%swap3A_57, %swap3A_58] {strides = array<i32>} : memref<2x128xi32, #tpu.memory_space<vmem>>, vector<16xi32>,
      tpu.vector_store %arg18[%swap3A_57, %swap3A_58], %add3A_55 {strides = array<i32>} : memref<2x128xi32, #tpu.memory_space<vmem>>, vector<16xi32>,
      %get3A_60 = arith.constant 0 : i32
      %get3A_61 = arith.index_cast %get3A_60 : i32 to index
      %get3A_62 = arith.constant 48 : index
      %get3A_63 = tpu.vector_load %arg11[%get3A_61, %get3A_62] {strides = array<i32>} : memref<160x128xi32, #tpu.memory_space<vmem>>, vector<16xi32>,
      %add3A_64 = vector.broadcast %mul3A_32 : i32 to vector<16xi32>
      %add3A_65 = arith.addi %get3A_63, %add3A_64 : vector<16xi32>
      %swap3A_66 = arith.constant 0 : i32
      %swap3A_67 = arith.index_cast %swap3A_66 : i32 to index
      %swap3A_68 = arith.constant 48 : index
      %swap3A_69 = tpu.vector_load %arg18[%swap3A_67, %swap3A_68] {strides = array<i32>} : memref<2x128xi32, #tpu.memory_space<vmem>>, vector<16xi32>,
      tpu.vector_store %arg18[%swap3A_67, %swap3A_68], %add3A_65 {strides = array<i32>} : memref<2x128xi32, #tpu.memory_space<vmem>>, vector<16xi32>,
      %get3A_70 = arith.constant 0 : i32
      %get3A_71 = arith.index_cast %get3A_70 : i32 to index
      %get3A_72 = arith.constant 64 : index
      %get3A_73 = tpu.vector_load %arg11[%get3A_71, %get3A_72] {strides = array<i32>} : memref<160x128xi32, #tpu.memory_space<vmem>>, vector<16xi32>,
      %add3A_74 = vector.broadcast %mul3A_32 : i32 to vector<16xi32>
      %add3A_75 = arith.addi %get3A_73, %add3A_74 : vector<16xi32>
      %swap3A_76 = arith.constant 0 : i32
      %swap3A_77 = arith.index_cast %swap3A_76 : i32 to index
      %swap3A_78 = arith.constant 64 : index
      %swap3A_79 = tpu.vector_load %arg18[%swap3A_77, %swap3A_78] {strides = array<i32>} : memref<2x128xi32, #tpu.memory_space<vmem>>, vector<16xi32>,
      tpu.vector_store %arg18[%swap3A_77, %swap3A_78], %add3A_75 {strides = array<i32>} : memref<2x128xi32, #tpu.memory_space<vmem>>, vector<16xi32>,
      %get3A_80 = arith.constant 0 : i32
      %get3A_81 = arith.index_cast %get3A_80 : i32 to index
      %get3A_82 = arith.constant 80 : index
      %get3A_83 = tpu.vector_load %arg11[%get3A_81, %get3A_82] {strides = array<i32>} : memref<160x128xi32, #tpu.memory_space<vmem>>, vector<16xi32>,
      %add3A_84 = vector.broadcast %mul3A_32 : i32 to vector<16xi32>
      %add3A_85 = arith.addi %get3A_83, %add3A_84 : vector<16xi32>
      %swap3A_86 = arith.constant 0 : i32
      %swap3A_87 = arith.index_cast %swap3A_86 : i32 to index
      %swap3A_88 = arith.constant 80 : index
      %swap3A_89 = tpu.vector_load %arg18[%swap3A_87, %swap3A_88] {strides = array<i32>} : memref<2x128xi32, #tpu.memory_space<vmem>>, vector<16xi32>,
      tpu.vector_store %arg18[%swap3A_87, %swap3A_88], %add3A_85 {strides = array<i32>} : memref<2x128xi32, #tpu.memory_space<vmem>>, vector<16xi32>,
      %get3A_90 = arith.constant 0 : i32
      %get3A_91 = arith.index_cast %get3A_90 : i32 to index
      %get3A_92 = arith.constant 96 : index
      %get3A_93 = tpu.vector_load %arg11[%get3A_91, %get3A_92] {strides = array<i32>} : memref<160x128xi32, #tpu.memory_space<vmem>>, vector<16xi32>,
      %add3A_94 = vector.broadcast %mul3A_32 : i32 to vector<16xi32>
      %add3A_95 = arith.addi %get3A_93, %add3A_94 : vector<16xi32>
      %swap3A_96 = arith.constant 0 : i32
      %swap3A_97 = arith.index_cast %swap3A_96 : i32 to index
      %swap3A_98 = arith.constant 96 : index
      %swap3A_99 = tpu.vector_load %arg18[%swap3A_97, %swap3A_98] {strides = array<i32>} : memref<2x128xi32, #tpu.memory_space<vmem>>, vector<16xi32>,
      tpu.vector_store %arg18[%swap3A_97, %swap3A_98], %add3A_95 {strides = array<i32>} : memref<2x128xi32, #tpu.memory_space<vmem>>, vector<16xi32>,
      %get3A_100 = arith.constant 0 : i32
      %get3A_101 = arith.index_cast %get3A_100 : i32 to index
      %get3A_102 = arith.constant 112 : index
      %get3A_103 = tpu.vector_load %arg11[%get3A_101, %get3A_102] {strides = array<i32>} : memref<160x128xi32, #tpu.memory_space<vmem>>, vector<16xi32>,
      %add3A_104 = vector.broadcast %mul3A_32 : i32 to vector<16xi32>
      %add3A_105 = arith.addi %get3A_103, %add3A_104 : vector<16xi32>
      %swap3A_106 = arith.constant 0 : i32
      %swap3A_107 = arith.index_cast %swap3A_106 : i32 to index
      %swap3A_108 = arith.constant 112 : index
      %swap3A_109 = tpu.vector_load %arg18[%swap3A_107, %swap3A_108] {strides = array<i32>} : memref<2x128xi32, #tpu.memory_space<vmem>>, vector<16xi32>,
      tpu.vector_store %arg18[%swap3A_107, %swap3A_108], %add3A_105 {strides = array<i32>} : memref<2x128xi32, #tpu.memory_space<vmem>>, vector<16xi32>,
      %dma_start3A = arith.constant 0 : i32
      %dma_start3A_110 = arith.constant 0 : i32
      %dma_start3A_111 = arith.constant 0 : i32
      %dma_start3A_112 = tpu.memref_slice %arg16[%dma_start3A_110, %dma_start3A_111] : memref<256x48xf32, #tpu.memory_space<vmem>> -> memref<128x48xf32, #tpu.memory_space<vmem>>
      %dma_start3A_113 = arith.constant 0 : i32
      %dma_start3A_114 = tpu.memref_slice %arg18[%dma_start3A, %dma_start3A_113] : memref<2x128xi32, #tpu.memory_space<vmem>> -> memref<1x128xi32, #tpu.memory_space<vmem>>
      %dma_start3A_115 = tpu.memref_squeeze %dma_start3A_114 : memref<1x128xi32, #tpu.memory_space<vmem>> -> memref<128xi32, #tpu.memory_space<vmem>>
      %dma_start3A_116 = arith.constant 0 : i32
      %dma_start3A_117 = arith.constant 0 : i32
      %dma_start3A_118 = tpu.memref_slice %arg8[%dma_start3A_116, %dma_start3A_117] : memref<71680x48xf32, #tpu.memory_space<hbm>> -> memref<71680x48xf32, #tpu.memory_space<hbm>>
      tpu.enqueue_indirect_dma source(%dma_start3A_118 : memref<71680x48xf32, #tpu.memory_space<hbm>>) target(%dma_start3A_112 : memref<128x48xf32, #tpu.memory_space<vmem>>) offsets(%dma_start3A_115 : memref<128xi32, #tpu.memory_space<vmem>>) semaphore(%arg20 : memref<!tpu.dma_semaphore, #tpu.memory_space<semaphore_mem>>)
      %get3A_119 = arith.constant 1 : i32
      %get3A_120 = arith.index_cast %get3A_119 : i32 to index
      %get3A_121 = arith.constant 0 : index
      %get3A_122 = tpu.vector_load %arg11[%get3A_120, %get3A_121] {strides = array<i32>} : memref<160x128xi32, #tpu.memory_space<vmem>>, vector<16xi32>,
      %add3A_123 = vector.broadcast %mul3A_32 : i32 to vector<16xi32>
      %add3A_124 = arith.addi %get3A_122, %add3A_123 : vector<16xi32>
      %swap3A_125 = arith.constant 1 : i32
      %swap3A_126 = arith.index_cast %swap3A_125 : i32 to index
      %swap3A_127 = arith.constant 0 : index
      %swap3A_128 = tpu.vector_load %arg18[%swap3A_126, %swap3A_127] {strides = array<i32>} : memref<2x128xi32, #tpu.memory_space<vmem>>, vector<16xi32>,
      tpu.vector_store %arg18[%swap3A_126, %swap3A_127], %add3A_124 {strides = array<i32>} : memref<2x128xi32, #tpu.memory_space<vmem>>, vector<16xi32>,
      %get3A_129 = arith.constant 1 : i32
      %get3A_130 = arith.index_cast %get3A_129 : i32 to index
      %get3A_131 = arith.constant 16 : index
      %get3A_132 = tpu.vector_load %arg11[%get3A_130, %get3A_131] {strides = array<i32>} : memref<160x128xi32, #tpu.memory_space<vmem>>, vector<16xi32>,
      %add3A_133 = vector.broadcast %mul3A_32 : i32 to vector<16xi32>
      %add3A_134 = arith.addi %get3A_132, %add3A_133 : vector<16xi32>
      %swap3A_135 = arith.constant 1 : i32
      %swap3A_136 = arith.index_cast %swap3A_135 : i32 to index
      %swap3A_137 = arith.constant 16 : index
      %swap3A_138 = tpu.vector_load %arg18[%swap3A_136, %swap3A_137] {strides = array<i32>} : memref<2x128xi32, #tpu.memory_space<vmem>>, vector<16xi32>,
      tpu.vector_store %arg18[%swap3A_136, %swap3A_137], %add3A_134 {strides = array<i32>} : memref<2x128xi32, #tpu.memory_space<vmem>>, vector<16xi32>,
      %get3A_139 = arith.constant 1 : i32
      %get3A_140 = arith.index_cast %get3A_139 : i32 to index
      %get3A_141 = arith.constant 32 : index
      %get3A_142 = tpu.vector_load %arg11[%get3A_140, %get3A_141] {strides = array<i32>} : memref<160x128xi32, #tpu.memory_space<vmem>>, vector<16xi32>,
      %add3A_143 = vector.broadcast %mul3A_32 : i32 to vector<16xi32>
      %add3A_144 = arith.addi %get3A_142, %add3A_143 : vector<16xi32>
      %swap3A_145 = arith.constant 1 : i32
      %swap3A_146 = arith.index_cast %swap3A_145 : i32 to index
      %swap3A_147 = arith.constant 32 : index
      %swap3A_148 = tpu.vector_load %arg18[%swap3A_146, %swap3A_147] {strides = array<i32>} : memref<2x128xi32, #tpu.memory_space<vmem>>, vector<16xi32>,
      tpu.vector_store %arg18[%swap3A_146, %swap3A_147], %add3A_144 {strides = array<i32>} : memref<2x128xi32, #tpu.memory_space<vmem>>, vector<16xi32>,
      %get3A_149 = arith.constant 1 : i32
      %get3A_150 = arith.index_cast %get3A_149 : i32 to index
      %get3A_151 = arith.constant 48 : index
      %get3A_152 = tpu.vector_load %arg11[%get3A_150, %get3A_151] {strides = array<i32>} : memref<160x128xi32, #tpu.memory_space<vmem>>, vector<16xi32>,
      %add3A_153 = vector.broadcast %mul3A_32 : i32 to vector<16xi32>
      %add3A_154 = arith.addi %get3A_152, %add3A_153 : vector<16xi32>
      %swap3A_155 = arith.constant 1 : i32
      %swap3A_156 = arith.index_cast %swap3A_155 : i32 to index
      %swap3A_157 = arith.constant 48 : index
      %swap3A_158 = tpu.vector_load %arg18[%swap3A_156, %swap3A_157] {strides = array<i32>} : memref<2x128xi32, #tpu.memory_space<vmem>>, vector<16xi32>,
      tpu.vector_store %arg18[%swap3A_156, %swap3A_157], %add3A_154 {strides = array<i32>} : memref<2x128xi32, #tpu.memory_space<vmem>>, vector<16xi32>,
      %get3A_159 = arith.constant 1 : i32
      %get3A_160 = arith.index_cast %get3A_159 : i32 to index
      %get3A_161 = arith.constant 64 : index
      %get3A_162 = tpu.vector_load %arg11[%get3A_160, %get3A_161] {strides = array<i32>} : memref<160x128xi32, #tpu.memory_space<vmem>>, vector<16xi32>,
      %add3A_163 = vector.broadcast %mul3A_32 : i32 to vector<16xi32>
      %add3A_164 = arith.addi %get3A_162, %add3A_163 : vector<16xi32>
      %swap3A_165 = arith.constant 1 : i32
      %swap3A_166 = arith.index_cast %swap3A_165 : i32 to index
      %swap3A_167 = arith.constant 64 : index
      %swap3A_168 = tpu.vector_load %arg18[%swap3A_166, %swap3A_167] {strides = array<i32>} : memref<2x128xi32, #tpu.memory_space<vmem>>, vector<16xi32>,
      tpu.vector_store %arg18[%swap3A_166, %swap3A_167], %add3A_164 {strides = array<i32>} : memref<2x128xi32, #tpu.memory_space<vmem>>, vector<16xi32>,
      %get3A_169 = arith.constant 1 : i32
      %get3A_170 = arith.index_cast %get3A_169 : i32 to index
      %get3A_171 = arith.constant 80 : index
      %get3A_172 = tpu.vector_load %arg11[%get3A_170, %get3A_171] {strides = array<i32>} : memref<160x128xi32, #tpu.memory_space<vmem>>, vector<16xi32>,
      %add3A_173 = vector.broadcast %mul3A_32 : i32 to vector<16xi32>
      %add3A_174 = arith.addi %get3A_172, %add3A_173 : vector<16xi32>
      %swap3A_175 = arith.constant 1 : i32
      %swap3A_176 = arith.index_cast %swap3A_175 : i32 to index
      %swap3A_177 = arith.constant 80 : index
      %swap3A_178 = tpu.vector_load %arg18[%swap3A_176, %swap3A_177] {strides = array<i32>} : memref<2x128xi32, #tpu.memory_space<vmem>>, vector<16xi32>,
      tpu.vector_store %arg18[%swap3A_176, %swap3A_177], %add3A_174 {strides = array<i32>} : memref<2x128xi32, #tpu.memory_space<vmem>>, vector<16xi32>,
      %get3A_179 = arith.constant 1 : i32
      %get3A_180 = arith.index_cast %get3A_179 : i32 to index
      %get3A_181 = arith.constant 96 : index
      %get3A_182 = tpu.vector_load %arg11[%get3A_180, %get3A_181] {strides = array<i32>} : memref<160x128xi32, #tpu.memory_space<vmem>>, vector<16xi32>,
      %add3A_183 = vector.broadcast %mul3A_32 : i32 to vector<16xi32>
      %add3A_184 = arith.addi %get3A_182, %add3A_183 : vector<16xi32>
      %swap3A_185 = arith.constant 1 : i32
      %swap3A_186 = arith.index_cast %swap3A_185 : i32 to index
      %swap3A_187 = arith.constant 96 : index
      %swap3A_188 = tpu.vector_load %arg18[%swap3A_186, %swap3A_187] {strides = array<i32>} : memref<2x128xi32, #tpu.memory_space<vmem>>, vector<16xi32>,
      tpu.vector_store %arg18[%swap3A_186, %swap3A_187], %add3A_184 {strides = array<i32>} : memref<2x128xi32, #tpu.memory_space<vmem>>, vector<16xi32>,
      %get3A_189 = arith.constant 1 : i32
      %get3A_190 = arith.index_cast %get3A_189 : i32 to index
      %get3A_191 = arith.constant 112 : index
      %get3A_192 = tpu.vector_load %arg11[%get3A_190, %get3A_191] {strides = array<i32>} : memref<160x128xi32, #tpu.memory_space<vmem>>, vector<16xi32>,
      %add3A_193 = vector.broadcast %mul3A_32 : i32 to vector<16xi32>
      %add3A_194 = arith.addi %get3A_192, %add3A_193 : vector<16xi32>
      %swap3A_195 = arith.constant 1 : i32
      %swap3A_196 = arith.index_cast %swap3A_195 : i32 to index
      %swap3A_197 = arith.constant 112 : index
      %swap3A_198 = tpu.vector_load %arg18[%swap3A_196, %swap3A_197] {strides = array<i32>} : memref<2x128xi32, #tpu.memory_space<vmem>>, vector<16xi32>,
      tpu.vector_store %arg18[%swap3A_196, %swap3A_197], %add3A_194 {strides = array<i32>} : memref<2x128xi32, #tpu.memory_space<vmem>>, vector<16xi32>,
      %dma_start3A_199 = arith.constant 1 : i32
      %dma_start3A_200 = arith.constant 128 : i32
      %dma_start3A_201 = arith.constant 0 : i32
      %dma_start3A_202 = tpu.memref_slice %arg16[%dma_start3A_200, %dma_start3A_201] : memref<256x48xf32, #tpu.memory_space<vmem>> -> memref<128x48xf32, #tpu.memory_space<vmem>>
      %dma_start3A_203 = arith.constant 0 : i32
      %dma_start3A_204 = tpu.memref_slice %arg18[%dma_start3A_199, %dma_start3A_203] : memref<2x128xi32, #tpu.memory_space<vmem>> -> memref<1x128xi32, #tpu.memory_space<vmem>>
      %dma_start3A_205 = tpu.memref_squeeze %dma_start3A_204 : memref<1x128xi32, #tpu.memory_space<vmem>> -> memref<128xi32, #tpu.memory_space<vmem>>
      %dma_start3A_206 = arith.constant 0 : i32
      %dma_start3A_207 = arith.constant 0 : i32
      %dma_start3A_208 = tpu.memref_slice %arg8[%dma_start3A_206, %dma_start3A_207] : memref<71680x48xf32, #tpu.memory_space<hbm>> -> memref<71680x48xf32, #tpu.memory_space<hbm>>
      tpu.enqueue_indirect_dma source(%dma_start3A_208 : memref<71680x48xf32, #tpu.memory_space<hbm>>) target(%dma_start3A_202 : memref<128x48xf32, #tpu.memory_space<vmem>>) offsets(%dma_start3A_205 : memref<128xi32, #tpu.memory_space<vmem>>) semaphore(%arg20 : memref<!tpu.dma_semaphore, #tpu.memory_space<semaphore_mem>>)
      %get3A_209 = arith.constant 2 : i32
      %get3A_210 = arith.index_cast %get3A_209 : i32 to index
      %get3A_211 = arith.constant 0 : index
      %get3A_212 = tpu.vector_load %arg11[%get3A_210, %get3A_211] {strides = array<i32>} : memref<160x128xi32, #tpu.memory_space<vmem>>, vector<16xi32>,
      %add3A_213 = vector.broadcast %mul3A_32 : i32 to vector<16xi32>
      %add3A_214 = arith.addi %get3A_212, %add3A_213 : vector<16xi32>
      %swap3A_215 = arith.constant 0 : i32
      %swap3A_216 = arith.index_cast %swap3A_215 : i32 to index
      %swap3A_217 = arith.constant 0 : index
      %swap3A_218 = tpu.vector_load %arg19[%swap3A_216, %swap3A_217] {strides = array<i32>} : memref<2x128xi32, #tpu.memory_space<vmem>>, vector<16xi32>,
      tpu.vector_store %arg19[%swap3A_216, %swap3A_217], %add3A_214 {strides = array<i32>} : memref<2x128xi32, #tpu.memory_space<vmem>>, vector<16xi32>,
      %get3A_219 = arith.constant 2 : i32
      %get3A_220 = arith.index_cast %get3A_219 : i32 to index
      %get3A_221 = arith.constant 16 : index
      %get3A_222 = tpu.vector_load %arg11[%get3A_220, %get3A_221] {strides = array<i32>} : memref<160x128xi32, #tpu.memory_space<vmem>>, vector<16xi32>,
      %add3A_223 = vector.broadcast %mul3A_32 : i32 to vector<16xi32>
      %add3A_224 = arith.addi %get3A_222, %add3A_223 : vector<16xi32>
      %swap3A_225 = arith.constant 0 : i32
      %swap3A_226 = arith.index_cast %swap3A_225 : i32 to index
      %swap3A_227 = arith.constant 16 : index
      %swap3A_228 = tpu.vector_load %arg19[%swap3A_226, %swap3A_227] {strides = array<i32>} : memref<2x128xi32, #tpu.memory_space<vmem>>, vector<16xi32>,
      tpu.vector_store %arg19[%swap3A_226, %swap3A_227], %add3A_224 {strides = array<i32>} : memref<2x128xi32, #tpu.memory_space<vmem>>, vector<16xi32>,
      %get3A_229 = arith.constant 2 : i32
      %get3A_230 = arith.index_cast %get3A_229 : i32 to index
      %get3A_231 = arith.constant 32 : index
      %get3A_232 = tpu.vector_load %arg11[%get3A_230, %get3A_231] {strides = array<i32>} : memref<160x128xi32, #tpu.memory_space<vmem>>, vector<16xi32>,
      %add3A_233 = vector.broadcast %mul3A_32 : i32 to vector<16xi32>
      %add3A_234 = arith.addi %get3A_232, %add3A_233 : vector<16xi32>
      %swap3A_235 = arith.constant 0 : i32
      %swap3A_236 = arith.index_cast %swap3A_235 : i32 to index
      %swap3A_237 = arith.constant 32 : index
      %swap3A_238 = tpu.vector_load %arg19[%swap3A_236, %swap3A_237] {strides = array<i32>} : memref<2x128xi32, #tpu.memory_space<vmem>>, vector<16xi32>,
      tpu.vector_store %arg19[%swap3A_236, %swap3A_237], %add3A_234 {strides = array<i32>} : memref<2x128xi32, #tpu.memory_space<vmem>>, vector<16xi32>,
      %get3A_239 = arith.constant 2 : i32
      %get3A_240 = arith.index_cast %get3A_239 : i32 to index
      %get3A_241 = arith.constant 48 : index
      %get3A_242 = tpu.vector_load %arg11[%get3A_240, %get3A_241] {strides = array<i32>} : memref<160x128xi32, #tpu.memory_space<vmem>>, vector<16xi32>,
      %add3A_243 = vector.broadcast %mul3A_32 : i32 to vector<16xi32>
      %add3A_244 = arith.addi %get3A_242, %add3A_243 : vector<16xi32>
      %swap3A_245 = arith.constant 0 : i32
      %swap3A_246 = arith.index_cast %swap3A_245 : i32 to index
      %swap3A_247 = arith.constant 48 : index
      %swap3A_248 = tpu.vector_load %arg19[%swap3A_246, %swap3A_247] {strides = array<i32>} : memref<2x128xi32, #tpu.memory_space<vmem>>, vector<16xi32>,
      tpu.vector_store %arg19[%swap3A_246, %swap3A_247], %add3A_244 {strides = array<i32>} : memref<2x128xi32, #tpu.memory_space<vmem>>, vector<16xi32>,
      %get3A_249 = arith.constant 2 : i32
      %get3A_250 = arith.index_cast %get3A_249 : i32 to index
      %get3A_251 = arith.constant 64 : index
      %get3A_252 = tpu.vector_load %arg11[%get3A_250, %get3A_251] {strides = array<i32>} : memref<160x128xi32, #tpu.memory_space<vmem>>, vector<16xi32>,
      %add3A_253 = vector.broadcast %mul3A_32 : i32 to vector<16xi32>
      %add3A_254 = arith.addi %get3A_252, %add3A_253 : vector<16xi32>
      %swap3A_255 = arith.constant 0 : i32
      %swap3A_256 = arith.index_cast %swap3A_255 : i32 to index
      %swap3A_257 = arith.constant 64 : index
      %swap3A_258 = tpu.vector_load %arg19[%swap3A_256, %swap3A_257] {strides = array<i32>} : memref<2x128xi32, #tpu.memory_space<vmem>>, vector<16xi32>,
      tpu.vector_store %arg19[%swap3A_256, %swap3A_257], %add3A_254 {strides = array<i32>} : memref<2x128xi32, #tpu.memory_space<vmem>>, vector<16xi32>,
      %get3A_259 = arith.constant 2 : i32
      %get3A_260 = arith.index_cast %get3A_259 : i32 to index
      %get3A_261 = arith.constant 80 : index
      %get3A_262 = tpu.vector_load %arg11[%get3A_260, %get3A_261] {strides = array<i32>} : memref<160x128xi32, #tpu.memory_space<vmem>>, vector<16xi32>,
      %add3A_263 = vector.broadcast %mul3A_32 : i32 to vector<16xi32>
      %add3A_264 = arith.addi %get3A_262, %add3A_263 : vector<16xi32>
      %swap3A_265 = arith.constant 0 : i32
      %swap3A_266 = arith.index_cast %swap3A_265 : i32 to index
      %swap3A_267 = arith.constant 80 : index
      %swap3A_268 = tpu.vector_load %arg19[%swap3A_266, %swap3A_267] {strides = array<i32>} : memref<2x128xi32, #tpu.memory_space<vmem>>, vector<16xi32>,
      tpu.vector_store %arg19[%swap3A_266, %swap3A_267], %add3A_264 {strides = array<i32>} : memref<2x128xi32, #tpu.memory_space<vmem>>, vector<16xi32>,
      %get3A_269 = arith.constant 2 : i32
      %get3A_270 = arith.index_cast %get3A_269 : i32 to index
      %get3A_271 = arith.constant 96 : index
      %get3A_272 = tpu.vector_load %arg11[%get3A_270, %get3A_271] {strides = array<i32>} : memref<160x128xi32, #tpu.memory_space<vmem>>, vector<16xi32>,
      %add3A_273 = vector.broadcast %mul3A_32 : i32 to vector<16xi32>
      %add3A_274 = arith.addi %get3A_272, %add3A_273 : vector<16xi32>
      %swap3A_275 = arith.constant 0 : i32
      %swap3A_276 = arith.index_cast %swap3A_275 : i32 to index
      %swap3A_277 = arith.constant 96 : index
      %swap3A_278 = tpu.vector_load %arg19[%swap3A_276, %swap3A_277] {strides = array<i32>} : memref<2x128xi32, #tpu.memory_space<vmem>>, vector<16xi32>,
      tpu.vector_store %arg19[%swap3A_276, %swap3A_277], %add3A_274 {strides = array<i32>} : memref<2x128xi32, #tpu.memory_space<vmem>>, vector<16xi32>,
      %get3A_279 = arith.constant 2 : i32
      %get3A_280 = arith.index_cast %get3A_279 : i32 to index
      %get3A_281 = arith.constant 112 : index
      %get3A_282 = tpu.vector_load %arg11[%get3A_280, %get3A_281] {strides = array<i32>} : memref<160x128xi32, #tpu.memory_space<vmem>>, vector<16xi32>,
      %add3A_283 = vector.broadcast %mul3A_32 : i32 to vector<16xi32>
      %add3A_284 = arith.addi %get3A_282, %add3A_283 : vector<16xi32>
      %swap3A_285 = arith.constant 0 : i32
      %swap3A_286 = arith.index_cast %swap3A_285 : i32 to index
      %swap3A_287 = arith.constant 112 : index
      %swap3A_288 = tpu.vector_load %arg19[%swap3A_286, %swap3A_287] {strides = array<i32>} : memref<2x128xi32, #tpu.memory_space<vmem>>, vector<16xi32>,
      tpu.vector_store %arg19[%swap3A_286, %swap3A_287], %add3A_284 {strides = array<i32>} : memref<2x128xi32, #tpu.memory_space<vmem>>, vector<16xi32>,
      %dma_start3A_289 = arith.constant 0 : i32
      %dma_start3A_290 = arith.constant 0 : i32
      %dma_start3A_291 = arith.constant 0 : i32
      %dma_start3A_292 = tpu.memref_slice %arg17[%dma_start3A_290, %dma_start3A_291] : memref<256x48xf32, #tpu.memory_space<vmem>> -> memref<128x48xf32, #tpu.memory_space<vmem>>
      %dma_start3A_293 = arith.constant 0 : i32
      %dma_start3A_294 = tpu.memref_slice %arg19[%dma_start3A_289, %dma_start3A_293] : memref<2x128xi32, #tpu.memory_space<vmem>> -> memref<1x128xi32, #tpu.memory_space<vmem>>
      %dma_start3A_295 = tpu.memref_squeeze %dma_start3A_294 : memref<1x128xi32, #tpu.memory_space<vmem>> -> memref<128xi32, #tpu.memory_space<vmem>>
      %dma_start3A_296 = arith.constant 0 : i32
      %dma_start3A_297 = arith.constant 0 : i32
      %dma_start3A_298 = tpu.memref_slice %arg8[%dma_start3A_296, %dma_start3A_297] : memref<71680x48xf32, #tpu.memory_space<hbm>> -> memref<71680x48xf32, #tpu.memory_space<hbm>>
      tpu.enqueue_indirect_dma source(%dma_start3A_298 : memref<71680x48xf32, #tpu.memory_space<hbm>>) target(%dma_start3A_292 : memref<128x48xf32, #tpu.memory_space<vmem>>) offsets(%dma_start3A_295 : memref<128xi32, #tpu.memory_space<vmem>>) semaphore(%arg20 : memref<!tpu.dma_semaphore, #tpu.memory_space<semaphore_mem>>)
      %get3A_299 = arith.constant 3 : i32
      %get3A_300 = arith.index_cast %get3A_299 : i32 to index
      %get3A_301 = arith.constant 0 : index
      %get3A_302 = tpu.vector_load %arg11[%get3A_300, %get3A_301] {strides = array<i32>} : memref<160x128xi32, #tpu.memory_space<vmem>>, vector<16xi32>,
      %add3A_303 = vector.broadcast %mul3A_32 : i32 to vector<16xi32>
      %add3A_304 = arith.addi %get3A_302, %add3A_303 : vector<16xi32>
      %swap3A_305 = arith.constant 1 : i32
      %swap3A_306 = arith.index_cast %swap3A_305 : i32 to index
      %swap3A_307 = arith.constant 0 : index
      %swap3A_308 = tpu.vector_load %arg19[%swap3A_306, %swap3A_307] {strides = array<i32>} : memref<2x128xi32, #tpu.memory_space<vmem>>, vector<16xi32>,
      tpu.vector_store %arg19[%swap3A_306, %swap3A_307], %add3A_304 {strides = array<i32>} : memref<2x128xi32, #tpu.memory_space<vmem>>, vector<16xi32>,
      %get3A_309 = arith.constant 3 : i32
      %get3A_310 = arith.index_cast %get3A_309 : i32 to index
      %get3A_311 = arith.constant 16 : index
      %get3A_312 = tpu.vector_load %arg11[%get3A_310, %get3A_311] {strides = array<i32>} : memref<160x128xi32, #tpu.memory_space<vmem>>, vector<16xi32>,
      %add3A_313 = vector.broadcast %mul3A_32 : i32 to vector<16xi32>
      %add3A_314 = arith.addi %get3A_312, %add3A_313 : vector<16xi32>
      %swap3A_315 = arith.constant 1 : i32
      %swap3A_316 = arith.index_cast %swap3A_315 : i32 to index
      %swap3A_317 = arith.constant 16 : index
      %swap3A_318 = tpu.vector_load %arg19[%swap3A_316, %swap3A_317] {strides = array<i32>} : memref<2x128xi32, #tpu.memory_space<vmem>>, vector<16xi32>,
      tpu.vector_store %arg19[%swap3A_316, %swap3A_317], %add3A_314 {strides = array<i32>} : memref<2x128xi32, #tpu.memory_space<vmem>>, vector<16xi32>,
      %get3A_319 = arith.constant 3 : i32
      %get3A_320 = arith.index_cast %get3A_319 : i32 to index
      %get3A_321 = arith.constant 32 : index
      %get3A_322 = tpu.vector_load %arg11[%get3A_320, %get3A_321] {strides = array<i32>} : memref<160x128xi32, #tpu.memory_space<vmem>>, vector<16xi32>,
      %add3A_323 = vector.broadcast %mul3A_32 : i32 to vector<16xi32>
      %add3A_324 = arith.addi %get3A_322, %add3A_323 : vector<16xi32>
      %swap3A_325 = arith.constant 1 : i32
      %swap3A_326 = arith.index_cast %swap3A_325 : i32 to index
      %swap3A_327 = arith.constant 32 : index
      %swap3A_328 = tpu.vector_load %arg19[%swap3A_326, %swap3A_327] {strides = array<i32>} : memref<2x128xi32, #tpu.memory_space<vmem>>, vector<16xi32>,
      tpu.vector_store %arg19[%swap3A_326, %swap3A_327], %add3A_324 {strides = array<i32>} : memref<2x128xi32, #tpu.memory_space<vmem>>, vector<16xi32>,
      %get3A_329 = arith.constant 3 : i32
      %get3A_330 = arith.index_cast %get3A_329 : i32 to index
      %get3A_331 = arith.constant 48 : index
      %get3A_332 = tpu.vector_load %arg11[%get3A_330, %get3A_331] {strides = array<i32>} : memref<160x128xi32, #tpu.memory_space<vmem>>, vector<16xi32>,
      %add3A_333 = vector.broadcast %mul3A_32 : i32 to vector<16xi32>
      %add3A_334 = arith.addi %get3A_332, %add3A_333 : vector<16xi32>
      %swap3A_335 = arith.constant 1 : i32
      %swap3A_336 = arith.index_cast %swap3A_335 : i32 to index
      %swap3A_337 = arith.constant 48 : index
      %swap3A_338 = tpu.vector_load %arg19[%swap3A_336, %swap3A_337] {strides = array<i32>} : memref<2x128xi32, #tpu.memory_space<vmem>>, vector<16xi32>,
      tpu.vector_store %arg19[%swap3A_336, %swap3A_337], %add3A_334 {strides = array<i32>} : memref<2x128xi32, #tpu.memory_space<vmem>>, vector<16xi32>,
      %get3A_339 = arith.constant 3 : i32
      %get3A_340 = arith.index_cast %get3A_339 : i32 to index
      %get3A_341 = arith.constant 64 : index
      %get3A_342 = tpu.vector_load %arg11[%get3A_340, %get3A_341] {strides = array<i32>} : memref<160x128xi32, #tpu.memory_space<vmem>>, vector<16xi32>,
      %add3A_343 = vector.broadcast %mul3A_32 : i32 to vector<16xi32>
      %add3A_344 = arith.addi %get3A_342, %add3A_343 : vector<16xi32>
      %swap3A_345 = arith.constant 1 : i32
      %swap3A_346 = arith.index_cast %swap3A_345 : i32 to index
      %swap3A_347 = arith.constant 64 : index
      %swap3A_348 = tpu.vector_load %arg19[%swap3A_346, %swap3A_347] {strides = array<i32>} : memref<2x128xi32, #tpu.memory_space<vmem>>, vector<16xi32>,
      tpu.vector_store %arg19[%swap3A_346, %swap3A_347], %add3A_344 {strides = array<i32>} : memref<2x128xi32, #tpu.memory_space<vmem>>, vector<16xi32>,
      %get3A_349 = arith.constant 3 : i32
      %get3A_350 = arith.index_cast %get3A_349 : i32 to index
      %get3A_351 = arith.constant 80 : index
      %get3A_352 = tpu.vector_load %arg11[%get3A_350, %get3A_351] {strides = array<i32>} : memref<160x128xi32, #tpu.memory_space<vmem>>, vector<16xi32>,
      %add3A_353 = vector.broadcast %mul3A_32 : i32 to vector<16xi32>
      %add3A_354 = arith.addi %get3A_352, %add3A_353 : vector<16xi32>
      %swap3A_355 = arith.constant 1 : i32
      %swap3A_356 = arith.index_cast %swap3A_355 : i32 to index
      %swap3A_357 = arith.constant 80 : index
      %swap3A_358 = tpu.vector_load %arg19[%swap3A_356, %swap3A_357] {strides = array<i32>} : memref<2x128xi32, #tpu.memory_space<vmem>>, vector<16xi32>,
      tpu.vector_store %arg19[%swap3A_356, %swap3A_357], %add3A_354 {strides = array<i32>} : memref<2x128xi32, #tpu.memory_space<vmem>>, vector<16xi32>,
      %get3A_359 = arith.constant 3 : i32
      %get3A_360 = arith.index_cast %get3A_359 : i32 to index
      %get3A_361 = arith.constant 96 : index
      %get3A_362 = tpu.vector_load %arg11[%get3A_360, %get3A_361] {strides = array<i32>} : memref<160x128xi32, #tpu.memory_space<vmem>>, vector<16xi32>,
      %add3A_363 = vector.broadcast %mul3A_32 : i32 to vector<16xi32>
      %add3A_364 = arith.addi %get3A_362, %add3A_363 : vector<16xi32>
      %swap3A_365 = arith.constant 1 : i32
      %swap3A_366 = arith.index_cast %swap3A_365 : i32 to index
      %swap3A_367 = arith.constant 96 : index
      %swap3A_368 = tpu.vector_load %arg19[%swap3A_366, %swap3A_367] {strides = array<i32>} : memref<2x128xi32, #tpu.memory_space<vmem>>, vector<16xi32>,
      tpu.vector_store %arg19[%swap3A_366, %swap3A_367], %add3A_364 {strides = array<i32>} : memref<2x128xi32, #tpu.memory_space<vmem>>, vector<16xi32>,
      %get3A_369 = arith.constant 3 : i32
      %get3A_370 = arith.index_cast %get3A_369 : i32 to index
      %get3A_371 = arith.constant 112 : index
      %get3A_372 = tpu.vector_load %arg11[%get3A_370, %get3A_371] {strides = array<i32>} : memref<160x128xi32, #tpu.memory_space<vmem>>, vector<16xi32>,
      %add3A_373 = vector.broadcast %mul3A_32 : i32 to vector<16xi32>
      %add3A_374 = arith.addi %get3A_372, %add3A_373 : vector<16xi32>
      %swap3A_375 = arith.constant 1 : i32
      %swap3A_376 = arith.index_cast %swap3A_375 : i32 to index
      %swap3A_377 = arith.constant 112 : index
      %swap3A_378 = tpu.vector_load %arg19[%swap3A_376, %swap3A_377] {strides = array<i32>} : memref<2x128xi32, #tpu.memory_space<vmem>>, vector<16xi32>,
      tpu.vector_store %arg19[%swap3A_376, %swap3A_377], %add3A_374 {strides = array<i32>} : memref<2x128xi32, #tpu.memory_space<vmem>>, vector<16xi32>,
      %dma_start3A_379 = arith.constant 1 : i32
      %dma_start3A_380 = arith.constant 128 : i32
      %dma_start3A_381 = arith.constant 0 : i32
      %dma_start3A_382 = tpu.memref_slice %arg17[%dma_start3A_380, %dma_start3A_381] : memref<256x48xf32, #tpu.memory_space<vmem>> -> memref<128x48xf32, #tpu.memory_space<vmem>>
      %dma_start3A_383 = arith.constant 0 : i32
      %dma_start3A_384 = tpu.memref_slice %arg19[%dma_start3A_379, %dma_start3A_383] : memref<2x128xi32, #tpu.memory_space<vmem>> -> memref<1x128xi32, #tpu.memory_space<vmem>>
      %dma_start3A_385 = tpu.memref_squeeze %dma_start3A_384 : memref<1x128xi32, #tpu.memory_space<vmem>> -> memref<128xi32, #tpu.memory_space<vmem>>
      %dma_start3A_386 = arith.constant 0 : i32
      %dma_start3A_387 = arith.constant 0 : i32
      %dma_start3A_388 = tpu.memref_slice %arg8[%dma_start3A_386, %dma_start3A_387] : memref<71680x48xf32, #tpu.memory_space<hbm>> -> memref<71680x48xf32, #tpu.memory_space<hbm>>
      tpu.enqueue_indirect_dma source(%dma_start3A_388 : memref<71680x48xf32, #tpu.memory_space<hbm>>) target(%dma_start3A_382 : memref<128x48xf32, #tpu.memory_space<vmem>>) offsets(%dma_start3A_385 : memref<128xi32, #tpu.memory_space<vmem>>) semaphore(%arg20 : memref<!tpu.dma_semaphore, #tpu.memory_space<semaphore_mem>>)
      %scan3A_389 = arith.constant 0 : i32
      %scan3A_390 = arith.constant 0 : i32
      %scan3A_391 = arith.constant 40 : i32
      %scan3A_392 = arith.addi %scan3A_390, %scan3A_391 : i32
      %scan3A_393 = arith.constant 1 : i32
      scf.for %scan3A_454 = %scan3A_390 to %scan3A_392 step %scan3A_393  : i32 {
        %dma_wait3A_455 = arith.constant 0 : i32
        %dma_wait3A_456 = arith.constant 0 : i32
        %dma_wait3A_457 = arith.constant 0 : i32
        %dma_wait3A_458 = tpu.memref_slice %arg16[%dma_wait3A_456, %dma_wait3A_457] : memref<256x48xf32, #tpu.memory_space<vmem>> -> memref<128x48xf32, #tpu.memory_space<vmem>>
        %dma_wait3A_459 = arith.constant 0 : i32
        %dma_wait3A_460 = tpu.memref_slice %arg18[%dma_wait3A_455, %dma_wait3A_459] : memref<2x128xi32, #tpu.memory_space<vmem>> -> memref<1x128xi32, #tpu.memory_space<vmem>>
        %dma_wait3A_461 = tpu.memref_squeeze %dma_wait3A_460 : memref<1x128xi32, #tpu.memory_space<vmem>> -> memref<128xi32, #tpu.memory_space<vmem>>
        %dma_wait3A_462 = arith.constant 0 : i32
        %dma_wait3A_463 = arith.constant 0 : i32
        %dma_wait3A_464 = tpu.memref_slice %arg8[%dma_wait3A_462, %dma_wait3A_463] : memref<71680x48xf32, #tpu.memory_space<hbm>> -> memref<71680x48xf32, #tpu.memory_space<hbm>>
        tpu.wait_indirect_dma semaphore(%arg20 : memref<!tpu.dma_semaphore, #tpu.memory_space<semaphore_mem>>) src(%dma_wait3A_464 : memref<71680x48xf32, #tpu.memory_space<hbm>>) dst(%dma_wait3A_458 : memref<128x48xf32, #tpu.memory_space<vmem>>)
        %dma_wait3A_465 = arith.constant 1 : i32
        %dma_wait3A_466 = arith.constant 128 : i32
        %dma_wait3A_467 = arith.constant 0 : i32
        %dma_wait3A_468 = tpu.memref_slice %arg16[%dma_wait3A_466, %dma_wait3A_467] : memref<256x48xf32, #tpu.memory_space<vmem>> -> memref<128x48xf32, #tpu.memory_space<vmem>>
        %dma_wait3A_469 = arith.constant 0 : i32
        %dma_wait3A_470 = tpu.memref_slice %arg18[%dma_wait3A_465, %dma_wait3A_469] : memref<2x128xi32, #tpu.memory_space<vmem>> -> memref<1x128xi32, #tpu.memory_space<vmem>>
        %dma_wait3A_471 = tpu.memref_squeeze %dma_wait3A_470 : memref<1x128xi32, #tpu.memory_space<vmem>> -> memref<128xi32, #tpu.memory_space<vmem>>
        %dma_wait3A_472 = arith.constant 0 : i32
        %dma_wait3A_473 = arith.constant 0 : i32
        %dma_wait3A_474 = tpu.memref_slice %arg8[%dma_wait3A_472, %dma_wait3A_473] : memref<71680x48xf32, #tpu.memory_space<hbm>> -> memref<71680x48xf32, #tpu.memory_space<hbm>>
        tpu.wait_indirect_dma semaphore(%arg20 : memref<!tpu.dma_semaphore, #tpu.memory_space<semaphore_mem>>) src(%dma_wait3A_474 : memref<71680x48xf32, #tpu.memory_space<hbm>>) dst(%dma_wait3A_468 : memref<128x48xf32, #tpu.memory_space<vmem>>)
        %mul3A_475 = arith.constant 2 : i32
        %mul3A_476 = arith.muli %scan3A_454, %mul3A_475 : i32
        %add3A_477 = arith.constant 0 : i32
        %add3A_478 = arith.addi %mul3A_476, %add3A_477 : i32
        %scan3A_479 = arith.constant 0 : i32
        %scan3A_480 = arith.constant 0 : i32
        %scan3A_481 = arith.constant 16 : i32
        %scan3A_482 = arith.addi %scan3A_480, %scan3A_481 : i32
        %scan3A_483 = arith.constant 1 : i32
        scf.for %scan3A_577 = %scan3A_480 to %scan3A_482 step %scan3A_483  : i32 {
          %mul3A_578 = arith.constant 256 : i32
          %mul3A_579 = arith.muli %add3A_478, %mul3A_578 : i32
          %mul3A_580 = arith.constant 16 : i32
          %mul3A_581 = arith.muli %scan3A_577, %mul3A_580 : i32
          %add3A_582 = arith.addi %mul3A_579, %mul3A_581 : i32
          %get3A_583 = arith.index_cast %add3A_582 : i32 to index
          %get3A_584 = tpu.vector_load %arg13[%get3A_583] {strides = array<i32>} : memref<20480xf32, #tpu.memory_space<vmem>>, vector<16xf32>,
          %broadcast_in_dim3A = arith.constant 0 : i32
          %broadcast_in_dim3A_585 = vector.broadcast %broadcast_in_dim3A : i32 to vector<16xi32>
          %lt3A_586 = arith.constant 0 : i32
          %lt3A_587 = vector.broadcast %lt3A_586 : i32 to vector<16xi32>
          %lt3A_588 = arith.cmpi slt, %broadcast_in_dim3A_585, %lt3A_587 : vector<16xi32>
          %add3A_589 = arith.constant 16 : i32
          %add3A_590 = vector.broadcast %add3A_589 : i32 to vector<16xi32>
          %add3A_591 = arith.addi %broadcast_in_dim3A_585, %add3A_590 : vector<16xi32>
          %select_n3A_592 = arith.select %lt3A_588, %add3A_591, %broadcast_in_dim3A_585 : vector<16xi1>, vector<16xi32>
          %broadcast_in_dim3A_593 = vector.shape_cast %select_n3A_592 : vector<16xi32> to vector<16x1xi32>
          %gather3A = vector.shape_cast %broadcast_in_dim3A_593 : vector<16x1xi32> to vector<16xi32>
          %gather3A_594 = tpu.dynamic_gather %get3A_584[%gather3A] in [0] : vector<16xf32>, vector<16xi32> -> vector<16xf32>
          %mul3A_595 = arith.constant 16 : i32
          %mul3A_596 = arith.muli %scan3A_577, %mul3A_595 : i32
          %add3A_597 = arith.constant 0 : i32
          %add3A_598 = arith.addi %mul3A_596, %add3A_597 : i32
          %get3A_599 = arith.index_cast %add3A_598 : i32 to index
          %get3A_600 = arith.constant 0 : index
          %get3A_601 = tpu.vector_load %arg16[%get3A_599, %get3A_600] {strides = array<i32>} : memref<256x48xf32, #tpu.memory_space<vmem>>, vector<16xf32>,
          %mul3A_602 = arith.mulf %get3A_601, %gather3A_594 : vector<16xf32>
          %swap3A_603 = arith.index_cast %add3A_598 : i32 to index
          %swap3A_604 = arith.constant 0 : index
          %swap3A_605 = tpu.vector_load %arg16[%swap3A_603, %swap3A_604] {strides = array<i32>} : memref<256x48xf32, #tpu.memory_space<vmem>>, vector<16xf32>,
          tpu.vector_store %arg16[%swap3A_603, %swap3A_604], %mul3A_602 {strides = array<i32>} : memref<256x48xf32, #tpu.memory_space<vmem>>, vector<16xf32>,
          %get3A_606 = arith.index_cast %add3A_598 : i32 to index
          %get3A_607 = arith.constant 16 : index
          %get3A_608 = tpu.vector_load %arg16[%get3A_606, %get3A_607] {strides = array<i32>} : memref<256x48xf32, #tpu.memory_space<vmem>>, vector<16xf32>,
          %mul3A_609 = arith.mulf %get3A_608, %gather3A_594 : vector<16xf32>
          %swap3A_610 = arith.index_cast %add3A_598 : i32 to index
          %swap3A_611 = arith.constant 16 : index
          %swap3A_612 = tpu.vector_load %arg16[%swap3A_610, %swap3A_611] {strides = array<i32>} : memref<256x48xf32, #tpu.memory_space<vmem>>, vector<16xf32>,
          tpu.vector_store %arg16[%swap3A_610, %swap3A_611], %mul3A_609 {strides = array<i32>} : memref<256x48xf32, #tpu.memory_space<vmem>>, vector<16xf32>,
          %get3A_613 = arith.index_cast %add3A_598 : i32 to index
          %get3A_614 = arith.constant 32 : index
          %get3A_615 = tpu.vector_load %arg16[%get3A_613, %get3A_614] {strides = array<i32>} : memref<256x48xf32, #tpu.memory_space<vmem>>, vector<16xf32>,
          %mul3A_616 = arith.mulf %get3A_615, %gather3A_594 : vector<16xf32>
          %swap3A_617 = arith.index_cast %add3A_598 : i32 to index
          %swap3A_618 = arith.constant 32 : index
          %swap3A_619 = tpu.vector_load %arg16[%swap3A_617, %swap3A_618] {strides = array<i32>} : memref<256x48xf32, #tpu.memory_space<vmem>>, vector<16xf32>,
          tpu.vector_store %arg16[%swap3A_617, %swap3A_618], %mul3A_616 {strides = array<i32>} : memref<256x48xf32, #tpu.memory_space<vmem>>, vector<16xf32>,
          %broadcast_in_dim3A_620 = arith.constant 1 : i32
          %broadcast_in_dim3A_621 = vector.broadcast %broadcast_in_dim3A_620 : i32 to vector<16xi32>
          %lt3A_622 = arith.constant 0 : i32
          %lt3A_623 = vector.broadcast %lt3A_622 : i32 to vector<16xi32>
          %lt3A_624 = arith.cmpi slt, %broadcast_in_dim3A_621, %lt3A_623 : vector<16xi32>
          %add3A_625 = arith.constant 16 : i32
          %add3A_626 = vector.broadcast %add3A_625 : i32 to vector<16xi32>
          %add3A_627 = arith.addi %broadcast_in_dim3A_621, %add3A_626 : vector<16xi32>
          %select_n3A_628 = arith.select %lt3A_624, %add3A_627, %broadcast_in_dim3A_621 : vector<16xi1>, vector<16xi32>
          %broadcast_in_dim3A_629 = vector.shape_cast %select_n3A_628 : vector<16xi32> to vector<16x1xi32>
          %gather3A_630 = vector.shape_cast %broadcast_in_dim3A_629 : vector<16x1xi32> to vector<16xi32>
          %gather3A_631 = tpu.dynamic_gather %get3A_584[%gather3A_630] in [0] : vector<16xf32>, vector<16xi32> -> vector<16xf32>
          %mul3A_632 = arith.constant 16 : i32
          %mul3A_633 = arith.muli %scan3A_577, %mul3A_632 : i32
          %add3A_634 = arith.constant 1 : i32
          %add3A_635 = arith.addi %mul3A_633, %add3A_634 : i32
          %get3A_636 = arith.index_cast %add3A_635 : i32 to index
          %get3A_637 = arith.constant 0 : index
          %get3A_638 = tpu.vector_load %arg16[%get3A_636, %get3A_637] {strides = array<i32>} : memref<256x48xf32, #tpu.memory_space<vmem>>, vector<16xf32>,
          %mul3A_639 = arith.mulf %get3A_638, %gather3A_631 : vector<16xf32>
          %swap3A_640 = arith.index_cast %add3A_635 : i32 to index
          %swap3A_641 = arith.constant 0 : index
          %swap3A_642 = tpu.vector_load %arg16[%swap3A_640, %swap3A_641] {strides = array<i32>} : memref<256x48xf32, #tpu.memory_space<vmem>>, vector<16xf32>,
          tpu.vector_store %arg16[%swap3A_640, %swap3A_641], %mul3A_639 {strides = array<i32>} : memref<256x48xf32, #tpu.memory_space<vmem>>, vector<16xf32>,
          %get3A_643 = arith.index_cast %add3A_635 : i32 to index
          %get3A_644 = arith.constant 16 : index
          %get3A_645 = tpu.vector_load %arg16[%get3A_643, %get3A_644] {strides = array<i32>} : memref<256x48xf32, #tpu.memory_space<vmem>>, vector<16xf32>,
          %mul3A_646 = arith.mulf %get3A_645, %gather3A_631 : vector<16xf32>
          %swap3A_647 = arith.index_cast %add3A_635 : i32 to index
          %swap3A_648 = arith.constant 16 : index
          %swap3A_649 = tpu.vector_load %arg16[%swap3A_647, %swap3A_648] {strides = array<i32>} : memref<256x48xf32, #tpu.memory_space<vmem>>, vector<16xf32>,
          tpu.vector_store %arg16[%swap3A_647, %swap3A_648], %mul3A_646 {strides = array<i32>} : memref<256x48xf32, #tpu.memory_space<vmem>>, vector<16xf32>,
          %get3A_650 = arith.index_cast %add3A_635 : i32 to index
          %get3A_651 = arith.constant 32 : index
          %get3A_652 = tpu.vector_load %arg16[%get3A_650, %get3A_651] {strides = array<i32>} : memref<256x48xf32, #tpu.memory_space<vmem>>, vector<16xf32>,
          %mul3A_653 = arith.mulf %get3A_652, %gather3A_631 : vector<16xf32>
          %swap3A_654 = arith.index_cast %add3A_635 : i32 to index
          %swap3A_655 = arith.constant 32 : index
          %swap3A_656 = tpu.vector_load %arg16[%swap3A_654, %swap3A_655] {strides = array<i32>} : memref<256x48xf32, #tpu.memory_space<vmem>>, vector<16xf32>,
          tpu.vector_store %arg16[%swap3A_654, %swap3A_655], %mul3A_653 {strides = array<i32>} : memref<256x48xf32, #tpu.memory_space<vmem>>, vector<16xf32>,
          %broadcast_in_dim3A_657 = arith.constant 2 : i32
          %broadcast_in_dim3A_658 = vector.broadcast %broadcast_in_dim3A_657 : i32 to vector<16xi32>
          %lt3A_659 = arith.constant 0 : i32
          %lt3A_660 = vector.broadcast %lt3A_659 : i32 to vector<16xi32>
          %lt3A_661 = arith.cmpi slt, %broadcast_in_dim3A_658, %lt3A_660 : vector<16xi32>
          %add3A_662 = arith.constant 16 : i32
          %add3A_663 = vector.broadcast %add3A_662 : i32 to vector<16xi32>
          %add3A_664 = arith.addi %broadcast_in_dim3A_658, %add3A_663 : vector<16xi32>
          %select_n3A_665 = arith.select %lt3A_661, %add3A_664, %broadcast_in_dim3A_658 : vector<16xi1>, vector<16xi32>
          %broadcast_in_dim3A_666 = vector.shape_cast %select_n3A_665 : vector<16xi32> to vector<16x1xi32>
          %gather3A_667 = vector.shape_cast %broadcast_in_dim3A_666 : vector<16x1xi32> to vector<16xi32>
          %gather3A_668 = tpu.dynamic_gather %get3A_584[%gather3A_667] in [0] : vector<16xf32>, vector<16xi32> -> vector<16xf32>
          %mul3A_669 = arith.constant 16 : i32
          %mul3A_670 = arith.muli %scan3A_577, %mul3A_669 : i32
          %add3A_671 = arith.constant 2 : i32
          %add3A_672 = arith.addi %mul3A_670, %add3A_671 : i32
          %get3A_673 = arith.index_cast %add3A_672 : i32 to index
          %get3A_674 = arith.constant 0 : index
          %get3A_675 = tpu.vector_load %arg16[%get3A_673, %get3A_674] {strides = array<i32>} : memref<256x48xf32, #tpu.memory_space<vmem>>, vector<16xf32>,
          %mul3A_676 = arith.mulf %get3A_675, %gather3A_668 : vector<16xf32>
          %swap3A_677 = arith.index_cast %add3A_672 : i32 to index
          %swap3A_678 = arith.constant 0 : index
          %swap3A_679 = tpu.vector_load %arg16[%swap3A_677, %swap3A_678] {strides = array<i32>} : memref<256x48xf32, #tpu.memory_space<vmem>>, vector<16xf32>,
          tpu.vector_store %arg16[%swap3A_677, %swap3A_678], %mul3A_676 {strides = array<i32>} : memref<256x48xf32, #tpu.memory_space<vmem>>, vector<16xf32>,
          %get3A_680 = arith.index_cast %add3A_672 : i32 to index
          %get3A_681 = arith.constant 16 : index
          %get3A_682 = tpu.vector_load %arg16[%get3A_680, %get3A_681] {strides = array<i32>} : memref<256x48xf32, #tpu.memory_space<vmem>>, vector<16xf32>,
          %mul3A_683 = arith.mulf %get3A_682, %gather3A_668 : vector<16xf32>
          %swap3A_684 = arith.index_cast %add3A_672 : i32 to index
          %swap3A_685 = arith.constant 16 : index
          %swap3A_686 = tpu.vector_load %arg16[%swap3A_684, %swap3A_685] {strides = array<i32>} : memref<256x48xf32, #tpu.memory_space<vmem>>, vector<16xf32>,
          tpu.vector_store %arg16[%swap3A_684, %swap3A_685], %mul3A_683 {strides = array<i32>} : memref<256x48xf32, #tpu.memory_space<vmem>>, vector<16xf32>,
          %get3A_687 = arith.index_cast %add3A_672 : i32 to index
          %get3A_688 = arith.constant 32 : index
          %get3A_689 = tpu.vector_load %arg16[%get3A_687, %get3A_688] {strides = array<i32>} : memref<256x48xf32, #tpu.memory_space<vmem>>, vector<16xf32>,
          %mul3A_690 = arith.mulf %get3A_689, %gather3A_668 : vector<16xf32>
          %swap3A_691 = arith.index_cast %add3A_672 : i32 to index
          %swap3A_692 = arith.constant 32 : index
          %swap3A_693 = tpu.vector_load %arg16[%swap3A_691, %swap3A_692] {strides = array<i32>} : memref<256x48xf32, #tpu.memory_space<vmem>>, vector<16xf32>,
          tpu.vector_store %arg16[%swap3A_691, %swap3A_692], %mul3A_690 {strides = array<i32>} : memref<256x48xf32, #tpu.memory_space<vmem>>, vector<16xf32>,
          %broadcast_in_dim3A_694 = arith.constant 3 : i32
          %broadcast_in_dim3A_695 = vector.broadcast %broadcast_in_dim3A_694 : i32 to vector<16xi32>
          %lt3A_696 = arith.constant 0 : i32
          %lt3A_697 = vector.broadcast %lt3A_696 : i32 to vector<16xi32>
          %lt3A_698 = arith.cmpi slt, %broadcast_in_dim3A_695, %lt3A_697 : vector<16xi32>
          %add3A_699 = arith.constant 16 : i32
          %add3A_700 = vector.broadcast %add3A_699 : i32 to vector<16xi32>
          %add3A_701 = arith.addi %broadcast_in_dim3A_695, %add3A_700 : vector<16xi32>
          %select_n3A_702 = arith.select %lt3A_698, %add3A_701, %broadcast_in_dim3A_695 : vector<16xi1>, vector<16xi32>
          %broadcast_in_dim3A_703 = vector.shape_cast %select_n3A_702 : vector<16xi32> to vector<16x1xi32>
          %gather3A_704 = vector.shape_cast %broadcast_in_dim3A_703 : vector<16x1xi32> to vector<16xi32>
          %gather3A_705 = tpu.dynamic_gather %get3A_584[%gather3A_704] in [0] : vector<16xf32>, vector<16xi32> -> vector<16xf32>
          %mul3A_706 = arith.constant 16 : i32
          %mul3A_707 = arith.muli %scan3A_577, %mul3A_706 : i32
          %add3A_708 = arith.constant 3 : i32
          %add3A_709 = arith.addi %mul3A_707, %add3A_708 : i32
          %get3A_710 = arith.index_cast %add3A_709 : i32 to index
          %get3A_711 = arith.constant 0 : index
          %get3A_712 = tpu.vector_load %arg16[%get3A_710, %get3A_711] {strides = array<i32>} : memref<256x48xf32, #tpu.memory_space<vmem>>, vector<16xf32>,
          %mul3A_713 = arith.mulf %get3A_712, %gather3A_705 : vector<16xf32>
          %swap3A_714 = arith.index_cast %add3A_709 : i32 to index
          %swap3A_715 = arith.constant 0 : index
          %swap3A_716 = tpu.vector_load %arg16[%swap3A_714, %swap3A_715] {strides = array<i32>} : memref<256x48xf32, #tpu.memory_space<vmem>>, vector<16xf32>,
          tpu.vector_store %arg16[%swap3A_714, %swap3A_715], %mul3A_713 {strides = array<i32>} : memref<256x48xf32, #tpu.memory_space<vmem>>, vector<16xf32>,
          %get3A_717 = arith.index_cast %add3A_709 : i32 to index
          %get3A_718 = arith.constant 16 : index
          %get3A_719 = tpu.vector_load %arg16[%get3A_717, %get3A_718] {strides = array<i32>} : memref<256x48xf32, #tpu.memory_space<vmem>>, vector<16xf32>,
          %mul3A_720 = arith.mulf %get3A_719, %gather3A_705 : vector<16xf32>
          %swap3A_721 = arith.index_cast %add3A_709 : i32 to index
          %swap3A_722 = arith.constant 16 : index
          %swap3A_723 = tpu.vector_load %arg16[%swap3A_721, %swap3A_722] {strides = array<i32>} : memref<256x48xf32, #tpu.memory_space<vmem>>, vector<16xf32>,
          tpu.vector_store %arg16[%swap3A_721, %swap3A_722], %mul3A_720 {strides = array<i32>} : memref<256x48xf32, #tpu.memory_space<vmem>>, vector<16xf32>,
          %get3A_724 = arith.index_cast %add3A_709 : i32 to index
          %get3A_725 = arith.constant 32 : index
          %get3A_726 = tpu.vector_load %arg16[%get3A_724, %get3A_725] {strides = array<i32>} : memref<256x48xf32, #tpu.memory_space<vmem>>, vector<16xf32>,
          %mul3A_727 = arith.mulf %get3A_726, %gather3A_705 : vector<16xf32>
          %swap3A_728 = arith.index_cast %add3A_709 : i32 to index
          %swap3A_729 = arith.constant 32 : index
          %swap3A_730 = tpu.vector_load %arg16[%swap3A_728, %swap3A_729] {strides = array<i32>} : memref<256x48xf32, #tpu.memory_space<vmem>>, vector<16xf32>,
          tpu.vector_store %arg16[%swap3A_728, %swap3A_729], %mul3A_727 {strides = array<i32>} : memref<256x48xf32, #tpu.memory_space<vmem>>, vector<16xf32>,
          %broadcast_in_dim3A_731 = arith.constant 4 : i32
          %broadcast_in_dim3A_732 = vector.broadcast %broadcast_in_dim3A_731 : i32 to vector<16xi32>
          %lt3A_733 = arith.constant 0 : i32
          %lt3A_734 = vector.broadcast %lt3A_733 : i32 to vector<16xi32>
          %lt3A_735 = arith.cmpi slt, %broadcast_in_dim3A_732, %lt3A_734 : vector<16xi32>
          %add3A_736 = arith.constant 16 : i32
          %add3A_737 = vector.broadcast %add3A_736 : i32 to vector<16xi32>
          %add3A_738 = arith.addi %broadcast_in_dim3A_732, %add3A_737 : vector<16xi32>
          %select_n3A_739 = arith.select %lt3A_735, %add3A_738, %broadcast_in_dim3A_732 : vector<16xi1>, vector<16xi32>
          %broadcast_in_dim3A_740 = vector.shape_cast %select_n3A_739 : vector<16xi32> to vector<16x1xi32>
          %gather3A_741 = vector.shape_cast %broadcast_in_dim3A_740 : vector<16x1xi32> to vector<16xi32>
          %gather3A_742 = tpu.dynamic_gather %get3A_584[%gather3A_741] in [0] : vector<16xf32>, vector<16xi32> -> vector<16xf32>
          %mul3A_743 = arith.constant 16 : i32
          %mul3A_744 = arith.muli %scan3A_577, %mul3A_743 : i32
          %add3A_745 = arith.constant 4 : i32
          %add3A_746 = arith.addi %mul3A_744, %add3A_745 : i32
          %get3A_747 = arith.index_cast %add3A_746 : i32 to index
          %get3A_748 = arith.constant 0 : index
          %get3A_749 = tpu.vector_load %arg16[%get3A_747, %get3A_748] {strides = array<i32>} : memref<256x48xf32, #tpu.memory_space<vmem>>, vector<16xf32>,
          %mul3A_750 = arith.mulf %get3A_749, %gather3A_742 : vector<16xf32>
          %swap3A_751 = arith.index_cast %add3A_746 : i32 to index
          %swap3A_752 = arith.constant 0 : index
          %swap3A_753 = tpu.vector_load %arg16[%swap3A_751, %swap3A_752] {strides = array<i32>} : memref<256x48xf32, #tpu.memory_space<vmem>>, vector<16xf32>,
          tpu.vector_store %arg16[%swap3A_751, %swap3A_752], %mul3A_750 {strides = array<i32>} : memref<256x48xf32, #tpu.memory_space<vmem>>, vector<16xf32>,
          %get3A_754 = arith.index_cast %add3A_746 : i32 to index
          %get3A_755 = arith.constant 16 : index
          %get3A_756 = tpu.vector_load %arg16[%get3A_754, %get3A_755] {strides = array<i32>} : memref<256x48xf32, #tpu.memory_space<vmem>>, vector<16xf32>,
          %mul3A_757 = arith.mulf %get3A_756, %gather3A_742 : vector<16xf32>
          %swap3A_758 = arith.index_cast %add3A_746 : i32 to index
          %swap3A_759 = arith.constant 16 : index
          %swap3A_760 = tpu.vector_load %arg16[%swap3A_758, %swap3A_759] {strides = array<i32>} : memref<256x48xf32, #tpu.memory_space<vmem>>, vector<16xf32>,
          tpu.vector_store %arg16[%swap3A_758, %swap3A_759], %mul3A_757 {strides = array<i32>} : memref<256x48xf32, #tpu.memory_space<vmem>>, vector<16xf32>,
          %get3A_761 = arith.index_cast %add3A_746 : i32 to index
          %get3A_762 = arith.constant 32 : index
          %get3A_763 = tpu.vector_load %arg16[%get3A_761, %get3A_762] {strides = array<i32>} : memref<256x48xf32, #tpu.memory_space<vmem>>, vector<16xf32>,
          %mul3A_764 = arith.mulf %get3A_763, %gather3A_742 : vector<16xf32>
          %swap3A_765 = arith.index_cast %add3A_746 : i32 to index
          %swap3A_766 = arith.constant 32 : index
          %swap3A_767 = tpu.vector_load %arg16[%swap3A_765, %swap3A_766] {strides = array<i32>} : memref<256x48xf32, #tpu.memory_space<vmem>>, vector<16xf32>,
          tpu.vector_store %arg16[%swap3A_765, %swap3A_766], %mul3A_764 {strides = array<i32>} : memref<256x48xf32, #tpu.memory_space<vmem>>, vector<16xf32>,
          %broadcast_in_dim3A_768 = arith.constant 5 : i32
          %broadcast_in_dim3A_769 = vector.broadcast %broadcast_in_dim3A_768 : i32 to vector<16xi32>
          %lt3A_770 = arith.constant 0 : i32
          %lt3A_771 = vector.broadcast %lt3A_770 : i32 to vector<16xi32>
          %lt3A_772 = arith.cmpi slt, %broadcast_in_dim3A_769, %lt3A_771 : vector<16xi32>
          %add3A_773 = arith.constant 16 : i32
          %add3A_774 = vector.broadcast %add3A_773 : i32 to vector<16xi32>
          %add3A_775 = arith.addi %broadcast_in_dim3A_769, %add3A_774 : vector<16xi32>
          %select_n3A_776 = arith.select %lt3A_772, %add3A_775, %broadcast_in_dim3A_769 : vector<16xi1>, vector<16xi32>
          %broadcast_in_dim3A_777 = vector.shape_cast %select_n3A_776 : vector<16xi32> to vector<16x1xi32>
          %gather3A_778 = vector.shape_cast %broadcast_in_dim3A_777 : vector<16x1xi32> to vector<16xi32>
          %gather3A_779 = tpu.dynamic_gather %get3A_584[%gather3A_778] in [0] : vector<16xf32>, vector<16xi32> -> vector<16xf32>
          %mul3A_780 = arith.constant 16 : i32
          %mul3A_781 = arith.muli %scan3A_577, %mul3A_780 : i32
          %add3A_782 = arith.constant 5 : i32
          %add3A_783 = arith.addi %mul3A_781, %add3A_782 : i32
          %get3A_784 = arith.index_cast %add3A_783 : i32 to index
          %get3A_785 = arith.constant 0 : index
          %get3A_786 = tpu.vector_load %arg16[%get3A_784, %get3A_785] {strides = array<i32>} : memref<256x48xf32, #tpu.memory_space<vmem>>, vector<16xf32>,
          %mul3A_787 = arith.mulf %get3A_786, %gather3A_779 : vector<16xf32>
          %swap3A_788 = arith.index_cast %add3A_783 : i32 to index
          %swap3A_789 = arith.constant 0 : index
          %swap3A_790 = tpu.vector_load %arg16[%swap3A_788, %swap3A_789] {strides = array<i32>} : memref<256x48xf32, #tpu.memory_space<vmem>>, vector<16xf32>,
          tpu.vector_store %arg16[%swap3A_788, %swap3A_789], %mul3A_787 {strides = array<i32>} : memref<256x48xf32, #tpu.memory_space<vmem>>, vector<16xf32>,
          %get3A_791 = arith.index_cast %add3A_783 : i32 to index
          %get3A_792 = arith.constant 16 : index
          %get3A_793 = tpu.vector_load %arg16[%get3A_791, %get3A_792] {strides = array<i32>} : memref<256x48xf32, #tpu.memory_space<vmem>>, vector<16xf32>,
          %mul3A_794 = arith.mulf %get3A_793, %gather3A_779 : vector<16xf32>
          %swap3A_795 = arith.index_cast %add3A_783 : i32 to index
          %swap3A_796 = arith.constant 16 : index
          %swap3A_797 = tpu.vector_load %arg16[%swap3A_795, %swap3A_796] {strides = array<i32>} : memref<256x48xf32, #tpu.memory_space<vmem>>, vector<16xf32>,
          tpu.vector_store %arg16[%swap3A_795, %swap3A_796], %mul3A_794 {strides = array<i32>} : memref<256x48xf32, #tpu.memory_space<vmem>>, vector<16xf32>,
          %get3A_798 = arith.index_cast %add3A_783 : i32 to index
          %get3A_799 = arith.constant 32 : index
          %get3A_800 = tpu.vector_load %arg16[%get3A_798, %get3A_799] {strides = array<i32>} : memref<256x48xf32, #tpu.memory_space<vmem>>, vector<16xf32>,
          %mul3A_801 = arith.mulf %get3A_800, %gather3A_779 : vector<16xf32>
          %swap3A_802 = arith.index_cast %add3A_783 : i32 to index
          %swap3A_803 = arith.constant 32 : index
          %swap3A_804 = tpu.vector_load %arg16[%swap3A_802, %swap3A_803] {strides = array<i32>} : memref<256x48xf32, #tpu.memory_space<vmem>>, vector<16xf32>,
          tpu.vector_store %arg16[%swap3A_802, %swap3A_803], %mul3A_801 {strides = array<i32>} : memref<256x48xf32, #tpu.memory_space<vmem>>, vector<16xf32>,
          %broadcast_in_dim3A_805 = arith.constant 6 : i32
          %broadcast_in_dim3A_806 = vector.broadcast %broadcast_in_dim3A_805 : i32 to vector<16xi32>
          %lt3A_807 = arith.constant 0 : i32
          %lt3A_808 = vector.broadcast %lt3A_807 : i32 to vector<16xi32>
          %lt3A_809 = arith.cmpi slt, %broadcast_in_dim3A_806, %lt3A_808 : vector<16xi32>
          %add3A_810 = arith.constant 16 : i32
          %add3A_811 = vector.broadcast %add3A_810 : i32 to vector<16xi32>
          %add3A_812 = arith.addi %broadcast_in_dim3A_806, %add3A_811 : vector<16xi32>
          %select_n3A_813 = arith.select %lt3A_809, %add3A_812, %broadcast_in_dim3A_806 : vector<16xi1>, vector<16xi32>
          %broadcast_in_dim3A_814 = vector.shape_cast %select_n3A_813 : vector<16xi32> to vector<16x1xi32>
          %gather3A_815 = vector.shape_cast %broadcast_in_dim3A_814 : vector<16x1xi32> to vector<16xi32>
          %gather3A_816 = tpu.dynamic_gather %get3A_584[%gather3A_815] in [0] : vector<16xf32>, vector<16xi32> -> vector<16xf32>
          %mul3A_817 = arith.constant 16 : i32
          %mul3A_818 = arith.muli %scan3A_577, %mul3A_817 : i32
          %add3A_819 = arith.constant 6 : i32
          %add3A_820 = arith.addi %mul3A_818, %add3A_819 : i32
          %get3A_821 = arith.index_cast %add3A_820 : i32 to index
          %get3A_822 = arith.constant 0 : index
          %get3A_823 = tpu.vector_load %arg16[%get3A_821, %get3A_822] {strides = array<i32>} : memref<256x48xf32, #tpu.memory_space<vmem>>, vector<16xf32>,
          %mul3A_824 = arith.mulf %get3A_823, %gather3A_816 : vector<16xf32>
          %swap3A_825 = arith.index_cast %add3A_820 : i32 to index
          %swap3A_826 = arith.constant 0 : index
          %swap3A_827 = tpu.vector_load %arg16[%swap3A_825, %swap3A_826] {strides = array<i32>} : memref<256x48xf32, #tpu.memory_space<vmem>>, vector<16xf32>,
          tpu.vector_store %arg16[%swap3A_825, %swap3A_826], %mul3A_824 {strides = array<i32>} : memref<256x48xf32, #tpu.memory_space<vmem>>, vector<16xf32>,
          %get3A_828 = arith.index_cast %add3A_820 : i32 to index
          %get3A_829 = arith.constant 16 : index
          %get3A_830 = tpu.vector_load %arg16[%get3A_828, %get3A_829] {strides = array<i32>} : memref<256x48xf32, #tpu.memory_space<vmem>>, vector<16xf32>,
          %mul3A_831 = arith.mulf %get3A_830, %gather3A_816 : vector<16xf32>
          %swap3A_832 = arith.index_cast %add3A_820 : i32 to index
          %swap3A_833 = arith.constant 16 : index
          %swap3A_834 = tpu.vector_load %arg16[%swap3A_832, %swap3A_833] {strides = array<i32>} : memref<256x48xf32, #tpu.memory_space<vmem>>, vector<16xf32>,
          tpu.vector_store %arg16[%swap3A_832, %swap3A_833], %mul3A_831 {strides = array<i32>} : memref<256x48xf32, #tpu.memory_space<vmem>>, vector<16xf32>,
          %get3A_835 = arith.index_cast %add3A_820 : i32 to index
          %get3A_836 = arith.constant 32 : index
          %get3A_837 = tpu.vector_load %arg16[%get3A_835, %get3A_836] {strides = array<i32>} : memref<256x48xf32, #tpu.memory_space<vmem>>, vector<16xf32>,
          %mul3A_838 = arith.mulf %get3A_837, %gather3A_816 : vector<16xf32>
          %swap3A_839 = arith.index_cast %add3A_820 : i32 to index
          %swap3A_840 = arith.constant 32 : index
          %swap3A_841 = tpu.vector_load %arg16[%swap3A_839, %swap3A_840] {strides = array<i32>} : memref<256x48xf32, #tpu.memory_space<vmem>>, vector<16xf32>,
          tpu.vector_store %arg16[%swap3A_839, %swap3A_840], %mul3A_838 {strides = array<i32>} : memref<256x48xf32, #tpu.memory_space<vmem>>, vector<16xf32>,
          %broadcast_in_dim3A_842 = arith.constant 7 : i32
          %broadcast_in_dim3A_843 = vector.broadcast %broadcast_in_dim3A_842 : i32 to vector<16xi32>
          %lt3A_844 = arith.constant 0 : i32
          %lt3A_845 = vector.broadcast %lt3A_844 : i32 to vector<16xi32>
          %lt3A_846 = arith.cmpi slt, %broadcast_in_dim3A_843, %lt3A_845 : vector<16xi32>
          %add3A_847 = arith.constant 16 : i32
          %add3A_848 = vector.broadcast %add3A_847 : i32 to vector<16xi32>
          %add3A_849 = arith.addi %broadcast_in_dim3A_843, %add3A_848 : vector<16xi32>
          %select_n3A_850 = arith.select %lt3A_846, %add3A_849, %broadcast_in_dim3A_843 : vector<16xi1>, vector<16xi32>
          %broadcast_in_dim3A_851 = vector.shape_cast %select_n3A_850 : vector<16xi32> to vector<16x1xi32>
          %gather3A_852 = vector.shape_cast %broadcast_in_dim3A_851 : vector<16x1xi32> to vector<16xi32>
          %gather3A_853 = tpu.dynamic_gather %get3A_584[%gather3A_852] in [0] : vector<16xf32>, vector<16xi32> -> vector<16xf32>
          %mul3A_854 = arith.constant 16 : i32
          %mul3A_855 = arith.muli %scan3A_577, %mul3A_854 : i32
          %add3A_856 = arith.constant 7 : i32
          %add3A_857 = arith.addi %mul3A_855, %add3A_856 : i32
          %get3A_858 = arith.index_cast %add3A_857 : i32 to index
          %get3A_859 = arith.constant 0 : index
          %get3A_860 = tpu.vector_load %arg16[%get3A_858, %get3A_859] {strides = array<i32>} : memref<256x48xf32, #tpu.memory_space<vmem>>, vector<16xf32>,
          %mul3A_861 = arith.mulf %get3A_860, %gather3A_853 : vector<16xf32>
          %swap3A_862 = arith.index_cast %add3A_857 : i32 to index
          %swap3A_863 = arith.constant 0 : index
          %swap3A_864 = tpu.vector_load %arg16[%swap3A_862, %swap3A_863] {strides = array<i32>} : memref<256x48xf32, #tpu.memory_space<vmem>>, vector<16xf32>,
          tpu.vector_store %arg16[%swap3A_862, %swap3A_863], %mul3A_861 {strides = array<i32>} : memref<256x48xf32, #tpu.memory_space<vmem>>, vector<16xf32>,
          %get3A_865 = arith.index_cast %add3A_857 : i32 to index
          %get3A_866 = arith.constant 16 : index
          %get3A_867 = tpu.vector_load %arg16[%get3A_865, %get3A_866] {strides = array<i32>} : memref<256x48xf32, #tpu.memory_space<vmem>>, vector<16xf32>,
          %mul3A_868 = arith.mulf %get3A_867, %gather3A_853 : vector<16xf32>
          %swap3A_869 = arith.index_cast %add3A_857 : i32 to index
          %swap3A_870 = arith.constant 16 : index
          %swap3A_871 = tpu.vector_load %arg16[%swap3A_869, %swap3A_870] {strides = array<i32>} : memref<256x48xf32, #tpu.memory_space<vmem>>, vector<16xf32>,
          tpu.vector_store %arg16[%swap3A_869, %swap3A_870], %mul3A_868 {strides = array<i32>} : memref<256x48xf32, #tpu.memory_space<vmem>>, vector<16xf32>,
          %get3A_872 = arith.index_cast %add3A_857 : i32 to index
          %get3A_873 = arith.constant 32 : index
          %get3A_874 = tpu.vector_load %arg16[%get3A_872, %get3A_873] {strides = array<i32>} : memref<256x48xf32, #tpu.memory_space<vmem>>, vector<16xf32>,
          %mul3A_875 = arith.mulf %get3A_874, %gather3A_853 : vector<16xf32>
          %swap3A_876 = arith.index_cast %add3A_857 : i32 to index
          %swap3A_877 = arith.constant 32 : index
          %swap3A_878 = tpu.vector_load %arg16[%swap3A_876, %swap3A_877] {strides = array<i32>} : memref<256x48xf32, #tpu.memory_space<vmem>>, vector<16xf32>,
          tpu.vector_store %arg16[%swap3A_876, %swap3A_877], %mul3A_875 {strides = array<i32>} : memref<256x48xf32, #tpu.memory_space<vmem>>, vector<16xf32>,
          %broadcast_in_dim3A_879 = arith.constant 8 : i32
          %broadcast_in_dim3A_880 = vector.broadcast %broadcast_in_dim3A_879 : i32 to vector<16xi32>
          %lt3A_881 = arith.constant 0 : i32
          %lt3A_882 = vector.broadcast %lt3A_881 : i32 to vector<16xi32>
          %lt3A_883 = arith.cmpi slt, %broadcast_in_dim3A_880, %lt3A_882 : vector<16xi32>
          %add3A_884 = arith.constant 16 : i32
          %add3A_885 = vector.broadcast %add3A_884 : i32 to vector<16xi32>
          %add3A_886 = arith.addi %broadcast_in_dim3A_880, %add3A_885 : vector<16xi32>
          %select_n3A_887 = arith.select %lt3A_883, %add3A_886, %broadcast_in_dim3A_880 : vector<16xi1>, vector<16xi32>
          %broadcast_in_dim3A_888 = vector.shape_cast %select_n3A_887 : vector<16xi32> to vector<16x1xi32>
          %gather3A_889 = vector.shape_cast %broadcast_in_dim3A_888 : vector<16x1xi32> to vector<16xi32>
          %gather3A_890 = tpu.dynamic_gather %get3A_584[%gather3A_889] in [0] : vector<16xf32>, vector<16xi32> -> vector<16xf32>
          %mul3A_891 = arith.constant 16 : i32
          %mul3A_892 = arith.muli %scan3A_577, %mul3A_891 : i32
          %add3A_893 = arith.constant 8 : i32
          %add3A_894 = arith.addi %mul3A_892, %add3A_893 : i32
          %get3A_895 = arith.index_cast %add3A_894 : i32 to index
          %get3A_896 = arith.constant 0 : index
          %get3A_897 = tpu.vector_load %arg16[%get3A_895, %get3A_896] {strides = array<i32>} : memref<256x48xf32, #tpu.memory_space<vmem>>, vector<16xf32>,
          %mul3A_898 = arith.mulf %get3A_897, %gather3A_890 : vector<16xf32>
          %swap3A_899 = arith.index_cast %add3A_894 : i32 to index
          %swap3A_900 = arith.constant 0 : index
          %swap3A_901 = tpu.vector_load %arg16[%swap3A_899, %swap3A_900] {strides = array<i32>} : memref<256x48xf32, #tpu.memory_space<vmem>>, vector<16xf32>,
          tpu.vector_store %arg16[%swap3A_899, %swap3A_900], %mul3A_898 {strides = array<i32>} : memref<256x48xf32, #tpu.memory_space<vmem>>, vector<16xf32>,
          %get3A_902 = arith.index_cast %add3A_894 : i32 to index
          %get3A_903 = arith.constant 16 : index
          %get3A_904 = tpu.vector_load %arg16[%get3A_902, %get3A_903] {strides = array<i32>} : memref<256x48xf32, #tpu.memory_space<vmem>>, vector<16xf32>,
          %mul3A_905 = arith.mulf %get3A_904, %gather3A_890 : vector<16xf32>
          %swap3A_906 = arith.index_cast %add3A_894 : i32 to index
          %swap3A_907 = arith.constant 16 : index
          %swap3A_908 = tpu.vector_load %arg16[%swap3A_906, %swap3A_907] {strides = array<i32>} : memref<256x48xf32, #tpu.memory_space<vmem>>, vector<16xf32>,
          tpu.vector_store %arg16[%swap3A_906, %swap3A_907], %mul3A_905 {strides = array<i32>} : memref<256x48xf32, #tpu.memory_space<vmem>>, vector<16xf32>,
          %get3A_909 = arith.index_cast %add3A_894 : i32 to index
          %get3A_910 = arith.constant 32 : index
          %get3A_911 = tpu.vector_load %arg16[%get3A_909, %get3A_910] {strides = array<i32>} : memref<256x48xf32, #tpu.memory_space<vmem>>, vector<16xf32>,
          %mul3A_912 = arith.mulf %get3A_911, %gather3A_890 : vector<16xf32>
          %swap3A_913 = arith.index_cast %add3A_894 : i32 to index
          %swap3A_914 = arith.constant 32 : index
          %swap3A_915 = tpu.vector_load %arg16[%swap3A_913, %swap3A_914] {strides = array<i32>} : memref<256x48xf32, #tpu.memory_space<vmem>>, vector<16xf32>,
          tpu.vector_store %arg16[%swap3A_913, %swap3A_914], %mul3A_912 {strides = array<i32>} : memref<256x48xf32, #tpu.memory_space<vmem>>, vector<16xf32>,
          %broadcast_in_dim3A_916 = arith.constant 9 : i32
          %broadcast_in_dim3A_917 = vector.broadcast %broadcast_in_dim3A_916 : i32 to vector<16xi32>
          %lt3A_918 = arith.constant 0 : i32
          %lt3A_919 = vector.broadcast %lt3A_918 : i32 to vector<16xi32>
          %lt3A_920 = arith.cmpi slt, %broadcast_in_dim3A_917, %lt3A_919 : vector<16xi32>
          %add3A_921 = arith.constant 16 : i32
          %add3A_922 = vector.broadcast %add3A_921 : i32 to vector<16xi32>
          %add3A_923 = arith.addi %broadcast_in_dim3A_917, %add3A_922 : vector<16xi32>
          %select_n3A_924 = arith.select %lt3A_920, %add3A_923, %broadcast_in_dim3A_917 : vector<16xi1>, vector<16xi32>
          %broadcast_in_dim3A_925 = vector.shape_cast %select_n3A_924 : vector<16xi32> to vector<16x1xi32>
          %gather3A_926 = vector.shape_cast %broadcast_in_dim3A_925 : vector<16x1xi32> to vector<16xi32>
          %gather3A_927 = tpu.dynamic_gather %get3A_584[%gather3A_926] in [0] : vector<16xf32>, vector<16xi32> -> vector<16xf32>
          %mul3A_928 = arith.constant 16 : i32
          %mul3A_929 = arith.muli %scan3A_577, %mul3A_928 : i32
          %add3A_930 = arith.constant 9 : i32
          %add3A_931 = arith.addi %mul3A_929, %add3A_930 : i32
          %get3A_932 = arith.index_cast %add3A_931 : i32 to index
          %get3A_933 = arith.constant 0 : index
          %get3A_934 = tpu.vector_load %arg16[%get3A_932, %get3A_933] {strides = array<i32>} : memref<256x48xf32, #tpu.memory_space<vmem>>, vector<16xf32>,
          %mul3A_935 = arith.mulf %get3A_934, %gather3A_927 : vector<16xf32>
          %swap3A_936 = arith.index_cast %add3A_931 : i32 to index
          %swap3A_937 = arith.constant 0 : index
          %swap3A_938 = tpu.vector_load %arg16[%swap3A_936, %swap3A_937] {strides = array<i32>} : memref<256x48xf32, #tpu.memory_space<vmem>>, vector<16xf32>,
          tpu.vector_store %arg16[%swap3A_936, %swap3A_937], %mul3A_935 {strides = array<i32>} : memref<256x48xf32, #tpu.memory_space<vmem>>, vector<16xf32>,
          %get3A_939 = arith.index_cast %add3A_931 : i32 to index
          %get3A_940 = arith.constant 16 : index
          %get3A_941 = tpu.vector_load %arg16[%get3A_939, %get3A_940] {strides = array<i32>} : memref<256x48xf32, #tpu.memory_space<vmem>>, vector<16xf32>,
          %mul3A_942 = arith.mulf %get3A_941, %gather3A_927 : vector<16xf32>
          %swap3A_943 = arith.index_cast %add3A_931 : i32 to index
          %swap3A_944 = arith.constant 16 : index
          %swap3A_945 = tpu.vector_load %arg16[%swap3A_943, %swap3A_944] {strides = array<i32>} : memref<256x48xf32, #tpu.memory_space<vmem>>, vector<16xf32>,
          tpu.vector_store %arg16[%swap3A_943, %swap3A_944], %mul3A_942 {strides = array<i32>} : memref<256x48xf32, #tpu.memory_space<vmem>>, vector<16xf32>,
          %get3A_946 = arith.index_cast %add3A_931 : i32 to index
          %get3A_947 = arith.constant 32 : index
          %get3A_948 = tpu.vector_load %arg16[%get3A_946, %get3A_947] {strides = array<i32>} : memref<256x48xf32, #tpu.memory_space<vmem>>, vector<16xf32>,
          %mul3A_949 = arith.mulf %get3A_948, %gather3A_927 : vector<16xf32>
          %swap3A_950 = arith.index_cast %add3A_931 : i32 to index
          %swap3A_951 = arith.constant 32 : index
          %swap3A_952 = tpu.vector_load %arg16[%swap3A_950, %swap3A_951] {strides = array<i32>} : memref<256x48xf32, #tpu.memory_space<vmem>>, vector<16xf32>,
          tpu.vector_store %arg16[%swap3A_950, %swap3A_951], %mul3A_949 {strides = array<i32>} : memref<256x48xf32, #tpu.memory_space<vmem>>, vector<16xf32>,
          %broadcast_in_dim3A_953 = arith.constant 10 : i32
          %broadcast_in_dim3A_954 = vector.broadcast %broadcast_in_dim3A_953 : i32 to vector<16xi32>
          %lt3A_955 = arith.constant 0 : i32
          %lt3A_956 = vector.broadcast %lt3A_955 : i32 to vector<16xi32>
          %lt3A_957 = arith.cmpi slt, %broadcast_in_dim3A_954, %lt3A_956 : vector<16xi32>
          %add3A_958 = arith.constant 16 : i32
          %add3A_959 = vector.broadcast %add3A_958 : i32 to vector<16xi32>
          %add3A_960 = arith.addi %broadcast_in_dim3A_954, %add3A_959 : vector<16xi32>
          %select_n3A_961 = arith.select %lt3A_957, %add3A_960, %broadcast_in_dim3A_954 : vector<16xi1>, vector<16xi32>
          %broadcast_in_dim3A_962 = vector.shape_cast %select_n3A_961 : vector<16xi32> to vector<16x1xi32>
          %gather3A_963 = vector.shape_cast %broadcast_in_dim3A_962 : vector<16x1xi32> to vector<16xi32>
          %gather3A_964 = tpu.dynamic_gather %get3A_584[%gather3A_963] in [0] : vector<16xf32>, vector<16xi32> -> vector<16xf32>
          %mul3A_965 = arith.constant 16 : i32
          %mul3A_966 = arith.muli %scan3A_577, %mul3A_965 : i32
          %add3A_967 = arith.constant 10 : i32
          %add3A_968 = arith.addi %mul3A_966, %add3A_967 : i32
          %get3A_969 = arith.index_cast %add3A_968 : i32 to index
          %get3A_970 = arith.constant 0 : index
          %get3A_971 = tpu.vector_load %arg16[%get3A_969, %get3A_970] {strides = array<i32>} : memref<256x48xf32, #tpu.memory_space<vmem>>, vector<16xf32>,
          %mul3A_972 = arith.mulf %get3A_971, %gather3A_964 : vector<16xf32>
          %swap3A_973 = arith.index_cast %add3A_968 : i32 to index
          %swap3A_974 = arith.constant 0 : index
          %swap3A_975 = tpu.vector_load %arg16[%swap3A_973, %swap3A_974] {strides = array<i32>} : memref<256x48xf32, #tpu.memory_space<vmem>>, vector<16xf32>,
          tpu.vector_store %arg16[%swap3A_973, %swap3A_974], %mul3A_972 {strides = array<i32>} : memref<256x48xf32, #tpu.memory_space<vmem>>, vector<16xf32>,
          %get3A_976 = arith.index_cast %add3A_968 : i32 to index
          %get3A_977 = arith.constant 16 : index
          %get3A_978 = tpu.vector_load %arg16[%get3A_976, %get3A_977] {strides = array<i32>} : memref<256x48xf32, #tpu.memory_space<vmem>>, vector<16xf32>,
          %mul3A_979 = arith.mulf %get3A_978, %gather3A_964 : vector<16xf32>
          %swap3A_980 = arith.index_cast %add3A_968 : i32 to index
          %swap3A_981 = arith.constant 16 : index
          %swap3A_982 = tpu.vector_load %arg16[%swap3A_980, %swap3A_981] {strides = array<i32>} : memref<256x48xf32, #tpu.memory_space<vmem>>, vector<16xf32>,
          tpu.vector_store %arg16[%swap3A_980, %swap3A_981], %mul3A_979 {strides = array<i32>} : memref<256x48xf32, #tpu.memory_space<vmem>>, vector<16xf32>,
          %get3A_983 = arith.index_cast %add3A_968 : i32 to index
          %get3A_984 = arith.constant 32 : index
          %get3A_985 = tpu.vector_load %arg16[%get3A_983, %get3A_984] {strides = array<i32>} : memref<256x48xf32, #tpu.memory_space<vmem>>, vector<16xf32>,
          %mul3A_986 = arith.mulf %get3A_985, %gather3A_964 : vector<16xf32>
          %swap3A_987 = arith.index_cast %add3A_968 : i32 to index
          %swap3A_988 = arith.constant 32 : index
          %swap3A_989 = tpu.vector_load %arg16[%swap3A_987, %swap3A_988] {strides = array<i32>} : memref<256x48xf32, #tpu.memory_space<vmem>>, vector<16xf32>,
          tpu.vector_store %arg16[%swap3A_987, %swap3A_988], %mul3A_986 {strides = array<i32>} : memref<256x48xf32, #tpu.memory_space<vmem>>, vector<16xf32>,
          %broadcast_in_dim3A_990 = arith.constant 11 : i32
          %broadcast_in_dim3A_991 = vector.broadcast %broadcast_in_dim3A_990 : i32 to vector<16xi32>
          %lt3A_992 = arith.constant 0 : i32
          %lt3A_993 = vector.broadcast %lt3A_992 : i32 to vector<16xi32>
          %lt3A_994 = arith.cmpi slt, %broadcast_in_dim3A_991, %lt3A_993 : vector<16xi32>
          %add3A_995 = arith.constant 16 : i32
          %add3A_996 = vector.broadcast %add3A_995 : i32 to vector<16xi32>
          %add3A_997 = arith.addi %broadcast_in_dim3A_991, %add3A_996 : vector<16xi32>
          %select_n3A_998 = arith.select %lt3A_994, %add3A_997, %broadcast_in_dim3A_991 : vector<16xi1>, vector<16xi32>
          %broadcast_in_dim3A_999 = vector.shape_cast %select_n3A_998 : vector<16xi32> to vector<16x1xi32>
          %gather3A_1000 = vector.shape_cast %broadcast_in_dim3A_999 : vector<16x1xi32> to vector<16xi32>
          %gather3A_1001 = tpu.dynamic_gather %get3A_584[%gather3A_1000] in [0] : vector<16xf32>, vector<16xi32> -> vector<16xf32>
          %mul3A_1002 = arith.constant 16 : i32
          %mul3A_1003 = arith.muli %scan3A_577, %mul3A_1002 : i32
          %add3A_1004 = arith.constant 11 : i32
          %add3A_1005 = arith.addi %mul3A_1003, %add3A_1004 : i32
          %get3A_1006 = arith.index_cast %add3A_1005 : i32 to index
          %get3A_1007 = arith.constant 0 : index
          %get3A_1008 = tpu.vector_load %arg16[%get3A_1006, %get3A_1007] {strides = array<i32>} : memref<256x48xf32, #tpu.memory_space<vmem>>, vector<16xf32>,
          %mul3A_1009 = arith.mulf %get3A_1008, %gather3A_1001 : vector<16xf32>
          %swap3A_1010 = arith.index_cast %add3A_1005 : i32 to index
          %swap3A_1011 = arith.constant 0 : index
          %swap3A_1012 = tpu.vector_load %arg16[%swap3A_1010, %swap3A_1011] {strides = array<i32>} : memref<256x48xf32, #tpu.memory_space<vmem>>, vector<16xf32>,
          tpu.vector_store %arg16[%swap3A_1010, %swap3A_1011], %mul3A_1009 {strides = array<i32>} : memref<256x48xf32, #tpu.memory_space<vmem>>, vector<16xf32>,
          %get3A_1013 = arith.index_cast %add3A_1005 : i32 to index
          %get3A_1014 = arith.constant 16 : index
          %get3A_1015 = tpu.vector_load %arg16[%get3A_1013, %get3A_1014] {strides = array<i32>} : memref<256x48xf32, #tpu.memory_space<vmem>>, vector<16xf32>,
          %mul3A_1016 = arith.mulf %get3A_1015, %gather3A_1001 : vector<16xf32>
          %swap3A_1017 = arith.index_cast %add3A_1005 : i32 to index
          %swap3A_1018 = arith.constant 16 : index
          %swap3A_1019 = tpu.vector_load %arg16[%swap3A_1017, %swap3A_1018] {strides = array<i32>} : memref<256x48xf32, #tpu.memory_space<vmem>>, vector<16xf32>,
          tpu.vector_store %arg16[%swap3A_1017, %swap3A_1018], %mul3A_1016 {strides = array<i32>} : memref<256x48xf32, #tpu.memory_space<vmem>>, vector<16xf32>,
          %get3A_1020 = arith.index_cast %add3A_1005 : i32 to index
          %get3A_1021 = arith.constant 32 : index
          %get3A_1022 = tpu.vector_load %arg16[%get3A_1020, %get3A_1021] {strides = array<i32>} : memref<256x48xf32, #tpu.memory_space<vmem>>, vector<16xf32>,
          %mul3A_1023 = arith.mulf %get3A_1022, %gather3A_1001 : vector<16xf32>
          %swap3A_1024 = arith.index_cast %add3A_1005 : i32 to index
          %swap3A_1025 = arith.constant 32 : index
          %swap3A_1026 = tpu.vector_load %arg16[%swap3A_1024, %swap3A_1025] {strides = array<i32>} : memref<256x48xf32, #tpu.memory_space<vmem>>, vector<16xf32>,
          tpu.vector_store %arg16[%swap3A_1024, %swap3A_1025], %mul3A_1023 {strides = array<i32>} : memref<256x48xf32, #tpu.memory_space<vmem>>, vector<16xf32>,
          %broadcast_in_dim3A_1027 = arith.constant 12 : i32
          %broadcast_in_dim3A_1028 = vector.broadcast %broadcast_in_dim3A_1027 : i32 to vector<16xi32>
          %lt3A_1029 = arith.constant 0 : i32
          %lt3A_1030 = vector.broadcast %lt3A_1029 : i32 to vector<16xi32>
          %lt3A_1031 = arith.cmpi slt, %broadcast_in_dim3A_1028, %lt3A_1030 : vector<16xi32>
          %add3A_1032 = arith.constant 16 : i32
          %add3A_1033 = vector.broadcast %add3A_1032 : i32 to vector<16xi32>
          %add3A_1034 = arith.addi %broadcast_in_dim3A_1028, %add3A_1033 : vector<16xi32>
          %select_n3A_1035 = arith.select %lt3A_1031, %add3A_1034, %broadcast_in_dim3A_1028 : vector<16xi1>, vector<16xi32>
          %broadcast_in_dim3A_1036 = vector.shape_cast %select_n3A_1035 : vector<16xi32> to vector<16x1xi32>
          %gather3A_1037 = vector.shape_cast %broadcast_in_dim3A_1036 : vector<16x1xi32> to vector<16xi32>
          %gather3A_1038 = tpu.dynamic_gather %get3A_584[%gather3A_1037] in [0] : vector<16xf32>, vector<16xi32> -> vector<16xf32>
          %mul3A_1039 = arith.constant 16 : i32
          %mul3A_1040 = arith.muli %scan3A_577, %mul3A_1039 : i32
          %add3A_1041 = arith.constant 12 : i32
          %add3A_1042 = arith.addi %mul3A_1040, %add3A_1041 : i32
          %get3A_1043 = arith.index_cast %add3A_1042 : i32 to index
          %get3A_1044 = arith.constant 0 : index
          %get3A_1045 = tpu.vector_load %arg16[%get3A_1043, %get3A_1044] {strides = array<i32>} : memref<256x48xf32, #tpu.memory_space<vmem>>, vector<16xf32>,
          %mul3A_1046 = arith.mulf %get3A_1045, %gather3A_1038 : vector<16xf32>
          %swap3A_1047 = arith.index_cast %add3A_1042 : i32 to index
          %swap3A_1048 = arith.constant 0 : index
          %swap3A_1049 = tpu.vector_load %arg16[%swap3A_1047, %swap3A_1048] {strides = array<i32>} : memref<256x48xf32, #tpu.memory_space<vmem>>, vector<16xf32>,
          tpu.vector_store %arg16[%swap3A_1047, %swap3A_1048], %mul3A_1046 {strides = array<i32>} : memref<256x48xf32, #tpu.memory_space<vmem>>, vector<16xf32>,
          %get3A_1050 = arith.index_cast %add3A_1042 : i32 to index
          %get3A_1051 = arith.constant 16 : index
          %get3A_1052 = tpu.vector_load %arg16[%get3A_1050, %get3A_1051] {strides = array<i32>} : memref<256x48xf32, #tpu.memory_space<vmem>>, vector<16xf32>,
          %mul3A_1053 = arith.mulf %get3A_1052, %gather3A_1038 : vector<16xf32>
          %swap3A_1054 = arith.index_cast %add3A_1042 : i32 to index
          %swap3A_1055 = arith.constant 16 : index
          %swap3A_1056 = tpu.vector_load %arg16[%swap3A_1054, %swap3A_1055] {strides = array<i32>} : memref<256x48xf32, #tpu.memory_space<vmem>>, vector<16xf32>,
          tpu.vector_store %arg16[%swap3A_1054, %swap3A_1055], %mul3A_1053 {strides = array<i32>} : memref<256x48xf32, #tpu.memory_space<vmem>>, vector<16xf32>,
          %get3A_1057 = arith.index_cast %add3A_1042 : i32 to index
          %get3A_1058 = arith.constant 32 : index
          %get3A_1059 = tpu.vector_load %arg16[%get3A_1057, %get3A_1058] {strides = array<i32>} : memref<256x48xf32, #tpu.memory_space<vmem>>, vector<16xf32>,
          %mul3A_1060 = arith.mulf %get3A_1059, %gather3A_1038 : vector<16xf32>
          %swap3A_1061 = arith.index_cast %add3A_1042 : i32 to index
          %swap3A_1062 = arith.constant 32 : index
          %swap3A_1063 = tpu.vector_load %arg16[%swap3A_1061, %swap3A_1062] {strides = array<i32>} : memref<256x48xf32, #tpu.memory_space<vmem>>, vector<16xf32>,
          tpu.vector_store %arg16[%swap3A_1061, %swap3A_1062], %mul3A_1060 {strides = array<i32>} : memref<256x48xf32, #tpu.memory_space<vmem>>, vector<16xf32>,
          %broadcast_in_dim3A_1064 = arith.constant 13 : i32
          %broadcast_in_dim3A_1065 = vector.broadcast %broadcast_in_dim3A_1064 : i32 to vector<16xi32>
          %lt3A_1066 = arith.constant 0 : i32
          %lt3A_1067 = vector.broadcast %lt3A_1066 : i32 to vector<16xi32>
          %lt3A_1068 = arith.cmpi slt, %broadcast_in_dim3A_1065, %lt3A_1067 : vector<16xi32>
          %add3A_1069 = arith.constant 16 : i32
          %add3A_1070 = vector.broadcast %add3A_1069 : i32 to vector<16xi32>
          %add3A_1071 = arith.addi %broadcast_in_dim3A_1065, %add3A_1070 : vector<16xi32>
          %select_n3A_1072 = arith.select %lt3A_1068, %add3A_1071, %broadcast_in_dim3A_1065 : vector<16xi1>, vector<16xi32>
          %broadcast_in_dim3A_1073 = vector.shape_cast %select_n3A_1072 : vector<16xi32> to vector<16x1xi32>
          %gather3A_1074 = vector.shape_cast %broadcast_in_dim3A_1073 : vector<16x1xi32> to vector<16xi32>
          %gather3A_1075 = tpu.dynamic_gather %get3A_584[%gather3A_1074] in [0] : vector<16xf32>, vector<16xi32> -> vector<16xf32>
          %mul3A_1076 = arith.constant 16 : i32
          %mul3A_1077 = arith.muli %scan3A_577, %mul3A_1076 : i32
          %add3A_1078 = arith.constant 13 : i32
          %add3A_1079 = arith.addi %mul3A_1077, %add3A_1078 : i32
          %get3A_1080 = arith.index_cast %add3A_1079 : i32 to index
          %get3A_1081 = arith.constant 0 : index
          %get3A_1082 = tpu.vector_load %arg16[%get3A_1080, %get3A_1081] {strides = array<i32>} : memref<256x48xf32, #tpu.memory_space<vmem>>, vector<16xf32>,
          %mul3A_1083 = arith.mulf %get3A_1082, %gather3A_1075 : vector<16xf32>
          %swap3A_1084 = arith.index_cast %add3A_1079 : i32 to index
          %swap3A_1085 = arith.constant 0 : index
          %swap3A_1086 = tpu.vector_load %arg16[%swap3A_1084, %swap3A_1085] {strides = array<i32>} : memref<256x48xf32, #tpu.memory_space<vmem>>, vector<16xf32>,
          tpu.vector_store %arg16[%swap3A_1084, %swap3A_1085], %mul3A_1083 {strides = array<i32>} : memref<256x48xf32, #tpu.memory_space<vmem>>, vector<16xf32>,
          %get3A_1087 = arith.index_cast %add3A_1079 : i32 to index
          %get3A_1088 = arith.constant 16 : index
          %get3A_1089 = tpu.vector_load %arg16[%get3A_1087, %get3A_1088] {strides = array<i32>} : memref<256x48xf32, #tpu.memory_space<vmem>>, vector<16xf32>,
          %mul3A_1090 = arith.mulf %get3A_1089, %gather3A_1075 : vector<16xf32>
          %swap3A_1091 = arith.index_cast %add3A_1079 : i32 to index
          %swap3A_1092 = arith.constant 16 : index
          %swap3A_1093 = tpu.vector_load %arg16[%swap3A_1091, %swap3A_1092] {strides = array<i32>} : memref<256x48xf32, #tpu.memory_space<vmem>>, vector<16xf32>,
          tpu.vector_store %arg16[%swap3A_1091, %swap3A_1092], %mul3A_1090 {strides = array<i32>} : memref<256x48xf32, #tpu.memory_space<vmem>>, vector<16xf32>,
          %get3A_1094 = arith.index_cast %add3A_1079 : i32 to index
          %get3A_1095 = arith.constant 32 : index
          %get3A_1096 = tpu.vector_load %arg16[%get3A_1094, %get3A_1095] {strides = array<i32>} : memref<256x48xf32, #tpu.memory_space<vmem>>, vector<16xf32>,
          %mul3A_1097 = arith.mulf %get3A_1096, %gather3A_1075 : vector<16xf32>
          %swap3A_1098 = arith.index_cast %add3A_1079 : i32 to index
          %swap3A_1099 = arith.constant 32 : index
          %swap3A_1100 = tpu.vector_load %arg16[%swap3A_1098, %swap3A_1099] {strides = array<i32>} : memref<256x48xf32, #tpu.memory_space<vmem>>, vector<16xf32>,
          tpu.vector_store %arg16[%swap3A_1098, %swap3A_1099], %mul3A_1097 {strides = array<i32>} : memref<256x48xf32, #tpu.memory_space<vmem>>, vector<16xf32>,
          %broadcast_in_dim3A_1101 = arith.constant 14 : i32
          %broadcast_in_dim3A_1102 = vector.broadcast %broadcast_in_dim3A_1101 : i32 to vector<16xi32>
          %lt3A_1103 = arith.constant 0 : i32
          %lt3A_1104 = vector.broadcast %lt3A_1103 : i32 to vector<16xi32>
          %lt3A_1105 = arith.cmpi slt, %broadcast_in_dim3A_1102, %lt3A_1104 : vector<16xi32>
          %add3A_1106 = arith.constant 16 : i32
          %add3A_1107 = vector.broadcast %add3A_1106 : i32 to vector<16xi32>
          %add3A_1108 = arith.addi %broadcast_in_dim3A_1102, %add3A_1107 : vector<16xi32>
          %select_n3A_1109 = arith.select %lt3A_1105, %add3A_1108, %broadcast_in_dim3A_1102 : vector<16xi1>, vector<16xi32>
          %broadcast_in_dim3A_1110 = vector.shape_cast %select_n3A_1109 : vector<16xi32> to vector<16x1xi32>
          %gather3A_1111 = vector.shape_cast %broadcast_in_dim3A_1110 : vector<16x1xi32> to vector<16xi32>
          %gather3A_1112 = tpu.dynamic_gather %get3A_584[%gather3A_1111] in [0] : vector<16xf32>, vector<16xi32> -> vector<16xf32>
          %mul3A_1113 = arith.constant 16 : i32
          %mul3A_1114 = arith.muli %scan3A_577, %mul3A_1113 : i32
          %add3A_1115 = arith.constant 14 : i32
          %add3A_1116 = arith.addi %mul3A_1114, %add3A_1115 : i32
          %get3A_1117 = arith.index_cast %add3A_1116 : i32 to index
          %get3A_1118 = arith.constant 0 : index
          %get3A_1119 = tpu.vector_load %arg16[%get3A_1117, %get3A_1118] {strides = array<i32>} : memref<256x48xf32, #tpu.memory_space<vmem>>, vector<16xf32>,
          %mul3A_1120 = arith.mulf %get3A_1119, %gather3A_1112 : vector<16xf32>
          %swap3A_1121 = arith.index_cast %add3A_1116 : i32 to index
          %swap3A_1122 = arith.constant 0 : index
          %swap3A_1123 = tpu.vector_load %arg16[%swap3A_1121, %swap3A_1122] {strides = array<i32>} : memref<256x48xf32, #tpu.memory_space<vmem>>, vector<16xf32>,
          tpu.vector_store %arg16[%swap3A_1121, %swap3A_1122], %mul3A_1120 {strides = array<i32>} : memref<256x48xf32, #tpu.memory_space<vmem>>, vector<16xf32>,
          %get3A_1124 = arith.index_cast %add3A_1116 : i32 to index
          %get3A_1125 = arith.constant 16 : index
          %get3A_1126 = tpu.vector_load %arg16[%get3A_1124, %get3A_1125] {strides = array<i32>} : memref<256x48xf32, #tpu.memory_space<vmem>>, vector<16xf32>,
          %mul3A_1127 = arith.mulf %get3A_1126, %gather3A_1112 : vector<16xf32>
          %swap3A_1128 = arith.index_cast %add3A_1116 : i32 to index
          %swap3A_1129 = arith.constant 16 : index
          %swap3A_1130 = tpu.vector_load %arg16[%swap3A_1128, %swap3A_1129] {strides = array<i32>} : memref<256x48xf32, #tpu.memory_space<vmem>>, vector<16xf32>,
          tpu.vector_store %arg16[%swap3A_1128, %swap3A_1129], %mul3A_1127 {strides = array<i32>} : memref<256x48xf32, #tpu.memory_space<vmem>>, vector<16xf32>,
          %get3A_1131 = arith.index_cast %add3A_1116 : i32 to index
          %get3A_1132 = arith.constant 32 : index
          %get3A_1133 = tpu.vector_load %arg16[%get3A_1131, %get3A_1132] {strides = array<i32>} : memref<256x48xf32, #tpu.memory_space<vmem>>, vector<16xf32>,
          %mul3A_1134 = arith.mulf %get3A_1133, %gather3A_1112 : vector<16xf32>
          %swap3A_1135 = arith.index_cast %add3A_1116 : i32 to index
          %swap3A_1136 = arith.constant 32 : index
          %swap3A_1137 = tpu.vector_load %arg16[%swap3A_1135, %swap3A_1136] {strides = array<i32>} : memref<256x48xf32, #tpu.memory_space<vmem>>, vector<16xf32>,
          tpu.vector_store %arg16[%swap3A_1135, %swap3A_1136], %mul3A_1134 {strides = array<i32>} : memref<256x48xf32, #tpu.memory_space<vmem>>, vector<16xf32>,
          %broadcast_in_dim3A_1138 = arith.constant 15 : i32
          %broadcast_in_dim3A_1139 = vector.broadcast %broadcast_in_dim3A_1138 : i32 to vector<16xi32>
          %lt3A_1140 = arith.constant 0 : i32
          %lt3A_1141 = vector.broadcast %lt3A_1140 : i32 to vector<16xi32>
          %lt3A_1142 = arith.cmpi slt, %broadcast_in_dim3A_1139, %lt3A_1141 : vector<16xi32>
          %add3A_1143 = arith.constant 16 : i32
          %add3A_1144 = vector.broadcast %add3A_1143 : i32 to vector<16xi32>
          %add3A_1145 = arith.addi %broadcast_in_dim3A_1139, %add3A_1144 : vector<16xi32>
          %select_n3A_1146 = arith.select %lt3A_1142, %add3A_1145, %broadcast_in_dim3A_1139 : vector<16xi1>, vector<16xi32>
          %broadcast_in_dim3A_1147 = vector.shape_cast %select_n3A_1146 : vector<16xi32> to vector<16x1xi32>
          %gather3A_1148 = vector.shape_cast %broadcast_in_dim3A_1147 : vector<16x1xi32> to vector<16xi32>
          %gather3A_1149 = tpu.dynamic_gather %get3A_584[%gather3A_1148] in [0] : vector<16xf32>, vector<16xi32> -> vector<16xf32>
          %mul3A_1150 = arith.constant 16 : i32
          %mul3A_1151 = arith.muli %scan3A_577, %mul3A_1150 : i32
          %add3A_1152 = arith.constant 15 : i32
          %add3A_1153 = arith.addi %mul3A_1151, %add3A_1152 : i32
          %get3A_1154 = arith.index_cast %add3A_1153 : i32 to index
          %get3A_1155 = arith.constant 0 : index
          %get3A_1156 = tpu.vector_load %arg16[%get3A_1154, %get3A_1155] {strides = array<i32>} : memref<256x48xf32, #tpu.memory_space<vmem>>, vector<16xf32>,
          %mul3A_1157 = arith.mulf %get3A_1156, %gather3A_1149 : vector<16xf32>
          %swap3A_1158 = arith.index_cast %add3A_1153 : i32 to index
          %swap3A_1159 = arith.constant 0 : index
          %swap3A_1160 = tpu.vector_load %arg16[%swap3A_1158, %swap3A_1159] {strides = array<i32>} : memref<256x48xf32, #tpu.memory_space<vmem>>, vector<16xf32>,
          tpu.vector_store %arg16[%swap3A_1158, %swap3A_1159], %mul3A_1157 {strides = array<i32>} : memref<256x48xf32, #tpu.memory_space<vmem>>, vector<16xf32>,
          %get3A_1161 = arith.index_cast %add3A_1153 : i32 to index
          %get3A_1162 = arith.constant 16 : index
          %get3A_1163 = tpu.vector_load %arg16[%get3A_1161, %get3A_1162] {strides = array<i32>} : memref<256x48xf32, #tpu.memory_space<vmem>>, vector<16xf32>,
          %mul3A_1164 = arith.mulf %get3A_1163, %gather3A_1149 : vector<16xf32>
          %swap3A_1165 = arith.index_cast %add3A_1153 : i32 to index
          %swap3A_1166 = arith.constant 16 : index
          %swap3A_1167 = tpu.vector_load %arg16[%swap3A_1165, %swap3A_1166] {strides = array<i32>} : memref<256x48xf32, #tpu.memory_space<vmem>>, vector<16xf32>,
          tpu.vector_store %arg16[%swap3A_1165, %swap3A_1166], %mul3A_1164 {strides = array<i32>} : memref<256x48xf32, #tpu.memory_space<vmem>>, vector<16xf32>,
          %get3A_1168 = arith.index_cast %add3A_1153 : i32 to index
          %get3A_1169 = arith.constant 32 : index
          %get3A_1170 = tpu.vector_load %arg16[%get3A_1168, %get3A_1169] {strides = array<i32>} : memref<256x48xf32, #tpu.memory_space<vmem>>, vector<16xf32>,
          %mul3A_1171 = arith.mulf %get3A_1170, %gather3A_1149 : vector<16xf32>
          %swap3A_1172 = arith.index_cast %add3A_1153 : i32 to index
          %swap3A_1173 = arith.constant 32 : index
          %swap3A_1174 = tpu.vector_load %arg16[%swap3A_1172, %swap3A_1173] {strides = array<i32>} : memref<256x48xf32, #tpu.memory_space<vmem>>, vector<16xf32>,
          tpu.vector_store %arg16[%swap3A_1172, %swap3A_1173], %mul3A_1171 {strides = array<i32>} : memref<256x48xf32, #tpu.memory_space<vmem>>, vector<16xf32>,
        }
        %scan3A_484 = arith.constant 16 : i32
        %mul3A_485 = arith.constant 2 : i32
        %mul3A_486 = arith.muli %scan3A_454, %mul3A_485 : i32
        %add3A_487 = arith.constant 0 : i32
        %add3A_488 = arith.addi %mul3A_486, %add3A_487 : i32
        %mul3A_489 = arith.constant 2 : i32
        %mul3A_490 = arith.muli %add3A_488, %mul3A_489 : i32
        %add3A_491 = arith.constant 0 : i32
        %add3A_492 = arith.addi %mul3A_490, %add3A_491 : i32
        %dma_start3A_493 = arith.constant 0 : i32
        %dma_start3A_494 = arith.constant 0 : i32
        %dma_start3A_495 = tpu.memref_slice %arg16[%dma_start3A_493, %dma_start3A_494] : memref<256x48xf32, #tpu.memory_space<vmem>> -> memref<128x48xf32, #tpu.memory_space<vmem>>
        %dma_start3A_496 = arith.constant 0 : i32
        %dma_start3A_497 = tpu.memref_slice %arg12[%add3A_492, %dma_start3A_496] : memref<160x128xi32, #tpu.memory_space<vmem>> -> memref<1x128xi32, #tpu.memory_space<vmem>>
        %dma_start3A_498 = tpu.memref_squeeze %dma_start3A_497 : memref<1x128xi32, #tpu.memory_space<vmem>> -> memref<128xi32, #tpu.memory_space<vmem>>
        %dma_start3A_499 = arith.constant 0 : i32
        %dma_start3A_500 = arith.constant 0 : i32
        %dma_start3A_501 = tpu.memref_slice %arg10[%dma_start3A_499, %dma_start3A_500] : memref<10240x48xf32, #tpu.memory_space<vmem_shared>> -> memref<10240x48xf32, #tpu.memory_space<vmem_shared>>
        tpu.enqueue_indirect_dma source(%dma_start3A_495 : memref<128x48xf32, #tpu.memory_space<vmem>>) target(%dma_start3A_501 : memref<10240x48xf32, #tpu.memory_space<vmem_shared>>) offsets(%dma_start3A_498 : memref<128xi32, #tpu.memory_space<vmem>>) semaphore(%arg21 : memref<!tpu.dma_semaphore, #tpu.memory_space<semaphore_mem>>) {add = true}
        %mul3A_502 = arith.constant 2 : i32
        %mul3A_503 = arith.muli %add3A_488, %mul3A_502 : i32
        %add3A_504 = arith.constant 1 : i32
        %add3A_505 = arith.addi %mul3A_503, %add3A_504 : i32
        %dma_start3A_506 = arith.constant 128 : i32
        %dma_start3A_507 = arith.constant 0 : i32
        %dma_start3A_508 = tpu.memref_slice %arg16[%dma_start3A_506, %dma_start3A_507] : memref<256x48xf32, #tpu.memory_space<vmem>> -> memref<128x48xf32, #tpu.memory_space<vmem>>
        %dma_start3A_509 = arith.constant 0 : i32
        %dma_start3A_510 = tpu.memref_slice %arg12[%add3A_505, %dma_start3A_509] : memref<160x128xi32, #tpu.memory_space<vmem>> -> memref<1x128xi32, #tpu.memory_space<vmem>>
        %dma_start3A_511 = tpu.memref_squeeze %dma_start3A_510 : memref<1x128xi32, #tpu.memory_space<vmem>> -> memref<128xi32, #tpu.memory_space<vmem>>
        %dma_start3A_512 = arith.constant 0 : i32
        %dma_start3A_513 = arith.constant 0 : i32
        %dma_start3A_514 = tpu.memref_slice %arg10[%dma_start3A_512, %dma_start3A_513] : memref<10240x48xf32, #tpu.memory_space<vmem_shared>> -> memref<10240x48xf32, #tpu.memory_space<vmem_shared>>
        tpu.enqueue_indirect_dma source(%dma_start3A_508 : memref<128x48xf32, #tpu.memory_space<vmem>>) target(%dma_start3A_514 : memref<10240x48xf32, #tpu.memory_space<vmem_shared>>) offsets(%dma_start3A_511 : memref<128xi32, #tpu.memory_space<vmem>>) semaphore(%arg21 : memref<!tpu.dma_semaphore, #tpu.memory_space<semaphore_mem>>) {add = true}
        %dma_wait3A_515 = arith.constant 0 : i32
        %dma_wait3A_516 = arith.constant 0 : i32
        %dma_wait3A_517 = arith.constant 0 : i32
        %dma_wait3A_518 = tpu.memref_slice %arg17[%dma_wait3A_516, %dma_wait3A_517] : memref<256x48xf32, #tpu.memory_space<vmem>> -> memref<128x48xf32, #tpu.memory_space<vmem>>
        %dma_wait3A_519 = arith.constant 0 : i32
        %dma_wait3A_520 = tpu.memref_slice %arg19[%dma_wait3A_515, %dma_wait3A_519] : memref<2x128xi32, #tpu.memory_space<vmem>> -> memref<1x128xi32, #tpu.memory_space<vmem>>
        %dma_wait3A_521 = tpu.memref_squeeze %dma_wait3A_520 : memref<1x128xi32, #tpu.memory_space<vmem>> -> memref<128xi32, #tpu.memory_space<vmem>>
        %dma_wait3A_522 = arith.constant 0 : i32
        %dma_wait3A_523 = arith.constant 0 : i32
        %dma_wait3A_524 = tpu.memref_slice %arg8[%dma_wait3A_522, %dma_wait3A_523] : memref<71680x48xf32, #tpu.memory_space<hbm>> -> memref<71680x48xf32, #tpu.memory_space<hbm>>
        tpu.wait_indirect_dma semaphore(%arg20 : memref<!tpu.dma_semaphore, #tpu.memory_space<semaphore_mem>>) src(%dma_wait3A_524 : memref<71680x48xf32, #tpu.memory_space<hbm>>) dst(%dma_wait3A_518 : memref<128x48xf32, #tpu.memory_space<vmem>>)
        %dma_wait3A_525 = arith.constant 1 : i32
        %dma_wait3A_526 = arith.constant 128 : i32
        %dma_wait3A_527 = arith.constant 0 : i32
        %dma_wait3A_528 = tpu.memref_slice %arg17[%dma_wait3A_526, %dma_wait3A_527] : memref<256x48xf32, #tpu.memory_space<vmem>> -> memref<128x48xf32, #tpu.memory_space<vmem>>
        %dma_wait3A_529 = arith.constant 0 : i32
        %dma_wait3A_530 = tpu.memref_slice %arg19[%dma_wait3A_525, %dma_wait3A_529] : memref<2x128xi32, #tpu.memory_space<vmem>> -> memref<1x128xi32, #tpu.memory_space<vmem>>
        %dma_wait3A_531 = tpu.memref_squeeze %dma_wait3A_530 : memref<1x128xi32, #tpu.memory_space<vmem>> -> memref<128xi32, #tpu.memory_space<vmem>>
        %dma_wait3A_532 = arith.constant 0 : i32
        %dma_wait3A_533 = arith.constant 0 : i32
        %dma_wait3A_534 = tpu.memref_slice %arg8[%dma_wait3A_532, %dma_wait3A_533] : memref<71680x48xf32, #tpu.memory_space<hbm>> -> memref<71680x48xf32, #tpu.memory_space<hbm>>
        tpu.wait_indirect_dma semaphore(%arg20 : memref<!tpu.dma_semaphore, #tpu.memory_space<semaphore_mem>>) src(%dma_wait3A_534 : memref<71680x48xf32, #tpu.memory_space<hbm>>) dst(%dma_wait3A_528 : memref<128x48xf32, #tpu.memory_space<vmem>>)
        %mul3A_535 = arith.constant 2 : i32
        %mul3A_536 = arith.muli %scan3A_454, %mul3A_535 : i32
        %add3A_537 = arith.constant 1 : i32
        %add3A_538 = arith.addi %mul3A_536, %add3A_537 : i32
        %scan3A_539 = arith.constant 0 : i32
        %scan3A_540 = arith.constant 0 : i32
        %scan3A_541 = arith.constant 16 : i32
        %scan3A_542 = arith.addi %scan3A_540, %scan3A_541 : i32
        %scan3A_543 = arith.constant 1 : i32
        scf.for %scan3A_577 = %scan3A_540 to %scan3A_542 step %scan3A_543  : i32 {
          %mul3A_578 = arith.constant 256 : i32
          %mul3A_579 = arith.muli %add3A_538, %mul3A_578 : i32
          %mul3A_580 = arith.constant 16 : i32
          %mul3A_581 = arith.muli %scan3A_577, %mul3A_580 : i32
          %add3A_582 = arith.addi %mul3A_579, %mul3A_581 : i32
          %get3A_583 = arith.index_cast %add3A_582 : i32 to index
          %get3A_584 = tpu.vector_load %arg13[%get3A_583] {strides = array<i32>} : memref<20480xf32, #tpu.memory_space<vmem>>, vector<16xf32>,
          %broadcast_in_dim3A = arith.constant 0 : i32
          %broadcast_in_dim3A_585 = vector.broadcast %broadcast_in_dim3A : i32 to vector<16xi32>
          %lt3A_586 = arith.constant 0 : i32
          %lt3A_587 = vector.broadcast %lt3A_586 : i32 to vector<16xi32>
          %lt3A_588 = arith.cmpi slt, %broadcast_in_dim3A_585, %lt3A_587 : vector<16xi32>
          %add3A_589 = arith.constant 16 : i32
          %add3A_590 = vector.broadcast %add3A_589 : i32 to vector<16xi32>
          %add3A_591 = arith.addi %broadcast_in_dim3A_585, %add3A_590 : vector<16xi32>
          %select_n3A_592 = arith.select %lt3A_588, %add3A_591, %broadcast_in_dim3A_585 : vector<16xi1>, vector<16xi32>
          %broadcast_in_dim3A_593 = vector.shape_cast %select_n3A_592 : vector<16xi32> to vector<16x1xi32>
          %gather3A = vector.shape_cast %broadcast_in_dim3A_593 : vector<16x1xi32> to vector<16xi32>
          %gather3A_594 = tpu.dynamic_gather %get3A_584[%gather3A] in [0] : vector<16xf32>, vector<16xi32> -> vector<16xf32>
          %mul3A_595 = arith.constant 16 : i32
          %mul3A_596 = arith.muli %scan3A_577, %mul3A_595 : i32
          %add3A_597 = arith.constant 0 : i32
          %add3A_598 = arith.addi %mul3A_596, %add3A_597 : i32
          %get3A_599 = arith.index_cast %add3A_598 : i32 to index
          %get3A_600 = arith.constant 0 : index
          %get3A_601 = tpu.vector_load %arg17[%get3A_599, %get3A_600] {strides = array<i32>} : memref<256x48xf32, #tpu.memory_space<vmem>>, vector<16xf32>,
          %mul3A_602 = arith.mulf %get3A_601, %gather3A_594 : vector<16xf32>
          %swap3A_603 = arith.index_cast %add3A_598 : i32 to index
          %swap3A_604 = arith.constant 0 : index
          %swap3A_605 = tpu.vector_load %arg17[%swap3A_603, %swap3A_604] {strides = array<i32>} : memref<256x48xf32, #tpu.memory_space<vmem>>, vector<16xf32>,
          tpu.vector_store %arg17[%swap3A_603, %swap3A_604], %mul3A_602 {strides = array<i32>} : memref<256x48xf32, #tpu.memory_space<vmem>>, vector<16xf32>,
          %get3A_606 = arith.index_cast %add3A_598 : i32 to index
          %get3A_607 = arith.constant 16 : index
          %get3A_608 = tpu.vector_load %arg17[%get3A_606, %get3A_607] {strides = array<i32>} : memref<256x48xf32, #tpu.memory_space<vmem>>, vector<16xf32>,
          %mul3A_609 = arith.mulf %get3A_608, %gather3A_594 : vector<16xf32>
          %swap3A_610 = arith.index_cast %add3A_598 : i32 to index
          %swap3A_611 = arith.constant 16 : index
          %swap3A_612 = tpu.vector_load %arg17[%swap3A_610, %swap3A_611] {strides = array<i32>} : memref<256x48xf32, #tpu.memory_space<vmem>>, vector<16xf32>,
          tpu.vector_store %arg17[%swap3A_610, %swap3A_611], %mul3A_609 {strides = array<i32>} : memref<256x48xf32, #tpu.memory_space<vmem>>, vector<16xf32>,
          %get3A_613 = arith.index_cast %add3A_598 : i32 to index
          %get3A_614 = arith.constant 32 : index
          %get3A_615 = tpu.vector_load %arg17[%get3A_613, %get3A_614] {strides = array<i32>} : memref<256x48xf32, #tpu.memory_space<vmem>>, vector<16xf32>,
          %mul3A_616 = arith.mulf %get3A_615, %gather3A_594 : vector<16xf32>
          %swap3A_617 = arith.index_cast %add3A_598 : i32 to index
          %swap3A_618 = arith.constant 32 : index
          %swap3A_619 = tpu.vector_load %arg17[%swap3A_617, %swap3A_618] {strides = array<i32>} : memref<256x48xf32, #tpu.memory_space<vmem>>, vector<16xf32>,
          tpu.vector_store %arg17[%swap3A_617, %swap3A_618], %mul3A_616 {strides = array<i32>} : memref<256x48xf32, #tpu.memory_space<vmem>>, vector<16xf32>,
          %broadcast_in_dim3A_620 = arith.constant 1 : i32
          %broadcast_in_dim3A_621 = vector.broadcast %broadcast_in_dim3A_620 : i32 to vector<16xi32>
          %lt3A_622 = arith.constant 0 : i32
          %lt3A_623 = vector.broadcast %lt3A_622 : i32 to vector<16xi32>
          %lt3A_624 = arith.cmpi slt, %broadcast_in_dim3A_621, %lt3A_623 : vector<16xi32>
          %add3A_625 = arith.constant 16 : i32
          %add3A_626 = vector.broadcast %add3A_625 : i32 to vector<16xi32>
          %add3A_627 = arith.addi %broadcast_in_dim3A_621, %add3A_626 : vector<16xi32>
          %select_n3A_628 = arith.select %lt3A_624, %add3A_627, %broadcast_in_dim3A_621 : vector<16xi1>, vector<16xi32>
          %broadcast_in_dim3A_629 = vector.shape_cast %select_n3A_628 : vector<16xi32> to vector<16x1xi32>
          %gather3A_630 = vector.shape_cast %broadcast_in_dim3A_629 : vector<16x1xi32> to vector<16xi32>
          %gather3A_631 = tpu.dynamic_gather %get3A_584[%gather3A_630] in [0] : vector<16xf32>, vector<16xi32> -> vector<16xf32>
          %mul3A_632 = arith.constant 16 : i32
          %mul3A_633 = arith.muli %scan3A_577, %mul3A_632 : i32
          %add3A_634 = arith.constant 1 : i32
          %add3A_635 = arith.addi %mul3A_633, %add3A_634 : i32
          %get3A_636 = arith.index_cast %add3A_635 : i32 to index
          %get3A_637 = arith.constant 0 : index
          %get3A_638 = tpu.vector_load %arg17[%get3A_636, %get3A_637] {strides = array<i32>} : memref<256x48xf32, #tpu.memory_space<vmem>>, vector<16xf32>,
          %mul3A_639 = arith.mulf %get3A_638, %gather3A_631 : vector<16xf32>
          %swap3A_640 = arith.index_cast %add3A_635 : i32 to index
          %swap3A_641 = arith.constant 0 : index
          %swap3A_642 = tpu.vector_load %arg17[%swap3A_640, %swap3A_641] {strides = array<i32>} : memref<256x48xf32, #tpu.memory_space<vmem>>, vector<16xf32>,
          tpu.vector_store %arg17[%swap3A_640, %swap3A_641], %mul3A_639 {strides = array<i32>} : memref<256x48xf32, #tpu.memory_space<vmem>>, vector<16xf32>,
          %get3A_643 = arith.index_cast %add3A_635 : i32 to index
          %get3A_644 = arith.constant 16 : index
          %get3A_645 = tpu.vector_load %arg17[%get3A_643, %get3A_644] {strides = array<i32>} : memref<256x48xf32, #tpu.memory_space<vmem>>, vector<16xf32>,
          %mul3A_646 = arith.mulf %get3A_645, %gather3A_631 : vector<16xf32>
          %swap3A_647 = arith.index_cast %add3A_635 : i32 to index
          %swap3A_648 = arith.constant 16 : index
          %swap3A_649 = tpu.vector_load %arg17[%swap3A_647, %swap3A_648] {strides = array<i32>} : memref<256x48xf32, #tpu.memory_space<vmem>>, vector<16xf32>,
          tpu.vector_store %arg17[%swap3A_647, %swap3A_648], %mul3A_646 {strides = array<i32>} : memref<256x48xf32, #tpu.memory_space<vmem>>, vector<16xf32>,
          %get3A_650 = arith.index_cast %add3A_635 : i32 to index
          %get3A_651 = arith.constant 32 : index
          %get3A_652 = tpu.vector_load %arg17[%get3A_650, %get3A_651] {strides = array<i32>} : memref<256x48xf32, #tpu.memory_space<vmem>>, vector<16xf32>,
          %mul3A_653 = arith.mulf %get3A_652, %gather3A_631 : vector<16xf32>
          %swap3A_654 = arith.index_cast %add3A_635 : i32 to index
          %swap3A_655 = arith.constant 32 : index
          %swap3A_656 = tpu.vector_load %arg17[%swap3A_654, %swap3A_655] {strides = array<i32>} : memref<256x48xf32, #tpu.memory_space<vmem>>, vector<16xf32>,
          tpu.vector_store %arg17[%swap3A_654, %swap3A_655], %mul3A_653 {strides = array<i32>} : memref<256x48xf32, #tpu.memory_space<vmem>>, vector<16xf32>,
          %broadcast_in_dim3A_657 = arith.constant 2 : i32
          %broadcast_in_dim3A_658 = vector.broadcast %broadcast_in_dim3A_657 : i32 to vector<16xi32>
          %lt3A_659 = arith.constant 0 : i32
          %lt3A_660 = vector.broadcast %lt3A_659 : i32 to vector<16xi32>
          %lt3A_661 = arith.cmpi slt, %broadcast_in_dim3A_658, %lt3A_660 : vector<16xi32>
          %add3A_662 = arith.constant 16 : i32
          %add3A_663 = vector.broadcast %add3A_662 : i32 to vector<16xi32>
          %add3A_664 = arith.addi %broadcast_in_dim3A_658, %add3A_663 : vector<16xi32>
          %select_n3A_665 = arith.select %lt3A_661, %add3A_664, %broadcast_in_dim3A_658 : vector<16xi1>, vector<16xi32>
          %broadcast_in_dim3A_666 = vector.shape_cast %select_n3A_665 : vector<16xi32> to vector<16x1xi32>
          %gather3A_667 = vector.shape_cast %broadcast_in_dim3A_666 : vector<16x1xi32> to vector<16xi32>
          %gather3A_668 = tpu.dynamic_gather %get3A_584[%gather3A_667] in [0] : vector<16xf32>, vector<16xi32> -> vector<16xf32>
          %mul3A_669 = arith.constant 16 : i32
          %mul3A_670 = arith.muli %scan3A_577, %mul3A_669 : i32
          %add3A_671 = arith.constant 2 : i32
          %add3A_672 = arith.addi %mul3A_670, %add3A_671 : i32
          %get3A_673 = arith.index_cast %add3A_672 : i32 to index
          %get3A_674 = arith.constant 0 : index
          %get3A_675 = tpu.vector_load %arg17[%get3A_673, %get3A_674] {strides = array<i32>} : memref<256x48xf32, #tpu.memory_space<vmem>>, vector<16xf32>,
          %mul3A_676 = arith.mulf %get3A_675, %gather3A_668 : vector<16xf32>
          %swap3A_677 = arith.index_cast %add3A_672 : i32 to index
          %swap3A_678 = arith.constant 0 : index
          %swap3A_679 = tpu.vector_load %arg17[%swap3A_677, %swap3A_678] {strides = array<i32>} : memref<256x48xf32, #tpu.memory_space<vmem>>, vector<16xf32>,
          tpu.vector_store %arg17[%swap3A_677, %swap3A_678], %mul3A_676 {strides = array<i32>} : memref<256x48xf32, #tpu.memory_space<vmem>>, vector<16xf32>,
          %get3A_680 = arith.index_cast %add3A_672 : i32 to index
          %get3A_681 = arith.constant 16 : index
          %get3A_682 = tpu.vector_load %arg17[%get3A_680, %get3A_681] {strides = array<i32>} : memref<256x48xf32, #tpu.memory_space<vmem>>, vector<16xf32>,
          %mul3A_683 = arith.mulf %get3A_682, %gather3A_668 : vector<16xf32>
          %swap3A_684 = arith.index_cast %add3A_672 : i32 to index
          %swap3A_685 = arith.constant 16 : index
          %swap3A_686 = tpu.vector_load %arg17[%swap3A_684, %swap3A_685] {strides = array<i32>} : memref<256x48xf32, #tpu.memory_space<vmem>>, vector<16xf32>,
          tpu.vector_store %arg17[%swap3A_684, %swap3A_685], %mul3A_683 {strides = array<i32>} : memref<256x48xf32, #tpu.memory_space<vmem>>, vector<16xf32>,
          %get3A_687 = arith.index_cast %add3A_672 : i32 to index
          %get3A_688 = arith.constant 32 : index
          %get3A_689 = tpu.vector_load %arg17[%get3A_687, %get3A_688] {strides = array<i32>} : memref<256x48xf32, #tpu.memory_space<vmem>>, vector<16xf32>,
          %mul3A_690 = arith.mulf %get3A_689, %gather3A_668 : vector<16xf32>
          %swap3A_691 = arith.index_cast %add3A_672 : i32 to index
          %swap3A_692 = arith.constant 32 : index
          %swap3A_693 = tpu.vector_load %arg17[%swap3A_691, %swap3A_692] {strides = array<i32>} : memref<256x48xf32, #tpu.memory_space<vmem>>, vector<16xf32>,
          tpu.vector_store %arg17[%swap3A_691, %swap3A_692], %mul3A_690 {strides = array<i32>} : memref<256x48xf32, #tpu.memory_space<vmem>>, vector<16xf32>,
          %broadcast_in_dim3A_694 = arith.constant 3 : i32
          %broadcast_in_dim3A_695 = vector.broadcast %broadcast_in_dim3A_694 : i32 to vector<16xi32>
          %lt3A_696 = arith.constant 0 : i32
          %lt3A_697 = vector.broadcast %lt3A_696 : i32 to vector<16xi32>
          %lt3A_698 = arith.cmpi slt, %broadcast_in_dim3A_695, %lt3A_697 : vector<16xi32>
          %add3A_699 = arith.constant 16 : i32
          %add3A_700 = vector.broadcast %add3A_699 : i32 to vector<16xi32>
          %add3A_701 = arith.addi %broadcast_in_dim3A_695, %add3A_700 : vector<16xi32>
          %select_n3A_702 = arith.select %lt3A_698, %add3A_701, %broadcast_in_dim3A_695 : vector<16xi1>, vector<16xi32>
          %broadcast_in_dim3A_703 = vector.shape_cast %select_n3A_702 : vector<16xi32> to vector<16x1xi32>
          %gather3A_704 = vector.shape_cast %broadcast_in_dim3A_703 : vector<16x1xi32> to vector<16xi32>
          %gather3A_705 = tpu.dynamic_gather %get3A_584[%gather3A_704] in [0] : vector<16xf32>, vector<16xi32> -> vector<16xf32>
          %mul3A_706 = arith.constant 16 : i32
          %mul3A_707 = arith.muli %scan3A_577, %mul3A_706 : i32
          %add3A_708 = arith.constant 3 : i32
          %add3A_709 = arith.addi %mul3A_707, %add3A_708 : i32
          %get3A_710 = arith.index_cast %add3A_709 : i32 to index
          %get3A_711 = arith.constant 0 : index
          %get3A_712 = tpu.vector_load %arg17[%get3A_710, %get3A_711] {strides = array<i32>} : memref<256x48xf32, #tpu.memory_space<vmem>>, vector<16xf32>,
          %mul3A_713 = arith.mulf %get3A_712, %gather3A_705 : vector<16xf32>
          %swap3A_714 = arith.index_cast %add3A_709 : i32 to index
          %swap3A_715 = arith.constant 0 : index
          %swap3A_716 = tpu.vector_load %arg17[%swap3A_714, %swap3A_715] {strides = array<i32>} : memref<256x48xf32, #tpu.memory_space<vmem>>, vector<16xf32>,
          tpu.vector_store %arg17[%swap3A_714, %swap3A_715], %mul3A_713 {strides = array<i32>} : memref<256x48xf32, #tpu.memory_space<vmem>>, vector<16xf32>,
          %get3A_717 = arith.index_cast %add3A_709 : i32 to index
          %get3A_718 = arith.constant 16 : index
          %get3A_719 = tpu.vector_load %arg17[%get3A_717, %get3A_718] {strides = array<i32>} : memref<256x48xf32, #tpu.memory_space<vmem>>, vector<16xf32>,
          %mul3A_720 = arith.mulf %get3A_719, %gather3A_705 : vector<16xf32>
          %swap3A_721 = arith.index_cast %add3A_709 : i32 to index
          %swap3A_722 = arith.constant 16 : index
          %swap3A_723 = tpu.vector_load %arg17[%swap3A_721, %swap3A_722] {strides = array<i32>} : memref<256x48xf32, #tpu.memory_space<vmem>>, vector<16xf32>,
          tpu.vector_store %arg17[%swap3A_721, %swap3A_722], %mul3A_720 {strides = array<i32>} : memref<256x48xf32, #tpu.memory_space<vmem>>, vector<16xf32>,
          %get3A_724 = arith.index_cast %add3A_709 : i32 to index
          %get3A_725 = arith.constant 32 : index
          %get3A_726 = tpu.vector_load %arg17[%get3A_724, %get3A_725] {strides = array<i32>} : memref<256x48xf32, #tpu.memory_space<vmem>>, vector<16xf32>,
          %mul3A_727 = arith.mulf %get3A_726, %gather3A_705 : vector<16xf32>
          %swap3A_728 = arith.index_cast %add3A_709 : i32 to index
          %swap3A_729 = arith.constant 32 : index
          %swap3A_730 = tpu.vector_load %arg17[%swap3A_728, %swap3A_729] {strides = array<i32>} : memref<256x48xf32, #tpu.memory_space<vmem>>, vector<16xf32>,
          tpu.vector_store %arg17[%swap3A_728, %swap3A_729], %mul3A_727 {strides = array<i32>} : memref<256x48xf32, #tpu.memory_space<vmem>>, vector<16xf32>,
          %broadcast_in_dim3A_731 = arith.constant 4 : i32
          %broadcast_in_dim3A_732 = vector.broadcast %broadcast_in_dim3A_731 : i32 to vector<16xi32>
          %lt3A_733 = arith.constant 0 : i32
          %lt3A_734 = vector.broadcast %lt3A_733 : i32 to vector<16xi32>
          %lt3A_735 = arith.cmpi slt, %broadcast_in_dim3A_732, %lt3A_734 : vector<16xi32>
          %add3A_736 = arith.constant 16 : i32
          %add3A_737 = vector.broadcast %add3A_736 : i32 to vector<16xi32>
          %add3A_738 = arith.addi %broadcast_in_dim3A_732, %add3A_737 : vector<16xi32>
          %select_n3A_739 = arith.select %lt3A_735, %add3A_738, %broadcast_in_dim3A_732 : vector<16xi1>, vector<16xi32>
          %broadcast_in_dim3A_740 = vector.shape_cast %select_n3A_739 : vector<16xi32> to vector<16x1xi32>
          %gather3A_741 = vector.shape_cast %broadcast_in_dim3A_740 : vector<16x1xi32> to vector<16xi32>
          %gather3A_742 = tpu.dynamic_gather %get3A_584[%gather3A_741] in [0] : vector<16xf32>, vector<16xi32> -> vector<16xf32>
          %mul3A_743 = arith.constant 16 : i32
          %mul3A_744 = arith.muli %scan3A_577, %mul3A_743 : i32
          %add3A_745 = arith.constant 4 : i32
          %add3A_746 = arith.addi %mul3A_744, %add3A_745 : i32
          %get3A_747 = arith.index_cast %add3A_746 : i32 to index
          %get3A_748 = arith.constant 0 : index
          %get3A_749 = tpu.vector_load %arg17[%get3A_747, %get3A_748] {strides = array<i32>} : memref<256x48xf32, #tpu.memory_space<vmem>>, vector<16xf32>,
          %mul3A_750 = arith.mulf %get3A_749, %gather3A_742 : vector<16xf32>
          %swap3A_751 = arith.index_cast %add3A_746 : i32 to index
          %swap3A_752 = arith.constant 0 : index
          %swap3A_753 = tpu.vector_load %arg17[%swap3A_751, %swap3A_752] {strides = array<i32>} : memref<256x48xf32, #tpu.memory_space<vmem>>, vector<16xf32>,
          tpu.vector_store %arg17[%swap3A_751, %swap3A_752], %mul3A_750 {strides = array<i32>} : memref<256x48xf32, #tpu.memory_space<vmem>>, vector<16xf32>,
          %get3A_754 = arith.index_cast %add3A_746 : i32 to index
          %get3A_755 = arith.constant 16 : index
          %get3A_756 = tpu.vector_load %arg17[%get3A_754, %get3A_755] {strides = array<i32>} : memref<256x48xf32, #tpu.memory_space<vmem>>, vector<16xf32>,
          %mul3A_757 = arith.mulf %get3A_756, %gather3A_742 : vector<16xf32>
          %swap3A_758 = arith.index_cast %add3A_746 : i32 to index
          %swap3A_759 = arith.constant 16 : index
          %swap3A_760 = tpu.vector_load %arg17[%swap3A_758, %swap3A_759] {strides = array<i32>} : memref<256x48xf32, #tpu.memory_space<vmem>>, vector<16xf32>,
          tpu.vector_store %arg17[%swap3A_758, %swap3A_759], %mul3A_757 {strides = array<i32>} : memref<256x48xf32, #tpu.memory_space<vmem>>, vector<16xf32>,
          %get3A_761 = arith.index_cast %add3A_746 : i32 to index
          %get3A_762 = arith.constant 32 : index
          %get3A_763 = tpu.vector_load %arg17[%get3A_761, %get3A_762] {strides = array<i32>} : memref<256x48xf32, #tpu.memory_space<vmem>>, vector<16xf32>,
          %mul3A_764 = arith.mulf %get3A_763, %gather3A_742 : vector<16xf32>
          %swap3A_765 = arith.index_cast %add3A_746 : i32 to index
          %swap3A_766 = arith.constant 32 : index
          %swap3A_767 = tpu.vector_load %arg17[%swap3A_765, %swap3A_766] {strides = array<i32>} : memref<256x48xf32, #tpu.memory_space<vmem>>, vector<16xf32>,
          tpu.vector_store %arg17[%swap3A_765, %swap3A_766], %mul3A_764 {strides = array<i32>} : memref<256x48xf32, #tpu.memory_space<vmem>>, vector<16xf32>,
          %broadcast_in_dim3A_768 = arith.constant 5 : i32
          %broadcast_in_dim3A_769 = vector.broadcast %broadcast_in_dim3A_768 : i32 to vector<16xi32>
          %lt3A_770 = arith.constant 0 : i32
          %lt3A_771 = vector.broadcast %lt3A_770 : i32 to vector<16xi32>
          %lt3A_772 = arith.cmpi slt, %broadcast_in_dim3A_769, %lt3A_771 : vector<16xi32>
          %add3A_773 = arith.constant 16 : i32
          %add3A_774 = vector.broadcast %add3A_773 : i32 to vector<16xi32>
          %add3A_775 = arith.addi %broadcast_in_dim3A_769, %add3A_774 : vector<16xi32>
          %select_n3A_776 = arith.select %lt3A_772, %add3A_775, %broadcast_in_dim3A_769 : vector<16xi1>, vector<16xi32>
          %broadcast_in_dim3A_777 = vector.shape_cast %select_n3A_776 : vector<16xi32> to vector<16x1xi32>
          %gather3A_778 = vector.shape_cast %broadcast_in_dim3A_777 : vector<16x1xi32> to vector<16xi32>
          %gather3A_779 = tpu.dynamic_gather %get3A_584[%gather3A_778] in [0] : vector<16xf32>, vector<16xi32> -> vector<16xf32>
          %mul3A_780 = arith.constant 16 : i32
          %mul3A_781 = arith.muli %scan3A_577, %mul3A_780 : i32
          %add3A_782 = arith.constant 5 : i32
          %add3A_783 = arith.addi %mul3A_781, %add3A_782 : i32
          %get3A_784 = arith.index_cast %add3A_783 : i32 to index
          %get3A_785 = arith.constant 0 : index
          %get3A_786 = tpu.vector_load %arg17[%get3A_784, %get3A_785] {strides = array<i32>} : memref<256x48xf32, #tpu.memory_space<vmem>>, vector<16xf32>,
          %mul3A_787 = arith.mulf %get3A_786, %gather3A_779 : vector<16xf32>
          %swap3A_788 = arith.index_cast %add3A_783 : i32 to index
          %swap3A_789 = arith.constant 0 : index
          %swap3A_790 = tpu.vector_load %arg17[%swap3A_788, %swap3A_789] {strides = array<i32>} : memref<256x48xf32, #tpu.memory_space<vmem>>, vector<16xf32>,
          tpu.vector_store %arg17[%swap3A_788, %swap3A_789], %mul3A_787 {strides = array<i32>} : memref<256x48xf32, #tpu.memory_space<vmem>>, vector<16xf32>,
          %get3A_791 = arith.index_cast %add3A_783 : i32 to index
          %get3A_792 = arith.constant 16 : index
          %get3A_793 = tpu.vector_load %arg17[%get3A_791, %get3A_792] {strides = array<i32>} : memref<256x48xf32, #tpu.memory_space<vmem>>, vector<16xf32>,
          %mul3A_794 = arith.mulf %get3A_793, %gather3A_779 : vector<16xf32>
          %swap3A_795 = arith.index_cast %add3A_783 : i32 to index
          %swap3A_796 = arith.constant 16 : index
          %swap3A_797 = tpu.vector_load %arg17[%swap3A_795, %swap3A_796] {strides = array<i32>} : memref<256x48xf32, #tpu.memory_space<vmem>>, vector<16xf32>,
          tpu.vector_store %arg17[%swap3A_795, %swap3A_796], %mul3A_794 {strides = array<i32>} : memref<256x48xf32, #tpu.memory_space<vmem>>, vector<16xf32>,
          %get3A_798 = arith.index_cast %add3A_783 : i32 to index
          %get3A_799 = arith.constant 32 : index
          %get3A_800 = tpu.vector_load %arg17[%get3A_798, %get3A_799] {strides = array<i32>} : memref<256x48xf32, #tpu.memory_space<vmem>>, vector<16xf32>,
          %mul3A_801 = arith.mulf %get3A_800, %gather3A_779 : vector<16xf32>
          %swap3A_802 = arith.index_cast %add3A_783 : i32 to index
          %swap3A_803 = arith.constant 32 : index
          %swap3A_804 = tpu.vector_load %arg17[%swap3A_802, %swap3A_803] {strides = array<i32>} : memref<256x48xf32, #tpu.memory_space<vmem>>, vector<16xf32>,
          tpu.vector_store %arg17[%swap3A_802, %swap3A_803], %mul3A_801 {strides = array<i32>} : memref<256x48xf32, #tpu.memory_space<vmem>>, vector<16xf32>,
          %broadcast_in_dim3A_805 = arith.constant 6 : i32
          %broadcast_in_dim3A_806 = vector.broadcast %broadcast_in_dim3A_805 : i32 to vector<16xi32>
          %lt3A_807 = arith.constant 0 : i32
          %lt3A_808 = vector.broadcast %lt3A_807 : i32 to vector<16xi32>
          %lt3A_809 = arith.cmpi slt, %broadcast_in_dim3A_806, %lt3A_808 : vector<16xi32>
          %add3A_810 = arith.constant 16 : i32
          %add3A_811 = vector.broadcast %add3A_810 : i32 to vector<16xi32>
          %add3A_812 = arith.addi %broadcast_in_dim3A_806, %add3A_811 : vector<16xi32>
          %select_n3A_813 = arith.select %lt3A_809, %add3A_812, %broadcast_in_dim3A_806 : vector<16xi1>, vector<16xi32>
          %broadcast_in_dim3A_814 = vector.shape_cast %select_n3A_813 : vector<16xi32> to vector<16x1xi32>
          %gather3A_815 = vector.shape_cast %broadcast_in_dim3A_814 : vector<16x1xi32> to vector<16xi32>
          %gather3A_816 = tpu.dynamic_gather %get3A_584[%gather3A_815] in [0] : vector<16xf32>, vector<16xi32> -> vector<16xf32>
          %mul3A_817 = arith.constant 16 : i32
          %mul3A_818 = arith.muli %scan3A_577, %mul3A_817 : i32
          %add3A_819 = arith.constant 6 : i32
          %add3A_820 = arith.addi %mul3A_818, %add3A_819 : i32
          %get3A_821 = arith.index_cast %add3A_820 : i32 to index
          %get3A_822 = arith.constant 0 : index
          %get3A_823 = tpu.vector_load %arg17[%get3A_821, %get3A_822] {strides = array<i32>} : memref<256x48xf32, #tpu.memory_space<vmem>>, vector<16xf32>,
          %mul3A_824 = arith.mulf %get3A_823, %gather3A_816 : vector<16xf32>
          %swap3A_825 = arith.index_cast %add3A_820 : i32 to index
          %swap3A_826 = arith.constant 0 : index
          %swap3A_827 = tpu.vector_load %arg17[%swap3A_825, %swap3A_826] {strides = array<i32>} : memref<256x48xf32, #tpu.memory_space<vmem>>, vector<16xf32>,
          tpu.vector_store %arg17[%swap3A_825, %swap3A_826], %mul3A_824 {strides = array<i32>} : memref<256x48xf32, #tpu.memory_space<vmem>>, vector<16xf32>,
          %get3A_828 = arith.index_cast %add3A_820 : i32 to index
          %get3A_829 = arith.constant 16 : index
          %get3A_830 = tpu.vector_load %arg17[%get3A_828, %get3A_829] {strides = array<i32>} : memref<256x48xf32, #tpu.memory_space<vmem>>, vector<16xf32>,
          %mul3A_831 = arith.mulf %get3A_830, %gather3A_816 : vector<16xf32>
          %swap3A_832 = arith.index_cast %add3A_820 : i32 to index
          %swap3A_833 = arith.constant 16 : index
          %swap3A_834 = tpu.vector_load %arg17[%swap3A_832, %swap3A_833] {strides = array<i32>} : memref<256x48xf32, #tpu.memory_space<vmem>>, vector<16xf32>,
          tpu.vector_store %arg17[%swap3A_832, %swap3A_833], %mul3A_831 {strides = array<i32>} : memref<256x48xf32, #tpu.memory_space<vmem>>, vector<16xf32>,
          %get3A_835 = arith.index_cast %add3A_820 : i32 to index
          %get3A_836 = arith.constant 32 : index
          %get3A_837 = tpu.vector_load %arg17[%get3A_835, %get3A_836] {strides = array<i32>} : memref<256x48xf32, #tpu.memory_space<vmem>>, vector<16xf32>,
          %mul3A_838 = arith.mulf %get3A_837, %gather3A_816 : vector<16xf32>
          %swap3A_839 = arith.index_cast %add3A_820 : i32 to index
          %swap3A_840 = arith.constant 32 : index
          %swap3A_841 = tpu.vector_load %arg17[%swap3A_839, %swap3A_840] {strides = array<i32>} : memref<256x48xf32, #tpu.memory_space<vmem>>, vector<16xf32>,
          tpu.vector_store %arg17[%swap3A_839, %swap3A_840], %mul3A_838 {strides = array<i32>} : memref<256x48xf32, #tpu.memory_space<vmem>>, vector<16xf32>,
          %broadcast_in_dim3A_842 = arith.constant 7 : i32
          %broadcast_in_dim3A_843 = vector.broadcast %broadcast_in_dim3A_842 : i32 to vector<16xi32>
          %lt3A_844 = arith.constant 0 : i32
          %lt3A_845 = vector.broadcast %lt3A_844 : i32 to vector<16xi32>
          %lt3A_846 = arith.cmpi slt, %broadcast_in_dim3A_843, %lt3A_845 : vector<16xi32>
          %add3A_847 = arith.constant 16 : i32
          %add3A_848 = vector.broadcast %add3A_847 : i32 to vector<16xi32>
          %add3A_849 = arith.addi %broadcast_in_dim3A_843, %add3A_848 : vector<16xi32>
          %select_n3A_850 = arith.select %lt3A_846, %add3A_849, %broadcast_in_dim3A_843 : vector<16xi1>, vector<16xi32>
          %broadcast_in_dim3A_851 = vector.shape_cast %select_n3A_850 : vector<16xi32> to vector<16x1xi32>
          %gather3A_852 = vector.shape_cast %broadcast_in_dim3A_851 : vector<16x1xi32> to vector<16xi32>
          %gather3A_853 = tpu.dynamic_gather %get3A_584[%gather3A_852] in [0] : vector<16xf32>, vector<16xi32> -> vector<16xf32>
          %mul3A_854 = arith.constant 16 : i32
          %mul3A_855 = arith.muli %scan3A_577, %mul3A_854 : i32
          %add3A_856 = arith.constant 7 : i32
          %add3A_857 = arith.addi %mul3A_855, %add3A_856 : i32
          %get3A_858 = arith.index_cast %add3A_857 : i32 to index
          %get3A_859 = arith.constant 0 : index
          %get3A_860 = tpu.vector_load %arg17[%get3A_858, %get3A_859] {strides = array<i32>} : memref<256x48xf32, #tpu.memory_space<vmem>>, vector<16xf32>,
          %mul3A_861 = arith.mulf %get3A_860, %gather3A_853 : vector<16xf32>
          %swap3A_862 = arith.index_cast %add3A_857 : i32 to index
          %swap3A_863 = arith.constant 0 : index
          %swap3A_864 = tpu.vector_load %arg17[%swap3A_862, %swap3A_863] {strides = array<i32>} : memref<256x48xf32, #tpu.memory_space<vmem>>, vector<16xf32>,
          tpu.vector_store %arg17[%swap3A_862, %swap3A_863], %mul3A_861 {strides = array<i32>} : memref<256x48xf32, #tpu.memory_space<vmem>>, vector<16xf32>,
          %get3A_865 = arith.index_cast %add3A_857 : i32 to index
          %get3A_866 = arith.constant 16 : index
          %get3A_867 = tpu.vector_load %arg17[%get3A_865, %get3A_866] {strides = array<i32>} : memref<256x48xf32, #tpu.memory_space<vmem>>, vector<16xf32>,
          %mul3A_868 = arith.mulf %get3A_867, %gather3A_853 : vector<16xf32>
          %swap3A_869 = arith.index_cast %add3A_857 : i32 to index
          %swap3A_870 = arith.constant 16 : index
          %swap3A_871 = tpu.vector_load %arg17[%swap3A_869, %swap3A_870] {strides = array<i32>} : memref<256x48xf32, #tpu.memory_space<vmem>>, vector<16xf32>,
          tpu.vector_store %arg17[%swap3A_869, %swap3A_870], %mul3A_868 {strides = array<i32>} : memref<256x48xf32, #tpu.memory_space<vmem>>, vector<16xf32>,
          %get3A_872 = arith.index_cast %add3A_857 : i32 to index
          %get3A_873 = arith.constant 32 : index
          %get3A_874 = tpu.vector_load %arg17[%get3A_872, %get3A_873] {strides = array<i32>} : memref<256x48xf32, #tpu.memory_space<vmem>>, vector<16xf32>,
          %mul3A_875 = arith.mulf %get3A_874, %gather3A_853 : vector<16xf32>
          %swap3A_876 = arith.index_cast %add3A_857 : i32 to index
          %swap3A_877 = arith.constant 32 : index
          %swap3A_878 = tpu.vector_load %arg17[%swap3A_876, %swap3A_877] {strides = array<i32>} : memref<256x48xf32, #tpu.memory_space<vmem>>, vector<16xf32>,
          tpu.vector_store %arg17[%swap3A_876, %swap3A_877], %mul3A_875 {strides = array<i32>} : memref<256x48xf32, #tpu.memory_space<vmem>>, vector<16xf32>,
          %broadcast_in_dim3A_879 = arith.constant 8 : i32
          %broadcast_in_dim3A_880 = vector.broadcast %broadcast_in_dim3A_879 : i32 to vector<16xi32>
          %lt3A_881 = arith.constant 0 : i32
          %lt3A_882 = vector.broadcast %lt3A_881 : i32 to vector<16xi32>
          %lt3A_883 = arith.cmpi slt, %broadcast_in_dim3A_880, %lt3A_882 : vector<16xi32>
          %add3A_884 = arith.constant 16 : i32
          %add3A_885 = vector.broadcast %add3A_884 : i32 to vector<16xi32>
          %add3A_886 = arith.addi %broadcast_in_dim3A_880, %add3A_885 : vector<16xi32>
          %select_n3A_887 = arith.select %lt3A_883, %add3A_886, %broadcast_in_dim3A_880 : vector<16xi1>, vector<16xi32>
          %broadcast_in_dim3A_888 = vector.shape_cast %select_n3A_887 : vector<16xi32> to vector<16x1xi32>
          %gather3A_889 = vector.shape_cast %broadcast_in_dim3A_888 : vector<16x1xi32> to vector<16xi32>
          %gather3A_890 = tpu.dynamic_gather %get3A_584[%gather3A_889] in [0] : vector<16xf32>, vector<16xi32> -> vector<16xf32>
          %mul3A_891 = arith.constant 16 : i32
          %mul3A_892 = arith.muli %scan3A_577, %mul3A_891 : i32
          %add3A_893 = arith.constant 8 : i32
          %add3A_894 = arith.addi %mul3A_892, %add3A_893 : i32
          %get3A_895 = arith.index_cast %add3A_894 : i32 to index
          %get3A_896 = arith.constant 0 : index
          %get3A_897 = tpu.vector_load %arg17[%get3A_895, %get3A_896] {strides = array<i32>} : memref<256x48xf32, #tpu.memory_space<vmem>>, vector<16xf32>,
          %mul3A_898 = arith.mulf %get3A_897, %gather3A_890 : vector<16xf32>
          %swap3A_899 = arith.index_cast %add3A_894 : i32 to index
          %swap3A_900 = arith.constant 0 : index
          %swap3A_901 = tpu.vector_load %arg17[%swap3A_899, %swap3A_900] {strides = array<i32>} : memref<256x48xf32, #tpu.memory_space<vmem>>, vector<16xf32>,
          tpu.vector_store %arg17[%swap3A_899, %swap3A_900], %mul3A_898 {strides = array<i32>} : memref<256x48xf32, #tpu.memory_space<vmem>>, vector<16xf32>,
          %get3A_902 = arith.index_cast %add3A_894 : i32 to index
          %get3A_903 = arith.constant 16 : index
          %get3A_904 = tpu.vector_load %arg17[%get3A_902, %get3A_903] {strides = array<i32>} : memref<256x48xf32, #tpu.memory_space<vmem>>, vector<16xf32>,
          %mul3A_905 = arith.mulf %get3A_904, %gather3A_890 : vector<16xf32>
          %swap3A_906 = arith.index_cast %add3A_894 : i32 to index
          %swap3A_907 = arith.constant 16 : index
          %swap3A_908 = tpu.vector_load %arg17[%swap3A_906, %swap3A_907] {strides = array<i32>} : memref<256x48xf32, #tpu.memory_space<vmem>>, vector<16xf32>,
          tpu.vector_store %arg17[%swap3A_906, %swap3A_907], %mul3A_905 {strides = array<i32>} : memref<256x48xf32, #tpu.memory_space<vmem>>, vector<16xf32>,
          %get3A_909 = arith.index_cast %add3A_894 : i32 to index
          %get3A_910 = arith.constant 32 : index
          %get3A_911 = tpu.vector_load %arg17[%get3A_909, %get3A_910] {strides = array<i32>} : memref<256x48xf32, #tpu.memory_space<vmem>>, vector<16xf32>,
          %mul3A_912 = arith.mulf %get3A_911, %gather3A_890 : vector<16xf32>
          %swap3A_913 = arith.index_cast %add3A_894 : i32 to index
          %swap3A_914 = arith.constant 32 : index
          %swap3A_915 = tpu.vector_load %arg17[%swap3A_913, %swap3A_914] {strides = array<i32>} : memref<256x48xf32, #tpu.memory_space<vmem>>, vector<16xf32>,
          tpu.vector_store %arg17[%swap3A_913, %swap3A_914], %mul3A_912 {strides = array<i32>} : memref<256x48xf32, #tpu.memory_space<vmem>>, vector<16xf32>,
          %broadcast_in_dim3A_916 = arith.constant 9 : i32
          %broadcast_in_dim3A_917 = vector.broadcast %broadcast_in_dim3A_916 : i32 to vector<16xi32>
          %lt3A_918 = arith.constant 0 : i32
          %lt3A_919 = vector.broadcast %lt3A_918 : i32 to vector<16xi32>
          %lt3A_920 = arith.cmpi slt, %broadcast_in_dim3A_917, %lt3A_919 : vector<16xi32>
          %add3A_921 = arith.constant 16 : i32
          %add3A_922 = vector.broadcast %add3A_921 : i32 to vector<16xi32>
          %add3A_923 = arith.addi %broadcast_in_dim3A_917, %add3A_922 : vector<16xi32>
          %select_n3A_924 = arith.select %lt3A_920, %add3A_923, %broadcast_in_dim3A_917 : vector<16xi1>, vector<16xi32>
          %broadcast_in_dim3A_925 = vector.shape_cast %select_n3A_924 : vector<16xi32> to vector<16x1xi32>
          %gather3A_926 = vector.shape_cast %broadcast_in_dim3A_925 : vector<16x1xi32> to vector<16xi32>
          %gather3A_927 = tpu.dynamic_gather %get3A_584[%gather3A_926] in [0] : vector<16xf32>, vector<16xi32> -> vector<16xf32>
          %mul3A_928 = arith.constant 16 : i32
          %mul3A_929 = arith.muli %scan3A_577, %mul3A_928 : i32
          %add3A_930 = arith.constant 9 : i32
          %add3A_931 = arith.addi %mul3A_929, %add3A_930 : i32
          %get3A_932 = arith.index_cast %add3A_931 : i32 to index
          %get3A_933 = arith.constant 0 : index
          %get3A_934 = tpu.vector_load %arg17[%get3A_932, %get3A_933] {strides = array<i32>} : memref<256x48xf32, #tpu.memory_space<vmem>>, vector<16xf32>,
          %mul3A_935 = arith.mulf %get3A_934, %gather3A_927 : vector<16xf32>
          %swap3A_936 = arith.index_cast %add3A_931 : i32 to index
          %swap3A_937 = arith.constant 0 : index
          %swap3A_938 = tpu.vector_load %arg17[%swap3A_936, %swap3A_937] {strides = array<i32>} : memref<256x48xf32, #tpu.memory_space<vmem>>, vector<16xf32>,
          tpu.vector_store %arg17[%swap3A_936, %swap3A_937], %mul3A_935 {strides = array<i32>} : memref<256x48xf32, #tpu.memory_space<vmem>>, vector<16xf32>,
          %get3A_939 = arith.index_cast %add3A_931 : i32 to index
          %get3A_940 = arith.constant 16 : index
          %get3A_941 = tpu.vector_load %arg17[%get3A_939, %get3A_940] {strides = array<i32>} : memref<256x48xf32, #tpu.memory_space<vmem>>, vector<16xf32>,
          %mul3A_942 = arith.mulf %get3A_941, %gather3A_927 : vector<16xf32>
          %swap3A_943 = arith.index_cast %add3A_931 : i32 to index
          %swap3A_944 = arith.constant 16 : index
          %swap3A_945 = tpu.vector_load %arg17[%swap3A_943, %swap3A_944] {strides = array<i32>} : memref<256x48xf32, #tpu.memory_space<vmem>>, vector<16xf32>,
          tpu.vector_store %arg17[%swap3A_943, %swap3A_944], %mul3A_942 {strides = array<i32>} : memref<256x48xf32, #tpu.memory_space<vmem>>, vector<16xf32>,
          %get3A_946 = arith.index_cast %add3A_931 : i32 to index
          %get3A_947 = arith.constant 32 : index
          %get3A_948 = tpu.vector_load %arg17[%get3A_946, %get3A_947] {strides = array<i32>} : memref<256x48xf32, #tpu.memory_space<vmem>>, vector<16xf32>,
          %mul3A_949 = arith.mulf %get3A_948, %gather3A_927 : vector<16xf32>
          %swap3A_950 = arith.index_cast %add3A_931 : i32 to index
          %swap3A_951 = arith.constant 32 : index
          %swap3A_952 = tpu.vector_load %arg17[%swap3A_950, %swap3A_951] {strides = array<i32>} : memref<256x48xf32, #tpu.memory_space<vmem>>, vector<16xf32>,
          tpu.vector_store %arg17[%swap3A_950, %swap3A_951], %mul3A_949 {strides = array<i32>} : memref<256x48xf32, #tpu.memory_space<vmem>>, vector<16xf32>,
          %broadcast_in_dim3A_953 = arith.constant 10 : i32
          %broadcast_in_dim3A_954 = vector.broadcast %broadcast_in_dim3A_953 : i32 to vector<16xi32>
          %lt3A_955 = arith.constant 0 : i32
          %lt3A_956 = vector.broadcast %lt3A_955 : i32 to vector<16xi32>
          %lt3A_957 = arith.cmpi slt, %broadcast_in_dim3A_954, %lt3A_956 : vector<16xi32>
          %add3A_958 = arith.constant 16 : i32
          %add3A_959 = vector.broadcast %add3A_958 : i32 to vector<16xi32>
          %add3A_960 = arith.addi %broadcast_in_dim3A_954, %add3A_959 : vector<16xi32>
          %select_n3A_961 = arith.select %lt3A_957, %add3A_960, %broadcast_in_dim3A_954 : vector<16xi1>, vector<16xi32>
          %broadcast_in_dim3A_962 = vector.shape_cast %select_n3A_961 : vector<16xi32> to vector<16x1xi32>
          %gather3A_963 = vector.shape_cast %broadcast_in_dim3A_962 : vector<16x1xi32> to vector<16xi32>
          %gather3A_964 = tpu.dynamic_gather %get3A_584[%gather3A_963] in [0] : vector<16xf32>, vector<16xi32> -> vector<16xf32>
          %mul3A_965 = arith.constant 16 : i32
          %mul3A_966 = arith.muli %scan3A_577, %mul3A_965 : i32
          %add3A_967 = arith.constant 10 : i32
          %add3A_968 = arith.addi %mul3A_966, %add3A_967 : i32
          %get3A_969 = arith.index_cast %add3A_968 : i32 to index
          %get3A_970 = arith.constant 0 : index
          %get3A_971 = tpu.vector_load %arg17[%get3A_969, %get3A_970] {strides = array<i32>} : memref<256x48xf32, #tpu.memory_space<vmem>>, vector<16xf32>,
          %mul3A_972 = arith.mulf %get3A_971, %gather3A_964 : vector<16xf32>
          %swap3A_973 = arith.index_cast %add3A_968 : i32 to index
          %swap3A_974 = arith.constant 0 : index
          %swap3A_975 = tpu.vector_load %arg17[%swap3A_973, %swap3A_974] {strides = array<i32>} : memref<256x48xf32, #tpu.memory_space<vmem>>, vector<16xf32>,
          tpu.vector_store %arg17[%swap3A_973, %swap3A_974], %mul3A_972 {strides = array<i32>} : memref<256x48xf32, #tpu.memory_space<vmem>>, vector<16xf32>,
          %get3A_976 = arith.index_cast %add3A_968 : i32 to index
          %get3A_977 = arith.constant 16 : index
          %get3A_978 = tpu.vector_load %arg17[%get3A_976, %get3A_977] {strides = array<i32>} : memref<256x48xf32, #tpu.memory_space<vmem>>, vector<16xf32>,
          %mul3A_979 = arith.mulf %get3A_978, %gather3A_964 : vector<16xf32>
          %swap3A_980 = arith.index_cast %add3A_968 : i32 to index
          %swap3A_981 = arith.constant 16 : index
          %swap3A_982 = tpu.vector_load %arg17[%swap3A_980, %swap3A_981] {strides = array<i32>} : memref<256x48xf32, #tpu.memory_space<vmem>>, vector<16xf32>,
          tpu.vector_store %arg17[%swap3A_980, %swap3A_981], %mul3A_979 {strides = array<i32>} : memref<256x48xf32, #tpu.memory_space<vmem>>, vector<16xf32>,
          %get3A_983 = arith.index_cast %add3A_968 : i32 to index
          %get3A_984 = arith.constant 32 : index
          %get3A_985 = tpu.vector_load %arg17[%get3A_983, %get3A_984] {strides = array<i32>} : memref<256x48xf32, #tpu.memory_space<vmem>>, vector<16xf32>,
          %mul3A_986 = arith.mulf %get3A_985, %gather3A_964 : vector<16xf32>
          %swap3A_987 = arith.index_cast %add3A_968 : i32 to index
          %swap3A_988 = arith.constant 32 : index
          %swap3A_989 = tpu.vector_load %arg17[%swap3A_987, %swap3A_988] {strides = array<i32>} : memref<256x48xf32, #tpu.memory_space<vmem>>, vector<16xf32>,
          tpu.vector_store %arg17[%swap3A_987, %swap3A_988], %mul3A_986 {strides = array<i32>} : memref<256x48xf32, #tpu.memory_space<vmem>>, vector<16xf32>,
          %broadcast_in_dim3A_990 = arith.constant 11 : i32
          %broadcast_in_dim3A_991 = vector.broadcast %broadcast_in_dim3A_990 : i32 to vector<16xi32>
          %lt3A_992 = arith.constant 0 : i32
          %lt3A_993 = vector.broadcast %lt3A_992 : i32 to vector<16xi32>
          %lt3A_994 = arith.cmpi slt, %broadcast_in_dim3A_991, %lt3A_993 : vector<16xi32>
          %add3A_995 = arith.constant 16 : i32
          %add3A_996 = vector.broadcast %add3A_995 : i32 to vector<16xi32>
          %add3A_997 = arith.addi %broadcast_in_dim3A_991, %add3A_996 : vector<16xi32>
          %select_n3A_998 = arith.select %lt3A_994, %add3A_997, %broadcast_in_dim3A_991 : vector<16xi1>, vector<16xi32>
          %broadcast_in_dim3A_999 = vector.shape_cast %select_n3A_998 : vector<16xi32> to vector<16x1xi32>
          %gather3A_1000 = vector.shape_cast %broadcast_in_dim3A_999 : vector<16x1xi32> to vector<16xi32>
          %gather3A_1001 = tpu.dynamic_gather %get3A_584[%gather3A_1000] in [0] : vector<16xf32>, vector<16xi32> -> vector<16xf32>
          %mul3A_1002 = arith.constant 16 : i32
          %mul3A_1003 = arith.muli %scan3A_577, %mul3A_1002 : i32
          %add3A_1004 = arith.constant 11 : i32
          %add3A_1005 = arith.addi %mul3A_1003, %add3A_1004 : i32
          %get3A_1006 = arith.index_cast %add3A_1005 : i32 to index
          %get3A_1007 = arith.constant 0 : index
          %get3A_1008 = tpu.vector_load %arg17[%get3A_1006, %get3A_1007] {strides = array<i32>} : memref<256x48xf32, #tpu.memory_space<vmem>>, vector<16xf32>,
          %mul3A_1009 = arith.mulf %get3A_1008, %gather3A_1001 : vector<16xf32>
          %swap3A_1010 = arith.index_cast %add3A_1005 : i32 to index
          %swap3A_1011 = arith.constant 0 : index
          %swap3A_1012 = tpu.vector_load %arg17[%swap3A_1010, %swap3A_1011] {strides = array<i32>} : memref<256x48xf32, #tpu.memory_space<vmem>>, vector<16xf32>,
          tpu.vector_store %arg17[%swap3A_1010, %swap3A_1011], %mul3A_1009 {strides = array<i32>} : memref<256x48xf32, #tpu.memory_space<vmem>>, vector<16xf32>,
          %get3A_1013 = arith.index_cast %add3A_1005 : i32 to index
          %get3A_1014 = arith.constant 16 : index
          %get3A_1015 = tpu.vector_load %arg17[%get3A_1013, %get3A_1014] {strides = array<i32>} : memref<256x48xf32, #tpu.memory_space<vmem>>, vector<16xf32>,
          %mul3A_1016 = arith.mulf %get3A_1015, %gather3A_1001 : vector<16xf32>
          %swap3A_1017 = arith.index_cast %add3A_1005 : i32 to index
          %swap3A_1018 = arith.constant 16 : index
          %swap3A_1019 = tpu.vector_load %arg17[%swap3A_1017, %swap3A_1018] {strides = array<i32>} : memref<256x48xf32, #tpu.memory_space<vmem>>, vector<16xf32>,
          tpu.vector_store %arg17[%swap3A_1017, %swap3A_1018], %mul3A_1016 {strides = array<i32>} : memref<256x48xf32, #tpu.memory_space<vmem>>, vector<16xf32>,
          %get3A_1020 = arith.index_cast %add3A_1005 : i32 to index
          %get3A_1021 = arith.constant 32 : index
          %get3A_1022 = tpu.vector_load %arg17[%get3A_1020, %get3A_1021] {strides = array<i32>} : memref<256x48xf32, #tpu.memory_space<vmem>>, vector<16xf32>,
          %mul3A_1023 = arith.mulf %get3A_1022, %gather3A_1001 : vector<16xf32>
          %swap3A_1024 = arith.index_cast %add3A_1005 : i32 to index
          %swap3A_1025 = arith.constant 32 : index
          %swap3A_1026 = tpu.vector_load %arg17[%swap3A_1024, %swap3A_1025] {strides = array<i32>} : memref<256x48xf32, #tpu.memory_space<vmem>>, vector<16xf32>,
          tpu.vector_store %arg17[%swap3A_1024, %swap3A_1025], %mul3A_1023 {strides = array<i32>} : memref<256x48xf32, #tpu.memory_space<vmem>>, vector<16xf32>,
          %broadcast_in_dim3A_1027 = arith.constant 12 : i32
          %broadcast_in_dim3A_1028 = vector.broadcast %broadcast_in_dim3A_1027 : i32 to vector<16xi32>
          %lt3A_1029 = arith.constant 0 : i32
          %lt3A_1030 = vector.broadcast %lt3A_1029 : i32 to vector<16xi32>
          %lt3A_1031 = arith.cmpi slt, %broadcast_in_dim3A_1028, %lt3A_1030 : vector<16xi32>
          %add3A_1032 = arith.constant 16 : i32
          %add3A_1033 = vector.broadcast %add3A_1032 : i32 to vector<16xi32>
          %add3A_1034 = arith.addi %broadcast_in_dim3A_1028, %add3A_1033 : vector<16xi32>
          %select_n3A_1035 = arith.select %lt3A_1031, %add3A_1034, %broadcast_in_dim3A_1028 : vector<16xi1>, vector<16xi32>
          %broadcast_in_dim3A_1036 = vector.shape_cast %select_n3A_1035 : vector<16xi32> to vector<16x1xi32>
          %gather3A_1037 = vector.shape_cast %broadcast_in_dim3A_1036 : vector<16x1xi32> to vector<16xi32>
          %gather3A_1038 = tpu.dynamic_gather %get3A_584[%gather3A_1037] in [0] : vector<16xf32>, vector<16xi32> -> vector<16xf32>
          %mul3A_1039 = arith.constant 16 : i32
          %mul3A_1040 = arith.muli %scan3A_577, %mul3A_1039 : i32
          %add3A_1041 = arith.constant 12 : i32
          %add3A_1042 = arith.addi %mul3A_1040, %add3A_1041 : i32
          %get3A_1043 = arith.index_cast %add3A_1042 : i32 to index
          %get3A_1044 = arith.constant 0 : index
          %get3A_1045 = tpu.vector_load %arg17[%get3A_1043, %get3A_1044] {strides = array<i32>} : memref<256x48xf32, #tpu.memory_space<vmem>>, vector<16xf32>,
          %mul3A_1046 = arith.mulf %get3A_1045, %gather3A_1038 : vector<16xf32>
          %swap3A_1047 = arith.index_cast %add3A_1042 : i32 to index
          %swap3A_1048 = arith.constant 0 : index
          %swap3A_1049 = tpu.vector_load %arg17[%swap3A_1047, %swap3A_1048] {strides = array<i32>} : memref<256x48xf32, #tpu.memory_space<vmem>>, vector<16xf32>,
          tpu.vector_store %arg17[%swap3A_1047, %swap3A_1048], %mul3A_1046 {strides = array<i32>} : memref<256x48xf32, #tpu.memory_space<vmem>>, vector<16xf32>,
          %get3A_1050 = arith.index_cast %add3A_1042 : i32 to index
          %get3A_1051 = arith.constant 16 : index
          %get3A_1052 = tpu.vector_load %arg17[%get3A_1050, %get3A_1051] {strides = array<i32>} : memref<256x48xf32, #tpu.memory_space<vmem>>, vector<16xf32>,
          %mul3A_1053 = arith.mulf %get3A_1052, %gather3A_1038 : vector<16xf32>
          %swap3A_1054 = arith.index_cast %add3A_1042 : i32 to index
          %swap3A_1055 = arith.constant 16 : index
          %swap3A_1056 = tpu.vector_load %arg17[%swap3A_1054, %swap3A_1055] {strides = array<i32>} : memref<256x48xf32, #tpu.memory_space<vmem>>, vector<16xf32>,
          tpu.vector_store %arg17[%swap3A_1054, %swap3A_1055], %mul3A_1053 {strides = array<i32>} : memref<256x48xf32, #tpu.memory_space<vmem>>, vector<16xf32>,
          %get3A_1057 = arith.index_cast %add3A_1042 : i32 to index
          %get3A_1058 = arith.constant 32 : index
          %get3A_1059 = tpu.vector_load %arg17[%get3A_1057, %get3A_1058] {strides = array<i32>} : memref<256x48xf32, #tpu.memory_space<vmem>>, vector<16xf32>,
          %mul3A_1060 = arith.mulf %get3A_1059, %gather3A_1038 : vector<16xf32>
          %swap3A_1061 = arith.index_cast %add3A_1042 : i32 to index
          %swap3A_1062 = arith.constant 32 : index
          %swap3A_1063 = tpu.vector_load %arg17[%swap3A_1061, %swap3A_1062] {strides = array<i32>} : memref<256x48xf32, #tpu.memory_space<vmem>>, vector<16xf32>,
          tpu.vector_store %arg17[%swap3A_1061, %swap3A_1062], %mul3A_1060 {strides = array<i32>} : memref<256x48xf32, #tpu.memory_space<vmem>>, vector<16xf32>,
          %broadcast_in_dim3A_1064 = arith.constant 13 : i32
          %broadcast_in_dim3A_1065 = vector.broadcast %broadcast_in_dim3A_1064 : i32 to vector<16xi32>
          %lt3A_1066 = arith.constant 0 : i32
          %lt3A_1067 = vector.broadcast %lt3A_1066 : i32 to vector<16xi32>
          %lt3A_1068 = arith.cmpi slt, %broadcast_in_dim3A_1065, %lt3A_1067 : vector<16xi32>
          %add3A_1069 = arith.constant 16 : i32
          %add3A_1070 = vector.broadcast %add3A_1069 : i32 to vector<16xi32>
          %add3A_1071 = arith.addi %broadcast_in_dim3A_1065, %add3A_1070 : vector<16xi32>
          %select_n3A_1072 = arith.select %lt3A_1068, %add3A_1071, %broadcast_in_dim3A_1065 : vector<16xi1>, vector<16xi32>
          %broadcast_in_dim3A_1073 = vector.shape_cast %select_n3A_1072 : vector<16xi32> to vector<16x1xi32>
          %gather3A_1074 = vector.shape_cast %broadcast_in_dim3A_1073 : vector<16x1xi32> to vector<16xi32>
          %gather3A_1075 = tpu.dynamic_gather %get3A_584[%gather3A_1074] in [0] : vector<16xf32>, vector<16xi32> -> vector<16xf32>
          %mul3A_1076 = arith.constant 16 : i32
          %mul3A_1077 = arith.muli %scan3A_577, %mul3A_1076 : i32
          %add3A_1078 = arith.constant 13 : i32
          %add3A_1079 = arith.addi %mul3A_1077, %add3A_1078 : i32
          %get3A_1080 = arith.index_cast %add3A_1079 : i32 to index
          %get3A_1081 = arith.constant 0 : index
          %get3A_1082 = tpu.vector_load %arg17[%get3A_1080, %get3A_1081] {strides = array<i32>} : memref<256x48xf32, #tpu.memory_space<vmem>>, vector<16xf32>,
          %mul3A_1083 = arith.mulf %get3A_1082, %gather3A_1075 : vector<16xf32>
          %swap3A_1084 = arith.index_cast %add3A_1079 : i32 to index
          %swap3A_1085 = arith.constant 0 : index
          %swap3A_1086 = tpu.vector_load %arg17[%swap3A_1084, %swap3A_1085] {strides = array<i32>} : memref<256x48xf32, #tpu.memory_space<vmem>>, vector<16xf32>,
          tpu.vector_store %arg17[%swap3A_1084, %swap3A_1085], %mul3A_1083 {strides = array<i32>} : memref<256x48xf32, #tpu.memory_space<vmem>>, vector<16xf32>,
          %get3A_1087 = arith.index_cast %add3A_1079 : i32 to index
          %get3A_1088 = arith.constant 16 : index
          %get3A_1089 = tpu.vector_load %arg17[%get3A_1087, %get3A_1088] {strides = array<i32>} : memref<256x48xf32, #tpu.memory_space<vmem>>, vector<16xf32>,
          %mul3A_1090 = arith.mulf %get3A_1089, %gather3A_1075 : vector<16xf32>
          %swap3A_1091 = arith.index_cast %add3A_1079 : i32 to index
          %swap3A_1092 = arith.constant 16 : index
          %swap3A_1093 = tpu.vector_load %arg17[%swap3A_1091, %swap3A_1092] {strides = array<i32>} : memref<256x48xf32, #tpu.memory_space<vmem>>, vector<16xf32>,
          tpu.vector_store %arg17[%swap3A_1091, %swap3A_1092], %mul3A_1090 {strides = array<i32>} : memref<256x48xf32, #tpu.memory_space<vmem>>, vector<16xf32>,
          %get3A_1094 = arith.index_cast %add3A_1079 : i32 to index
          %get3A_1095 = arith.constant 32 : index
          %get3A_1096 = tpu.vector_load %arg17[%get3A_1094, %get3A_1095] {strides = array<i32>} : memref<256x48xf32, #tpu.memory_space<vmem>>, vector<16xf32>,
          %mul3A_1097 = arith.mulf %get3A_1096, %gather3A_1075 : vector<16xf32>
          %swap3A_1098 = arith.index_cast %add3A_1079 : i32 to index
          %swap3A_1099 = arith.constant 32 : index
          %swap3A_1100 = tpu.vector_load %arg17[%swap3A_1098, %swap3A_1099] {strides = array<i32>} : memref<256x48xf32, #tpu.memory_space<vmem>>, vector<16xf32>,
          tpu.vector_store %arg17[%swap3A_1098, %swap3A_1099], %mul3A_1097 {strides = array<i32>} : memref<256x48xf32, #tpu.memory_space<vmem>>, vector<16xf32>,
          %broadcast_in_dim3A_1101 = arith.constant 14 : i32
          %broadcast_in_dim3A_1102 = vector.broadcast %broadcast_in_dim3A_1101 : i32 to vector<16xi32>
          %lt3A_1103 = arith.constant 0 : i32
          %lt3A_1104 = vector.broadcast %lt3A_1103 : i32 to vector<16xi32>
          %lt3A_1105 = arith.cmpi slt, %broadcast_in_dim3A_1102, %lt3A_1104 : vector<16xi32>
          %add3A_1106 = arith.constant 16 : i32
          %add3A_1107 = vector.broadcast %add3A_1106 : i32 to vector<16xi32>
          %add3A_1108 = arith.addi %broadcast_in_dim3A_1102, %add3A_1107 : vector<16xi32>
          %select_n3A_1109 = arith.select %lt3A_1105, %add3A_1108, %broadcast_in_dim3A_1102 : vector<16xi1>, vector<16xi32>
          %broadcast_in_dim3A_1110 = vector.shape_cast %select_n3A_1109 : vector<16xi32> to vector<16x1xi32>
          %gather3A_1111 = vector.shape_cast %broadcast_in_dim3A_1110 : vector<16x1xi32> to vector<16xi32>
          %gather3A_1112 = tpu.dynamic_gather %get3A_584[%gather3A_1111] in [0] : vector<16xf32>, vector<16xi32> -> vector<16xf32>
          %mul3A_1113 = arith.constant 16 : i32
          %mul3A_1114 = arith.muli %scan3A_577, %mul3A_1113 : i32
          %add3A_1115 = arith.constant 14 : i32
          %add3A_1116 = arith.addi %mul3A_1114, %add3A_1115 : i32
          %get3A_1117 = arith.index_cast %add3A_1116 : i32 to index
          %get3A_1118 = arith.constant 0 : index
          %get3A_1119 = tpu.vector_load %arg17[%get3A_1117, %get3A_1118] {strides = array<i32>} : memref<256x48xf32, #tpu.memory_space<vmem>>, vector<16xf32>,
          %mul3A_1120 = arith.mulf %get3A_1119, %gather3A_1112 : vector<16xf32>
          %swap3A_1121 = arith.index_cast %add3A_1116 : i32 to index
          %swap3A_1122 = arith.constant 0 : index
          %swap3A_1123 = tpu.vector_load %arg17[%swap3A_1121, %swap3A_1122] {strides = array<i32>} : memref<256x48xf32, #tpu.memory_space<vmem>>, vector<16xf32>,
          tpu.vector_store %arg17[%swap3A_1121, %swap3A_1122], %mul3A_1120 {strides = array<i32>} : memref<256x48xf32, #tpu.memory_space<vmem>>, vector<16xf32>,
          %get3A_1124 = arith.index_cast %add3A_1116 : i32 to index
          %get3A_1125 = arith.constant 16 : index
          %get3A_1126 = tpu.vector_load %arg17[%get3A_1124, %get3A_1125] {strides = array<i32>} : memref<256x48xf32, #tpu.memory_space<vmem>>, vector<16xf32>,
          %mul3A_1127 = arith.mulf %get3A_1126, %gather3A_1112 : vector<16xf32>
          %swap3A_1128 = arith.index_cast %add3A_1116 : i32 to index
          %swap3A_1129 = arith.constant 16 : index
          %swap3A_1130 = tpu.vector_load %arg17[%swap3A_1128, %swap3A_1129] {strides = array<i32>} : memref<256x48xf32, #tpu.memory_space<vmem>>, vector<16xf32>,
          tpu.vector_store %arg17[%swap3A_1128, %swap3A_1129], %mul3A_1127 {strides = array<i32>} : memref<256x48xf32, #tpu.memory_space<vmem>>, vector<16xf32>,
          %get3A_1131 = arith.index_cast %add3A_1116 : i32 to index
          %get3A_1132 = arith.constant 32 : index
          %get3A_1133 = tpu.vector_load %arg17[%get3A_1131, %get3A_1132] {strides = array<i32>} : memref<256x48xf32, #tpu.memory_space<vmem>>, vector<16xf32>,
          %mul3A_1134 = arith.mulf %get3A_1133, %gather3A_1112 : vector<16xf32>
          %swap3A_1135 = arith.index_cast %add3A_1116 : i32 to index
          %swap3A_1136 = arith.constant 32 : index
          %swap3A_1137 = tpu.vector_load %arg17[%swap3A_1135, %swap3A_1136] {strides = array<i32>} : memref<256x48xf32, #tpu.memory_space<vmem>>, vector<16xf32>,
          tpu.vector_store %arg17[%swap3A_1135, %swap3A_1136], %mul3A_1134 {strides = array<i32>} : memref<256x48xf32, #tpu.memory_space<vmem>>, vector<16xf32>,
          %broadcast_in_dim3A_1138 = arith.constant 15 : i32
          %broadcast_in_dim3A_1139 = vector.broadcast %broadcast_in_dim3A_1138 : i32 to vector<16xi32>
          %lt3A_1140 = arith.constant 0 : i32
          %lt3A_1141 = vector.broadcast %lt3A_1140 : i32 to vector<16xi32>
          %lt3A_1142 = arith.cmpi slt, %broadcast_in_dim3A_1139, %lt3A_1141 : vector<16xi32>
          %add3A_1143 = arith.constant 16 : i32
          %add3A_1144 = vector.broadcast %add3A_1143 : i32 to vector<16xi32>
          %add3A_1145 = arith.addi %broadcast_in_dim3A_1139, %add3A_1144 : vector<16xi32>
          %select_n3A_1146 = arith.select %lt3A_1142, %add3A_1145, %broadcast_in_dim3A_1139 : vector<16xi1>, vector<16xi32>
          %broadcast_in_dim3A_1147 = vector.shape_cast %select_n3A_1146 : vector<16xi32> to vector<16x1xi32>
          %gather3A_1148 = vector.shape_cast %broadcast_in_dim3A_1147 : vector<16x1xi32> to vector<16xi32>
          %gather3A_1149 = tpu.dynamic_gather %get3A_584[%gather3A_1148] in [0] : vector<16xf32>, vector<16xi32> -> vector<16xf32>
          %mul3A_1150 = arith.constant 16 : i32
          %mul3A_1151 = arith.muli %scan3A_577, %mul3A_1150 : i32
          %add3A_1152 = arith.constant 15 : i32
          %add3A_1153 = arith.addi %mul3A_1151, %add3A_1152 : i32
          %get3A_1154 = arith.index_cast %add3A_1153 : i32 to index
          %get3A_1155 = arith.constant 0 : index
          %get3A_1156 = tpu.vector_load %arg17[%get3A_1154, %get3A_1155] {strides = array<i32>} : memref<256x48xf32, #tpu.memory_space<vmem>>, vector<16xf32>,
          %mul3A_1157 = arith.mulf %get3A_1156, %gather3A_1149 : vector<16xf32>
          %swap3A_1158 = arith.index_cast %add3A_1153 : i32 to index
          %swap3A_1159 = arith.constant 0 : index
          %swap3A_1160 = tpu.vector_load %arg17[%swap3A_1158, %swap3A_1159] {strides = array<i32>} : memref<256x48xf32, #tpu.memory_space<vmem>>, vector<16xf32>,
          tpu.vector_store %arg17[%swap3A_1158, %swap3A_1159], %mul3A_1157 {strides = array<i32>} : memref<256x48xf32, #tpu.memory_space<vmem>>, vector<16xf32>,
          %get3A_1161 = arith.index_cast %add3A_1153 : i32 to index
          %get3A_1162 = arith.constant 16 : index
          %get3A_1163 = tpu.vector_load %arg17[%get3A_1161, %get3A_1162] {strides = array<i32>} : memref<256x48xf32, #tpu.memory_space<vmem>>, vector<16xf32>,
          %mul3A_1164 = arith.mulf %get3A_1163, %gather3A_1149 : vector<16xf32>
          %swap3A_1165 = arith.index_cast %add3A_1153 : i32 to index
          %swap3A_1166 = arith.constant 16 : index
          %swap3A_1167 = tpu.vector_load %arg17[%swap3A_1165, %swap3A_1166] {strides = array<i32>} : memref<256x48xf32, #tpu.memory_space<vmem>>, vector<16xf32>,
          tpu.vector_store %arg17[%swap3A_1165, %swap3A_1166], %mul3A_1164 {strides = array<i32>} : memref<256x48xf32, #tpu.memory_space<vmem>>, vector<16xf32>,
          %get3A_1168 = arith.index_cast %add3A_1153 : i32 to index
          %get3A_1169 = arith.constant 32 : index
          %get3A_1170 = tpu.vector_load %arg17[%get3A_1168, %get3A_1169] {strides = array<i32>} : memref<256x48xf32, #tpu.memory_space<vmem>>, vector<16xf32>,
          %mul3A_1171 = arith.mulf %get3A_1170, %gather3A_1149 : vector<16xf32>
          %swap3A_1172 = arith.index_cast %add3A_1153 : i32 to index
          %swap3A_1173 = arith.constant 32 : index
          %swap3A_1174 = tpu.vector_load %arg17[%swap3A_1172, %swap3A_1173] {strides = array<i32>} : memref<256x48xf32, #tpu.memory_space<vmem>>, vector<16xf32>,
          tpu.vector_store %arg17[%swap3A_1172, %swap3A_1173], %mul3A_1171 {strides = array<i32>} : memref<256x48xf32, #tpu.memory_space<vmem>>, vector<16xf32>,
        }
        %scan3A_544 = arith.constant 16 : i32
        %mul3A_545 = arith.constant 2 : i32
        %mul3A_546 = arith.muli %scan3A_454, %mul3A_545 : i32
        %add3A_547 = arith.constant 1 : i32
        %add3A_548 = arith.addi %mul3A_546, %add3A_547 : i32
        %mul3A_549 = arith.constant 2 : i32
        %mul3A_550 = arith.muli %add3A_548, %mul3A_549 : i32
        %add3A_551 = arith.constant 0 : i32
        %add3A_552 = arith.addi %mul3A_550, %add3A_551 : i32
        %dma_start3A_553 = arith.constant 0 : i32
        %dma_start3A_554 = arith.constant 0 : i32
        %dma_start3A_555 = tpu.memref_slice %arg17[%dma_start3A_553, %dma_start3A_554] : memref<256x48xf32, #tpu.memory_space<vmem>> -> memref<128x48xf32, #tpu.memory_space<vmem>>
        %dma_start3A_556 = arith.constant 0 : i32
        %dma_start3A_557 = tpu.memref_slice %arg12[%add3A_552, %dma_start3A_556] : memref<160x128xi32, #tpu.memory_space<vmem>> -> memref<1x128xi32, #tpu.memory_space<vmem>>
        %dma_start3A_558 = tpu.memref_squeeze %dma_start3A_557 : memref<1x128xi32, #tpu.memory_space<vmem>> -> memref<128xi32, #tpu.memory_space<vmem>>
        %dma_start3A_559 = arith.constant 0 : i32
        %dma_start3A_560 = arith.constant 0 : i32
        %dma_start3A_561 = tpu.memref_slice %arg10[%dma_start3A_559, %dma_start3A_560] : memref<10240x48xf32, #tpu.memory_space<vmem_shared>> -> memref<10240x48xf32, #tpu.memory_space<vmem_shared>>
        tpu.enqueue_indirect_dma source(%dma_start3A_555 : memref<128x48xf32, #tpu.memory_space<vmem>>) target(%dma_start3A_561 : memref<10240x48xf32, #tpu.memory_space<vmem_shared>>) offsets(%dma_start3A_558 : memref<128xi32, #tpu.memory_space<vmem>>) semaphore(%arg21 : memref<!tpu.dma_semaphore, #tpu.memory_space<semaphore_mem>>) {add = true}
        %mul3A_562 = arith.constant 2 : i32
        %mul3A_563 = arith.muli %add3A_548, %mul3A_562 : i32
        %add3A_564 = arith.constant 1 : i32
        %add3A_565 = arith.addi %mul3A_563, %add3A_564 : i32
        %dma_start3A_566 = arith.constant 128 : i32
        %dma_start3A_567 = arith.constant 0 : i32
        %dma_start3A_568 = tpu.memref_slice %arg17[%dma_start3A_566, %dma_start3A_567] : memref<256x48xf32, #tpu.memory_space<vmem>> -> memref<128x48xf32, #tpu.memory_space<vmem>>
        %dma_start3A_569 = arith.constant 0 : i32
        %dma_start3A_570 = tpu.memref_slice %arg12[%add3A_565, %dma_start3A_569] : memref<160x128xi32, #tpu.memory_space<vmem>> -> memref<1x128xi32, #tpu.memory_space<vmem>>
        %dma_start3A_571 = tpu.memref_squeeze %dma_start3A_570 : memref<1x128xi32, #tpu.memory_space<vmem>> -> memref<128xi32, #tpu.memory_space<vmem>>
        %dma_start3A_572 = arith.constant 0 : i32
        %dma_start3A_573 = arith.constant 0 : i32
        %dma_start3A_574 = tpu.memref_slice %arg10[%dma_start3A_572, %dma_start3A_573] : memref<10240x48xf32, #tpu.memory_space<vmem_shared>> -> memref<10240x48xf32, #tpu.memory_space<vmem_shared>>
        tpu.enqueue_indirect_dma source(%dma_start3A_568 : memref<128x48xf32, #tpu.memory_space<vmem>>) target(%dma_start3A_574 : memref<10240x48xf32, #tpu.memory_space<vmem_shared>>) offsets(%dma_start3A_571 : memref<128xi32, #tpu.memory_space<vmem>>) semaphore(%arg21 : memref<!tpu.dma_semaphore, #tpu.memory_space<semaphore_mem>>) {add = true}
        %lt3A = arith.constant 39 : i32
        %lt3A_575 = arith.cmpi slt, %scan3A_454, %lt3A : i32
        %convert_element_type3A = arith.extui %lt3A_575 : i1 to i32
        %cond3A = arith.constant 0 : i32
        %cond3A_576 = arith.cmpi ne, %convert_element_type3A, %cond3A : i32
        scf.if %cond3A_576 {
          %dma_wait3A_577 = arith.constant 0 : i32
          %dma_wait3A_578 = arith.constant 0 : i32
          %dma_wait3A_579 = arith.constant 0 : i32
          %dma_wait3A_580 = tpu.memref_slice %arg16[%dma_wait3A_578, %dma_wait3A_579] : memref<256x48xf32, #tpu.memory_space<vmem>> -> memref<128x48xf32, #tpu.memory_space<vmem>>
          %dma_wait3A_581 = arith.constant 0 : i32
          %dma_wait3A_582 = tpu.memref_slice %arg12[%dma_wait3A_577, %dma_wait3A_581] : memref<160x128xi32, #tpu.memory_space<vmem>> -> memref<1x128xi32, #tpu.memory_space<vmem>>
          %dma_wait3A_583 = tpu.memref_squeeze %dma_wait3A_582 : memref<1x128xi32, #tpu.memory_space<vmem>> -> memref<128xi32, #tpu.memory_space<vmem>>
          %dma_wait3A_584 = arith.constant 0 : i32
          %dma_wait3A_585 = arith.constant 0 : i32
          %dma_wait3A_586 = tpu.memref_slice %arg10[%dma_wait3A_584, %dma_wait3A_585] : memref<10240x48xf32, #tpu.memory_space<vmem_shared>> -> memref<10240x48xf32, #tpu.memory_space<vmem_shared>>
          tpu.wait_indirect_dma semaphore(%arg21 : memref<!tpu.dma_semaphore, #tpu.memory_space<semaphore_mem>>) src(%dma_wait3A_580 : memref<128x48xf32, #tpu.memory_space<vmem>>) dst(%dma_wait3A_586 : memref<10240x48xf32, #tpu.memory_space<vmem_shared>>)
          %dma_wait3A_587 = arith.constant 0 : i32
          %dma_wait3A_588 = arith.constant 128 : i32
          %dma_wait3A_589 = arith.constant 0 : i32
          %dma_wait3A_590 = tpu.memref_slice %arg16[%dma_wait3A_588, %dma_wait3A_589] : memref<256x48xf32, #tpu.memory_space<vmem>> -> memref<128x48xf32, #tpu.memory_space<vmem>>
          %dma_wait3A_591 = arith.constant 0 : i32
          %dma_wait3A_592 = tpu.memref_slice %arg12[%dma_wait3A_587, %dma_wait3A_591] : memref<160x128xi32, #tpu.memory_space<vmem>> -> memref<1x128xi32, #tpu.memory_space<vmem>>
          %dma_wait3A_593 = tpu.memref_squeeze %dma_wait3A_592 : memref<1x128xi32, #tpu.memory_space<vmem>> -> memref<128xi32, #tpu.memory_space<vmem>>
          %dma_wait3A_594 = arith.constant 0 : i32
          %dma_wait3A_595 = arith.constant 0 : i32
          %dma_wait3A_596 = tpu.memref_slice %arg10[%dma_wait3A_594, %dma_wait3A_595] : memref<10240x48xf32, #tpu.memory_space<vmem_shared>> -> memref<10240x48xf32, #tpu.memory_space<vmem_shared>>
          tpu.wait_indirect_dma semaphore(%arg21 : memref<!tpu.dma_semaphore, #tpu.memory_space<semaphore_mem>>) src(%dma_wait3A_590 : memref<128x48xf32, #tpu.memory_space<vmem>>) dst(%dma_wait3A_596 : memref<10240x48xf32, #tpu.memory_space<vmem_shared>>)
          %mul3A_597 = arith.constant 2 : i32
          %mul3A_598 = arith.muli %scan3A_454, %mul3A_597 : i32
          %add3A_599 = arith.constant 0 : i32
          %add3A_600 = arith.addi %mul3A_598, %add3A_599 : i32
          %add3A_601 = arith.constant 2 : i32
          %add3A_602 = arith.addi %add3A_600, %add3A_601 : i32
          %mul3A_603 = arith.constant 2 : i32
          %mul3A_604 = arith.muli %add3A_602, %mul3A_603 : i32
          %add3A_605 = arith.constant 0 : i32
          %add3A_606 = arith.addi %mul3A_604, %add3A_605 : i32
          %get3A_607 = arith.index_cast %add3A_606 : i32 to index
          %get3A_608 = arith.constant 0 : index
          %get3A_609 = tpu.vector_load %arg11[%get3A_607, %get3A_608] {strides = array<i32>} : memref<160x128xi32, #tpu.memory_space<vmem>>, vector<16xi32>,
          %add3A_610 = vector.broadcast %mul3A_32 : i32 to vector<16xi32>
          %add3A_611 = arith.addi %get3A_609, %add3A_610 : vector<16xi32>
          %swap3A_612 = arith.constant 0 : i32
          %swap3A_613 = arith.index_cast %swap3A_612 : i32 to index
          %swap3A_614 = arith.constant 0 : index
          %swap3A_615 = tpu.vector_load %arg18[%swap3A_613, %swap3A_614] {strides = array<i32>} : memref<2x128xi32, #tpu.memory_space<vmem>>, vector<16xi32>,
          tpu.vector_store %arg18[%swap3A_613, %swap3A_614], %add3A_611 {strides = array<i32>} : memref<2x128xi32, #tpu.memory_space<vmem>>, vector<16xi32>,
          %mul3A_616 = arith.constant 2 : i32
          %mul3A_617 = arith.muli %add3A_602, %mul3A_616 : i32
          %add3A_618 = arith.constant 0 : i32
          %add3A_619 = arith.addi %mul3A_617, %add3A_618 : i32
          %get3A_620 = arith.index_cast %add3A_619 : i32 to index
          %get3A_621 = arith.constant 16 : index
          %get3A_622 = tpu.vector_load %arg11[%get3A_620, %get3A_621] {strides = array<i32>} : memref<160x128xi32, #tpu.memory_space<vmem>>, vector<16xi32>,
          %add3A_623 = vector.broadcast %mul3A_32 : i32 to vector<16xi32>
          %add3A_624 = arith.addi %get3A_622, %add3A_623 : vector<16xi32>
          %swap3A_625 = arith.constant 0 : i32
          %swap3A_626 = arith.index_cast %swap3A_625 : i32 to index
          %swap3A_627 = arith.constant 16 : index
          %swap3A_628 = tpu.vector_load %arg18[%swap3A_626, %swap3A_627] {strides = array<i32>} : memref<2x128xi32, #tpu.memory_space<vmem>>, vector<16xi32>,
          tpu.vector_store %arg18[%swap3A_626, %swap3A_627], %add3A_624 {strides = array<i32>} : memref<2x128xi32, #tpu.memory_space<vmem>>, vector<16xi32>,
          %mul3A_629 = arith.constant 2 : i32
          %mul3A_630 = arith.muli %add3A_602, %mul3A_629 : i32
          %add3A_631 = arith.constant 0 : i32
          %add3A_632 = arith.addi %mul3A_630, %add3A_631 : i32
          %get3A_633 = arith.index_cast %add3A_632 : i32 to index
          %get3A_634 = arith.constant 32 : index
          %get3A_635 = tpu.vector_load %arg11[%get3A_633, %get3A_634] {strides = array<i32>} : memref<160x128xi32, #tpu.memory_space<vmem>>, vector<16xi32>,
          %add3A_636 = vector.broadcast %mul3A_32 : i32 to vector<16xi32>
          %add3A_637 = arith.addi %get3A_635, %add3A_636 : vector<16xi32>
          %swap3A_638 = arith.constant 0 : i32
          %swap3A_639 = arith.index_cast %swap3A_638 : i32 to index
          %swap3A_640 = arith.constant 32 : index
          %swap3A_641 = tpu.vector_load %arg18[%swap3A_639, %swap3A_640] {strides = array<i32>} : memref<2x128xi32, #tpu.memory_space<vmem>>, vector<16xi32>,
          tpu.vector_store %arg18[%swap3A_639, %swap3A_640], %add3A_637 {strides = array<i32>} : memref<2x128xi32, #tpu.memory_space<vmem>>, vector<16xi32>,
          %mul3A_642 = arith.constant 2 : i32
          %mul3A_643 = arith.muli %add3A_602, %mul3A_642 : i32
          %add3A_644 = arith.constant 0 : i32
          %add3A_645 = arith.addi %mul3A_643, %add3A_644 : i32
          %get3A_646 = arith.index_cast %add3A_645 : i32 to index
          %get3A_647 = arith.constant 48 : index
          %get3A_648 = tpu.vector_load %arg11[%get3A_646, %get3A_647] {strides = array<i32>} : memref<160x128xi32, #tpu.memory_space<vmem>>, vector<16xi32>,
          %add3A_649 = vector.broadcast %mul3A_32 : i32 to vector<16xi32>
          %add3A_650 = arith.addi %get3A_648, %add3A_649 : vector<16xi32>
          %swap3A_651 = arith.constant 0 : i32
          %swap3A_652 = arith.index_cast %swap3A_651 : i32 to index
          %swap3A_653 = arith.constant 48 : index
          %swap3A_654 = tpu.vector_load %arg18[%swap3A_652, %swap3A_653] {strides = array<i32>} : memref<2x128xi32, #tpu.memory_space<vmem>>, vector<16xi32>,
          tpu.vector_store %arg18[%swap3A_652, %swap3A_653], %add3A_650 {strides = array<i32>} : memref<2x128xi32, #tpu.memory_space<vmem>>, vector<16xi32>,
          %mul3A_655 = arith.constant 2 : i32
          %mul3A_656 = arith.muli %add3A_602, %mul3A_655 : i32
          %add3A_657 = arith.constant 0 : i32
          %add3A_658 = arith.addi %mul3A_656, %add3A_657 : i32
          %get3A_659 = arith.index_cast %add3A_658 : i32 to index
          %get3A_660 = arith.constant 64 : index
          %get3A_661 = tpu.vector_load %arg11[%get3A_659, %get3A_660] {strides = array<i32>} : memref<160x128xi32, #tpu.memory_space<vmem>>, vector<16xi32>,
          %add3A_662 = vector.broadcast %mul3A_32 : i32 to vector<16xi32>
          %add3A_663 = arith.addi %get3A_661, %add3A_662 : vector<16xi32>
          %swap3A_664 = arith.constant 0 : i32
          %swap3A_665 = arith.index_cast %swap3A_664 : i32 to index
          %swap3A_666 = arith.constant 64 : index
          %swap3A_667 = tpu.vector_load %arg18[%swap3A_665, %swap3A_666] {strides = array<i32>} : memref<2x128xi32, #tpu.memory_space<vmem>>, vector<16xi32>,
          tpu.vector_store %arg18[%swap3A_665, %swap3A_666], %add3A_663 {strides = array<i32>} : memref<2x128xi32, #tpu.memory_space<vmem>>, vector<16xi32>,
          %mul3A_668 = arith.constant 2 : i32
          %mul3A_669 = arith.muli %add3A_602, %mul3A_668 : i32
          %add3A_670 = arith.constant 0 : i32
          %add3A_671 = arith.addi %mul3A_669, %add3A_670 : i32
          %get3A_672 = arith.index_cast %add3A_671 : i32 to index
          %get3A_673 = arith.constant 80 : index
          %get3A_674 = tpu.vector_load %arg11[%get3A_672, %get3A_673] {strides = array<i32>} : memref<160x128xi32, #tpu.memory_space<vmem>>, vector<16xi32>,
          %add3A_675 = vector.broadcast %mul3A_32 : i32 to vector<16xi32>
          %add3A_676 = arith.addi %get3A_674, %add3A_675 : vector<16xi32>
          %swap3A_677 = arith.constant 0 : i32
          %swap3A_678 = arith.index_cast %swap3A_677 : i32 to index
          %swap3A_679 = arith.constant 80 : index
          %swap3A_680 = tpu.vector_load %arg18[%swap3A_678, %swap3A_679] {strides = array<i32>} : memref<2x128xi32, #tpu.memory_space<vmem>>, vector<16xi32>,
          tpu.vector_store %arg18[%swap3A_678, %swap3A_679], %add3A_676 {strides = array<i32>} : memref<2x128xi32, #tpu.memory_space<vmem>>, vector<16xi32>,
          %mul3A_681 = arith.constant 2 : i32
          %mul3A_682 = arith.muli %add3A_602, %mul3A_681 : i32
          %add3A_683 = arith.constant 0 : i32
          %add3A_684 = arith.addi %mul3A_682, %add3A_683 : i32
          %get3A_685 = arith.index_cast %add3A_684 : i32 to index
          %get3A_686 = arith.constant 96 : index
          %get3A_687 = tpu.vector_load %arg11[%get3A_685, %get3A_686] {strides = array<i32>} : memref<160x128xi32, #tpu.memory_space<vmem>>, vector<16xi32>,
          %add3A_688 = vector.broadcast %mul3A_32 : i32 to vector<16xi32>
          %add3A_689 = arith.addi %get3A_687, %add3A_688 : vector<16xi32>
          %swap3A_690 = arith.constant 0 : i32
          %swap3A_691 = arith.index_cast %swap3A_690 : i32 to index
          %swap3A_692 = arith.constant 96 : index
          %swap3A_693 = tpu.vector_load %arg18[%swap3A_691, %swap3A_692] {strides = array<i32>} : memref<2x128xi32, #tpu.memory_space<vmem>>, vector<16xi32>,
          tpu.vector_store %arg18[%swap3A_691, %swap3A_692], %add3A_689 {strides = array<i32>} : memref<2x128xi32, #tpu.memory_space<vmem>>, vector<16xi32>,
          %mul3A_694 = arith.constant 2 : i32
          %mul3A_695 = arith.muli %add3A_602, %mul3A_694 : i32
          %add3A_696 = arith.constant 0 : i32
          %add3A_697 = arith.addi %mul3A_695, %add3A_696 : i32
          %get3A_698 = arith.index_cast %add3A_697 : i32 to index
          %get3A_699 = arith.constant 112 : index
          %get3A_700 = tpu.vector_load %arg11[%get3A_698, %get3A_699] {strides = array<i32>} : memref<160x128xi32, #tpu.memory_space<vmem>>, vector<16xi32>,
          %add3A_701 = vector.broadcast %mul3A_32 : i32 to vector<16xi32>
          %add3A_702 = arith.addi %get3A_700, %add3A_701 : vector<16xi32>
          %swap3A_703 = arith.constant 0 : i32
          %swap3A_704 = arith.index_cast %swap3A_703 : i32 to index
          %swap3A_705 = arith.constant 112 : index
          %swap3A_706 = tpu.vector_load %arg18[%swap3A_704, %swap3A_705] {strides = array<i32>} : memref<2x128xi32, #tpu.memory_space<vmem>>, vector<16xi32>,
          tpu.vector_store %arg18[%swap3A_704, %swap3A_705], %add3A_702 {strides = array<i32>} : memref<2x128xi32, #tpu.memory_space<vmem>>, vector<16xi32>,
          %dma_start3A_707 = arith.constant 0 : i32
          %dma_start3A_708 = arith.constant 0 : i32
          %dma_start3A_709 = arith.constant 0 : i32
          %dma_start3A_710 = tpu.memref_slice %arg16[%dma_start3A_708, %dma_start3A_709] : memref<256x48xf32, #tpu.memory_space<vmem>> -> memref<128x48xf32, #tpu.memory_space<vmem>>
          %dma_start3A_711 = arith.constant 0 : i32
          %dma_start3A_712 = tpu.memref_slice %arg18[%dma_start3A_707, %dma_start3A_711] : memref<2x128xi32, #tpu.memory_space<vmem>> -> memref<1x128xi32, #tpu.memory_space<vmem>>
          %dma_start3A_713 = tpu.memref_squeeze %dma_start3A_712 : memref<1x128xi32, #tpu.memory_space<vmem>> -> memref<128xi32, #tpu.memory_space<vmem>>
          %dma_start3A_714 = arith.constant 0 : i32
          %dma_start3A_715 = arith.constant 0 : i32
          %dma_start3A_716 = tpu.memref_slice %arg8[%dma_start3A_714, %dma_start3A_715] : memref<71680x48xf32, #tpu.memory_space<hbm>> -> memref<71680x48xf32, #tpu.memory_space<hbm>>
          tpu.enqueue_indirect_dma source(%dma_start3A_716 : memref<71680x48xf32, #tpu.memory_space<hbm>>) target(%dma_start3A_710 : memref<128x48xf32, #tpu.memory_space<vmem>>) offsets(%dma_start3A_713 : memref<128xi32, #tpu.memory_space<vmem>>) semaphore(%arg20 : memref<!tpu.dma_semaphore, #tpu.memory_space<semaphore_mem>>)
          %mul3A_717 = arith.constant 2 : i32
          %mul3A_718 = arith.muli %add3A_602, %mul3A_717 : i32
          %add3A_719 = arith.constant 1 : i32
          %add3A_720 = arith.addi %mul3A_718, %add3A_719 : i32
          %get3A_721 = arith.index_cast %add3A_720 : i32 to index
          %get3A_722 = arith.constant 0 : index
          %get3A_723 = tpu.vector_load %arg11[%get3A_721, %get3A_722] {strides = array<i32>} : memref<160x128xi32, #tpu.memory_space<vmem>>, vector<16xi32>,
          %add3A_724 = vector.broadcast %mul3A_32 : i32 to vector<16xi32>
          %add3A_725 = arith.addi %get3A_723, %add3A_724 : vector<16xi32>
          %swap3A_726 = arith.constant 1 : i32
          %swap3A_727 = arith.index_cast %swap3A_726 : i32 to index
          %swap3A_728 = arith.constant 0 : index
          %swap3A_729 = tpu.vector_load %arg18[%swap3A_727, %swap3A_728] {strides = array<i32>} : memref<2x128xi32, #tpu.memory_space<vmem>>, vector<16xi32>,
          tpu.vector_store %arg18[%swap3A_727, %swap3A_728], %add3A_725 {strides = array<i32>} : memref<2x128xi32, #tpu.memory_space<vmem>>, vector<16xi32>,
          %mul3A_730 = arith.constant 2 : i32
          %mul3A_731 = arith.muli %add3A_602, %mul3A_730 : i32
          %add3A_732 = arith.constant 1 : i32
          %add3A_733 = arith.addi %mul3A_731, %add3A_732 : i32
          %get3A_734 = arith.index_cast %add3A_733 : i32 to index
          %get3A_735 = arith.constant 16 : index
          %get3A_736 = tpu.vector_load %arg11[%get3A_734, %get3A_735] {strides = array<i32>} : memref<160x128xi32, #tpu.memory_space<vmem>>, vector<16xi32>,
          %add3A_737 = vector.broadcast %mul3A_32 : i32 to vector<16xi32>
          %add3A_738 = arith.addi %get3A_736, %add3A_737 : vector<16xi32>
          %swap3A_739 = arith.constant 1 : i32
          %swap3A_740 = arith.index_cast %swap3A_739 : i32 to index
          %swap3A_741 = arith.constant 16 : index
          %swap3A_742 = tpu.vector_load %arg18[%swap3A_740, %swap3A_741] {strides = array<i32>} : memref<2x128xi32, #tpu.memory_space<vmem>>, vector<16xi32>,
          tpu.vector_store %arg18[%swap3A_740, %swap3A_741], %add3A_738 {strides = array<i32>} : memref<2x128xi32, #tpu.memory_space<vmem>>, vector<16xi32>,
          %mul3A_743 = arith.constant 2 : i32
          %mul3A_744 = arith.muli %add3A_602, %mul3A_743 : i32
          %add3A_745 = arith.constant 1 : i32
          %add3A_746 = arith.addi %mul3A_744, %add3A_745 : i32
          %get3A_747 = arith.index_cast %add3A_746 : i32 to index
          %get3A_748 = arith.constant 32 : index
          %get3A_749 = tpu.vector_load %arg11[%get3A_747, %get3A_748] {strides = array<i32>} : memref<160x128xi32, #tpu.memory_space<vmem>>, vector<16xi32>,
          %add3A_750 = vector.broadcast %mul3A_32 : i32 to vector<16xi32>
          %add3A_751 = arith.addi %get3A_749, %add3A_750 : vector<16xi32>
          %swap3A_752 = arith.constant 1 : i32
          %swap3A_753 = arith.index_cast %swap3A_752 : i32 to index
          %swap3A_754 = arith.constant 32 : index
          %swap3A_755 = tpu.vector_load %arg18[%swap3A_753, %swap3A_754] {strides = array<i32>} : memref<2x128xi32, #tpu.memory_space<vmem>>, vector<16xi32>,
          tpu.vector_store %arg18[%swap3A_753, %swap3A_754], %add3A_751 {strides = array<i32>} : memref<2x128xi32, #tpu.memory_space<vmem>>, vector<16xi32>,
          %mul3A_756 = arith.constant 2 : i32
          %mul3A_757 = arith.muli %add3A_602, %mul3A_756 : i32
          %add3A_758 = arith.constant 1 : i32
          %add3A_759 = arith.addi %mul3A_757, %add3A_758 : i32
          %get3A_760 = arith.index_cast %add3A_759 : i32 to index
          %get3A_761 = arith.constant 48 : index
          %get3A_762 = tpu.vector_load %arg11[%get3A_760, %get3A_761] {strides = array<i32>} : memref<160x128xi32, #tpu.memory_space<vmem>>, vector<16xi32>,
          %add3A_763 = vector.broadcast %mul3A_32 : i32 to vector<16xi32>
          %add3A_764 = arith.addi %get3A_762, %add3A_763 : vector<16xi32>
          %swap3A_765 = arith.constant 1 : i32
          %swap3A_766 = arith.index_cast %swap3A_765 : i32 to index
          %swap3A_767 = arith.constant 48 : index
          %swap3A_768 = tpu.vector_load %arg18[%swap3A_766, %swap3A_767] {strides = array<i32>} : memref<2x128xi32, #tpu.memory_space<vmem>>, vector<16xi32>,
          tpu.vector_store %arg18[%swap3A_766, %swap3A_767], %add3A_764 {strides = array<i32>} : memref<2x128xi32, #tpu.memory_space<vmem>>, vector<16xi32>,
          %mul3A_769 = arith.constant 2 : i32
          %mul3A_770 = arith.muli %add3A_602, %mul3A_769 : i32
          %add3A_771 = arith.constant 1 : i32
          %add3A_772 = arith.addi %mul3A_770, %add3A_771 : i32
          %get3A_773 = arith.index_cast %add3A_772 : i32 to index
          %get3A_774 = arith.constant 64 : index
          %get3A_775 = tpu.vector_load %arg11[%get3A_773, %get3A_774] {strides = array<i32>} : memref<160x128xi32, #tpu.memory_space<vmem>>, vector<16xi32>,
          %add3A_776 = vector.broadcast %mul3A_32 : i32 to vector<16xi32>
          %add3A_777 = arith.addi %get3A_775, %add3A_776 : vector<16xi32>
          %swap3A_778 = arith.constant 1 : i32
          %swap3A_779 = arith.index_cast %swap3A_778 : i32 to index
          %swap3A_780 = arith.constant 64 : index
          %swap3A_781 = tpu.vector_load %arg18[%swap3A_779, %swap3A_780] {strides = array<i32>} : memref<2x128xi32, #tpu.memory_space<vmem>>, vector<16xi32>,
          tpu.vector_store %arg18[%swap3A_779, %swap3A_780], %add3A_777 {strides = array<i32>} : memref<2x128xi32, #tpu.memory_space<vmem>>, vector<16xi32>,
          %mul3A_782 = arith.constant 2 : i32
          %mul3A_783 = arith.muli %add3A_602, %mul3A_782 : i32
          %add3A_784 = arith.constant 1 : i32
          %add3A_785 = arith.addi %mul3A_783, %add3A_784 : i32
          %get3A_786 = arith.index_cast %add3A_785 : i32 to index
          %get3A_787 = arith.constant 80 : index
          %get3A_788 = tpu.vector_load %arg11[%get3A_786, %get3A_787] {strides = array<i32>} : memref<160x128xi32, #tpu.memory_space<vmem>>, vector<16xi32>,
          %add3A_789 = vector.broadcast %mul3A_32 : i32 to vector<16xi32>
          %add3A_790 = arith.addi %get3A_788, %add3A_789 : vector<16xi32>
          %swap3A_791 = arith.constant 1 : i32
          %swap3A_792 = arith.index_cast %swap3A_791 : i32 to index
          %swap3A_793 = arith.constant 80 : index
          %swap3A_794 = tpu.vector_load %arg18[%swap3A_792, %swap3A_793] {strides = array<i32>} : memref<2x128xi32, #tpu.memory_space<vmem>>, vector<16xi32>,
          tpu.vector_store %arg18[%swap3A_792, %swap3A_793], %add3A_790 {strides = array<i32>} : memref<2x128xi32, #tpu.memory_space<vmem>>, vector<16xi32>,
          %mul3A_795 = arith.constant 2 : i32
          %mul3A_796 = arith.muli %add3A_602, %mul3A_795 : i32
          %add3A_797 = arith.constant 1 : i32
          %add3A_798 = arith.addi %mul3A_796, %add3A_797 : i32
          %get3A_799 = arith.index_cast %add3A_798 : i32 to index
          %get3A_800 = arith.constant 96 : index
          %get3A_801 = tpu.vector_load %arg11[%get3A_799, %get3A_800] {strides = array<i32>} : memref<160x128xi32, #tpu.memory_space<vmem>>, vector<16xi32>,
          %add3A_802 = vector.broadcast %mul3A_32 : i32 to vector<16xi32>
          %add3A_803 = arith.addi %get3A_801, %add3A_802 : vector<16xi32>
          %swap3A_804 = arith.constant 1 : i32
          %swap3A_805 = arith.index_cast %swap3A_804 : i32 to index
          %swap3A_806 = arith.constant 96 : index
          %swap3A_807 = tpu.vector_load %arg18[%swap3A_805, %swap3A_806] {strides = array<i32>} : memref<2x128xi32, #tpu.memory_space<vmem>>, vector<16xi32>,
          tpu.vector_store %arg18[%swap3A_805, %swap3A_806], %add3A_803 {strides = array<i32>} : memref<2x128xi32, #tpu.memory_space<vmem>>, vector<16xi32>,
          %mul3A_808 = arith.constant 2 : i32
          %mul3A_809 = arith.muli %add3A_602, %mul3A_808 : i32
          %add3A_810 = arith.constant 1 : i32
          %add3A_811 = arith.addi %mul3A_809, %add3A_810 : i32
          %get3A_812 = arith.index_cast %add3A_811 : i32 to index
          %get3A_813 = arith.constant 112 : index
          %get3A_814 = tpu.vector_load %arg11[%get3A_812, %get3A_813] {strides = array<i32>} : memref<160x128xi32, #tpu.memory_space<vmem>>, vector<16xi32>,
          %add3A_815 = vector.broadcast %mul3A_32 : i32 to vector<16xi32>
          %add3A_816 = arith.addi %get3A_814, %add3A_815 : vector<16xi32>
          %swap3A_817 = arith.constant 1 : i32
          %swap3A_818 = arith.index_cast %swap3A_817 : i32 to index
          %swap3A_819 = arith.constant 112 : index
          %swap3A_820 = tpu.vector_load %arg18[%swap3A_818, %swap3A_819] {strides = array<i32>} : memref<2x128xi32, #tpu.memory_space<vmem>>, vector<16xi32>,
          tpu.vector_store %arg18[%swap3A_818, %swap3A_819], %add3A_816 {strides = array<i32>} : memref<2x128xi32, #tpu.memory_space<vmem>>, vector<16xi32>,
          %dma_start3A_821 = arith.constant 1 : i32
          %dma_start3A_822 = arith.constant 128 : i32
          %dma_start3A_823 = arith.constant 0 : i32
          %dma_start3A_824 = tpu.memref_slice %arg16[%dma_start3A_822, %dma_start3A_823] : memref<256x48xf32, #tpu.memory_space<vmem>> -> memref<128x48xf32, #tpu.memory_space<vmem>>
          %dma_start3A_825 = arith.constant 0 : i32
          %dma_start3A_826 = tpu.memref_slice %arg18[%dma_start3A_821, %dma_start3A_825] : memref<2x128xi32, #tpu.memory_space<vmem>> -> memref<1x128xi32, #tpu.memory_space<vmem>>
          %dma_start3A_827 = tpu.memref_squeeze %dma_start3A_826 : memref<1x128xi32, #tpu.memory_space<vmem>> -> memref<128xi32, #tpu.memory_space<vmem>>
          %dma_start3A_828 = arith.constant 0 : i32
          %dma_start3A_829 = arith.constant 0 : i32
          %dma_start3A_830 = tpu.memref_slice %arg8[%dma_start3A_828, %dma_start3A_829] : memref<71680x48xf32, #tpu.memory_space<hbm>> -> memref<71680x48xf32, #tpu.memory_space<hbm>>
          tpu.enqueue_indirect_dma source(%dma_start3A_830 : memref<71680x48xf32, #tpu.memory_space<hbm>>) target(%dma_start3A_824 : memref<128x48xf32, #tpu.memory_space<vmem>>) offsets(%dma_start3A_827 : memref<128xi32, #tpu.memory_space<vmem>>) semaphore(%arg20 : memref<!tpu.dma_semaphore, #tpu.memory_space<semaphore_mem>>)
          %dma_wait3A_831 = arith.constant 0 : i32
          %dma_wait3A_832 = arith.constant 0 : i32
          %dma_wait3A_833 = arith.constant 0 : i32
          %dma_wait3A_834 = tpu.memref_slice %arg17[%dma_wait3A_832, %dma_wait3A_833] : memref<256x48xf32, #tpu.memory_space<vmem>> -> memref<128x48xf32, #tpu.memory_space<vmem>>
          %dma_wait3A_835 = arith.constant 0 : i32
          %dma_wait3A_836 = tpu.memref_slice %arg12[%dma_wait3A_831, %dma_wait3A_835] : memref<160x128xi32, #tpu.memory_space<vmem>> -> memref<1x128xi32, #tpu.memory_space<vmem>>
          %dma_wait3A_837 = tpu.memref_squeeze %dma_wait3A_836 : memref<1x128xi32, #tpu.memory_space<vmem>> -> memref<128xi32, #tpu.memory_space<vmem>>
          %dma_wait3A_838 = arith.constant 0 : i32
          %dma_wait3A_839 = arith.constant 0 : i32
          %dma_wait3A_840 = tpu.memref_slice %arg10[%dma_wait3A_838, %dma_wait3A_839] : memref<10240x48xf32, #tpu.memory_space<vmem_shared>> -> memref<10240x48xf32, #tpu.memory_space<vmem_shared>>
          tpu.wait_indirect_dma semaphore(%arg21 : memref<!tpu.dma_semaphore, #tpu.memory_space<semaphore_mem>>) src(%dma_wait3A_834 : memref<128x48xf32, #tpu.memory_space<vmem>>) dst(%dma_wait3A_840 : memref<10240x48xf32, #tpu.memory_space<vmem_shared>>)
          %dma_wait3A_841 = arith.constant 0 : i32
          %dma_wait3A_842 = arith.constant 128 : i32
          %dma_wait3A_843 = arith.constant 0 : i32
          %dma_wait3A_844 = tpu.memref_slice %arg17[%dma_wait3A_842, %dma_wait3A_843] : memref<256x48xf32, #tpu.memory_space<vmem>> -> memref<128x48xf32, #tpu.memory_space<vmem>>
          %dma_wait3A_845 = arith.constant 0 : i32
          %dma_wait3A_846 = tpu.memref_slice %arg12[%dma_wait3A_841, %dma_wait3A_845] : memref<160x128xi32, #tpu.memory_space<vmem>> -> memref<1x128xi32, #tpu.memory_space<vmem>>
          %dma_wait3A_847 = tpu.memref_squeeze %dma_wait3A_846 : memref<1x128xi32, #tpu.memory_space<vmem>> -> memref<128xi32, #tpu.memory_space<vmem>>
          %dma_wait3A_848 = arith.constant 0 : i32
          %dma_wait3A_849 = arith.constant 0 : i32
          %dma_wait3A_850 = tpu.memref_slice %arg10[%dma_wait3A_848, %dma_wait3A_849] : memref<10240x48xf32, #tpu.memory_space<vmem_shared>> -> memref<10240x48xf32, #tpu.memory_space<vmem_shared>>
          tpu.wait_indirect_dma semaphore(%arg21 : memref<!tpu.dma_semaphore, #tpu.memory_space<semaphore_mem>>) src(%dma_wait3A_844 : memref<128x48xf32, #tpu.memory_space<vmem>>) dst(%dma_wait3A_850 : memref<10240x48xf32, #tpu.memory_space<vmem_shared>>)
          %mul3A_851 = arith.constant 2 : i32
          %mul3A_852 = arith.muli %scan3A_454, %mul3A_851 : i32
          %add3A_853 = arith.constant 1 : i32
          %add3A_854 = arith.addi %mul3A_852, %add3A_853 : i32
          %add3A_855 = arith.constant 2 : i32
          %add3A_856 = arith.addi %add3A_854, %add3A_855 : i32
          %mul3A_857 = arith.constant 2 : i32
          %mul3A_858 = arith.muli %add3A_856, %mul3A_857 : i32
          %add3A_859 = arith.constant 0 : i32
          %add3A_860 = arith.addi %mul3A_858, %add3A_859 : i32
          %get3A_861 = arith.index_cast %add3A_860 : i32 to index
          %get3A_862 = arith.constant 0 : index
          %get3A_863 = tpu.vector_load %arg11[%get3A_861, %get3A_862] {strides = array<i32>} : memref<160x128xi32, #tpu.memory_space<vmem>>, vector<16xi32>,
          %add3A_864 = vector.broadcast %mul3A_32 : i32 to vector<16xi32>
          %add3A_865 = arith.addi %get3A_863, %add3A_864 : vector<16xi32>
          %swap3A_866 = arith.constant 0 : i32
          %swap3A_867 = arith.index_cast %swap3A_866 : i32 to index
          %swap3A_868 = arith.constant 0 : index
          %swap3A_869 = tpu.vector_load %arg19[%swap3A_867, %swap3A_868] {strides = array<i32>} : memref<2x128xi32, #tpu.memory_space<vmem>>, vector<16xi32>,
          tpu.vector_store %arg19[%swap3A_867, %swap3A_868], %add3A_865 {strides = array<i32>} : memref<2x128xi32, #tpu.memory_space<vmem>>, vector<16xi32>,
          %mul3A_870 = arith.constant 2 : i32
          %mul3A_871 = arith.muli %add3A_856, %mul3A_870 : i32
          %add3A_872 = arith.constant 0 : i32
          %add3A_873 = arith.addi %mul3A_871, %add3A_872 : i32
          %get3A_874 = arith.index_cast %add3A_873 : i32 to index
          %get3A_875 = arith.constant 16 : index
          %get3A_876 = tpu.vector_load %arg11[%get3A_874, %get3A_875] {strides = array<i32>} : memref<160x128xi32, #tpu.memory_space<vmem>>, vector<16xi32>,
          %add3A_877 = vector.broadcast %mul3A_32 : i32 to vector<16xi32>
          %add3A_878 = arith.addi %get3A_876, %add3A_877 : vector<16xi32>
          %swap3A_879 = arith.constant 0 : i32
          %swap3A_880 = arith.index_cast %swap3A_879 : i32 to index
          %swap3A_881 = arith.constant 16 : index
          %swap3A_882 = tpu.vector_load %arg19[%swap3A_880, %swap3A_881] {strides = array<i32>} : memref<2x128xi32, #tpu.memory_space<vmem>>, vector<16xi32>,
          tpu.vector_store %arg19[%swap3A_880, %swap3A_881], %add3A_878 {strides = array<i32>} : memref<2x128xi32, #tpu.memory_space<vmem>>, vector<16xi32>,
          %mul3A_883 = arith.constant 2 : i32
          %mul3A_884 = arith.muli %add3A_856, %mul3A_883 : i32
          %add3A_885 = arith.constant 0 : i32
          %add3A_886 = arith.addi %mul3A_884, %add3A_885 : i32
          %get3A_887 = arith.index_cast %add3A_886 : i32 to index
          %get3A_888 = arith.constant 32 : index
          %get3A_889 = tpu.vector_load %arg11[%get3A_887, %get3A_888] {strides = array<i32>} : memref<160x128xi32, #tpu.memory_space<vmem>>, vector<16xi32>,
          %add3A_890 = vector.broadcast %mul3A_32 : i32 to vector<16xi32>
          %add3A_891 = arith.addi %get3A_889, %add3A_890 : vector<16xi32>
          %swap3A_892 = arith.constant 0 : i32
          %swap3A_893 = arith.index_cast %swap3A_892 : i32 to index
          %swap3A_894 = arith.constant 32 : index
          %swap3A_895 = tpu.vector_load %arg19[%swap3A_893, %swap3A_894] {strides = array<i32>} : memref<2x128xi32, #tpu.memory_space<vmem>>, vector<16xi32>,
          tpu.vector_store %arg19[%swap3A_893, %swap3A_894], %add3A_891 {strides = array<i32>} : memref<2x128xi32, #tpu.memory_space<vmem>>, vector<16xi32>,
          %mul3A_896 = arith.constant 2 : i32
          %mul3A_897 = arith.muli %add3A_856, %mul3A_896 : i32
          %add3A_898 = arith.constant 0 : i32
          %add3A_899 = arith.addi %mul3A_897, %add3A_898 : i32
          %get3A_900 = arith.index_cast %add3A_899 : i32 to index
          %get3A_901 = arith.constant 48 : index
          %get3A_902 = tpu.vector_load %arg11[%get3A_900, %get3A_901] {strides = array<i32>} : memref<160x128xi32, #tpu.memory_space<vmem>>, vector<16xi32>,
          %add3A_903 = vector.broadcast %mul3A_32 : i32 to vector<16xi32>
          %add3A_904 = arith.addi %get3A_902, %add3A_903 : vector<16xi32>
          %swap3A_905 = arith.constant 0 : i32
          %swap3A_906 = arith.index_cast %swap3A_905 : i32 to index
          %swap3A_907 = arith.constant 48 : index
          %swap3A_908 = tpu.vector_load %arg19[%swap3A_906, %swap3A_907] {strides = array<i32>} : memref<2x128xi32, #tpu.memory_space<vmem>>, vector<16xi32>,
          tpu.vector_store %arg19[%swap3A_906, %swap3A_907], %add3A_904 {strides = array<i32>} : memref<2x128xi32, #tpu.memory_space<vmem>>, vector<16xi32>,
          %mul3A_909 = arith.constant 2 : i32
          %mul3A_910 = arith.muli %add3A_856, %mul3A_909 : i32
          %add3A_911 = arith.constant 0 : i32
          %add3A_912 = arith.addi %mul3A_910, %add3A_911 : i32
          %get3A_913 = arith.index_cast %add3A_912 : i32 to index
          %get3A_914 = arith.constant 64 : index
          %get3A_915 = tpu.vector_load %arg11[%get3A_913, %get3A_914] {strides = array<i32>} : memref<160x128xi32, #tpu.memory_space<vmem>>, vector<16xi32>,
          %add3A_916 = vector.broadcast %mul3A_32 : i32 to vector<16xi32>
          %add3A_917 = arith.addi %get3A_915, %add3A_916 : vector<16xi32>
          %swap3A_918 = arith.constant 0 : i32
          %swap3A_919 = arith.index_cast %swap3A_918 : i32 to index
          %swap3A_920 = arith.constant 64 : index
          %swap3A_921 = tpu.vector_load %arg19[%swap3A_919, %swap3A_920] {strides = array<i32>} : memref<2x128xi32, #tpu.memory_space<vmem>>, vector<16xi32>,
          tpu.vector_store %arg19[%swap3A_919, %swap3A_920], %add3A_917 {strides = array<i32>} : memref<2x128xi32, #tpu.memory_space<vmem>>, vector<16xi32>,
          %mul3A_922 = arith.constant 2 : i32
          %mul3A_923 = arith.muli %add3A_856, %mul3A_922 : i32
          %add3A_924 = arith.constant 0 : i32
          %add3A_925 = arith.addi %mul3A_923, %add3A_924 : i32
          %get3A_926 = arith.index_cast %add3A_925 : i32 to index
          %get3A_927 = arith.constant 80 : index
          %get3A_928 = tpu.vector_load %arg11[%get3A_926, %get3A_927] {strides = array<i32>} : memref<160x128xi32, #tpu.memory_space<vmem>>, vector<16xi32>,
          %add3A_929 = vector.broadcast %mul3A_32 : i32 to vector<16xi32>
          %add3A_930 = arith.addi %get3A_928, %add3A_929 : vector<16xi32>
          %swap3A_931 = arith.constant 0 : i32
          %swap3A_932 = arith.index_cast %swap3A_931 : i32 to index
          %swap3A_933 = arith.constant 80 : index
          %swap3A_934 = tpu.vector_load %arg19[%swap3A_932, %swap3A_933] {strides = array<i32>} : memref<2x128xi32, #tpu.memory_space<vmem>>, vector<16xi32>,
          tpu.vector_store %arg19[%swap3A_932, %swap3A_933], %add3A_930 {strides = array<i32>} : memref<2x128xi32, #tpu.memory_space<vmem>>, vector<16xi32>,
          %mul3A_935 = arith.constant 2 : i32
          %mul3A_936 = arith.muli %add3A_856, %mul3A_935 : i32
          %add3A_937 = arith.constant 0 : i32
          %add3A_938 = arith.addi %mul3A_936, %add3A_937 : i32
          %get3A_939 = arith.index_cast %add3A_938 : i32 to index
          %get3A_940 = arith.constant 96 : index
          %get3A_941 = tpu.vector_load %arg11[%get3A_939, %get3A_940] {strides = array<i32>} : memref<160x128xi32, #tpu.memory_space<vmem>>, vector<16xi32>,
          %add3A_942 = vector.broadcast %mul3A_32 : i32 to vector<16xi32>
          %add3A_943 = arith.addi %get3A_941, %add3A_942 : vector<16xi32>
          %swap3A_944 = arith.constant 0 : i32
          %swap3A_945 = arith.index_cast %swap3A_944 : i32 to index
          %swap3A_946 = arith.constant 96 : index
          %swap3A_947 = tpu.vector_load %arg19[%swap3A_945, %swap3A_946] {strides = array<i32>} : memref<2x128xi32, #tpu.memory_space<vmem>>, vector<16xi32>,
          tpu.vector_store %arg19[%swap3A_945, %swap3A_946], %add3A_943 {strides = array<i32>} : memref<2x128xi32, #tpu.memory_space<vmem>>, vector<16xi32>,
          %mul3A_948 = arith.constant 2 : i32
          %mul3A_949 = arith.muli %add3A_856, %mul3A_948 : i32
          %add3A_950 = arith.constant 0 : i32
          %add3A_951 = arith.addi %mul3A_949, %add3A_950 : i32
          %get3A_952 = arith.index_cast %add3A_951 : i32 to index
          %get3A_953 = arith.constant 112 : index
          %get3A_954 = tpu.vector_load %arg11[%get3A_952, %get3A_953] {strides = array<i32>} : memref<160x128xi32, #tpu.memory_space<vmem>>, vector<16xi32>,
          %add3A_955 = vector.broadcast %mul3A_32 : i32 to vector<16xi32>
          %add3A_956 = arith.addi %get3A_954, %add3A_955 : vector<16xi32>
          %swap3A_957 = arith.constant 0 : i32
          %swap3A_958 = arith.index_cast %swap3A_957 : i32 to index
          %swap3A_959 = arith.constant 112 : index
          %swap3A_960 = tpu.vector_load %arg19[%swap3A_958, %swap3A_959] {strides = array<i32>} : memref<2x128xi32, #tpu.memory_space<vmem>>, vector<16xi32>,
          tpu.vector_store %arg19[%swap3A_958, %swap3A_959], %add3A_956 {strides = array<i32>} : memref<2x128xi32, #tpu.memory_space<vmem>>, vector<16xi32>,
          %dma_start3A_961 = arith.constant 0 : i32
          %dma_start3A_962 = arith.constant 0 : i32
          %dma_start3A_963 = arith.constant 0 : i32
          %dma_start3A_964 = tpu.memref_slice %arg17[%dma_start3A_962, %dma_start3A_963] : memref<256x48xf32, #tpu.memory_space<vmem>> -> memref<128x48xf32, #tpu.memory_space<vmem>>
          %dma_start3A_965 = arith.constant 0 : i32
          %dma_start3A_966 = tpu.memref_slice %arg19[%dma_start3A_961, %dma_start3A_965] : memref<2x128xi32, #tpu.memory_space<vmem>> -> memref<1x128xi32, #tpu.memory_space<vmem>>
          %dma_start3A_967 = tpu.memref_squeeze %dma_start3A_966 : memref<1x128xi32, #tpu.memory_space<vmem>> -> memref<128xi32, #tpu.memory_space<vmem>>
          %dma_start3A_968 = arith.constant 0 : i32
          %dma_start3A_969 = arith.constant 0 : i32
          %dma_start3A_970 = tpu.memref_slice %arg8[%dma_start3A_968, %dma_start3A_969] : memref<71680x48xf32, #tpu.memory_space<hbm>> -> memref<71680x48xf32, #tpu.memory_space<hbm>>
          tpu.enqueue_indirect_dma source(%dma_start3A_970 : memref<71680x48xf32, #tpu.memory_space<hbm>>) target(%dma_start3A_964 : memref<128x48xf32, #tpu.memory_space<vmem>>) offsets(%dma_start3A_967 : memref<128xi32, #tpu.memory_space<vmem>>) semaphore(%arg20 : memref<!tpu.dma_semaphore, #tpu.memory_space<semaphore_mem>>)
          %mul3A_971 = arith.constant 2 : i32
          %mul3A_972 = arith.muli %add3A_856, %mul3A_971 : i32
          %add3A_973 = arith.constant 1 : i32
          %add3A_974 = arith.addi %mul3A_972, %add3A_973 : i32
          %get3A_975 = arith.index_cast %add3A_974 : i32 to index
          %get3A_976 = arith.constant 0 : index
          %get3A_977 = tpu.vector_load %arg11[%get3A_975, %get3A_976] {strides = array<i32>} : memref<160x128xi32, #tpu.memory_space<vmem>>, vector<16xi32>,
          %add3A_978 = vector.broadcast %mul3A_32 : i32 to vector<16xi32>
          %add3A_979 = arith.addi %get3A_977, %add3A_978 : vector<16xi32>
          %swap3A_980 = arith.constant 1 : i32
          %swap3A_981 = arith.index_cast %swap3A_980 : i32 to index
          %swap3A_982 = arith.constant 0 : index
          %swap3A_983 = tpu.vector_load %arg19[%swap3A_981, %swap3A_982] {strides = array<i32>} : memref<2x128xi32, #tpu.memory_space<vmem>>, vector<16xi32>,
          tpu.vector_store %arg19[%swap3A_981, %swap3A_982], %add3A_979 {strides = array<i32>} : memref<2x128xi32, #tpu.memory_space<vmem>>, vector<16xi32>,
          %mul3A_984 = arith.constant 2 : i32
          %mul3A_985 = arith.muli %add3A_856, %mul3A_984 : i32
          %add3A_986 = arith.constant 1 : i32
          %add3A_987 = arith.addi %mul3A_985, %add3A_986 : i32
          %get3A_988 = arith.index_cast %add3A_987 : i32 to index
          %get3A_989 = arith.constant 16 : index
          %get3A_990 = tpu.vector_load %arg11[%get3A_988, %get3A_989] {strides = array<i32>} : memref<160x128xi32, #tpu.memory_space<vmem>>, vector<16xi32>,
          %add3A_991 = vector.broadcast %mul3A_32 : i32 to vector<16xi32>
          %add3A_992 = arith.addi %get3A_990, %add3A_991 : vector<16xi32>
          %swap3A_993 = arith.constant 1 : i32
          %swap3A_994 = arith.index_cast %swap3A_993 : i32 to index
          %swap3A_995 = arith.constant 16 : index
          %swap3A_996 = tpu.vector_load %arg19[%swap3A_994, %swap3A_995] {strides = array<i32>} : memref<2x128xi32, #tpu.memory_space<vmem>>, vector<16xi32>,
          tpu.vector_store %arg19[%swap3A_994, %swap3A_995], %add3A_992 {strides = array<i32>} : memref<2x128xi32, #tpu.memory_space<vmem>>, vector<16xi32>,
          %mul3A_997 = arith.constant 2 : i32
          %mul3A_998 = arith.muli %add3A_856, %mul3A_997 : i32
          %add3A_999 = arith.constant 1 : i32
          %add3A_1000 = arith.addi %mul3A_998, %add3A_999 : i32
          %get3A_1001 = arith.index_cast %add3A_1000 : i32 to index
          %get3A_1002 = arith.constant 32 : index
          %get3A_1003 = tpu.vector_load %arg11[%get3A_1001, %get3A_1002] {strides = array<i32>} : memref<160x128xi32, #tpu.memory_space<vmem>>, vector<16xi32>,
          %add3A_1004 = vector.broadcast %mul3A_32 : i32 to vector<16xi32>
          %add3A_1005 = arith.addi %get3A_1003, %add3A_1004 : vector<16xi32>
          %swap3A_1006 = arith.constant 1 : i32
          %swap3A_1007 = arith.index_cast %swap3A_1006 : i32 to index
          %swap3A_1008 = arith.constant 32 : index
          %swap3A_1009 = tpu.vector_load %arg19[%swap3A_1007, %swap3A_1008] {strides = array<i32>} : memref<2x128xi32, #tpu.memory_space<vmem>>, vector<16xi32>,
          tpu.vector_store %arg19[%swap3A_1007, %swap3A_1008], %add3A_1005 {strides = array<i32>} : memref<2x128xi32, #tpu.memory_space<vmem>>, vector<16xi32>,
          %mul3A_1010 = arith.constant 2 : i32
          %mul3A_1011 = arith.muli %add3A_856, %mul3A_1010 : i32
          %add3A_1012 = arith.constant 1 : i32
          %add3A_1013 = arith.addi %mul3A_1011, %add3A_1012 : i32
          %get3A_1014 = arith.index_cast %add3A_1013 : i32 to index
          %get3A_1015 = arith.constant 48 : index
          %get3A_1016 = tpu.vector_load %arg11[%get3A_1014, %get3A_1015] {strides = array<i32>} : memref<160x128xi32, #tpu.memory_space<vmem>>, vector<16xi32>,
          %add3A_1017 = vector.broadcast %mul3A_32 : i32 to vector<16xi32>
          %add3A_1018 = arith.addi %get3A_1016, %add3A_1017 : vector<16xi32>
          %swap3A_1019 = arith.constant 1 : i32
          %swap3A_1020 = arith.index_cast %swap3A_1019 : i32 to index
          %swap3A_1021 = arith.constant 48 : index
          %swap3A_1022 = tpu.vector_load %arg19[%swap3A_1020, %swap3A_1021] {strides = array<i32>} : memref<2x128xi32, #tpu.memory_space<vmem>>, vector<16xi32>,
          tpu.vector_store %arg19[%swap3A_1020, %swap3A_1021], %add3A_1018 {strides = array<i32>} : memref<2x128xi32, #tpu.memory_space<vmem>>, vector<16xi32>,
          %mul3A_1023 = arith.constant 2 : i32
          %mul3A_1024 = arith.muli %add3A_856, %mul3A_1023 : i32
          %add3A_1025 = arith.constant 1 : i32
          %add3A_1026 = arith.addi %mul3A_1024, %add3A_1025 : i32
          %get3A_1027 = arith.index_cast %add3A_1026 : i32 to index
          %get3A_1028 = arith.constant 64 : index
          %get3A_1029 = tpu.vector_load %arg11[%get3A_1027, %get3A_1028] {strides = array<i32>} : memref<160x128xi32, #tpu.memory_space<vmem>>, vector<16xi32>,
          %add3A_1030 = vector.broadcast %mul3A_32 : i32 to vector<16xi32>
          %add3A_1031 = arith.addi %get3A_1029, %add3A_1030 : vector<16xi32>
          %swap3A_1032 = arith.constant 1 : i32
          %swap3A_1033 = arith.index_cast %swap3A_1032 : i32 to index
          %swap3A_1034 = arith.constant 64 : index
          %swap3A_1035 = tpu.vector_load %arg19[%swap3A_1033, %swap3A_1034] {strides = array<i32>} : memref<2x128xi32, #tpu.memory_space<vmem>>, vector<16xi32>,
          tpu.vector_store %arg19[%swap3A_1033, %swap3A_1034], %add3A_1031 {strides = array<i32>} : memref<2x128xi32, #tpu.memory_space<vmem>>, vector<16xi32>,
          %mul3A_1036 = arith.constant 2 : i32
          %mul3A_1037 = arith.muli %add3A_856, %mul3A_1036 : i32
          %add3A_1038 = arith.constant 1 : i32
          %add3A_1039 = arith.addi %mul3A_1037, %add3A_1038 : i32
          %get3A_1040 = arith.index_cast %add3A_1039 : i32 to index
          %get3A_1041 = arith.constant 80 : index
          %get3A_1042 = tpu.vector_load %arg11[%get3A_1040, %get3A_1041] {strides = array<i32>} : memref<160x128xi32, #tpu.memory_space<vmem>>, vector<16xi32>,
          %add3A_1043 = vector.broadcast %mul3A_32 : i32 to vector<16xi32>
          %add3A_1044 = arith.addi %get3A_1042, %add3A_1043 : vector<16xi32>
          %swap3A_1045 = arith.constant 1 : i32
          %swap3A_1046 = arith.index_cast %swap3A_1045 : i32 to index
          %swap3A_1047 = arith.constant 80 : index
          %swap3A_1048 = tpu.vector_load %arg19[%swap3A_1046, %swap3A_1047] {strides = array<i32>} : memref<2x128xi32, #tpu.memory_space<vmem>>, vector<16xi32>,
          tpu.vector_store %arg19[%swap3A_1046, %swap3A_1047], %add3A_1044 {strides = array<i32>} : memref<2x128xi32, #tpu.memory_space<vmem>>, vector<16xi32>,
          %mul3A_1049 = arith.constant 2 : i32
          %mul3A_1050 = arith.muli %add3A_856, %mul3A_1049 : i32
          %add3A_1051 = arith.constant 1 : i32
          %add3A_1052 = arith.addi %mul3A_1050, %add3A_1051 : i32
          %get3A_1053 = arith.index_cast %add3A_1052 : i32 to index
          %get3A_1054 = arith.constant 96 : index
          %get3A_1055 = tpu.vector_load %arg11[%get3A_1053, %get3A_1054] {strides = array<i32>} : memref<160x128xi32, #tpu.memory_space<vmem>>, vector<16xi32>,
          %add3A_1056 = vector.broadcast %mul3A_32 : i32 to vector<16xi32>
          %add3A_1057 = arith.addi %get3A_1055, %add3A_1056 : vector<16xi32>
          %swap3A_1058 = arith.constant 1 : i32
          %swap3A_1059 = arith.index_cast %swap3A_1058 : i32 to index
          %swap3A_1060 = arith.constant 96 : index
          %swap3A_1061 = tpu.vector_load %arg19[%swap3A_1059, %swap3A_1060] {strides = array<i32>} : memref<2x128xi32, #tpu.memory_space<vmem>>, vector<16xi32>,
          tpu.vector_store %arg19[%swap3A_1059, %swap3A_1060], %add3A_1057 {strides = array<i32>} : memref<2x128xi32, #tpu.memory_space<vmem>>, vector<16xi32>,
          %mul3A_1062 = arith.constant 2 : i32
          %mul3A_1063 = arith.muli %add3A_856, %mul3A_1062 : i32
          %add3A_1064 = arith.constant 1 : i32
          %add3A_1065 = arith.addi %mul3A_1063, %add3A_1064 : i32
          %get3A_1066 = arith.index_cast %add3A_1065 : i32 to index
          %get3A_1067 = arith.constant 112 : index
          %get3A_1068 = tpu.vector_load %arg11[%get3A_1066, %get3A_1067] {strides = array<i32>} : memref<160x128xi32, #tpu.memory_space<vmem>>, vector<16xi32>,
          %add3A_1069 = vector.broadcast %mul3A_32 : i32 to vector<16xi32>
          %add3A_1070 = arith.addi %get3A_1068, %add3A_1069 : vector<16xi32>
          %swap3A_1071 = arith.constant 1 : i32
          %swap3A_1072 = arith.index_cast %swap3A_1071 : i32 to index
          %swap3A_1073 = arith.constant 112 : index
          %swap3A_1074 = tpu.vector_load %arg19[%swap3A_1072, %swap3A_1073] {strides = array<i32>} : memref<2x128xi32, #tpu.memory_space<vmem>>, vector<16xi32>,
          tpu.vector_store %arg19[%swap3A_1072, %swap3A_1073], %add3A_1070 {strides = array<i32>} : memref<2x128xi32, #tpu.memory_space<vmem>>, vector<16xi32>,
          %dma_start3A_1075 = arith.constant 1 : i32
          %dma_start3A_1076 = arith.constant 128 : i32
          %dma_start3A_1077 = arith.constant 0 : i32
          %dma_start3A_1078 = tpu.memref_slice %arg17[%dma_start3A_1076, %dma_start3A_1077] : memref<256x48xf32, #tpu.memory_space<vmem>> -> memref<128x48xf32, #tpu.memory_space<vmem>>
          %dma_start3A_1079 = arith.constant 0 : i32
          %dma_start3A_1080 = tpu.memref_slice %arg19[%dma_start3A_1075, %dma_start3A_1079] : memref<2x128xi32, #tpu.memory_space<vmem>> -> memref<1x128xi32, #tpu.memory_space<vmem>>
          %dma_start3A_1081 = tpu.memref_squeeze %dma_start3A_1080 : memref<1x128xi32, #tpu.memory_space<vmem>> -> memref<128xi32, #tpu.memory_space<vmem>>
          %dma_start3A_1082 = arith.constant 0 : i32
          %dma_start3A_1083 = arith.constant 0 : i32
          %dma_start3A_1084 = tpu.memref_slice %arg8[%dma_start3A_1082, %dma_start3A_1083] : memref<71680x48xf32, #tpu.memory_space<hbm>> -> memref<71680x48xf32, #tpu.memory_space<hbm>>
          tpu.enqueue_indirect_dma source(%dma_start3A_1084 : memref<71680x48xf32, #tpu.memory_space<hbm>>) target(%dma_start3A_1078 : memref<128x48xf32, #tpu.memory_space<vmem>>) offsets(%dma_start3A_1081 : memref<128xi32, #tpu.memory_space<vmem>>) semaphore(%arg20 : memref<!tpu.dma_semaphore, #tpu.memory_space<semaphore_mem>>)
        } else {
        }
      }
      %scan3A_394 = arith.constant 40 : i32
      %dma_wait3A = arith.constant 0 : i32
      %dma_wait3A_395 = arith.constant 0 : i32
      %dma_wait3A_396 = arith.constant 0 : i32
      %dma_wait3A_397 = tpu.memref_slice %arg16[%dma_wait3A_395, %dma_wait3A_396] : memref<256x48xf32, #tpu.memory_space<vmem>> -> memref<128x48xf32, #tpu.memory_space<vmem>>
      %dma_wait3A_398 = arith.constant 0 : i32
      %dma_wait3A_399 = tpu.memref_slice %arg12[%dma_wait3A, %dma_wait3A_398] : memref<160x128xi32, #tpu.memory_space<vmem>> -> memref<1x128xi32, #tpu.memory_space<vmem>>
      %dma_wait3A_400 = tpu.memref_squeeze %dma_wait3A_399 : memref<1x128xi32, #tpu.memory_space<vmem>> -> memref<128xi32, #tpu.memory_space<vmem>>
      %dma_wait3A_401 = arith.constant 0 : i32
      %dma_wait3A_402 = arith.constant 0 : i32
      %dma_wait3A_403 = tpu.memref_slice %arg10[%dma_wait3A_401, %dma_wait3A_402] : memref<10240x48xf32, #tpu.memory_space<vmem_shared>> -> memref<10240x48xf32, #tpu.memory_space<vmem_shared>>
      tpu.wait_indirect_dma semaphore(%arg21 : memref<!tpu.dma_semaphore, #tpu.memory_space<semaphore_mem>>) src(%dma_wait3A_397 : memref<128x48xf32, #tpu.memory_space<vmem>>) dst(%dma_wait3A_403 : memref<10240x48xf32, #tpu.memory_space<vmem_shared>>)
      %dma_wait3A_404 = arith.constant 0 : i32
      %dma_wait3A_405 = arith.constant 128 : i32
      %dma_wait3A_406 = arith.constant 0 : i32
      %dma_wait3A_407 = tpu.memref_slice %arg16[%dma_wait3A_405, %dma_wait3A_406] : memref<256x48xf32, #tpu.memory_space<vmem>> -> memref<128x48xf32, #tpu.memory_space<vmem>>
      %dma_wait3A_408 = arith.constant 0 : i32
      %dma_wait3A_409 = tpu.memref_slice %arg12[%dma_wait3A_404, %dma_wait3A_408] : memref<160x128xi32, #tpu.memory_space<vmem>> -> memref<1x128xi32, #tpu.memory_space<vmem>>
      %dma_wait3A_410 = tpu.memref_squeeze %dma_wait3A_409 : memref<1x128xi32, #tpu.memory_space<vmem>> -> memref<128xi32, #tpu.memory_space<vmem>>
      %dma_wait3A_411 = arith.constant 0 : i32
      %dma_wait3A_412 = arith.constant 0 : i32
      %dma_wait3A_413 = tpu.memref_slice %arg10[%dma_wait3A_411, %dma_wait3A_412] : memref<10240x48xf32, #tpu.memory_space<vmem_shared>> -> memref<10240x48xf32, #tpu.memory_space<vmem_shared>>
      tpu.wait_indirect_dma semaphore(%arg21 : memref<!tpu.dma_semaphore, #tpu.memory_space<semaphore_mem>>) src(%dma_wait3A_407 : memref<128x48xf32, #tpu.memory_space<vmem>>) dst(%dma_wait3A_413 : memref<10240x48xf32, #tpu.memory_space<vmem_shared>>)
      %dma_wait3A_414 = arith.constant 0 : i32
      %dma_wait3A_415 = arith.constant 0 : i32
      %dma_wait3A_416 = arith.constant 0 : i32
      %dma_wait3A_417 = tpu.memref_slice %arg17[%dma_wait3A_415, %dma_wait3A_416] : memref<256x48xf32, #tpu.memory_space<vmem>> -> memref<128x48xf32, #tpu.memory_space<vmem>>
      %dma_wait3A_418 = arith.constant 0 : i32
      %dma_wait3A_419 = tpu.memref_slice %arg12[%dma_wait3A_414, %dma_wait3A_418] : memref<160x128xi32, #tpu.memory_space<vmem>> -> memref<1x128xi32, #tpu.memory_space<vmem>>
      %dma_wait3A_420 = tpu.memref_squeeze %dma_wait3A_419 : memref<1x128xi32, #tpu.memory_space<vmem>> -> memref<128xi32, #tpu.memory_space<vmem>>
      %dma_wait3A_421 = arith.constant 0 : i32
      %dma_wait3A_422 = arith.constant 0 : i32
      %dma_wait3A_423 = tpu.memref_slice %arg10[%dma_wait3A_421, %dma_wait3A_422] : memref<10240x48xf32, #tpu.memory_space<vmem_shared>> -> memref<10240x48xf32, #tpu.memory_space<vmem_shared>>
      tpu.wait_indirect_dma semaphore(%arg21 : memref<!tpu.dma_semaphore, #tpu.memory_space<semaphore_mem>>) src(%dma_wait3A_417 : memref<128x48xf32, #tpu.memory_space<vmem>>) dst(%dma_wait3A_423 : memref<10240x48xf32, #tpu.memory_space<vmem_shared>>)
      %dma_wait3A_424 = arith.constant 0 : i32
      %dma_wait3A_425 = arith.constant 128 : i32
      %dma_wait3A_426 = arith.constant 0 : i32
      %dma_wait3A_427 = tpu.memref_slice %arg17[%dma_wait3A_425, %dma_wait3A_426] : memref<256x48xf32, #tpu.memory_space<vmem>> -> memref<128x48xf32, #tpu.memory_space<vmem>>
      %dma_wait3A_428 = arith.constant 0 : i32
      %dma_wait3A_429 = tpu.memref_slice %arg12[%dma_wait3A_424, %dma_wait3A_428] : memref<160x128xi32, #tpu.memory_space<vmem>> -> memref<1x128xi32, #tpu.memory_space<vmem>>
      %dma_wait3A_430 = tpu.memref_squeeze %dma_wait3A_429 : memref<1x128xi32, #tpu.memory_space<vmem>> -> memref<128xi32, #tpu.memory_space<vmem>>
      %dma_wait3A_431 = arith.constant 0 : i32
      %dma_wait3A_432 = arith.constant 0 : i32
      %dma_wait3A_433 = tpu.memref_slice %arg10[%dma_wait3A_431, %dma_wait3A_432] : memref<10240x48xf32, #tpu.memory_space<vmem_shared>> -> memref<10240x48xf32, #tpu.memory_space<vmem_shared>>
      tpu.wait_indirect_dma semaphore(%arg21 : memref<!tpu.dma_semaphore, #tpu.memory_space<semaphore_mem>>) src(%dma_wait3A_427 : memref<128x48xf32, #tpu.memory_space<vmem>>) dst(%dma_wait3A_433 : memref<10240x48xf32, #tpu.memory_space<vmem_shared>>)
      %barrier3A_434 = arith.constant 0 : index
      tpu.barrier barrier_id(%barrier3A_434)
      %eq3A = arith.constant 1 : i32
      %eq3A_435 = arith.cmpi eq, %scan3A_29, %eq3A : i32
      %jit3A = arith.constant 1.000000e+00 : f32
      %jit3A_436 = arith.constant 2.000000e+00 : f32
      %select_n3A = arith.select %eq3A_435, %jit3A, %jit3A_436 : f32
      %eq3A_437 = arith.constant 1 : i32
      %eq3A_438 = arith.cmpi eq, %scan3A_29, %eq3A_437 : i32
      %jit3A_439 = arith.constant 0.000000e+00 : f32
      %jit3A_440 = arith.constant 1.000000e+00 : f32
      %select_n3A_441 = arith.select %eq3A_438, %jit3A_439, %jit3A_440 : f32
      %sub3A_442 = arith.constant 2 : i32
      %sub3A_443 = arith.subi %scan3A_29, %sub3A_442 : i32
      %max3A = arith.constant 0 : i32
      %max3A_444 = arith.maxsi %sub3A_443, %max3A : i32
      %mul3A_445 = arith.constant 10240 : i32
      %mul3A_446 = arith.muli %max3A_444, %mul3A_445 : i32
      %scan3A_447 = arith.constant 0 : i32
      %scan3A_448 = arith.constant 0 : i32
      %scan3A_449 = arith.constant 5 : i32
      %scan3A_450 = arith.addi %scan3A_448, %scan3A_449 : i32
      %scan3A_451 = arith.constant 1 : i32
      scf.for %scan3A_454 = %scan3A_448 to %scan3A_450 step %scan3A_451  : i32 {
        %mul3A_455 = arith.constant 128 : i32
        %mul3A_456 = arith.muli %scan3A_454, %mul3A_455 : i32
        %add3A_457 = arith.addi %mul3A_4, %mul3A_456 : i32
        "tpu.region"() ({
          %run_scoped3A = tpu.sem_alloc : memref<!tpu.dma_semaphore, #tpu.memory_space<semaphore_mem>>
          %dma_start3A_468 = arith.constant 0 : i32
          %dma_start3A_469 = arith.constant 0 : i32
          %dma_start3A_470 = tpu.memref_slice %arg16[%dma_start3A_468, %dma_start3A_469] : memref<256x48xf32, #tpu.memory_space<vmem>> -> memref<128x48xf32, #tpu.memory_space<vmem>>
          %dma_start3A_471 = arith.constant 0 : i32
          %dma_start3A_472 = tpu.memref_slice %arg10[%add3A_457, %dma_start3A_471] : memref<10240x48xf32, #tpu.memory_space<vmem_shared>> -> memref<128x48xf32, #tpu.memory_space<vmem_shared>>
          %dma_start3A_473 = arith.constant 0 : i32
          %dma_start3A_474 = arith.constant 0 : i32
          %dma_start3A_475 = tpu.memref_slice %arg16[%dma_start3A_473, %dma_start3A_474] : memref<256x48xf32, #tpu.memory_space<vmem>> -> memref<128x48xf32, #tpu.memory_space<vmem>>
          %dma_start3A_476 = arith.constant 0 : i32
          %dma_start3A_477 = tpu.memref_slice %arg10[%add3A_457, %dma_start3A_476] : memref<10240x48xf32, #tpu.memory_space<vmem_shared>> -> memref<128x48xf32, #tpu.memory_space<vmem_shared>>
          tpu.enqueue_dma source(%dma_start3A_477 : memref<128x48xf32, #tpu.memory_space<vmem_shared>>) target(%dma_start3A_475 : memref<128x48xf32, #tpu.memory_space<vmem>>) target_semaphore(%run_scoped3A : memref<!tpu.dma_semaphore, #tpu.memory_space<semaphore_mem>>)
          %dma_wait3A_478 = arith.constant 0 : i32
          %dma_wait3A_479 = arith.constant 0 : i32
          %dma_wait3A_480 = tpu.memref_slice %arg16[%dma_wait3A_478, %dma_wait3A_479] : memref<256x48xf32, #tpu.memory_space<vmem>> -> memref<128x48xf32, #tpu.memory_space<vmem>>
          %dma_wait3A_481 = arith.constant 0 : i32
          %dma_wait3A_482 = tpu.memref_slice %arg10[%add3A_457, %dma_wait3A_481] : memref<10240x48xf32, #tpu.memory_space<vmem_shared>> -> memref<128x48xf32, #tpu.memory_space<vmem_shared>>
          %dma_wait3A_483 = arith.constant 0 : i32
          %dma_wait3A_484 = arith.constant 0 : i32
          %dma_wait3A_485 = tpu.memref_slice %arg16[%dma_wait3A_483, %dma_wait3A_484] : memref<256x48xf32, #tpu.memory_space<vmem>> -> memref<128x48xf32, #tpu.memory_space<vmem>>
          %dma_wait3A_486 = arith.constant 0 : i32
          %dma_wait3A_487 = tpu.memref_slice %arg10[%add3A_457, %dma_wait3A_486] : memref<10240x48xf32, #tpu.memory_space<vmem_shared>> -> memref<128x48xf32, #tpu.memory_space<vmem_shared>>
          tpu.wait_dma2 semaphore(%run_scoped3A : memref<!tpu.dma_semaphore, #tpu.memory_space<semaphore_mem>>) src(%dma_wait3A_487 : memref<128x48xf32, #tpu.memory_space<vmem_shared>>) dst(%dma_wait3A_485 : memref<128x48xf32, #tpu.memory_space<vmem>>)
          tpu.yield
        }) : () -> ()
        %add3A_458 = arith.addi %mul3A_446, %add3A_457 : i32
        "tpu.region"() ({
          %run_scoped3A = tpu.sem_alloc : memref<!tpu.dma_semaphore, #tpu.memory_space<semaphore_mem>>
          %dma_start3A_468 = arith.constant 0 : i32
          %dma_start3A_469 = arith.constant 0 : i32
          %dma_start3A_470 = tpu.memref_slice %arg17[%dma_start3A_468, %dma_start3A_469] : memref<256x48xf32, #tpu.memory_space<vmem>> -> memref<128x48xf32, #tpu.memory_space<vmem>>
          %dma_start3A_471 = arith.constant 0 : i32
          %dma_start3A_472 = tpu.memref_slice %arg8[%add3A_458, %dma_start3A_471] : memref<71680x48xf32, #tpu.memory_space<hbm>> -> memref<128x48xf32, #tpu.memory_space<hbm>>
          %dma_start3A_473 = arith.constant 0 : i32
          %dma_start3A_474 = arith.constant 0 : i32
          %dma_start3A_475 = tpu.memref_slice %arg17[%dma_start3A_473, %dma_start3A_474] : memref<256x48xf32, #tpu.memory_space<vmem>> -> memref<128x48xf32, #tpu.memory_space<vmem>>
          %dma_start3A_476 = arith.constant 0 : i32
          %dma_start3A_477 = tpu.memref_slice %arg8[%add3A_458, %dma_start3A_476] : memref<71680x48xf32, #tpu.memory_space<hbm>> -> memref<128x48xf32, #tpu.memory_space<hbm>>
          tpu.enqueue_dma source(%dma_start3A_477 : memref<128x48xf32, #tpu.memory_space<hbm>>) target(%dma_start3A_475 : memref<128x48xf32, #tpu.memory_space<vmem>>) target_semaphore(%run_scoped3A : memref<!tpu.dma_semaphore, #tpu.memory_space<semaphore_mem>>)
          %dma_wait3A_478 = arith.constant 0 : i32
          %dma_wait3A_479 = arith.constant 0 : i32
          %dma_wait3A_480 = tpu.memref_slice %arg17[%dma_wait3A_478, %dma_wait3A_479] : memref<256x48xf32, #tpu.memory_space<vmem>> -> memref<128x48xf32, #tpu.memory_space<vmem>>
          %dma_wait3A_481 = arith.constant 0 : i32
          %dma_wait3A_482 = tpu.memref_slice %arg8[%add3A_458, %dma_wait3A_481] : memref<71680x48xf32, #tpu.memory_space<hbm>> -> memref<128x48xf32, #tpu.memory_space<hbm>>
          %dma_wait3A_483 = arith.constant 0 : i32
          %dma_wait3A_484 = arith.constant 0 : i32
          %dma_wait3A_485 = tpu.memref_slice %arg17[%dma_wait3A_483, %dma_wait3A_484] : memref<256x48xf32, #tpu.memory_space<vmem>> -> memref<128x48xf32, #tpu.memory_space<vmem>>
          %dma_wait3A_486 = arith.constant 0 : i32
          %dma_wait3A_487 = tpu.memref_slice %arg8[%add3A_458, %dma_wait3A_486] : memref<71680x48xf32, #tpu.memory_space<hbm>> -> memref<128x48xf32, #tpu.memory_space<hbm>>
          tpu.wait_dma2 semaphore(%run_scoped3A : memref<!tpu.dma_semaphore, #tpu.memory_space<semaphore_mem>>) src(%dma_wait3A_487 : memref<128x48xf32, #tpu.memory_space<hbm>>) dst(%dma_wait3A_485 : memref<128x48xf32, #tpu.memory_space<vmem>>)
          tpu.yield
        }) : () -> ()
        %scan3A_459 = arith.constant 0 : i32
        %scan3A_460 = arith.constant 0 : i32
        %scan3A_461 = arith.constant 128 : i32
        %scan3A_462 = arith.addi %scan3A_460, %scan3A_461 : i32
        %scan3A_463 = arith.constant 1 : i32
        scf.for %scan3A_468 = %scan3A_460 to %scan3A_462 step %scan3A_463  : i32 {
          %get3A_469 = arith.index_cast %scan3A_468 : i32 to index
          %get3A_470 = arith.constant 0 : index
          %get3A_471 = tpu.vector_load %arg16[%get3A_469, %get3A_470] {strides = array<i32>} : memref<256x48xf32, #tpu.memory_space<vmem>>, vector<16xf32>,
          %mul3A_472 = vector.broadcast %select_n3A : f32 to vector<16xf32>
          %mul3A_473 = arith.mulf %mul3A_472, %get3A_471 : vector<16xf32>
          %get3A_474 = arith.index_cast %scan3A_468 : i32 to index
          %get3A_475 = arith.constant 0 : index
          %get3A_476 = tpu.vector_load %arg17[%get3A_474, %get3A_475] {strides = array<i32>} : memref<256x48xf32, #tpu.memory_space<vmem>>, vector<16xf32>,
          %mul3A_477 = vector.broadcast %select_n3A_441 : f32 to vector<16xf32>
          %mul3A_478 = arith.mulf %mul3A_477, %get3A_476 : vector<16xf32>
          %sub3A_479 = arith.subf %mul3A_473, %mul3A_478 : vector<16xf32>
          %swap3A_480 = arith.index_cast %scan3A_468 : i32 to index
          %swap3A_481 = arith.constant 0 : index
          %swap3A_482 = tpu.vector_load %arg16[%swap3A_480, %swap3A_481] {strides = array<i32>} : memref<256x48xf32, #tpu.memory_space<vmem>>, vector<16xf32>,
          tpu.vector_store %arg16[%swap3A_480, %swap3A_481], %sub3A_479 {strides = array<i32>} : memref<256x48xf32, #tpu.memory_space<vmem>>, vector<16xf32>,
          %get3A_483 = arith.index_cast %scan3A_468 : i32 to index
          %get3A_484 = arith.constant 16 : index
          %get3A_485 = tpu.vector_load %arg16[%get3A_483, %get3A_484] {strides = array<i32>} : memref<256x48xf32, #tpu.memory_space<vmem>>, vector<16xf32>,
          %mul3A_486 = vector.broadcast %select_n3A : f32 to vector<16xf32>
          %mul3A_487 = arith.mulf %mul3A_486, %get3A_485 : vector<16xf32>
          %get3A_488 = arith.index_cast %scan3A_468 : i32 to index
          %get3A_489 = arith.constant 16 : index
          %get3A_490 = tpu.vector_load %arg17[%get3A_488, %get3A_489] {strides = array<i32>} : memref<256x48xf32, #tpu.memory_space<vmem>>, vector<16xf32>,
          %mul3A_491 = vector.broadcast %select_n3A_441 : f32 to vector<16xf32>
          %mul3A_492 = arith.mulf %mul3A_491, %get3A_490 : vector<16xf32>
          %sub3A_493 = arith.subf %mul3A_487, %mul3A_492 : vector<16xf32>
          %swap3A_494 = arith.index_cast %scan3A_468 : i32 to index
          %swap3A_495 = arith.constant 16 : index
          %swap3A_496 = tpu.vector_load %arg16[%swap3A_494, %swap3A_495] {strides = array<i32>} : memref<256x48xf32, #tpu.memory_space<vmem>>, vector<16xf32>,
          tpu.vector_store %arg16[%swap3A_494, %swap3A_495], %sub3A_493 {strides = array<i32>} : memref<256x48xf32, #tpu.memory_space<vmem>>, vector<16xf32>,
          %get3A_497 = arith.index_cast %scan3A_468 : i32 to index
          %get3A_498 = arith.constant 32 : index
          %get3A_499 = tpu.vector_load %arg16[%get3A_497, %get3A_498] {strides = array<i32>} : memref<256x48xf32, #tpu.memory_space<vmem>>, vector<16xf32>,
          %mul3A_500 = vector.broadcast %select_n3A : f32 to vector<16xf32>
          %mul3A_501 = arith.mulf %mul3A_500, %get3A_499 : vector<16xf32>
          %get3A_502 = arith.index_cast %scan3A_468 : i32 to index
          %get3A_503 = arith.constant 32 : index
          %get3A_504 = tpu.vector_load %arg17[%get3A_502, %get3A_503] {strides = array<i32>} : memref<256x48xf32, #tpu.memory_space<vmem>>, vector<16xf32>,
          %mul3A_505 = vector.broadcast %select_n3A_441 : f32 to vector<16xf32>
          %mul3A_506 = arith.mulf %mul3A_505, %get3A_504 : vector<16xf32>
          %sub3A_507 = arith.subf %mul3A_501, %mul3A_506 : vector<16xf32>
          %swap3A_508 = arith.index_cast %scan3A_468 : i32 to index
          %swap3A_509 = arith.constant 32 : index
          %swap3A_510 = tpu.vector_load %arg16[%swap3A_508, %swap3A_509] {strides = array<i32>} : memref<256x48xf32, #tpu.memory_space<vmem>>, vector<16xf32>,
          tpu.vector_store %arg16[%swap3A_508, %swap3A_509], %sub3A_507 {strides = array<i32>} : memref<256x48xf32, #tpu.memory_space<vmem>>, vector<16xf32>,
        }
        %scan3A_464 = arith.constant 128 : i32
        %mul3A_465 = arith.constant 10240 : i32
        %mul3A_466 = arith.muli %scan3A_29, %mul3A_465 : i32
        %add3A_467 = arith.addi %mul3A_466, %add3A_457 : i32
        "tpu.region"() ({
          %run_scoped3A = tpu.sem_alloc : memref<!tpu.dma_semaphore, #tpu.memory_space<semaphore_mem>>
          %dma_start3A_468 = arith.constant 0 : i32
          %dma_start3A_469 = arith.constant 0 : i32
          %dma_start3A_470 = tpu.memref_slice %arg16[%dma_start3A_468, %dma_start3A_469] : memref<256x48xf32, #tpu.memory_space<vmem>> -> memref<128x48xf32, #tpu.memory_space<vmem>>
          %dma_start3A_471 = arith.constant 0 : i32
          %dma_start3A_472 = tpu.memref_slice %arg8[%add3A_467, %dma_start3A_471] : memref<71680x48xf32, #tpu.memory_space<hbm>> -> memref<128x48xf32, #tpu.memory_space<hbm>>
          %dma_start3A_473 = arith.constant 0 : i32
          %dma_start3A_474 = tpu.memref_slice %arg8[%add3A_467, %dma_start3A_473] : memref<71680x48xf32, #tpu.memory_space<hbm>> -> memref<128x48xf32, #tpu.memory_space<hbm>>
          %dma_start3A_475 = arith.constant 0 : i32
          %dma_start3A_476 = arith.constant 0 : i32
          %dma_start3A_477 = tpu.memref_slice %arg16[%dma_start3A_475, %dma_start3A_476] : memref<256x48xf32, #tpu.memory_space<vmem>> -> memref<128x48xf32, #tpu.memory_space<vmem>>
          tpu.enqueue_dma source(%dma_start3A_477 : memref<128x48xf32, #tpu.memory_space<vmem>>) target(%dma_start3A_474 : memref<128x48xf32, #tpu.memory_space<hbm>>) target_semaphore(%run_scoped3A : memref<!tpu.dma_semaphore, #tpu.memory_space<semaphore_mem>>)
          %dma_wait3A_478 = arith.constant 0 : i32
          %dma_wait3A_479 = arith.constant 0 : i32
          %dma_wait3A_480 = tpu.memref_slice %arg16[%dma_wait3A_478, %dma_wait3A_479] : memref<256x48xf32, #tpu.memory_space<vmem>> -> memref<128x48xf32, #tpu.memory_space<vmem>>
          %dma_wait3A_481 = arith.constant 0 : i32
          %dma_wait3A_482 = tpu.memref_slice %arg8[%add3A_467, %dma_wait3A_481] : memref<71680x48xf32, #tpu.memory_space<hbm>> -> memref<128x48xf32, #tpu.memory_space<hbm>>
          %dma_wait3A_483 = arith.constant 0 : i32
          %dma_wait3A_484 = tpu.memref_slice %arg8[%add3A_467, %dma_wait3A_483] : memref<71680x48xf32, #tpu.memory_space<hbm>> -> memref<128x48xf32, #tpu.memory_space<hbm>>
          %dma_wait3A_485 = arith.constant 0 : i32
          %dma_wait3A_486 = arith.constant 0 : i32
          %dma_wait3A_487 = tpu.memref_slice %arg16[%dma_wait3A_485, %dma_wait3A_486] : memref<256x48xf32, #tpu.memory_space<vmem>> -> memref<128x48xf32, #tpu.memory_space<vmem>>
          tpu.wait_dma2 semaphore(%run_scoped3A : memref<!tpu.dma_semaphore, #tpu.memory_space<semaphore_mem>>) src(%dma_wait3A_487 : memref<128x48xf32, #tpu.memory_space<vmem>>) dst(%dma_wait3A_484 : memref<128x48xf32, #tpu.memory_space<hbm>>)
          tpu.yield
        }) : () -> ()
        "tpu.region"() ({
          %run_scoped3A = tpu.sem_alloc : memref<!tpu.dma_semaphore, #tpu.memory_space<semaphore_mem>>
          %dma_start3A_468 = arith.constant 0 : i32
          %dma_start3A_469 = tpu.memref_slice %arg10[%add3A_457, %dma_start3A_468] : memref<10240x48xf32, #tpu.memory_space<vmem_shared>> -> memref<128x48xf32, #tpu.memory_space<vmem_shared>>
          %dma_start3A_470 = arith.constant 0 : i32
          %dma_start3A_471 = tpu.memref_slice %arg7[%add3A_457, %dma_start3A_470] : memref<10240x48xf32, #tpu.memory_space<hbm>> -> memref<128x48xf32, #tpu.memory_space<hbm>>
          tpu.enqueue_dma source(%dma_start3A_471 : memref<128x48xf32, #tpu.memory_space<hbm>>) target(%dma_start3A_469 : memref<128x48xf32, #tpu.memory_space<vmem_shared>>) target_semaphore(%run_scoped3A : memref<!tpu.dma_semaphore, #tpu.memory_space<semaphore_mem>>)
          %dma_wait3A_472 = arith.constant 0 : i32
          %dma_wait3A_473 = tpu.memref_slice %arg10[%add3A_457, %dma_wait3A_472] : memref<10240x48xf32, #tpu.memory_space<vmem_shared>> -> memref<128x48xf32, #tpu.memory_space<vmem_shared>>
          %dma_wait3A_474 = arith.constant 0 : i32
          %dma_wait3A_475 = tpu.memref_slice %arg7[%add3A_457, %dma_wait3A_474] : memref<10240x48xf32, #tpu.memory_space<hbm>> -> memref<128x48xf32, #tpu.memory_space<hbm>>
          tpu.wait_dma2 semaphore(%run_scoped3A : memref<!tpu.dma_semaphore, #tpu.memory_space<semaphore_mem>>) src(%dma_wait3A_475 : memref<128x48xf32, #tpu.memory_space<hbm>>) dst(%dma_wait3A_473 : memref<128x48xf32, #tpu.memory_space<vmem_shared>>)
          tpu.yield
        }) : () -> ()
      }
      %scan3A_452 = arith.constant 5 : i32
      %barrier3A_453 = arith.constant 0 : index
      tpu.barrier barrier_id(%barrier3A_453)
    }
    %scan3A_28 = arith.constant 6 : i32
    return
  }
}

module attributes {stable_mosaic.version = 14 : i64} {
  func.func @_input_body(%arg0: i32, %arg1: memref<1000x128xf32, #tpu.memory_space<vmem>>, %arg2: memref<128x48xf32, #tpu.memory_space<vmem>>, %arg3: memref<1x48xf32, #tpu.memory_space<vmem>>, %arg4: memref<1000x48xf32, #tpu.memory_space<vmem>>) attributes {dimension_semantics = [#tpu.dimension_semantics<arbitrary>], iteration_bounds = array<i64: 10>, scalar_prefetch = 0 : i64, scratch_operands = 0 : i64, tpu.core_type = #tpu.core_type<tc>, window_params = [{transform_indices = @transform_0, window_bounds = array<i64: 1000, 128>}, {pipeline_mode = #tpu.pipeline_mode<synchronous>, transform_indices = @transform_1, window_bounds = array<i64: 128, 48>}, {pipeline_mode = #tpu.pipeline_mode<synchronous>, transform_indices = @transform_2, window_bounds = array<i64: 1, 48>}, {transform_indices = @transform_3, window_bounds = array<i64: 1000, 48>}]} {
    %get3A = arith.constant 0 : index
    %get3A_0 = arith.constant 0 : index
    %get3A_1 = vector.load %arg1[%get3A, %get3A_0] : memref<1000x128xf32, #tpu.memory_space<vmem>>, vector<1000x128xf32>
    %get3A_2 = arith.constant 0 : index
    %get3A_3 = arith.constant 0 : index
    %get3A_4 = vector.load %arg2[%get3A_2, %get3A_3] : memref<128x48xf32, #tpu.memory_space<vmem>>, vector<128x48xf32>
    %dot_general3A = arith.constant dense<0.000000e+00> : vector<1000x48xf32>
    %dot_general3A_5 = tpu.matmul %get3A_1, %get3A_4, %dot_general3A {dimension_numbers = #tpu.dot_dimension_numbers<[1], [0], [0], [1], [0, 0, 1, 1], [], []>, transpose_lhs_hint = false} : vector<1000x128xf32>, vector<128x48xf32>, vector<1000x48xf32> -> vector<1000x48xf32>
    %get3A_6 = arith.constant 0 : index
    %get3A_7 = arith.constant 0 : index
    %get3A_8 = vector.load %arg3[%get3A_6, %get3A_7] : memref<1x48xf32, #tpu.memory_space<vmem>>, vector<1x48xf32>
    %add3A = vector.broadcast %get3A_8 : vector<1x48xf32> to vector<1000x48xf32>
    %add3A_9 = arith.addf %dot_general3A_5, %add3A : vector<1000x48xf32>
    %max3A = arith.constant 0.000000e+00 : f32
    %max3A_10 = vector.broadcast %max3A : f32 to vector<1000x48xf32>
    %max3A_11 = arith.maximumf %add3A_9, %max3A_10 : vector<1000x48xf32>
    %swap3A = arith.constant 0 : index
    %swap3A_12 = arith.constant 0 : index
    %swap3A_13 = vector.load %arg4[%swap3A, %swap3A_12] : memref<1000x48xf32, #tpu.memory_space<vmem>>, vector<1000x48xf32>
    tpu.vector_store %arg4[%swap3A, %swap3A_12], %max3A_11 {strides = array<i32>} : memref<1000x48xf32, #tpu.memory_space<vmem>>, vector<1000x48xf32>,
    return
  }
  func.func @transform_0(%arg0: i32) -> (i32, i32) {
    %c0_i32 = arith.constant 0 : i32
    %c0_i32_0 = arith.constant 0 : i32
    return %arg0, %c0_i32 : i32, i32
  }
  func.func @transform_1(%arg0: i32) -> (i32, i32) {
    %c0_i32 = arith.constant 0 : i32
    %c0_i32_0 = arith.constant 0 : i32
    %c0_i32_1 = arith.constant 0 : i32
    return %c0_i32, %c0_i32_0 : i32, i32
  }
  func.func @transform_2(%arg0: i32) -> (i32, i32) {
    %c0_i32 = arith.constant 0 : i32
    %c0_i32_0 = arith.constant 0 : i32
    %c0_i32_1 = arith.constant 0 : i32
    return %c0_i32, %c0_i32_0 : i32, i32
  }
  func.func @transform_3(%arg0: i32) -> (i32, i32) {
    %c0_i32 = arith.constant 0 : i32
    %c0_i32_0 = arith.constant 0 : i32
    return %arg0, %c0_i32 : i32, i32
  }
}

module attributes {stable_mosaic.version = 14 : i64} {
  func.func @_final_body(%arg0: i32, %arg1: memref<640x48xf32, #tpu.memory_space<vmem>>, %arg2: memref<640x48xf32, #tpu.memory_space<vmem>>, %arg3: memref<640x48xf32, #tpu.memory_space<vmem>>, %arg4: memref<640x48xf32, #tpu.memory_space<vmem>>, %arg5: memref<640x48xf32, #tpu.memory_space<vmem>>, %arg6: memref<640x48xf32, #tpu.memory_space<vmem>>, %arg7: memref<640x48xf32, #tpu.memory_space<vmem>>, %arg8: memref<7x48x48xf32, #tpu.memory_space<vmem>>, %arg9: memref<1x48xf32, #tpu.memory_space<vmem>>, %arg10: memref<48x10xf32, #tpu.memory_space<vmem>>, %arg11: memref<1x10xf32, #tpu.memory_space<vmem>>, %arg12: memref<640x10xf32, #tpu.memory_space<vmem>>) attributes {dimension_semantics = [#tpu.dimension_semantics<arbitrary>], iteration_bounds = array<i64: 16>, scalar_prefetch = 0 : i64, scratch_operands = 0 : i64, tpu.core_type = #tpu.core_type<tc>, window_params = [{transform_indices = @transform_0, window_bounds = array<i64: 640, 48>}, {transform_indices = @transform_1, window_bounds = array<i64: 640, 48>}, {transform_indices = @transform_2, window_bounds = array<i64: 640, 48>}, {transform_indices = @transform_3, window_bounds = array<i64: 640, 48>}, {transform_indices = @transform_4, window_bounds = array<i64: 640, 48>}, {transform_indices = @transform_5, window_bounds = array<i64: 640, 48>}, {transform_indices = @transform_6, window_bounds = array<i64: 640, 48>}, {pipeline_mode = #tpu.pipeline_mode<synchronous>, transform_indices = @transform_7, window_bounds = array<i64: 7, 48, 48>}, {pipeline_mode = #tpu.pipeline_mode<synchronous>, transform_indices = @transform_8, window_bounds = array<i64: 1, 48>}, {pipeline_mode = #tpu.pipeline_mode<synchronous>, transform_indices = @transform_9, window_bounds = array<i64: 48, 10>}, {pipeline_mode = #tpu.pipeline_mode<synchronous>, transform_indices = @transform_10, window_bounds = array<i64: 1, 10>}, {transform_indices = @transform_11, window_bounds = array<i64: 640, 10>}]} {
    %get3A = arith.constant 0 : index
    %get3A_0 = arith.constant 0 : index
    %get3A_1 = vector.load %arg1[%get3A, %get3A_0] : memref<640x48xf32, #tpu.memory_space<vmem>>, vector<640x48xf32>
    %get3A_2 = arith.constant 0 : index
    %get3A_3 = arith.constant 0 : index
    %get3A_4 = arith.constant 0 : index
    %get3A_5 = vector.load %arg8[%get3A_2, %get3A_3, %get3A_4] : memref<7x48x48xf32, #tpu.memory_space<vmem>>, vector<1x48x48xf32>
    %get3A_6 = vector.shape_cast %get3A_5 : vector<1x48x48xf32> to vector<48x48xf32>
    %dot_general3A = arith.constant dense<0.000000e+00> : vector<640x48xf32>
    %dot_general3A_7 = tpu.matmul %get3A_1, %get3A_6, %dot_general3A {dimension_numbers = #tpu.dot_dimension_numbers<[1], [0], [0], [1], [0, 0, 1, 1], [], []>, transpose_lhs_hint = false} : vector<640x48xf32>, vector<48x48xf32>, vector<640x48xf32> -> vector<640x48xf32>
    %get3A_8 = arith.constant 0 : index
    %get3A_9 = arith.constant 0 : index
    %get3A_10 = vector.load %arg2[%get3A_8, %get3A_9] : memref<640x48xf32, #tpu.memory_space<vmem>>, vector<640x48xf32>
    %get3A_11 = arith.constant 1 : index
    %get3A_12 = arith.constant 0 : index
    %get3A_13 = arith.constant 0 : index
    %get3A_14 = vector.load %arg8[%get3A_11, %get3A_12, %get3A_13] : memref<7x48x48xf32, #tpu.memory_space<vmem>>, vector<1x48x48xf32>
    %get3A_15 = vector.shape_cast %get3A_14 : vector<1x48x48xf32> to vector<48x48xf32>
    %dot_general3A_16 = arith.constant dense<0.000000e+00> : vector<640x48xf32>
    %dot_general3A_17 = tpu.matmul %get3A_10, %get3A_15, %dot_general3A_16 {dimension_numbers = #tpu.dot_dimension_numbers<[1], [0], [0], [1], [0, 0, 1, 1], [], []>, transpose_lhs_hint = false} : vector<640x48xf32>, vector<48x48xf32>, vector<640x48xf32> -> vector<640x48xf32>
    %add3A = arith.addf %dot_general3A_7, %dot_general3A_17 : vector<640x48xf32>
    %get3A_18 = arith.constant 0 : index
    %get3A_19 = arith.constant 0 : index
    %get3A_20 = vector.load %arg3[%get3A_18, %get3A_19] : memref<640x48xf32, #tpu.memory_space<vmem>>, vector<640x48xf32>
    %get3A_21 = arith.constant 2 : index
    %get3A_22 = arith.constant 0 : index
    %get3A_23 = arith.constant 0 : index
    %get3A_24 = vector.load %arg8[%get3A_21, %get3A_22, %get3A_23] : memref<7x48x48xf32, #tpu.memory_space<vmem>>, vector<1x48x48xf32>
    %get3A_25 = vector.shape_cast %get3A_24 : vector<1x48x48xf32> to vector<48x48xf32>
    %dot_general3A_26 = arith.constant dense<0.000000e+00> : vector<640x48xf32>
    %dot_general3A_27 = tpu.matmul %get3A_20, %get3A_25, %dot_general3A_26 {dimension_numbers = #tpu.dot_dimension_numbers<[1], [0], [0], [1], [0, 0, 1, 1], [], []>, transpose_lhs_hint = false} : vector<640x48xf32>, vector<48x48xf32>, vector<640x48xf32> -> vector<640x48xf32>
    %add3A_28 = arith.addf %add3A, %dot_general3A_27 : vector<640x48xf32>
    %get3A_29 = arith.constant 0 : index
    %get3A_30 = arith.constant 0 : index
    %get3A_31 = vector.load %arg4[%get3A_29, %get3A_30] : memref<640x48xf32, #tpu.memory_space<vmem>>, vector<640x48xf32>
    %get3A_32 = arith.constant 3 : index
    %get3A_33 = arith.constant 0 : index
    %get3A_34 = arith.constant 0 : index
    %get3A_35 = vector.load %arg8[%get3A_32, %get3A_33, %get3A_34] : memref<7x48x48xf32, #tpu.memory_space<vmem>>, vector<1x48x48xf32>
    %get3A_36 = vector.shape_cast %get3A_35 : vector<1x48x48xf32> to vector<48x48xf32>
    %dot_general3A_37 = arith.constant dense<0.000000e+00> : vector<640x48xf32>
    %dot_general3A_38 = tpu.matmul %get3A_31, %get3A_36, %dot_general3A_37 {dimension_numbers = #tpu.dot_dimension_numbers<[1], [0], [0], [1], [0, 0, 1, 1], [], []>, transpose_lhs_hint = false} : vector<640x48xf32>, vector<48x48xf32>, vector<640x48xf32> -> vector<640x48xf32>
    %add3A_39 = arith.addf %add3A_28, %dot_general3A_38 : vector<640x48xf32>
    %get3A_40 = arith.constant 0 : index
    %get3A_41 = arith.constant 0 : index
    %get3A_42 = vector.load %arg5[%get3A_40, %get3A_41] : memref<640x48xf32, #tpu.memory_space<vmem>>, vector<640x48xf32>
    %get3A_43 = arith.constant 4 : index
    %get3A_44 = arith.constant 0 : index
    %get3A_45 = arith.constant 0 : index
    %get3A_46 = vector.load %arg8[%get3A_43, %get3A_44, %get3A_45] : memref<7x48x48xf32, #tpu.memory_space<vmem>>, vector<1x48x48xf32>
    %get3A_47 = vector.shape_cast %get3A_46 : vector<1x48x48xf32> to vector<48x48xf32>
    %dot_general3A_48 = arith.constant dense<0.000000e+00> : vector<640x48xf32>
    %dot_general3A_49 = tpu.matmul %get3A_42, %get3A_47, %dot_general3A_48 {dimension_numbers = #tpu.dot_dimension_numbers<[1], [0], [0], [1], [0, 0, 1, 1], [], []>, transpose_lhs_hint = false} : vector<640x48xf32>, vector<48x48xf32>, vector<640x48xf32> -> vector<640x48xf32>
    %add3A_50 = arith.addf %add3A_39, %dot_general3A_49 : vector<640x48xf32>
    %get3A_51 = arith.constant 0 : index
    %get3A_52 = arith.constant 0 : index
    %get3A_53 = vector.load %arg6[%get3A_51, %get3A_52] : memref<640x48xf32, #tpu.memory_space<vmem>>, vector<640x48xf32>
    %get3A_54 = arith.constant 5 : index
    %get3A_55 = arith.constant 0 : index
    %get3A_56 = arith.constant 0 : index
    %get3A_57 = vector.load %arg8[%get3A_54, %get3A_55, %get3A_56] : memref<7x48x48xf32, #tpu.memory_space<vmem>>, vector<1x48x48xf32>
    %get3A_58 = vector.shape_cast %get3A_57 : vector<1x48x48xf32> to vector<48x48xf32>
    %dot_general3A_59 = arith.constant dense<0.000000e+00> : vector<640x48xf32>
    %dot_general3A_60 = tpu.matmul %get3A_53, %get3A_58, %dot_general3A_59 {dimension_numbers = #tpu.dot_dimension_numbers<[1], [0], [0], [1], [0, 0, 1, 1], [], []>, transpose_lhs_hint = false} : vector<640x48xf32>, vector<48x48xf32>, vector<640x48xf32> -> vector<640x48xf32>
    %add3A_61 = arith.addf %add3A_50, %dot_general3A_60 : vector<640x48xf32>
    %get3A_62 = arith.constant 0 : index
    %get3A_63 = arith.constant 0 : index
    %get3A_64 = vector.load %arg7[%get3A_62, %get3A_63] : memref<640x48xf32, #tpu.memory_space<vmem>>, vector<640x48xf32>
    %get3A_65 = arith.constant 6 : index
    %get3A_66 = arith.constant 0 : index
    %get3A_67 = arith.constant 0 : index
    %get3A_68 = vector.load %arg8[%get3A_65, %get3A_66, %get3A_67] : memref<7x48x48xf32, #tpu.memory_space<vmem>>, vector<1x48x48xf32>
    %get3A_69 = vector.shape_cast %get3A_68 : vector<1x48x48xf32> to vector<48x48xf32>
    %dot_general3A_70 = arith.constant dense<0.000000e+00> : vector<640x48xf32>
    %dot_general3A_71 = tpu.matmul %get3A_64, %get3A_69, %dot_general3A_70 {dimension_numbers = #tpu.dot_dimension_numbers<[1], [0], [0], [1], [0, 0, 1, 1], [], []>, transpose_lhs_hint = false} : vector<640x48xf32>, vector<48x48xf32>, vector<640x48xf32> -> vector<640x48xf32>
    %add3A_72 = arith.addf %add3A_61, %dot_general3A_71 : vector<640x48xf32>
    %get3A_73 = arith.constant 0 : index
    %get3A_74 = arith.constant 0 : index
    %get3A_75 = vector.load %arg9[%get3A_73, %get3A_74] : memref<1x48xf32, #tpu.memory_space<vmem>>, vector<1x48xf32>
    %add3A_76 = vector.broadcast %get3A_75 : vector<1x48xf32> to vector<640x48xf32>
    %add3A_77 = arith.addf %add3A_72, %add3A_76 : vector<640x48xf32>
    %max3A = arith.constant 0.000000e+00 : f32
    %max3A_78 = vector.broadcast %max3A : f32 to vector<640x48xf32>
    %max3A_79 = arith.maximumf %add3A_77, %max3A_78 : vector<640x48xf32>
    %get3A_80 = arith.constant 0 : index
    %get3A_81 = arith.constant 0 : index
    %get3A_82 = vector.load %arg10[%get3A_80, %get3A_81] : memref<48x10xf32, #tpu.memory_space<vmem>>, vector<48x10xf32>
    %dot_general3A_83 = arith.constant dense<0.000000e+00> : vector<640x10xf32>
    %dot_general3A_84 = tpu.matmul %max3A_79, %get3A_82, %dot_general3A_83 {dimension_numbers = #tpu.dot_dimension_numbers<[1], [0], [0], [1], [0, 0, 1, 1], [], []>, transpose_lhs_hint = false} : vector<640x48xf32>, vector<48x10xf32>, vector<640x10xf32> -> vector<640x10xf32>
    %get3A_85 = arith.constant 0 : index
    %get3A_86 = arith.constant 0 : index
    %get3A_87 = vector.load %arg11[%get3A_85, %get3A_86] : memref<1x10xf32, #tpu.memory_space<vmem>>, vector<1x10xf32>
    %add3A_88 = vector.broadcast %get3A_87 : vector<1x10xf32> to vector<640x10xf32>
    %add3A_89 = arith.addf %dot_general3A_84, %add3A_88 : vector<640x10xf32>
    %swap3A = arith.constant 0 : index
    %swap3A_90 = arith.constant 0 : index
    %swap3A_91 = vector.load %arg12[%swap3A, %swap3A_90] : memref<640x10xf32, #tpu.memory_space<vmem>>, vector<640x10xf32>
    tpu.vector_store %arg12[%swap3A, %swap3A_90], %add3A_89 {strides = array<i32>} : memref<640x10xf32, #tpu.memory_space<vmem>>, vector<640x10xf32>,
    return
  }
  func.func @transform_0(%arg0: i32) -> (i32, i32) {
    %add3A = arith.constant 0 : i32
    %add3A_0 = arith.addi %add3A, %arg0 : i32
    %c0_i32 = arith.constant 0 : i32
    %c0_i32_1 = arith.constant 0 : i32
    return %add3A_0, %c0_i32 : i32, i32
  }
  func.func @transform_1(%arg0: i32) -> (i32, i32) {
    %add3A = arith.constant 16 : i32
    %add3A_0 = arith.addi %add3A, %arg0 : i32
    %c0_i32 = arith.constant 0 : i32
    %c0_i32_1 = arith.constant 0 : i32
    return %add3A_0, %c0_i32 : i32, i32
  }
  func.func @transform_2(%arg0: i32) -> (i32, i32) {
    %add3A = arith.constant 32 : i32
    %add3A_0 = arith.addi %add3A, %arg0 : i32
    %c0_i32 = arith.constant 0 : i32
    %c0_i32_1 = arith.constant 0 : i32
    return %add3A_0, %c0_i32 : i32, i32
  }
  func.func @transform_3(%arg0: i32) -> (i32, i32) {
    %add3A = arith.constant 48 : i32
    %add3A_0 = arith.addi %add3A, %arg0 : i32
    %c0_i32 = arith.constant 0 : i32
    %c0_i32_1 = arith.constant 0 : i32
    return %add3A_0, %c0_i32 : i32, i32
  }
  func.func @transform_4(%arg0: i32) -> (i32, i32) {
    %add3A = arith.constant 64 : i32
    %add3A_0 = arith.addi %add3A, %arg0 : i32
    %c0_i32 = arith.constant 0 : i32
    %c0_i32_1 = arith.constant 0 : i32
    return %add3A_0, %c0_i32 : i32, i32
  }
  func.func @transform_5(%arg0: i32) -> (i32, i32) {
    %add3A = arith.constant 80 : i32
    %add3A_0 = arith.addi %add3A, %arg0 : i32
    %c0_i32 = arith.constant 0 : i32
    %c0_i32_1 = arith.constant 0 : i32
    return %add3A_0, %c0_i32 : i32, i32
  }
  func.func @transform_6(%arg0: i32) -> (i32, i32) {
    %add3A = arith.constant 96 : i32
    %add3A_0 = arith.addi %add3A, %arg0 : i32
    %c0_i32 = arith.constant 0 : i32
    %c0_i32_1 = arith.constant 0 : i32
    return %add3A_0, %c0_i32 : i32, i32
  }
  func.func @transform_7(%arg0: i32) -> (i32, i32, i32) {
    %c0_i32 = arith.constant 0 : i32
    %c0_i32_0 = arith.constant 0 : i32
    %c0_i32_1 = arith.constant 0 : i32
    %c0_i32_2 = arith.constant 0 : i32
    return %c0_i32, %c0_i32_0, %c0_i32_1 : i32, i32, i32
  }
  func.func @transform_8(%arg0: i32) -> (i32, i32) {
    %c0_i32 = arith.constant 0 : i32
    %c0_i32_0 = arith.constant 0 : i32
    %c0_i32_1 = arith.constant 0 : i32
    return %c0_i32, %c0_i32_0 : i32, i32
  }
  func.func @transform_9(%arg0: i32) -> (i32, i32) {
    %c0_i32 = arith.constant 0 : i32
    %c0_i32_0 = arith.constant 0 : i32
    %c0_i32_1 = arith.constant 0 : i32
    return %c0_i32, %c0_i32_0 : i32, i32
  }
  func.func @transform_10(%arg0: i32) -> (i32, i32) {
    %c0_i32 = arith.constant 0 : i32
    %c0_i32_0 = arith.constant 0 : i32
    %c0_i32_1 = arith.constant 0 : i32
    return %c0_i32, %c0_i32_0 : i32, i32
  }
  func.func @transform_11(%arg0: i32) -> (i32, i32) {
    %c0_i32 = arith.constant 0 : i32
    %c0_i32_0 = arith.constant 0 : i32
    return %arg0, %c0_i32 : i32, i32
  }
}

</mosaic_0001>

<sc_bundles>
// kernel: kernel.5.cloned.1.call-start
scs
__scs_entry_jumppad:
0x0: {  	(pc) =	sbr.rel $0x88, $3  }
0x1: {  	(tag) =	ssettag $0x0;
	lr =	simm.s32 $0x1  }
0x2: {  	[smem:$0x3F98] =	sst lr;
	_ =	strace $0xD0000000  }
0x3: {  	_ = 	snop  }
0x4: {  	_ = 	snop  }
0x5: {  	_ = 	snop  }
0x6: {  	_ = 	snop  }
0x7: {  	_ = 	snop  }
__scs_overlays_trampoline_lowered:
0x8: {  	[smem:$0x3FA7] =	sst s0  }
0x9: {  	[smem:$0x3FA8] =	sst s1  }
0xa: {  	[smem:$0x3FA9] =	sst s2  }
0xb: {  	[smem:$0x3FAA] =	sst s3  }
0xc: {  	[smem:$0x3FAB] =	sst s4  }
0xd: {  	[smem:$0x3FAC] =	sst s5  }
0xe: {  	[smem:$0x3FAD] =	sst s6  }
0xf: {  	[smem:$0x3FAE] =	sst s7  }
0x10: {  	[smem:$0x3FAF] =	sst s8  }
0x11: {  	[smem:$0x3FB0] =	sst s9;
	s0 =	simm.s32 @!p0 $0x0  }
0x12: {  	s1 =	sld [smem:$0x3F96];
	s0 =	simm.s32 @p0 $0x1  }
0x13: {  	[smem:$0x3FB1] =	sst s0;
	s0 =	simm.s32 @!p1 $0x0  }
0x14: {  	s2 =	sld [smem:$0x3F95];
	s0 =	simm.s32 @p1 $0x1  }
0x15: {  	[smem:$0x3FB2] =	sst s0;
	s0 =	simm.s32 @!p2 $0x0  }
0x16: {  	s3 =	sld [smem:$0x3FDB];
	s0 =	simm.s32 @p2 $0x1  }
0x17: {  	s4 =	simm.s32 $0x1BF5;
	[smem:$0x3FB4] =	sst s0  }
0x18: {  	s0 =	sld [smem:$0x3F97];
	_ =	swait.ge [sflag:s4], $0x0  }
0x19: {  	s7 =	sld [smem:$0x3F98]  }
0x1a: {  	s8 =	sadd.s32 $0xFFFFE003, lr  }
0x1b: {  	s9 =	sadd.s32 $0xFFFFFEF7, lr;
	s5 =	simm.s32 $0xFFFFFFFF;
	p2 =	slt.u32 s8, $0xFFFFF086  }
0x1c: {  	p1 =	slt.u32 s9, $0xF7A;
	s5 =	simm.s32 @!p2 $0x0  }
0x1d: {  	s5 =	simm.s32 @p1 $0x1;
	p0 =	seq.s32 s7, s2  }
0x1e: {  	s7 =	smul.u32 @!p0 $0xF7A, s2;
	p2 =	seq.s32 @!p0 s5, $0x0  }
0x1f: {  	s9 =	smul.u32 $0xF7A, s1;
	s8 =	simm.s32 @!p0 $0x1BF5;
	p2 =	por !p2, p0  }
0x20: {  	[sflag:s8] =	ssyncset.s32 @!p0 $0xFFFFF086;
	s6 =	sadd.s32 @!p0 s3, s7;
	s7 =	simm.s32 @!p0 $0x108  }
0x21: {  	s3 =	sadd.s32 s3, s9;
	s6 =	sadd.s32 @!p0 $0x88, s6;
	s7 =	simm.s32 @p2 $0x1082  }
0x22: {  	[simem:s7], [sflag:s8] =	dma.local @!p0 [hbm:s6], $0xF7A  }
0x23: {  	s9 =	sor.u32 $0xD0000000, s2;
	s6 =	simm.s32 $0x108;
	_ =	swait.ge @!p0 [sflag:s8], $0x0  }
0x24: {  	s3 =	sadd.s32 $0x88, s3;
	s6 =	simm.s32 @!p1 $0x1082;
	[sflag:s4] =	ssyncset.s32 $0xFFFFF086  }
0x25: {  	[simem:s6], [sflag:s4] =	dma.local [hbm:s3], $0xF7A  }
0x26: {  	[smem:$0x3F98] =	sst s1;
	(tag) =	ssettag s2;
	_ =	strace s9  }
0x27: {  	s1 =	sld [smem:$0x3FA8]  }
0x28: {  	s2 =	sld [smem:$0x3FA9]  }
0x29: {  	s4 =	sld [smem:$0x3FAB]  }
0x2a: {  	p0 =	seq.s32 s5, $0x0;
	s5 =	sld [smem:$0x3FAC]  }
0x2b: {  	s6 =	sld [smem:$0x3FAD]  }
0x2c: {  	s7 =	sld [smem:$0x3FAE]  }
0x2d: {  	s3 =	simm.s32 $0x108;
	s8 =	sld [smem:$0x3FAF]  }
0x2e: {  	s3 =	simm.s32 @!p0 $0x1082;
	s9 =	sld [smem:$0x3FB0]  }
0x2f: {  	lr =	sadd.s32 s0, s3;
	s0 =	sld [smem:$0x3FA7]  }
0x30: {  	s3 =	sld [smem:$0x3FAA]  }
0x31: {  	[smem:$0x3FB3] =	sst s10  }
0x32: {  	s10 =	sld [smem:$0x3FB1];
	_ =	sdelay $0x3  }
0x33: {  	p0 =	seq.s32 s10, $0x1;
	s10 =	sld [smem:$0x3FB3];
	_ =	sdelay $0x3  }
0x34: {  	[smem:$0x3FB3] =	sst s10  }
0x35: {  	s10 =	sld [smem:$0x3FB2];
	_ =	sdelay $0x3  }
0x36: {  	p1 =	seq.s32 s10, $0x1;
	s10 =	sld [smem:$0x3FB3];
	_ =	sdelay $0x3  }
0x37: {  	[smem:$0x3FB3] =	sst s10  }
0x38: {  	s10 =	sld [smem:$0x3FB4]  }
0x39: {  	_ = 	snop;
	(pc) =	sbr.ind lr, $3  }
0x3a: {  	_ = 	snop  }
0x3b: {  	_ = 	snop  }
0x3c: {  	p2 =	seq.s32 s10, $0x1;
	s10 =	sld [smem:$0x3FB3]  }
0x3d: {  	_ =	shalt  }
0x3e: {  	_ =	shalt  }
0x3f: {  	_ =	shalt  }
0x40: {  	_ =	shalt  }
0x41: {  	_ =	shalt  }
0x42: {  	_ =	shalt  }
0x43: {  	_ =	shalt  }
0x44: {  	_ =	shalt  }
0x45: {  	_ =	shalt  }
0x46: {  	_ =	shalt  }
0x47: {  	_ =	shalt  }
0x48: {  	_ =	shalt  }
0x49: {  	_ =	shalt  }
0x4a: {  	_ =	shalt  }
0x4b: {  	_ =	shalt  }
0x4c: {  	_ =	shalt  }
0x4d: {  	_ =	shalt  }
0x4e: {  	_ =	shalt  }
0x4f: {  	_ =	shalt  }
0x50: {  	_ =	shalt  }
0x51: {  	_ =	shalt  }
0x52: {  	_ =	shalt  }
0x53: {  	_ =	shalt  }
0x54: {  	_ =	shalt  }
0x55: {  	_ =	shalt  }
0x56: {  	_ =	shalt  }
0x57: {  	_ =	shalt  }
0x58: {  	_ =	shalt  }
0x59: {  	_ =	shalt  }
0x5a: {  	_ =	shalt  }
0x5b: {  	_ =	shalt  }
0x5c: {  	_ =	shalt  }
0x5d: {  	_ =	shalt  }
0x5e: {  	_ =	shalt  }
0x5f: {  	_ =	shalt  }
0x60: {  	_ =	shalt  }
0x61: {  	_ =	shalt  }
0x62: {  	_ =	shalt  }
0x63: {  	_ =	shalt  }
0x64: {  	_ =	shalt  }
0x65: {  	_ =	shalt  }
0x66: {  	_ =	shalt  }
0x67: {  	_ =	shalt  }
0x68: {  	_ =	shalt  }
0x69: {  	_ =	shalt  }
0x6a: {  	_ =	shalt  }
0x6b: {  	_ =	shalt  }
0x6c: {  	_ =	shalt  }
0x6d: {  	_ =	shalt  }
0x6e: {  	_ =	shalt  }
0x6f: {  	_ =	shalt  }
0x70: {  	_ =	shalt  }
0x71: {  	_ =	shalt  }
0x72: {  	_ =	shalt  }
0x73: {  	_ =	shalt  }
0x74: {  	_ =	shalt  }
0x75: {  	_ =	shalt  }
0x76: {  	_ =	shalt  }
0x77: {  	_ =	shalt  }
0x78: {  	_ =	shalt  }
0x79: {  	_ =	shalt  }
0x7a: {  	_ =	shalt  }
0x7b: {  	_ =	shalt  }
0x7c: {  	_ =	shalt  }
0x7d: {  	_ =	shalt  }
0x7e: {  	_ =	shalt  }
0x7f: {  	_ =	shalt  }
0x80: {  	_ =	shalt  }
0x81: {  	_ =	shalt  }
0x82: {  	_ =	shalt  }
0x83: {  	_ =	shalt  }
0x84: {  	_ =	shalt  }
0x85: {  	_ =	shalt  }
0x86: {  	_ =	shalt  }
0x87: {  	_ =	shalt  }
.Lfunc_end0:
.L_simem_size_0:
called_computation_lowered:
.L_overlay_start_0:
0x88: {  	s0 =	sld [smem:$0x3FD9]  }
0x89: {  	s1 =	sld [smem:$0x3FFE];
	_ =	sdelay $0x3  }
0x8a: {  	s0 =	sadd.s32 s1, s0  }
0x8b: {  	[smem:$0x3FBF] =	sst s0  }
0x8c: {  	_ = 	snop  }
0x8d: {  	s0 =	sld [smem:$0x3FD0];
	_ =	sdelay $0x2  }
0x8e: {  	s13 =	simm.s32 $0xA;
	s2 =	simm.s32 $0x10  }
0x8f: {  	[smem:s2], [sflag:s13] =	dma.local [hbm:s0], $0x1  }
0x90: {  	_ =	swait.eq [sflag:s13], $0x1  }
0x91: {  	[sflag:s13] =	ssyncset.done $0x0  }
0x92: {  	[sflag:s13] =	ssyncadd.s32 $0xFFFFFFFF  }
0x93: {  	s14 =	sld [smem:$0x10];
	(tm) =	ssettm $0x1  }
0x94: {  	s15 =	sld [smem:$0x3FFB];
	_ =	sdelay $0x3  }
0x95: {  	_ =	strace s15  }
0x96: {  	s1 =	sld [smem:$0x3FFC];
	_ =	sdelay $0x3  }
0x97: {  	_ =	strace s1  }
0x98: {  	s1 =	sld [smem:$0x3FFD];
	_ =	sdelay $0x3  }
0x99: {  	_ =	strace s1  }
0x9a: {  	_ =	strace $0x8FFFFFFF  }
0x9b: {  	s16 =	sld [smem:$0x3FDB];
	_ =	sdelay $0x1  }
0x9c: {  	s17 =	simm.s32 $_scs_section_size  }
0x9d: {  	s3 =	simm.s32 $_size__tile_overlayer_lowered;
	s4 =	simm.s32 $_tile_overlayer_lowered  }
0x9e: {  	s20 =	simm.s32 $0x1BFF;
	s19 =	sshll.u32 s4, $0x1;
	s1 =	sadd.s32 s17, s16  }
0x9f: {  	s5 =	simm.s32 $0x0;
	s18 =	sshll.u32 s3, $0x1;
	s3 =	sadd.s32 s19, s1  }
0xa0: {  	[timem:s5], [sflag:s20] =	dma.local [hbm:s3], s18  }
0xa1: {  	_ =	swait.ge [sflag:s20], s18  }
0xa2: {  	s2 =	ssub.s32 $0x0, s18;
	[sflag:s20] =	ssyncset.done $0x0  }
0xa3: {  	[sflag:s20] =	ssyncadd.s32 s2;
	_ =	sdelay $0x1  }
0xa4: {  	s21 =	simm.s32 $0x1B8B  }
0xa5: {  	_ =	swait.ge [sflag:s21], $0x1  }
0xa6: {  	[sflag:s21] =	ssyncset.done $0x0  }
0xa7: {  	s23 =	simm.s32 $0x1B8E;
	s22 =	sld [smem:$0x3FFE];
	[sflag:s21] =	ssyncadd.s32 $0xFFFFFFFF  }
0xa8: {  	s24 =	simm.s32 $execute0_lowered;
	[smem:$0x3FD2] =	sst s23  }
0xa9: {  	s3 =	sshll.u32 s24, $0x1;
	_ =	strace $0x80000046;
	[dreg:$0x1] =	wrdreg $0xFFFFFFFF  }
0xaa: {  	s25 =	simm.s32 $_size_execute0_lowered;
	s1 =	sadd.s32 s1, s3;
	[dreg:$0x0] =	wrdreg $0x0  }
0xab: {  	s3 =	sshll.u32 s25, $0x1;
	[dreg:$0x2] =	wrdreg s1  }
0xac: {  	[dreg:$0x3] =	wrdreg s3  }
0xad: {  	[dreg:$0x4] =	wrdreg $0xC0  }
0xae: {  	_ =	task [dreg:s5], $0x5FFFF  }
0xaf: {  	[dreg:$0x1] =	wrdreg $0xFFFFFFFF  }
0xb0: {  	[dreg:$0x0] =	wrdreg $0x60  }
0xb1: {  	[dreg:$0x2] =	wrdreg s22  }
0xb2: {  	[dreg:$0x3] =	wrdreg s14  }
0xb3: {  	[dreg:$0x4] =	wrdreg $0x0  }
0xb4: {  	[dreg:$0x5] =	wrdreg $0x2800  }
0xb5: {  	[dreg:$0x6] =	wrdreg $0x9  }
0xb6: {  	_ =	task.clear_ibuf [dreg:s5], $0x7FFFF;
	_ =	strace $0x90000046  }
0xb7: {  	s26 =	simm.s32 $0x9;
	_ =	strace $0x80000048  }
0xb8: {  	_ =	swait.ge [sflag:s26], $0x1  }
0xb9: {  	[sflag:s26] =	ssyncadd.s32 $0xFFFFFFFF  }
0xba: {  	_ =	strace $0x90000048  }
0xbb: {  	_ =	sfence  }
0xbc: {  	s28 =	sld [smem:$0x0];
	_ =	sdelay $0x1  }
0xbd: {  	s29 =	srdreg.scid  }
0xbe: {  	s30 =	sshll.u32 s29, $0xD;
	s31 =	sshrl.u32 s29, $0x2  }
0xbf: {  	s2 =	sand.u32 $0x4000, s30;
	s1 =	sand.u32 $0x1, s29;
	s0 =	sadd.s32 s31, s28  }
0xc0: {  	s1 =	sor.u32 s2, s1;
	s0 =	sshll.u32 s0, $0x11  }
0xc1: {  	s0 =	sor.u32 s0, s1  }
0xc2: {  	s0 =	sadd.s32 $0x8F2B, s0  }
0xc3: {  	[sflag:s0] =	ssyncadd.remote.s32 $0x1  }
0xc4: {  	_ =	sfence.sel $0xFFFF  }
0xc5: {  	[dreg:$0x0] =	wrdreg $0xFFFFFFFF;
	(pc) =	sbr.abs _section_cstart, $3  }
0xc6: {  	[dreg:$0x1] =	wrdreg $0xFFFFFFFF  }
0xc7: {  	_ =	task.clear_ibuf [dreg:s5], $0x2FFFF;
	_ =	strace $0x9FFFFFFF  }
0xc8: {  	(tm) =	ssettm $0x7FFFFFFF  }
0xc9: {  	_ =	shalt  }
tec
execute0_lowered:
.L_overlay_start_1:
0x0: {  	(tag) =	ssettag $0x1  }
0x1: {  	s7 =	rddreg [dreg:$0x0]  }
0x2: {  	s4 =	rddreg [dreg:$0x1]  }
0x3: {  	s10 =	rddreg [dreg:$0x2];
	s0 =	stileid.u32  }
0x4: {  	s2 =	rddreg [dreg:$0x3];
	s8 =	smul.u32 $0xA00, s0  }
0x5: {  	s1 =	rddreg [dreg:$0x4];
	s9 =	simm.s32 $0x0  }
0x6: {  	s6 =	simm.s32 $0x7A80;
	[smem:$0x7FF] =	sst s9;
	s5 =	sadd.s32 s8, s7  }
0x7: {  	s11 =	simm.s32 $0x3;
	_ =	strace $0x80000047;
	s3 =	sadd.s32 $0x23C00, s5  }
0x8: {  	[tilespmem:s6], [sflag:$0x3] =	stream.linear.gather [hbm4b:s3+s9], $0x5000, $0x38;
	[tilespmem:$0x1FC80] =	vst v63  }
0x9: {  	_ =	swait.ge [sflag:s11], $0x5000  }
0xa: {  	s12 =	simm.s32 $0xCA80;
	s13 =	smul.u32 $0x7800, s0;
	[sflag:s11] =	ssyncset.done $0x0  }
0xb: {  	s5 =	sadd.s32 $0x19C00, s5;
	s3 =	smul.u32 $0x280, s0;
	[sflag:s11] =	ssyncadd.s32 $0xFFFFB000  }
0xc: {  	[tilespmem:s12], [sflag:$0x3] =	stream.linear.gather [hbm4b:s5+s9], $0x5000, $0x38;
	[tilespmem:$0x1FC80] =	vst v63  }
0xd: {  	s16 =	sshll.u32 s0, $0x6;
	s15 =	sshrl.u32 s3, $0x3;
	_ =	swait.ge [sflag:s11], $0x5000  }
0xe: {  	s14 =	sadd.s32 s3, s10;
	s12 =	sadd.s32 s4, s15;
	[sflag:s11] =	ssyncset.done $0x0  }
0xf: {  	s4 =	sor.u32 $0x1C03, s16;
	s5 =	sshrl.u32 s14, $0x3;
	[sflag:s11] =	ssyncadd.s32 $0xFFFFB000  }
0x10: {  	[spmem:s5], [sflag:s4] =	dma.local [hbm:s12], $0x50  }
0x11: {  	s17 =	sshrl.u32 s13, $0x3;
	_ =	swait.ge [sflag:s11], $0x50  }
0x12: {  	s6 =	sadd.s32 s13, s2;
	s5 =	sadd.s32 $0x2DC00, s7;
	[sflag:s11] =	ssyncset.done $0x0  }
0x13: {  	s6 =	sshrl.u32 s6, $0x3;
	s13 =	sadd.s32 s5, s17;
	[sflag:s11] =	ssyncadd.s32 $0xFFFFFFB0  }
0x14: {  	[spmem:s6], [sflag:s4] =	dma.local [hbm:s13], $0xF00  }
0x15: {  	_ =	swait.ge [sflag:s11], $0xF00  }
0x16: {  	s18 =	sadd.s32 s17, s7;
	s6 =	sadd.s32 $0x3CC00, s7;
	[sflag:s11] =	ssyncset.done $0x0  }
0x17: {  	s13 =	sadd.s32 $0xAC00, s18;
	s12 =	sadd.s32 s6, s17;
	[sflag:s11] =	ssyncadd.s32 $0xFFFFF100  }
0x18: {  	[hbm:s12], [sflag:s4] =	dma.local [hbm:s13], $0xF00  }
0x19: {  	_ =	swait.ge [sflag:s11], $0xF00  }
0x1a: {  	[sflag:s11] =	ssyncset.done $0x0  }
0x1b: {  	[sflag:s11] =	ssyncadd.s32 $0xFFFFF100  }
0x1c: {  	s19 =	simm.s32 $0x19300;
	[bflag:$0x0] =	sbarrier.arrive $0xFFFF  }
0x1d: {  	s20 =	simm.s32 $0x19380;
	[dreg:$0x5] =	wrdreg s19  }
0x1e: {  	s21 =	simm.s32 $0x19400;
	[dreg:$0x6] =	wrdreg s20  }
0x1f: {  	s22 =	simm.s32 $0x19480;
	[dreg:$0x7] =	wrdreg s21  }
0x20: {  	s23 =	simm.s32 $0x19500;
	[dreg:$0x8] =	wrdreg s22  }
0x21: {  	s24 =	simm.s32 $0x19580;
	[dreg:$0x9] =	wrdreg s23  }
0x22: {  	s14 =	simm.s32 $0x19600;
	s7 =	sadd.s32 $0xC00, s7;
	[dreg:$0xa] =	wrdreg s24  }
0x23: {  	s12 =	sadd.s32 s8, s7;
	s13 =	simm.s32 $0x19280;
	[dreg:$0xb] =	wrdreg s14  }
0x24: {  	[tilespmem:s13], [sflag:$0x3] =	stream.linear.gather [hbm4b:s12+s9], $0x800, $0x38;
	[tilespmem:$0x1FC80] =	vst v63  }
0x25: {  	_ =	swait.ge [sflag:s11], $0x800  }
0x26: {  	[sflag:s11] =	ssyncset.done $0x0  }
0x27: {  	s25 =	simm.s32 $0x7A80;
	s14 =	simm.s32 $0x80;
	[sflag:s11] =	ssyncadd.s32 $0xFFFFF800  }
0x28: {  	[spmem:s10] =	stream.indirect.scatter.add.f32 [tilespmem:s13], [sflag:$0x3], $0x1, s25, s14, $0xb8;
	[tilespmem:$0x1FC80] =	vst v63  }
0x29: {  	_ =	swait.ge [sflag:s11], $0x80  }
0x2a: {  	[sflag:s11] =	ssyncset.done $0x0  }
0x2b: {  	s15 =	simm.s32 $0x7B00;
	s26 =	rddreg [dreg:$0x5];
	[sflag:s11] =	ssyncadd.s32 $0xFFFFFF80  }
0x2c: {  	[spmem:s10] =	stream.indirect.scatter.add.f32 [tilespmem:s26], [sflag:$0x3], $0x1, s15, s14, $0xb8;
	[tilespmem:$0x1FC80] =	vst v63  }
0x2d: {  	_ =	swait.ge [sflag:s11], $0x80  }
0x2e: {  	[sflag:s11] =	ssyncset.done $0x0  }
0x2f: {  	s29 =	simm.s32 $0x7B80;
	s28 =	rddreg [dreg:$0x6];
	[sflag:s11] =	ssyncadd.s32 $0xFFFFFF80  }
0x30: {  	[spmem:s10] =	stream.indirect.scatter.add.f32 [tilespmem:s28], [sflag:$0x3], $0x1, s29, s14, $0xb8;
	[tilespmem:$0x1FC80] =	vst v63  }
0x31: {  	_ =	swait.ge [sflag:s11], $0x80  }
0x32: {  	[sflag:s11] =	ssyncset.done $0x0  }
0x33: {  	s31 =	simm.s32 $0x7C00;
	s30 =	rddreg [dreg:$0x7];
	[sflag:s11] =	ssyncadd.s32 $0xFFFFFF80  }
0x34: {  	[spmem:s10] =	stream.indirect.scatter.add.f32 [tilespmem:s30], [sflag:$0x3], $0x1, s31, s14, $0xb8;
	[tilespmem:$0x1FC80] =	vst v63  }
0x35: {  	_ =	swait.ge [sflag:s11], $0x80  }
0x36: {  	[sflag:s11] =	ssyncset.done $0x0  }
0x37: {  	s16 =	simm.s32 $0x7C80;
	s15 =	rddreg [dreg:$0x8];
	[sflag:s11] =	ssyncadd.s32 $0xFFFFFF80  }
0x38: {  	[spmem:s10] =	stream.indirect.scatter.add.f32 [tilespmem:s15], [sflag:$0x3], $0x1, s16, s14, $0xb8;
	[tilespmem:$0x1FC80] =	vst v63  }
0x39: {  	_ =	swait.ge [sflag:s11], $0x80  }
0x3a: {  	[sflag:s11] =	ssyncset.done $0x0  }
0x3b: {  	s18 =	simm.s32 $0x7D00;
	s17 =	rddreg [dreg:$0x9];
	[sflag:s11] =	ssyncadd.s32 $0xFFFFFF80  }
0x3c: {  	[spmem:s10] =	stream.indirect.scatter.add.f32 [tilespmem:s17], [sflag:$0x3], $0x1, s18, s14, $0xb8;
	[tilespmem:$0x1FC80] =	vst v63  }
0x3d: {  	_ =	swait.ge [sflag:s11], $0x80  }
0x3e: {  	[sflag:s11] =	ssyncset.done $0x0  }
0x3f: {  	s20 =	simm.s32 $0x7D80;
	s19 =	rddreg [dreg:$0xa];
	[sflag:s11] =	ssyncadd.s32 $0xFFFFFF80  }
0x40: {  	[spmem:s10] =	stream.indirect.scatter.add.f32 [tilespmem:s19], [sflag:$0x3], $0x1, s20, s14, $0xb8;
	[tilespmem:$0x1FC80] =	vst v63  }
0x41: {  	_ =	swait.ge [sflag:s11], $0x80  }
0x42: {  	[sflag:s11] =	ssyncset.done $0x0  }
0x43: {  	s22 =	simm.s32 $0x7E00;
	s21 =	rddreg [dreg:$0xb];
	[sflag:s11] =	ssyncadd.s32 $0xFFFFFF80  }
0x44: {  	[spmem:s10] =	stream.indirect.scatter.add.f32 [tilespmem:s21], [sflag:$0x3], $0x1, s22, s14, $0xb8;
	[tilespmem:$0x1FC80] =	vst v63  }
0x45: {  	_ =	swait.ge [sflag:s11], $0x80  }
0x46: {  	[sflag:s11] =	ssyncset.done $0x0  }
0x47: {  	s23 =	simm.s32 $0x7E80;
	s15 =	simm.s32 $0x19680;
	[sflag:s11] =	ssyncadd.s32 $0xFFFFFF80  }
0x48: {  	[spmem:s10] =	stream.indirect.scatter.add.f32 [tilespmem:s15], [sflag:$0x3], $0x1, s23, s14, $0xb8;
	[tilespmem:$0x1FC80] =	vst v63  }
0x49: {  	_ =	swait.ge [sflag:s11], $0x80  }
0x4a: {  	[sflag:s11] =	ssyncset.done $0x0  }
0x4b: {  	s24 =	simm.s32 $0x7F00;
	s16 =	simm.s32 $0x19700;
	[sflag:s11] =	ssyncadd.s32 $0xFFFFFF80  }
0x4c: {  	[spmem:s10] =	stream.indirect.scatter.add.f32 [tilespmem:s16], [sflag:$0x3], $0x1, s24, s14, $0xb8;
	[tilespmem:$0x1FC80] =	vst v63  }
0x4d: {  	_ =	swait.ge [sflag:s11], $0x80  }
0x4e: {  	[sflag:s11] =	ssyncset.done $0x0  }
0x4f: {  	s25 =	simm.s32 $0x7F80;
	s17 =	simm.s32 $0x19780;
	[sflag:s11] =	ssyncadd.s32 $0xFFFFFF80  }
0x50: {  	[spmem:s10] =	stream.indirect.scatter.add.f32 [tilespmem:s17], [sflag:$0x3], $0x1, s25, s14, $0xb8;
	[tilespmem:$0x1FC80] =	vst v63  }
0x51: {  	_ =	swait.ge [sflag:s11], $0x80  }
0x52: {  	[sflag:s11] =	ssyncset.done $0x0  }
0x53: {  	s26 =	simm.s32 $0x8000;
	s18 =	simm.s32 $0x19800;
	[sflag:s11] =	ssyncadd.s32 $0xFFFFFF80  }
0x54: {  	[spmem:s10] =	stream.indirect.scatter.add.f32 [tilespmem:s18], [sflag:$0x3], $0x1, s26, s14, $0xb8;
	[tilespmem:$0x1FC80] =	vst v63  }
0x55: {  	_ =	swait.ge [sflag:s11], $0x80  }
0x56: {  	[sflag:s11] =	ssyncset.done $0x0  }
0x57: {  	s28 =	simm.s32 $0x8080;
	s19 =	simm.s32 $0x19880;
	[sflag:s11] =	ssyncadd.s32 $0xFFFFFF80  }
0x58: {  	[spmem:s10] =	stream.indirect.scatter.add.f32 [tilespmem:s19], [sflag:$0x3], $0x1, s28, s14, $0xb8;
	[tilespmem:$0x1FC80] =	vst v63  }
0x59: {  	_ =	swait.ge [sflag:s11], $0x80  }
0x5a: {  	[sflag:s11] =	ssyncset.done $0x0  }
0x5b: {  	s29 =	simm.s32 $0x8100;
	s20 =	simm.s32 $0x19900;
	[sflag:s11] =	ssyncadd.s32 $0xFFFFFF80  }
0x5c: {  	[spmem:s10] =	stream.indirect.scatter.add.f32 [tilespmem:s20], [sflag:$0x3], $0x1, s29, s14, $0xb8;
	[tilespmem:$0x1FC80] =	vst v63  }
0x5d: {  	_ =	swait.ge [sflag:s11], $0x80  }
0x5e: {  	[sflag:s11] =	ssyncset.done $0x0  }
0x5f: {  	s30 =	simm.s32 $0x8180;
	s21 =	simm.s32 $0x19980;
	[sflag:s11] =	ssyncadd.s32 $0xFFFFFF80  }
0x60: {  	[spmem:s10] =	stream.indirect.scatter.add.f32 [tilespmem:s21], [sflag:$0x3], $0x1, s30, s14, $0xb8;
	[tilespmem:$0x1FC80] =	vst v63  }
0x61: {  	_ =	swait.ge [sflag:s11], $0x80  }
0x62: {  	[sflag:s11] =	ssyncset.done $0x0  }
0x63: {  	s31 =	simm.s32 $0x8200;
	s22 =	simm.s32 $0x19A00;
	[sflag:s11] =	ssyncadd.s32 $0xFFFFFF80  }
0x64: {  	[spmem:s10] =	stream.indirect.scatter.add.f32 [tilespmem:s22], [sflag:$0x3], $0x1, s31, s14, $0xb8;
	[tilespmem:$0x1FC80] =	vst v63  }
0x65: {  	_ =	swait.ge [sflag:s11], $0x80  }
0x66: {  	s8 =	smul.u32 $0x5000, s0;
	s23 =	simm.s32 $0x2000;
	[sflag:s11] =	ssyncset.done $0x0  }
.LBB2_1:
0x67: {  	[sflag:s11] =	ssyncadd.s32 $0xFFFFFF80;
	s12 =	sadd.s32 $0x100, s12  }
0x68: {  	[tilespmem:s13], [sflag:$0x3] =	stream.linear.gather [hbm4b:s12+s9], $0x800, $0x38;
	[tilespmem:$0x1FC80] =	vst v63  }
0x69: {  	s24 =	smov.u32 s23;
	_ =	swait.ge [sflag:s11], $0x800  }
0x6a: {  	s24 =	sshra.s32 s24, $0x2;
	[sflag:s11] =	ssyncset.done $0x0  }
0x6b: {  	s25 =	sadd.s32 $0x7A80, s24;
	[sflag:s11] =	ssyncadd.s32 $0xFFFFF800  }
0x6c: {  	[spmem:s10] =	stream.indirect.scatter.add.f32 [tilespmem:s13], [sflag:$0x3], $0x1, s25, s14, $0xb8;
	[tilespmem:$0x1FC80] =	vst v63  }
0x6d: {  	_ =	swait.ge [sflag:s11], $0x80  }
0x6e: {  	[sflag:s11] =	ssyncset.done $0x0  }
0x6f: {  	s26 =	sadd.s32 $0x7B00, s24;
	s29 =	rddreg [dreg:$0x5];
	[sflag:s11] =	ssyncadd.s32 $0xFFFFFF80  }
0x70: {  	[spmem:s10] =	stream.indirect.scatter.add.f32 [tilespmem:s29], [sflag:$0x3], $0x1, s26, s14, $0xb8;
	[tilespmem:$0x1FC80] =	vst v63  }
0x71: {  	_ =	swait.ge [sflag:s11], $0x80  }
0x72: {  	[sflag:s11] =	ssyncset.done $0x0  }
0x73: {  	s31 =	sadd.s32 $0x7B80, s24;
	s30 =	rddreg [dreg:$0x6];
	[sflag:s11] =	ssyncadd.s32 $0xFFFFFF80  }
0x74: {  	[spmem:s10] =	stream.indirect.scatter.add.f32 [tilespmem:s30], [sflag:$0x3], $0x1, s31, s14, $0xb8;
	[tilespmem:$0x1FC80] =	vst v63  }
0x75: {  	_ =	swait.ge [sflag:s11], $0x80  }
0x76: {  	[sflag:s11] =	ssyncset.done $0x0  }
0x77: {  	s29 =	sadd.s32 $0x7C00, s24;
	s28 =	rddreg [dreg:$0x7];
	[sflag:s11] =	ssyncadd.s32 $0xFFFFFF80  }
0x78: {  	[spmem:s10] =	stream.indirect.scatter.add.f32 [tilespmem:s28], [sflag:$0x3], $0x1, s29, s14, $0xb8;
	[tilespmem:$0x1FC80] =	vst v63  }
0x79: {  	_ =	swait.ge [sflag:s11], $0x80  }
0x7a: {  	[sflag:s11] =	ssyncset.done $0x0  }
0x7b: {  	s31 =	sadd.s32 $0x7C80, s24;
	s30 =	rddreg [dreg:$0x8];
	[sflag:s11] =	ssyncadd.s32 $0xFFFFFF80  }
0x7c: {  	[spmem:s10] =	stream.indirect.scatter.add.f32 [tilespmem:s30], [sflag:$0x3], $0x1, s31, s14, $0xb8;
	[tilespmem:$0x1FC80] =	vst v63  }
0x7d: {  	_ =	swait.ge [sflag:s11], $0x80  }
0x7e: {  	[sflag:s11] =	ssyncset.done $0x0  }
0x7f: {  	s29 =	sadd.s32 $0x7D00, s24;
	s28 =	rddreg [dreg:$0x9];
	[sflag:s11] =	ssyncadd.s32 $0xFFFFFF80  }
0x80: {  	[spmem:s10] =	stream.indirect.scatter.add.f32 [tilespmem:s28], [sflag:$0x3], $0x1, s29, s14, $0xb8;
	[tilespmem:$0x1FC80] =	vst v63  }
0x81: {  	_ =	swait.ge [sflag:s11], $0x80  }
0x82: {  	[sflag:s11] =	ssyncset.done $0x0  }
0x83: {  	s31 =	sadd.s32 $0x7D80, s24;
	s30 =	rddreg [dreg:$0xa];
	[sflag:s11] =	ssyncadd.s32 $0xFFFFFF80  }
0x84: {  	[spmem:s10] =	stream.indirect.scatter.add.f32 [tilespmem:s30], [sflag:$0x3], $0x1, s31, s14, $0xb8;
	[tilespmem:$0x1FC80] =	vst v63  }
0x85: {  	_ =	swait.ge [sflag:s11], $0x80  }
0x86: {  	[sflag:s11] =	ssyncset.done $0x0  }
0x87: {  	s29 =	sadd.s32 $0x7E00, s24;
	s28 =	rddreg [dreg:$0xb];
	[sflag:s11] =	ssyncadd.s32 $0xFFFFFF80  }
0x88: {  	[spmem:s10] =	stream.indirect.scatter.add.f32 [tilespmem:s28], [sflag:$0x3], $0x1, s29, s14, $0xb8;
	[tilespmem:$0x1FC80] =	vst v63  }
0x89: {  	_ =	swait.ge [sflag:s11], $0x80  }
0x8a: {  	[sflag:s11] =	ssyncset.done $0x0  }
0x8b: {  	s30 =	sadd.s32 $0x7E80, s24;
	[sflag:s11] =	ssyncadd.s32 $0xFFFFFF80  }
0x8c: {  	[spmem:s10] =	stream.indirect.scatter.add.f32 [tilespmem:s15], [sflag:$0x3], $0x1, s30, s14, $0xb8;
	[tilespmem:$0x1FC80] =	vst v63  }
0x8d: {  	_ =	swait.ge [sflag:s11], $0x80  }
0x8e: {  	[sflag:s11] =	ssyncset.done $0x0  }
0x8f: {  	s31 =	sadd.s32 $0x7F00, s24;
	[sflag:s11] =	ssyncadd.s32 $0xFFFFFF80  }
0x90: {  	[spmem:s10] =	stream.indirect.scatter.add.f32 [tilespmem:s16], [sflag:$0x3], $0x1, s31, s14, $0xb8;
	[tilespmem:$0x1FC80] =	vst v63  }
0x91: {  	_ =	swait.ge [sflag:s11], $0x80  }
0x92: {  	[sflag:s11] =	ssyncset.done $0x0  }
0x93: {  	s26 =	sadd.s32 $0x7F80, s24;
	[sflag:s11] =	ssyncadd.s32 $0xFFFFFF80  }
0x94: {  	[spmem:s10] =	stream.indirect.scatter.add.f32 [tilespmem:s17], [sflag:$0x3], $0x1, s26, s14, $0xb8;
	[tilespmem:$0x1FC80] =	vst v63  }
0x95: {  	_ =	swait.ge [sflag:s11], $0x80  }
0x96: {  	[sflag:s11] =	ssyncset.done $0x0  }
0x97: {  	s28 =	sadd.s32 $0x8000, s24;
	[sflag:s11] =	ssyncadd.s32 $0xFFFFFF80  }
0x98: {  	[spmem:s10] =	stream.indirect.scatter.add.f32 [tilespmem:s18], [sflag:$0x3], $0x1, s28, s14, $0xb8;
	[tilespmem:$0x1FC80] =	vst v63  }
0x99: {  	_ =	swait.ge [sflag:s11], $0x80  }
0x9a: {  	[sflag:s11] =	ssyncset.done $0x0  }
0x9b: {  	s29 =	sadd.s32 $0x8080, s24;
	[sflag:s11] =	ssyncadd.s32 $0xFFFFFF80  }
0x9c: {  	[spmem:s10] =	stream.indirect.scatter.add.f32 [tilespmem:s19], [sflag:$0x3], $0x1, s29, s14, $0xb8;
	[tilespmem:$0x1FC80] =	vst v63  }
0x9d: {  	_ =	swait.ge [sflag:s11], $0x80  }
0x9e: {  	[sflag:s11] =	ssyncset.done $0x0  }
0x9f: {  	s30 =	sadd.s32 $0x8100, s24;
	[sflag:s11] =	ssyncadd.s32 $0xFFFFFF80  }
0xa0: {  	[spmem:s10] =	stream.indirect.scatter.add.f32 [tilespmem:s20], [sflag:$0x3], $0x1, s30, s14, $0xb8;
	[tilespmem:$0x1FC80] =	vst v63  }
0xa1: {  	_ =	swait.ge [sflag:s11], $0x80  }
0xa2: {  	[sflag:s11] =	ssyncset.done $0x0  }
0xa3: {  	s31 =	sadd.s32 $0x8180, s24;
	[sflag:s11] =	ssyncadd.s32 $0xFFFFFF80  }
0xa4: {  	[spmem:s10] =	stream.indirect.scatter.add.f32 [tilespmem:s21], [sflag:$0x3], $0x1, s31, s14, $0xb8;
	[tilespmem:$0x1FC80] =	vst v63  }
0xa5: {  	p0 =	sne.s32 s23, $0x12000;
	_ =	swait.ge [sflag:s11], $0x80  }
.Ltmp0:
0xa6: {  	[sflag:s11] =	ssyncset.done $0x0;
	(pc) =	sbr.rel @p0 .LBB2_1-.Ltmp0, $4  }
0xa7: {  	s24 =	sadd.s32 $0x8200, s24;
	[sflag:s11] =	ssyncadd.s32 $0xFFFFFF80  }
0xa8: {  	[spmem:s10] =	stream.indirect.scatter.add.f32 [tilespmem:s22], [sflag:$0x3], $0x1, s24, s14, $0xb8;
	[tilespmem:$0x1FC80] =	vst v63  }
0xa9: {  	_ =	swait.ge [sflag:s11], $0x80  }
0xaa: {  	s23 =	sadd.s32 $0x2000, s23;
	[sflag:s11] =	ssyncset.done $0x0  }
0xab: {  	[sflag:s11] =	ssyncadd.s32 $0xFFFFFF80  }
0xac: {  	s9 =	simm.s32 $0x11A80;
	s31 =	simm.s32 $0x3;
	[bflag:$0x0] =	sbarrier.arrive $0xFFFF  }
0xad: {  	[tilespmem:s9], [sflag:$0x3] =	stream.linear.gather [spmem:s10], $0x2800, $0x38;
	[tilespmem:$0x1FC80] =	vst v63  }
0xae: {  	_ =	swait.ge [sflag:s31], $0x2800  }
0xaf: {  	[sflag:s31] =	ssyncset.done $0x0  }
0xb0: {  	s12 =	simm.s32 $0x0;
	[sflag:s31] =	ssyncadd.s32 $0xFFFFD800  }
0xb1: {  	v11 =	vld [tilespmem:s12+$0x11A80];
	_ =	sdelay $0x4  }
0xb2: {  	s11 =	simm.s32 $0x10;
	v1 =	vshra.s32 v11, $0x1;
	v10 =	vmul.f32 $5.000000000e-01, v11  }
0xb3: {  	v0 =	vld [tilespmem:s11+$0x11A80];
	v2 =	vsub.s32 $0x5F3759DF, v1  }
0xb4: {  	v1 =	vmul.f32 v2, v10;
	_ =	sdelay $0x1  }
0xb5: {  	v1 =	vmul.f32 v2, v1;
	_ =	sdelay $0x1  }
0xb6: {  	v3 =	vshra.s32 v0, $0x1;
	v4 =	vmul.f32 $5.000000000e-01, v0;
	v5 =	vsub.f32 $1.500000000e+00, v1  }
0xb7: {  	s13 =	simm.s32 $0x20;
	v3 =	vsub.s32 $0x5F3759DF, v3  }
0xb8: {  	v6 =	vmul.f32 v3, v4;
	v1 =	vld [tilespmem:s13+$0x11A80];
	v7 =	vmul.f32 v2, v5;
	_ =	sdelay $0x1  }
0xb9: {  	v2 =	vmul.f32 v3, v6;
	v6 =	vmul.f32 v7, v10;
	_ =	sdelay $0x1  }
0xba: {  	v2 =	vsub.f32 $1.500000000e+00, v2;
	v6 =	vmul.f32 v6, v7  }
0xbb: {  	s14 =	simm.s32 $0x30;
	v8 =	vshra.s32 v1, $0x1;
	v5 =	vmul.f32 $5.000000000e-01, v1  }
0xbc: {  	v8 =	vsub.s32 $0x5F3759DF, v8;
	v9 =	vmul.f32 v3, v2;
	v2 =	vld [tilespmem:s14+$0x11A80];
	v3 =	vsub.f32 $1.500000000e+00, v6  }
0xbd: {  	v6 =	vmul.f32 v8, v5  }
0xbe: {  	v12 =	vmul.f32 v9, v4;
	v13 =	vmul.f32 v3, v7  }
0xbf: {  	v3 =	vmul.f32 v8, v6  }
0xc0: {  	s15 =	simm.s32 $0x40;
	v6 =	vmul.f32 v12, v9;
	v12 =	vmul.f32 v13, v10  }
0xc1: {  	v15 =	vshra.s32 v2, $0x1;
	v7 =	vmul.f32 $5.000000000e-01, v2;
	v14 =	vsub.f32 $1.500000000e+00, v3;
	v3 =	vld [tilespmem:s15+$0x11A80]  }
0xc2: {  	v6 =	vsub.f32 $1.500000000e+00, v6;
	v15 =	vsub.s32 $0x5F3759DF, v15;
	v12 =	vmul.f32 v12, v13  }
0xc3: {  	v16 =	vmul.f32 v8, v14;
	v8 =	vmul.f32 v15, v7  }
0xc4: {  	v18 =	vmul.f32 v6, v9  }
0xc5: {  	v6 =	vsub.f32 $1.500000000e+00, v12;
	v12 =	vmul.f32 v16, v5;
	v14 =	vmul.f32 v15, v8  }
0xc6: {  	v17 =	vmul.f32 v18, v4;
	v8 =	vmul.f32 $5.000000000e-01, v3  }
0xc7: {  	v9 =	vmul.f32 v6, v13;
	v19 =	vmul.f32 v12, v16  }
0xc8: {  	s16 =	simm.s32 $0x50;
	v13 =	vshra.s32 v3, $0x1;
	v14 =	vsub.f32 $1.500000000e+00, v14;
	v17 =	vmul.f32 v17, v18  }
0xc9: {  	v6 =	vld [tilespmem:s16+$0x11A80];
	v12 =	vsub.s32 $0x5F3759DF, v13;
	v13 =	vsub.f32 $1.500000000e+00, v19;
	v19 =	vmul.f32 v9, v10  }
0xca: {  	v20 =	vmul.f32 v12, v8;
	v14 =	vmul.f32 v15, v14  }
0xcb: {  	v10 =	vmul.f32 v13, v16;
	v13 =	vsub.f32 $1.500000000e+00, v17;
	v15 =	vmul.f32 v19, v9  }
0xcc: {  	vm0 =	vgt.f32 v11, $0.0e+00;
	v17 =	vmul.f32 v12, v20;
	v20 =	vmul.f32 v14, v7  }
0xcd: {  	v16 =	vmul.f32 v10, v5;
	v13 =	vmul.f32 v13, v18;
	v15 =	vsub.f32 $1.500000000e+00, v15  }
0xce: {  	s17 =	simm.s32 $0x180;
	s10 =	simm.s32 $0x0;
	v19 =	vshra.s32 v6, $0x1;
	v11 =	vmul.f32 $5.000000000e-01, v6;
	v18 =	vmul.f32 v20, v14  }
.LBB2_3:
0xcf: {  	s18 =	sshra.s32 s17, $0x2;
	p0 =	sne.s32 s17, $0x9FC0;
	s17 =	sadd.s32 $0x40, s17;
	v17 =	vsub.f32 $1.500000000e+00, v17;
	v16 =	vmul.f32 v16, v10;
	v15 =	vmul.f32 v15, v9;
	v20 =	vmovc v10;
	v9 =	vmovc v13  }
0xd0: {  	v10 =	vsub.s32 $0x5F3759DF, v19;
	v21 =	vld [tilespmem:s18+$0x11A80];
	v13 =	vsub.f32 $1.500000000e+00, v18;
	v18 =	vmul.f32 v9, v4;
	v4 =	vmovc v5;
	v5 =	vmovc v7  }
.Ltmp1:
0xd1: {  	v19 =	vmul.f32 v10, v11;
	v7 =	vmovc v8;
	v22 =	vmul.f32 v12, v17;
	v15 =	vnsel vm0, $0x0, v15;
	v12 =	vmovc v10;
	(pc) =	sbr.rel @p0 .LBB2_3-.Ltmp1, $4  }
0xd2: {  	v8 =	vmovc v11;
	v10 =	vmul.f32 v13, v14;
	v13 =	vsub.f32 $1.500000000e+00, v16;
	v23 =	vmul.f32 v18, v9;
	[tilespmem:s12+$0x16A80] =	vst v15;
	s12 =	smov.u32 s11;
	s11 =	smov.u32 s13;
	s13 =	smov.u32 s14  }
0xd3: {  	vm0 =	vgt.f32 v0, $0.0e+00;
	v0 =	vmovc v1;
	v1 =	vmovc v2;
	v17 =	vmul.f32 v12, v19;
	s14 =	smov.u32 s15;
	s15 =	smov.u32 s16;
	s16 =	smov.u32 s18;
	v18 =	vmul.f32 v22, v7  }
0xd4: {  	v2 =	vmovc v3;
	v3 =	vmovc v6;
	v16 =	vmul.f32 v10, v5;
	v13 =	vmul.f32 v13, v20;
	v15 =	vsub.f32 $1.500000000e+00, v23  }
0xd5: {  	v14 =	vmovc v22;
	v19 =	vshra.s32 v21, $0x1;
	v11 =	vmul.f32 $5.000000000e-01, v21;
	v18 =	vmul.f32 v18, v22;
	v6 =	vmovc v21  }
0xd6: {  	v19 =	vsub.s32 $0x5F3759DF, v19  }
0xd7: {  	v20 =	vmul.f32 v19, v11;
	_ =	sdelay $0x1  }
0xd8: {  	v20 =	vmul.f32 v19, v20  }
0xd9: {  	v17 =	vsub.f32 $1.500000000e+00, v17  }
0xda: {  	v20 =	vsub.f32 $1.500000000e+00, v20  }
0xdb: {  	v12 =	vmul.f32 v12, v17  }
0xdc: {  	v44 =	vmul.f32 v19, v20  }
0xdd: {  	v45 =	vmul.f32 v12, v8  }
0xde: {  	v20 =	vmul.f32 v44, v11  }
0xdf: {  	v19 =	vmul.f32 v45, v12  }
0xe0: {  	v18 =	vsub.f32 $1.500000000e+00, v18;
	v20 =	vmul.f32 v20, v44  }
0xe1: {  	v19 =	vsub.f32 $1.500000000e+00, v19  }
0xe2: {  	v14 =	vmul.f32 v18, v14;
	v46 =	vsub.f32 $1.500000000e+00, v20  }
0xe3: {  	v12 =	vmul.f32 v19, v12  }
0xe4: {  	v47 =	vmul.f32 v14, v7;
	v17 =	vmul.f32 v46, v44  }
0xe5: {  	v16 =	vmul.f32 v16, v10;
	v48 =	vmul.f32 v12, v8  }
0xe6: {  	v19 =	vmul.f32 v47, v14;
	v49 =	vmul.f32 v17, v11  }
0xe7: {  	v16 =	vsub.f32 $1.500000000e+00, v16;
	v18 =	vmul.f32 v48, v12  }
0xe8: {  	v4 =	vmul.f32 v13, v4;
	v19 =	vsub.f32 $1.500000000e+00, v19;
	v20 =	vmul.f32 v49, v17  }
0xe9: {  	v9 =	vmul.f32 v15, v9;
	v50 =	vmul.f32 v16, v10;
	v51 =	vsub.f32 $1.500000000e+00, v18  }
0xea: {  	v4 =	vmul.f32 v4, v13;
	v14 =	vmul.f32 v19, v14;
	v52 =	vsub.f32 $1.500000000e+00, v20  }
0xeb: {  	v5 =	vmul.f32 v50, v5;
	v12 =	vmul.f32 v51, v12  }
0xec: {  	v53 =	vmul.f32 v14, v7;
	v54 =	vmul.f32 v52, v17  }
0xed: {  	vm11 =	vgt.f32 v0, $0.0e+00;
	v5 =	vmul.f32 v5, v50;
	v55 =	vmul.f32 v12, v8  }
0xee: {  	v4 =	vsub.f32 $1.500000000e+00, v4;
	v7 =	vmul.f32 v53, v14;
	v56 =	vmul.f32 v54, v11  }
0xef: {  	vm12 =	vgt.f32 v1, $0.0e+00;
	v5 =	vsub.f32 $1.500000000e+00, v5;
	v8 =	vmul.f32 v55, v12  }
0xf0: {  	v4 =	vmul.f32 v4, v13;
	v57 =	vsub.f32 $1.500000000e+00, v7;
	v58 =	vmul.f32 v56, v54  }
0xf1: {  	v9 =	vnsel vm0, $0x0, v9;
	v5 =	vmul.f32 v5, v50;
	v8 =	vsub.f32 $1.500000000e+00, v8  }
0xf2: {  	[tilespmem:s12+$0x16A80] =	vst v9;
	v4 =	vnsel vm11, $0x0, v4;
	v0 =	vmul.f32 v57, v14;
	v59 =	vsub.f32 $1.500000000e+00, v58  }
0xf3: {  	vm13 =	vgt.f32 v2, $0.0e+00;
	[tilespmem:s11+$0x16A80] =	vst v4;
	v60 =	vnsel vm12, $0x0, v5;
	v61 =	vmul.f32 v8, v12  }
0xf4: {  	vm14 =	vgt.f32 v3, $0.0e+00;
	[tilespmem:s13+$0x16A80] =	vst v60;
	v0 =	vnsel vm13, $0x0, v0;
	v1 =	vmul.f32 v59, v54  }
0xf5: {  	vm15 =	vgt.f32 v6, $0.0e+00;
	[tilespmem:s14+$0x16A80] =	vst v0;
	v62 =	vnsel vm14, $0x0, v61  }
0xf6: {  	[tilespmem:s15+$0x16A80] =	vst v62;
	v63 =	vnsel vm15, $0x0, v1  }
0xf7: {  	s12 =	simm.s32 $0x16A80;
	s11 =	simm.s32 $0x3;
	s13 =	simm.s32 $0x0;
	[tilespmem:s16+$0x16A80] =	vst v63  }
.LBB2_5:
0xf8: {  	s14 =	sshll.u32 s13, $0xB;
	s15 =	simm.s32 $0x0  }
0xf9: {  	s26 =	sadd.s32 $0x0, s10;
	s14 =	sadd.s32 s8, s14;
	s17 =	sand.u32 $0x7, s15  }
0xfa: {  	p0 =	seq.s32 s26, $0x0;
	s14 =	sshrl.u32 s14, $0x3;
	p1 =	sne.s32 s17, $0x0  }
0xfb: {  	s16 =	simm.s32 $0x19280;
	s14 =	sadd.s32 s7, s14;
	p0 =	por !p0, !p1  }
0xfc: {  	[tilespmem:s16], [sflag:$0x3] =	stream.linear.gather [hbm4b:s14+s15], $0x800, $0x38;
	[tilespmem:$0x1FC80] =	vst v63  }
0xfd: {  	s17 =	simm.s32 $0x1;
	p0 =	por !p0, !p0  }
0xfe: {  	s14 =	sshrl.u32 s26, $0x3;
	s17 =	simm.s32 @!p0 $0x0  }
0xff: {  	_ =	swait.ge [sflag:s11], $0x800;
	s14 =	ssub.s32 s14, s17  }
0x100: {  	s15 =	sand.u32 $0x70, s15;
	[sflag:s11] =	ssyncset.done $0x0;
	s14 =	sshll.u32 s14, $0x7  }
0x101: {  	[sflag:s11] =	ssyncadd.s32 $0xFFFFF800;
	s14 =	sor.u32 s15, s14  }
0x102: {  	v0 =	vld [tilespmem:s14+$0x7A80];
	_ =	sdelay $0x1  }
0x103: {  	v1 =	vld [tilespmem:s14+$0xCA80];
	_ =	sdelay $0x4  }
0x104: {  	v2 =	vld [tilespmem:s16+$0x0]  }
0x105: {  	v0 =	vld.idx.msk [tilespmem:v0+s12+$0x0], $0xffff;
	_ =	sdelay $0x1  }
0x106: {  	v1 =	vld.idx.msk [tilespmem:v1+s12+$0x0], $0xffff  }
0x107: {  	s28 =	simm.s32 $0x1  }
0x108: {  	s29 =	sadd.s32 $0x1, s10;
	s14 =	sand.u32 $0x7, s28  }
0x109: {  	p5 =	seq.s32 s29, $0x0;
	p6 =	sne.s32 s14, $0x0;
	v0 =	vmul.f32 v2, v0  }
0x10a: {  	p0 =	por !p5, !p6  }
0x10b: {  	s14 =	simm.s32 $0x1;
	p0 =	por !p0, !p0;
	v0 =	vmul.f32 v0, v1  }
0x10c: {  	s15 =	sshrl.u32 s29, $0x3;
	s14 =	simm.s32 @!p0 $0x0  }
0x10d: {  	s14 =	ssub.s32 s15, s14;
	s15 =	simm.s32 $0x10;
	v0 =	vsub.f32 $0.0e+00, v0  }
0x10e: {  	s30 =	sand.u32 $0x70, s15;
	s14 =	sshll.u32 s14, $0x7  }
0x10f: {  	s14 =	sor.u32 s30, s14;
	[tilespmem:s9+$0x0] =	vst v0  }
0x110: {  	v0 =	vld [tilespmem:s14+$0x7A80];
	_ =	sdelay $0x1  }
0x111: {  	v1 =	vld [tilespmem:s14+$0xCA80];
	_ =	sdelay $0x3  }
0x112: {  	s14 =	simm.s32 $0x19290  }
0x113: {  	v2 =	vld [tilespmem:s14+$0x0]  }
0x114: {  	v0 =	vld.idx.msk [tilespmem:v0+s12+$0x0], $0xffff;
	_ =	sdelay $0x1  }
0x115: {  	v1 =	vld.idx.msk [tilespmem:v1+s12+$0x0], $0xffff  }
0x116: {  	s31 =	simm.s32 $0x2;
	s18 =	sadd.s32 $0x2, s10  }
0x117: {  	s19 =	sand.u32 $0x7, s31;
	s17 =	simm.s32 $0x3;
	s16 =	smov.u32 s9  }
.LBB2_6:
0x118: {  	p0 =	sne.s32 s17, $0x7F;
	p1 =	seq.s32 s18, $0x0;
	p2 =	sne.s32 s19, $0x0;
	v0 =	vmul.f32 v2, v0  }
0x119: {  	p1 =	por !p1, !p2  }
0x11a: {  	s19 =	simm.s32 $0x1;
	p1 =	por !p1, !p1;
	v0 =	vmul.f32 v0, v1  }
0x11b: {  	s18 =	sshrl.u32 s18, $0x3;
	s19 =	simm.s32 @!p1 $0x0  }
0x11c: {  	s15 =	sadd.s32 $0x10, s15;
	s18 =	ssub.s32 s18, s19;
	v0 =	vsub.f32 $0.0e+00, v0  }
0x11d: {  	s16 =	sadd.s32 $0x10, s16;
	s19 =	sand.u32 $0x70, s15;
	s18 =	sshll.u32 s18, $0x7  }
0x11e: {  	s18 =	sor.u32 s19, s18;
	[tilespmem:s16+$0x0] =	vst v0  }
0x11f: {  	v0 =	vld [tilespmem:s18+$0x7A80];
	_ =	sdelay $0x1  }
0x120: {  	v1 =	vld [tilespmem:s18+$0xCA80];
	_ =	sdelay $0x5  }
0x121: {  	s14 =	sadd.s32 $0x10, s14;
	v0 =	vld.idx.msk [tilespmem:v0+s12+$0x0], $0xffff  }
.Ltmp2:
0x122: {  	v2 =	vld [tilespmem:s14+$0x0];
	(pc) =	sbr.rel @p0 .LBB2_6-.Ltmp2, $2  }
0x123: {  	v1 =	vld.idx.msk [tilespmem:v1+s12+$0x0], $0xffff;
	_ =	sdelay $0x2  }
0x124: {  	s19 =	sand.u32 $0x7, s17;
	s18 =	sadd.s32 s17, s10;
	s17 =	sadd.s32 $0x1, s17  }
0x125: {  	p0 =	seq.s32 s18, $0x0;
	p1 =	sne.s32 s19, $0x0;
	v0 =	vmul.f32 v2, v0  }
0x126: {  	p0 =	por !p0, !p1  }
0x127: {  	s17 =	simm.s32 $0x1;
	p0 =	por !p0, !p0;
	v0 =	vmul.f32 v0, v1  }
0x128: {  	s30 =	sshrl.u32 s18, $0x3;
	s17 =	simm.s32 @!p0 $0x0  }
0x129: {  	s15 =	sadd.s32 $0x10, s15;
	s17 =	ssub.s32 s30, s17;
	v0 =	vsub.f32 $0.0e+00, v0  }
0x12a: {  	s16 =	sadd.s32 $0x10, s16;
	s15 =	sand.u32 $0x70, s15;
	s17 =	sshll.u32 s17, $0x7  }
0x12b: {  	s15 =	sor.u32 s15, s17;
	[tilespmem:s16+$0x0] =	vst v0  }
0x12c: {  	v0 =	vld [tilespmem:s15+$0x7A80];
	_ =	sdelay $0x1  }
0x12d: {  	v62 =	vld [tilespmem:s15+$0xCA80];
	_ =	sdelay $0x3  }
0x12e: {  	s14 =	sadd.s32 $0x10, s14  }
0x12f: {  	v63 =	vld [tilespmem:s14+$0x0]  }
0x130: {  	v0 =	vld.idx.msk [tilespmem:v0+s12+$0x0], $0xffff;
	_ =	sdelay $0x1  }
0x131: {  	v1 =	vld.idx.msk [tilespmem:v62+s12+$0x0], $0xffff;
	_ =	sdelay $0x2  }
0x132: {  	s13 =	sadd.s32 $0x1, s13;
	v0 =	vmul.f32 v63, v0  }
0x133: {  	p0 =	sne.s32 s13, $0xA  }
.Ltmp3:
0x134: {  	v0 =	vmul.f32 v0, v1;
	(pc) =	sbr.rel @p0 .LBB2_5-.Ltmp3, $4  }
0x135: {  	_ = 	snop  }
0x136: {  	v0 =	vsub.f32 $0.0e+00, v0  }
0x137: {  	s31 =	sadd.s32 $0x10, s16  }
0x138: {  	s9 =	sadd.s32 $0x800, s9;
	s10 =	sadd.s32 $0x80, s10;
	[tilespmem:s31+$0x0] =	vst v0  }
0x139: {  	v0 =	vimm.s32 $0x0  }
0x13a: {  	s7 =	simm.s32 $0x1;
	s8 =	simm.s32 $0x80;
	v1 =	vimm.s32 $0x1;
	v2 =	vimm.s32 $0x2;
	v3 =	vimm.s32 $0x3  }
0x13b: {  	s9 =	simm.s32 $0x1FA80;
	s10 =	simm.s32 $0x19A80;
	s11 =	simm.s32 $0x1FB00;
	v4 =	vimm.s32 $0x4;
	v5 =	vimm.s32 $0x5;
	v6 =	vimm.s32 $0x6  }
0x13c: {  	s12 =	simm.s32 $0x1B280;
	s13 =	simm.s32 $0x1FB80;
	s14 =	simm.s32 $0x1CA80;
	v7 =	vimm.s32 $0x7;
	v8 =	vimm.s32 $0x8;
	v9 =	vimm.s32 $0x9  }
0x13d: {  	s15 =	simm.s32 $0x1FC00;
	s16 =	simm.s32 $0x1E280;
	v10 =	vimm.s32 $0xA;
	v11 =	vimm.s32 $0xB;
	v12 =	vimm.s32 $0xC;
	s17 =	simm.s32 $0x2  }
0x13e: {  	v13 =	vimm.s32 $0xD;
	v14 =	vimm.s32 $0xE;
	v15 =	vimm.s32 $0xF;
	s18 =	simm.s32 $0x3;
	s19 =	simm.s32 $0x0;
	s20 =	simm.s32 $0x1  }
.LBB2_9:
0x13f: {  	v16 =	vld [tilespmem:$0x7A80]  }
0x140: {  	v17 =	vld [tilespmem:$0x7A90]  }
0x141: {  	s21 =	smul.u32 $0x2800, s20;
	v18 =	vld [tilespmem:$0x7AA0]  }
0x142: {  	v19 =	vld [tilespmem:$0x7AB0]  }
0x143: {  	v20 =	vld [tilespmem:$0x7AC0];
	s22 =	sadd.s32 $0xFFFFD800, s21  }
0x144: {  	v21 =	vld [tilespmem:$0x7AD0];
	v16 =	vadd.s32 s22, v16  }
0x145: {  	[tilespmem:$0x1FA80] =	vst v16;
	v16 =	vadd.s32 s22, v17;
	v17 =	vld [tilespmem:$0x7AE0]  }
0x146: {  	[tilespmem:$0x1FA90] =	vst v16;
	v16 =	vadd.s32 s22, v18;
	v18 =	vld [tilespmem:$0x7AF0]  }
0x147: {  	[tilespmem:$0x1FAA0] =	vst v16;
	v16 =	vadd.s32 s22, v19  }
0x148: {  	[tilespmem:$0x1FAB0] =	vst v16;
	v16 =	vadd.s32 s22, v20  }
0x149: {  	[tilespmem:$0x1FAC0] =	vst v16;
	v16 =	vadd.s32 s22, v21  }
0x14a: {  	[tilespmem:$0x1FAD0] =	vst v16;
	v16 =	vadd.s32 s22, v17  }
0x14b: {  	[tilespmem:$0x1FAE0] =	vst v16;
	v16 =	vadd.s32 s22, v18  }
0x14c: {  	[tilespmem:$0x1FAF0] =	vst v16  }
0x14d: {  	[tilespmem:s10], [sflag:$0x1] =	stream.indirect.gather [hbm4b:s6+s8], $0x30, s9, s8, $0xb8;
	[tilespmem:$0x1FC80] =	vst v63  }
0x14e: {  	v16 =	vld [tilespmem:$0x7B00]  }
0x14f: {  	v17 =	vld [tilespmem:$0x7B10]  }
0x150: {  	v18 =	vld [tilespmem:$0x7B20]  }
0x151: {  	v19 =	vld [tilespmem:$0x7B30]  }
0x152: {  	v58 =	vld [tilespmem:$0x7B40]  }
0x153: {  	v59 =	vld [tilespmem:$0x7B50];
	v16 =	vadd.s32 s22, v16  }
0x154: {  	[tilespmem:$0x1FB00] =	vst v16;
	v16 =	vadd.s32 s22, v17;
	v17 =	vld [tilespmem:$0x7B60]  }
0x155: {  	[tilespmem:$0x1FB10] =	vst v16;
	v16 =	vadd.s32 s22, v18;
	v18 =	vld [tilespmem:$0x7B70]  }
0x156: {  	[tilespmem:$0x1FB20] =	vst v16;
	v16 =	vadd.s32 s22, v19  }
0x157: {  	[tilespmem:$0x1FB30] =	vst v16;
	v16 =	vadd.s32 s22, v58  }
0x158: {  	[tilespmem:$0x1FB40] =	vst v16;
	v16 =	vadd.s32 s22, v59  }
0x159: {  	[tilespmem:$0x1FB50] =	vst v16;
	v16 =	vadd.s32 s22, v17  }
0x15a: {  	[tilespmem:$0x1FB60] =	vst v16;
	v16 =	vadd.s32 s22, v18  }
0x15b: {  	[tilespmem:$0x1FB70] =	vst v16  }
0x15c: {  	[tilespmem:s12], [sflag:$0x1] =	stream.indirect.gather [hbm4b:s6+s8], $0x30, s11, s8, $0xb8;
	[tilespmem:$0x1FC80] =	vst v63  }
0x15d: {  	v16 =	vld [tilespmem:$0x7B80]  }
0x15e: {  	v17 =	vld [tilespmem:$0x7B90]  }
0x15f: {  	v18 =	vld [tilespmem:$0x7BA0]  }
0x160: {  	v19 =	vld [tilespmem:$0x7BB0]  }
0x161: {  	v60 =	vld [tilespmem:$0x7BC0]  }
0x162: {  	v61 =	vld [tilespmem:$0x7BD0];
	v16 =	vadd.s32 s22, v16  }
0x163: {  	[tilespmem:$0x1FB80] =	vst v16;
	v16 =	vadd.s32 s22, v17;
	v17 =	vld [tilespmem:$0x7BE0]  }
0x164: {  	[tilespmem:$0x1FB90] =	vst v16;
	v16 =	vadd.s32 s22, v18;
	v18 =	vld [tilespmem:$0x7BF0]  }
0x165: {  	[tilespmem:$0x1FBA0] =	vst v16;
	v16 =	vadd.s32 s22, v19  }
0x166: {  	[tilespmem:$0x1FBB0] =	vst v16;
	v16 =	vadd.s32 s22, v60  }
0x167: {  	[tilespmem:$0x1FBC0] =	vst v16;
	v16 =	vadd.s32 s22, v61  }
0x168: {  	[tilespmem:$0x1FBD0] =	vst v16;
	v16 =	vadd.s32 s22, v17  }
0x169: {  	[tilespmem:$0x1FBE0] =	vst v16;
	v16 =	vadd.s32 s22, v18  }
0x16a: {  	[tilespmem:$0x1FBF0] =	vst v16  }
0x16b: {  	[tilespmem:s14], [sflag:$0x1] =	stream.indirect.gather [hbm4b:s6+s8], $0x30, s13, s8, $0xb8;
	[tilespmem:$0x1FC80] =	vst v63  }
0x16c: {  	v16 =	vld [tilespmem:$0x7C00]  }
0x16d: {  	v17 =	vld [tilespmem:$0x7C10]  }
0x16e: {  	v18 =	vld [tilespmem:$0x7C20]  }
0x16f: {  	v19 =	vld [tilespmem:$0x7C30]  }
0x170: {  	v62 =	vld [tilespmem:$0x7C40]  }
0x171: {  	v63 =	vld [tilespmem:$0x7C50];
	v16 =	vadd.s32 s22, v16  }
0x172: {  	[tilespmem:$0x1FC00] =	vst v16;
	v16 =	vadd.s32 s22, v17;
	v17 =	vld [tilespmem:$0x7C60]  }
0x173: {  	[tilespmem:$0x1FC10] =	vst v16;
	v16 =	vadd.s32 s22, v18;
	v18 =	vld [tilespmem:$0x7C70]  }
0x174: {  	[tilespmem:$0x1FC20] =	vst v16;
	v16 =	vadd.s32 s22, v19  }
0x175: {  	[tilespmem:$0x1FC30] =	vst v16;
	v16 =	vadd.s32 s22, v62  }
0x176: {  	[tilespmem:$0x1FC40] =	vst v16;
	v16 =	vadd.s32 s22, v63  }
0x177: {  	[tilespmem:$0x1FC50] =	vst v16;
	v16 =	vadd.s32 s22, v17  }
0x178: {  	[tilespmem:$0x1FC60] =	vst v16;
	v16 =	vadd.s32 s22, v18  }
0x179: {  	s23 =	simm.s32 $0x11B80;
	s24 =	simm.s32 $0x0;
	[tilespmem:$0x1FC70] =	vst v16;
	v16 =	vmov s22;
	s22 =	simm.s32 $0x11A80  }
0x17a: {  	[tilespmem:s16], [sflag:$0x1] =	stream.indirect.gather [hbm4b:s6+s8], $0x30, s15, s8, $0xb8;
	[tilespmem:$0x1FC80] =	vst v63  }
.LBB2_10:
0x17b: {  	_ =	swait.ge [sflag:s7], $0x1800  }
0x17c: {  	[sflag:s7] =	ssyncset.done $0x0  }
0x17d: {  	[sflag:s7] =	ssyncadd.s32 $0xFFFFE800  }
0x17e: {  	_ =	swait.ge [sflag:s7], $0x1800  }
0x17f: {  	[sflag:s7] =	ssyncset.done $0x0  }
0x180: {  	s28 =	simm.s32 $0x19C00;
	[sflag:s7] =	ssyncadd.s32 $0xFFFFE800  }
0x181: {  	v28 =	vld [tilespmem:s28+$0x160]  }
0x182: {  	v17 =	vld [tilespmem:s28+$0xFFFFFFF0]  }
0x183: {  	v18 =	vld [tilespmem:s28+$0xFFFFFEA0]  }
0x184: {  	v19 =	vld [tilespmem:s28+$0xFFFFFFA0]  }
0x185: {  	v32 =	vld [tilespmem:s28+$0xFFFFFE90]  }
0x186: {  	v36 =	vld [tilespmem:s28+$0x90]  }
0x187: {  	v34 =	vld [tilespmem:s28+$0xFFFFFEE0]  }
0x188: {  	v43 =	vld [tilespmem:s28+$0x150]  }
0x189: {  	v21 =	vld [tilespmem:s28+$0x0]  }
0x18a: {  	v29 =	vld [tilespmem:s28+$0xB0]  }
0x18b: {  	v33 =	vld [tilespmem:s28+$0xFFFFFFB0]  }
0x18c: {  	v37 =	vld [tilespmem:s28+$0xFFFFFEF0]  }
0x18d: {  	v23 =	vmov s22;
	v38 =	vld [tilespmem:s28+$0x120]  }
0x18e: {  	v42 =	vld [tilespmem:s28+$0x170]  }
0x18f: {  	v35 =	vld [tilespmem:s28+$0x70]  }
0x190: {  	v44 =	vld [tilespmem:s28+$0xFFFFFF00]  }
0x191: {  	s25 =	simm.s32 $0x0;
	v24 =	vld [tilespmem:s28+$0xFFFFFFC0]  }
0x192: {  	v30 =	vld.idx.msk [tilespmem:v23+s25+$0x0 ss:$0x1], $0xffff  }
0x193: {  	v40 =	vld [tilespmem:s28+$0x140]  }
0x194: {  	v20 =	vld [tilespmem:s28+$0x60]  }
0x195: {  	v26 =	vld [tilespmem:s28+$0xFFFFFE80]  }
0x196: {  	v27 =	vld [tilespmem:s28+$0x10]  }
0x197: {  	v31 =	vld [tilespmem:s28+$0xFFFFFF90]  }
0x198: {  	v46 =	vld [tilespmem:s28+$0x100];
	v22 =	vperm.xlane v30, v0;
	v39 =	vperm.xlane v30, v15  }
0x199: {  	v45 =	vld [tilespmem:s28+$0x110];
	v41 =	vperm.xlane v30, v2;
	v25 =	vperm.xlane v30, v14  }
0x19a: {  	v49 =	vmul.f32 v26, v22;
	v26 =	vld [tilespmem:s28+$0xFFFFFF20];
	v48 =	vmul.f32 v43, v39  }
0x19b: {  	s26 =	sshll.u32 s24, $0xB;
	s29 =	simm.s32 $0x19C00;
	s25 =	simm.s32 $0x40;
	v47 =	vmul.f32 v34, v41;
	v34 =	vld [tilespmem:s28+$0xFFFFFF40];
	v43 =	vperm.xlane v30, v13  }
.LBB2_11:
0x19c: {  	p0 =	sne.s32 s25, $0x3C0  }
0x19d: {  	[tilespmem:s28+$0xFFFFFE80] =	vst v49;
	v44 =	vmul.f32 v44, v41;
	v49 =	vld [tilespmem:s28+$0xFFFFFF50];
	v42 =	vmul.f32 v42, v39;
	s29 =	sadd.s32 $0x300, s29;
	s30 =	smov.u32 s25;
	s25 =	sadd.s32 $0x40, s25  }
0x19e: {  	v50 =	vperm.xlane v30, v11;
	v51 =	vld [tilespmem:s28+$0xF0];
	v46 =	vmul.f32 v46, v43;
	[tilespmem:s28+$0x150] =	vst v48  }
0x19f: {  	v48 =	vld [tilespmem:s28+$0xFFFFFEC0];
	[tilespmem:s28+$0xFFFFFEE0] =	vst v47;
	v47 =	vperm.xlane v30, v6;
	v45 =	vmul.f32 v45, v43  }
0x1a0: {  	v38 =	vmul.f32 v38, v25;
	v40 =	vmul.f32 v40, v25;
	v52 =	vld [tilespmem:s28+$0x80];
	[tilespmem:s28+$0x100] =	vst v46  }
0x1a1: {  	v53 =	vperm.xlane v30, v10;
	v36 =	vmul.f32 v36, v50;
	v46 =	vld [tilespmem:s28+$0xFFFFFED0];
	[tilespmem:s28+$0x170] =	vst v42  }
0x1a2: {  	v28 =	vmul.f32 v28, v39;
	v42 =	vperm.xlane v30, v1;
	[tilespmem:s28+$0xFFFFFF00] =	vst v44;
	v44 =	vld [tilespmem:s28+$0xC0]  }
0x1a3: {  	v37 =	vmul.f32 v37, v41;
	[tilespmem:s28+$0x90] =	vst v36;
	v36 =	vmul.f32 v51, v43;
	v39 =	vld [tilespmem:s28+$0x130]  }
0x1a4: {  	v43 =	vperm.xlane v30, v5;
	v41 =	vmul.f32 v48, v42;
	v48 =	vld [tilespmem:s28+$0xD0];
	[tilespmem:s28+$0x120] =	vst v38  }
0x1a5: {  	v32 =	vmul.f32 v32, v22;
	v38 =	vld [tilespmem:s28+$0x30];
	v51 =	vmul.f32 v52, v53;
	[tilespmem:s28+$0x110] =	vst v45  }
0x1a6: {  	v45 =	vmul.f32 v46, v42;
	v46 =	vperm.xlane v30, v3;
	v52 =	vld [tilespmem:s28+$0xE0];
	[tilespmem:s28+$0x140] =	vst v40  }
0x1a7: {  	v35 =	vmul.f32 v35, v53;
	v40 =	vperm.xlane v30, v12;
	[tilespmem:s28+$0xFFFFFEF0] =	vst v37;
	v37 =	vld [tilespmem:s28+$0xFFFFFF70]  }
0x1a8: {  	v54 =	vperm.xlane v30, v8;
	v33 =	vmul.f32 v33, v47;
	[tilespmem:s28+$0xFFFFFE90] =	vst v32;
	v32 =	vld [tilespmem:s28+$0xFFFFFF60]  }
0x1a9: {  	v56 =	vperm.xlane v30, v7;
	v55 =	vld [tilespmem:s28+$0xFFFFFEB0];
	[tilespmem:s28+$0x70] =	vst v35;
	v35 =	vmul.f32 v44, v40  }
0x1aa: {  	v44 =	vperm.xlane v30, v9;
	v48 =	vmul.f32 v48, v40;
	[tilespmem:s28+$0xFFFFFFB0] =	vst v33;
	v33 =	vld [tilespmem:s28+$0xFFFFFFD0]  }
0x1ab: {  	v30 =	vperm.xlane v30, v4;
	v57 =	vld [tilespmem:s28+$0xFFFFFF80];
	v40 =	vmul.f32 v52, v40;
	[tilespmem:s28+$0xF0] =	vst v36  }
0x1ac: {  	v29 =	vmul.f32 v29, v50;
	v36 =	vmul.f32 v38, v44;
	v38 =	vld [tilespmem:s28+$0xA0];
	[tilespmem:s28+$0x160] =	vst v28  }
0x1ad: {  	v34 =	vmul.f32 v34, v30;
	v28 =	vmul.f32 v49, v30;
	v49 =	vld [tilespmem:s28+$0x50];
	[tilespmem:s28+$0xC0] =	vst v35  }
0x1ae: {  	v30 =	vmul.f32 v32, v30;
	v52 =	vmul.f32 v55, v42;
	[tilespmem:s28+$0x30] =	vst v36;
	v32 =	vld [tilespmem:s28+$0x40]  }
0x1af: {  	v35 =	vmul.f32 v37, v43;
	v33 =	vmul.f32 v33, v56;
	v36 =	vld [tilespmem:s28+$0x20];
	[tilespmem:s28+$0x80] =	vst v51  }
0x1b0: {  	v31 =	vmul.f32 v31, v43;
	v37 =	vld [tilespmem:s28+$0xFFFFFF10];
	v51 =	vmul.f32 v57, v43;
	[tilespmem:s28+$0xB0] =	vst v29  }
0x1b1: {  	v21 =	vmul.f32 v21, v54;
	[tilespmem:s28+$0xFFFFFF50] =	vst v28;
	v29 =	vld [tilespmem:s28+$0xFFFFFFE0];
	v38 =	vmul.f32 v38, v50  }
0x1b2: {  	v27 =	vmul.f32 v27, v54;
	v24 =	vmul.f32 v24, v47;
	v28 =	vld [tilespmem:s29+$0x160];
	[tilespmem:s28+$0xFFFFFEC0] =	vst v41  }
0x1b3: {  	v43 =	vmul.f32 v49, v44;
	v41 =	vld [tilespmem:s28+$0xFFFFFF30];
	[tilespmem:s28+$0xFFFFFF40] =	vst v34;
	v34 =	vmul.f32 v32, v44  }
0x1b4: {  	v25 =	vmul.f32 v39, v25;
	[tilespmem:s28+$0xFFFFFED0] =	vst v45;
	v42 =	vmul.f32 v36, v54  }
0x1b5: {  	v26 =	vmul.f32 v26, v46;
	v37 =	vmul.f32 v37, v46;
	[tilespmem:s28+$0x0] =	vst v21  }
0x1b6: {  	v21 =	vmul.f32 v17, v56;
	v39 =	vmul.f32 v29, v56;
	[tilespmem:s28+$0xD0] =	vst v48  }
0x1b7: {  	v17 =	vmul.f32 v19, v47;
	v19 =	vmul.f32 v20, v53;
	[tilespmem:s28+$0xFFFFFF90] =	vst v31  }
0x1b8: {  	v18 =	vmul.f32 v18, v22;
	v20 =	vmul.f32 v41, v46;
	[tilespmem:s28+$0xFFFFFFC0] =	vst v24  }
0x1b9: {  	[tilespmem:s28+$0x10] =	vst v27  }
0x1ba: {  	[tilespmem:s28+$0xFFFFFFA0] =	vst v17  }
0x1bb: {  	[tilespmem:s28+$0xFFFFFEA0] =	vst v18  }
0x1bc: {  	[tilespmem:s28+$0xFFFFFF30] =	vst v20  }
0x1bd: {  	v17 =	vld [tilespmem:s29+$0xFFFFFFF0];
	[tilespmem:s28+$0xFFFFFF20] =	vst v26  }
0x1be: {  	v18 =	vld [tilespmem:s29+$0xFFFFFEA0];
	[tilespmem:s28+$0x60] =	vst v19  }
0x1bf: {  	v19 =	vld [tilespmem:s29+$0xFFFFFFA0];
	[tilespmem:s28+$0xFFFFFFF0] =	vst v21  }
0x1c0: {  	v32 =	vld [tilespmem:s29+$0xFFFFFE90];
	[tilespmem:s28+$0x130] =	vst v25  }
0x1c1: {  	v36 =	vld [tilespmem:s29+$0x90];
	[tilespmem:s28+$0xA0] =	vst v38  }
0x1c2: {  	v47 =	vld [tilespmem:s29+$0xFFFFFEE0];
	[tilespmem:s28+$0xFFFFFF70] =	vst v35  }
0x1c3: {  	v48 =	vld [tilespmem:s29+$0x150];
	[tilespmem:s28+$0xE0] =	vst v40  }
0x1c4: {  	v21 =	vld [tilespmem:s29+$0x0];
	[tilespmem:s28+$0xFFFFFF10] =	vst v37  }
0x1c5: {  	v29 =	vld [tilespmem:s29+$0xB0];
	[tilespmem:s28+$0xFFFFFFD0] =	vst v33  }
0x1c6: {  	v33 =	vld [tilespmem:s29+$0xFFFFFFB0];
	[tilespmem:s28+$0xFFFFFFE0] =	vst v39  }
0x1c7: {  	v37 =	vld [tilespmem:s29+$0xFFFFFEF0];
	[tilespmem:s28+$0x20] =	vst v42  }
0x1c8: {  	v38 =	vld [tilespmem:s29+$0x120];
	[tilespmem:s28+$0xFFFFFF60] =	vst v30  }
0x1c9: {  	v42 =	vld [tilespmem:s29+$0x170];
	[tilespmem:s28+$0x50] =	vst v43  }
0x1ca: {  	v35 =	vld [tilespmem:s29+$0x70];
	[tilespmem:s28+$0xFFFFFEB0] =	vst v52  }
0x1cb: {  	v44 =	vld [tilespmem:s29+$0xFFFFFF00];
	[tilespmem:s28+$0xFFFFFF80] =	vst v51  }
0x1cc: {  	s30 =	sshra.s32 s30, $0x2;
	v24 =	vld [tilespmem:s29+$0xFFFFFFC0];
	[tilespmem:s28+$0x40] =	vst v34;
	s28 =	smov.u32 s29  }
0x1cd: {  	v30 =	vld.idx.msk [tilespmem:v23+s30+$0x0 ss:$0x1], $0xffff  }
0x1ce: {  	v40 =	vld [tilespmem:s29+$0x140]  }
0x1cf: {  	v20 =	vld [tilespmem:s29+$0x60]  }
0x1d0: {  	v26 =	vld [tilespmem:s29+$0xFFFFFE80]  }
0x1d1: {  	v27 =	vld [tilespmem:s29+$0x10]  }
.Ltmp4:
0x1d2: {  	v31 =	vld [tilespmem:s29+$0xFFFFFF90];
	(pc) =	sbr.rel @p0 .LBB2_11-.Ltmp4, $4  }
0x1d3: {  	v22 =	vperm.xlane v30, v0;
	v39 =	vperm.xlane v30, v15;
	v46 =	vld [tilespmem:s29+$0x100]  }
0x1d4: {  	v41 =	vperm.xlane v30, v2;
	v25 =	vperm.xlane v30, v14;
	v45 =	vld [tilespmem:s29+$0x110]  }
0x1d5: {  	v48 =	vmul.f32 v48, v39;
	v49 =	vmul.f32 v26, v22;
	v26 =	vld [tilespmem:s29+$0xFFFFFF20]  }
0x1d6: {  	v43 =	vperm.xlane v30, v13;
	v47 =	vmul.f32 v47, v41;
	v34 =	vld [tilespmem:s29+$0xFFFFFF40]  }
0x1d7: {  	[tilespmem:s28+$0xFFFFFE80] =	vst v49  }
0x1d8: {  	[tilespmem:s28+$0x150] =	vst v48;
	v42 =	vmul.f32 v42, v39  }
0x1d9: {  	v44 =	vmul.f32 v44, v41;
	[tilespmem:s28+$0xFFFFFEE0] =	vst v47  }
0x1da: {  	v38 =	vmul.f32 v38, v25;
	[tilespmem:s28+$0x170] =	vst v42  }
0x1db: {  	v40 =	vmul.f32 v40, v25;
	[tilespmem:s28+$0xFFFFFF00] =	vst v44  }
0x1dc: {  	v37 =	vmul.f32 v37, v41;
	[tilespmem:s28+$0x120] =	vst v38  }
0x1dd: {  	v32 =	vmul.f32 v32, v22;
	[tilespmem:s28+$0x140] =	vst v40  }
0x1de: {  	v28 =	vmul.f32 v28, v39;
	[tilespmem:s28+$0xFFFFFEF0] =	vst v37  }
0x1df: {  	v48 =	vperm.xlane v30, v11;
	v18 =	vmul.f32 v18, v22;
	[tilespmem:s28+$0xFFFFFE90] =	vst v32  }
0x1e0: {  	v23 =	vmul.f32 v46, v43;
	[tilespmem:s28+$0x160] =	vst v28  }
0x1e1: {  	v36 =	vmul.f32 v36, v48;
	[tilespmem:s28+$0xFFFFFEA0] =	vst v18  }
0x1e2: {  	v54 =	vmul.f32 v45, v43;
	v38 =	vperm.xlane v30, v10;
	[tilespmem:s28+$0x100] =	vst v23  }
0x1e3: {  	v44 =	vperm.xlane v30, v6;
	v29 =	vmul.f32 v29, v48;
	[tilespmem:s28+$0x90] =	vst v36  }
0x1e4: {  	v63 =	vld [tilespmem:s28+$0xF0];
	v62 =	vperm.xlane v30, v4;
	[tilespmem:s28+$0x110] =	vst v54;
	v35 =	vmul.f32 v35, v38  }
0x1e5: {  	v53 =	vld [tilespmem:s28+$0xC0];
	v59 =	vmul.f32 v33, v44;
	[tilespmem:s28+$0xB0] =	vst v29  }
0x1e6: {  	v58 =	vld [tilespmem:s28+$0x30];
	v34 =	vmul.f32 v34, v62;
	[tilespmem:s28+$0x70] =	vst v35  }
0x1e7: {  	v52 =	vld [tilespmem:s28+$0x80];
	v19 =	vmul.f32 v19, v44;
	[tilespmem:s28+$0xFFFFFFB0] =	vst v59  }
0x1e8: {  	v55 =	vld [tilespmem:s28+$0xFFFFFF50];
	v45 =	vperm.xlane v30, v12;
	v18 =	vmul.f32 v20, v38;
	[tilespmem:s28+$0xFFFFFF40] =	vst v34  }
0x1e9: {  	v32 =	vperm.xlane v30, v9;
	v60 =	vmul.f32 v63, v43;
	[tilespmem:s28+$0xFFFFFFA0] =	vst v19  }
0x1ea: {  	v46 =	vld [tilespmem:s28+$0xFFFFFEC0];
	v42 =	vmul.f32 v53, v45;
	[tilespmem:s28+$0x60] =	vst v18  }
0x1eb: {  	v37 =	vld [tilespmem:s28+$0xD0];
	v61 =	vmul.f32 v58, v32;
	[tilespmem:s28+$0xF0] =	vst v60  }
0x1ec: {  	v40 =	vld [tilespmem:s28+$0xA0];
	v29 =	vperm.xlane v30, v8;
	v28 =	vmul.f32 v52, v38;
	[tilespmem:s28+$0xC0] =	vst v42  }
0x1ed: {  	v56 =	vperm.xlane v30, v1;
	v23 =	vld [tilespmem:s28+$0xFFFFFED0];
	v41 =	vmul.f32 v55, v62;
	[tilespmem:s28+$0x30] =	vst v61  }
0x1ee: {  	v21 =	vmul.f32 v21, v29;
	[tilespmem:s28+$0x80] =	vst v28  }
0x1ef: {  	v28 =	vmul.f32 v46, v56;
	[tilespmem:s28+$0xFFFFFF50] =	vst v41  }
0x1f0: {  	v60 =	vmul.f32 v37, v45;
	[tilespmem:s28+$0x0] =	vst v21  }
0x1f1: {  	v36 =	vld [tilespmem:s28+$0x130];
	v18 =	vmul.f32 v40, v48;
	[tilespmem:s28+$0xFFFFFEC0] =	vst v28  }
0x1f2: {  	v23 =	vmul.f32 v23, v56;
	[tilespmem:s28+$0xD0] =	vst v60  }
0x1f3: {  	v35 =	vld [tilespmem:s28+$0xFFFFFF70];
	v19 =	vperm.xlane v30, v7;
	v21 =	vmul.f32 v24, v44;
	[tilespmem:s28+$0xA0] =	vst v18  }
0x1f4: {  	v43 =	vld [tilespmem:s28+$0xE0];
	v24 =	vmul.f32 v27, v29;
	[tilespmem:s28+$0xFFFFFED0] =	vst v23  }
0x1f5: {  	v57 =	vld [tilespmem:s28+$0xFFFFFFD0];
	v59 =	vperm.xlane v30, v5;
	v17 =	vmul.f32 v17, v19;
	[tilespmem:s28+$0xFFFFFFC0] =	vst v21  }
0x1f6: {  	v61 =	vld [tilespmem:s28+$0xFFFFFFE0];
	v20 =	vmul.f32 v36, v25;
	[tilespmem:s28+$0x10] =	vst v24  }
0x1f7: {  	v28 =	vld [tilespmem:s28+$0xFFFFFF30];
	v23 =	vmul.f32 v31, v59;
	[tilespmem:s28+$0xFFFFFFF0] =	vst v17  }
0x1f8: {  	v17 =	vmul.f32 v35, v59;
	[tilespmem:s28+$0x130] =	vst v20  }
0x1f9: {  	v51 =	vld [tilespmem:s28+$0xFFFFFF10];
	v20 =	vmul.f32 v43, v45;
	[tilespmem:s28+$0xFFFFFF90] =	vst v23  }
0x1fa: {  	v39 =	vld [tilespmem:s28+$0xFFFFFF60];
	v23 =	vperm.xlane v30, v3;
	[tilespmem:s28+$0xFFFFFF70] =	vst v17;
	v17 =	vmul.f32 v57, v19  }
0x1fb: {  	v63 =	vld [tilespmem:s28+$0x50];
	[tilespmem:s28+$0xE0] =	vst v20;
	v19 =	vmul.f32 v61, v19  }
0x1fc: {  	v52 =	vld [tilespmem:s28+$0x20];
	v21 =	vmul.f32 v28, v23;
	[tilespmem:s28+$0xFFFFFFD0] =	vst v17  }
0x1fd: {  	v58 =	vld [tilespmem:s28+$0xFFFFFF80];
	v22 =	vmul.f32 v26, v23;
	[tilespmem:s28+$0xFFFFFFE0] =	vst v19  }
0x1fe: {  	v27 =	vld [tilespmem:s28+$0x40];
	v18 =	vmul.f32 v51, v23;
	[tilespmem:s28+$0xFFFFFF30] =	vst v21  }
0x1ff: {  	v50 =	vld [tilespmem:s28+$0xFFFFFEB0];
	v17 =	vmul.f32 v39, v62;
	[tilespmem:s28+$0xFFFFFF20] =	vst v22  }
0x200: {  	v19 =	vmul.f32 v63, v32;
	[tilespmem:s28+$0xFFFFFF10] =	vst v18  }
0x201: {  	v18 =	vmul.f32 v52, v29;
	[tilespmem:s28+$0xFFFFFF60] =	vst v17  }
0x202: {  	v17 =	vmul.f32 v58, v59;
	[tilespmem:s28+$0x50] =	vst v19  }
0x203: {  	v19 =	vmul.f32 v27, v32;
	[tilespmem:s28+$0x20] =	vst v18  }
0x204: {  	v18 =	vmul.f32 v50, v56;
	[tilespmem:s28+$0xFFFFFF80] =	vst v17  }
0x205: {  	s25 =	sshrl.u32 s26, $0x2;
	[tilespmem:s28+$0x40] =	vst v19  }
0x206: {  	[tilespmem:s28+$0xFFFFFEB0] =	vst v18;
	s28 =	sadd.s32 $0xCA80, s25  }
0x207: {  	[spmem:s2] =	stream.indirect.scatter.add.f32 [tilespmem:s10], [sflag:$0x2], $0x30, s28, s8, $0xb8;
	[tilespmem:$0x1FC80] =	vst v63  }
0x208: {  	s28 =	sadd.s32 $0xCB00, s25  }
0x209: {  	[spmem:s2] =	stream.indirect.scatter.add.f32 [tilespmem:s12], [sflag:$0x2], $0x30, s28, s8, $0xb8;
	[tilespmem:$0x1FC80] =	vst v63  }
0x20a: {  	_ =	swait.ge [sflag:s7], $0x1800  }
0x20b: {  	[sflag:s7] =	ssyncset.done $0x0  }
0x20c: {  	[sflag:s7] =	ssyncadd.s32 $0xFFFFE800  }
0x20d: {  	_ =	swait.ge [sflag:s7], $0x1800  }
0x20e: {  	[sflag:s7] =	ssyncset.done $0x0  }
0x20f: {  	s28 =	simm.s32 $0x1CC00;
	[sflag:s7] =	ssyncadd.s32 $0xFFFFE800  }
0x210: {  	v28 =	vld [tilespmem:s28+$0x160]  }
0x211: {  	v17 =	vld [tilespmem:s28+$0xFFFFFFF0]  }
0x212: {  	v18 =	vld [tilespmem:s28+$0xFFFFFEA0]  }
0x213: {  	v19 =	vld [tilespmem:s28+$0xFFFFFFA0]  }
0x214: {  	v32 =	vld [tilespmem:s28+$0xFFFFFE90]  }
0x215: {  	v36 =	vld [tilespmem:s28+$0x90]  }
0x216: {  	v62 =	vld [tilespmem:s28+$0xFFFFFEE0]  }
0x217: {  	v63 =	vld [tilespmem:s28+$0x150]  }
0x218: {  	v21 =	vld [tilespmem:s28+$0x0]  }
0x219: {  	v29 =	vld [tilespmem:s28+$0xB0]  }
0x21a: {  	v33 =	vld [tilespmem:s28+$0xFFFFFFB0]  }
0x21b: {  	v37 =	vld [tilespmem:s28+$0xFFFFFEF0]  }
0x21c: {  	v23 =	vmov s23;
	v38 =	vld [tilespmem:s28+$0x120]  }
0x21d: {  	v42 =	vld [tilespmem:s28+$0x170]  }
0x21e: {  	v35 =	vld [tilespmem:s28+$0x70]  }
0x21f: {  	v44 =	vld [tilespmem:s28+$0xFFFFFF00]  }
0x220: {  	s29 =	simm.s32 $0x0;
	v24 =	vld [tilespmem:s28+$0xFFFFFFC0]  }
0x221: {  	v30 =	vld.idx.msk [tilespmem:v23+s29+$0x0 ss:$0x1], $0xffff  }
0x222: {  	v40 =	vld [tilespmem:s28+$0x140]  }
0x223: {  	v20 =	vld [tilespmem:s28+$0x60]  }
0x224: {  	v26 =	vld [tilespmem:s28+$0xFFFFFE80]  }
0x225: {  	v27 =	vld [tilespmem:s28+$0x10]  }
0x226: {  	v31 =	vld [tilespmem:s28+$0xFFFFFF90]  }
0x227: {  	v46 =	vld [tilespmem:s28+$0x100];
	v22 =	vperm.xlane v30, v0;
	v39 =	vperm.xlane v30, v15  }
0x228: {  	v45 =	vld [tilespmem:s28+$0x110];
	v41 =	vperm.xlane v30, v2;
	v25 =	vperm.xlane v30, v14  }
0x229: {  	v34 =	vld [tilespmem:s28+$0xFFFFFF40];
	v43 =	vperm.xlane v30, v13;
	v49 =	vmul.f32 v26, v22  }
0x22a: {  	s26 =	sor.u32 $0x400, s26;
	s30 =	simm.s32 $0x1CC00;
	s29 =	simm.s32 $0x40;
	v26 =	vld [tilespmem:s28+$0xFFFFFF20];
	v48 =	vmul.f32 v63, v39;
	v47 =	vmul.f32 v62, v41  }
.LBB2_13:
0x22b: {  	p0 =	sne.s32 s29, $0x3C0  }
0x22c: {  	[tilespmem:s28+$0xFFFFFE80] =	vst v49;
	v44 =	vmul.f32 v44, v41;
	v49 =	vld [tilespmem:s28+$0xFFFFFF50];
	v42 =	vmul.f32 v42, v39;
	s30 =	sadd.s32 $0x300, s30;
	s31 =	smov.u32 s29;
	s29 =	sadd.s32 $0x40, s29  }
0x22d: {  	v50 =	vperm.xlane v30, v11;
	v51 =	vld [tilespmem:s28+$0xF0];
	v46 =	vmul.f32 v46, v43;
	[tilespmem:s28+$0x150] =	vst v48  }
0x22e: {  	v48 =	vld [tilespmem:s28+$0xFFFFFEC0];
	[tilespmem:s28+$0xFFFFFEE0] =	vst v47;
	v47 =	vperm.xlane v30, v6;
	v45 =	vmul.f32 v45, v43  }
0x22f: {  	v38 =	vmul.f32 v38, v25;
	v40 =	vmul.f32 v40, v25;
	v52 =	vld [tilespmem:s28+$0x80];
	[tilespmem:s28+$0x100] =	vst v46  }
0x230: {  	v53 =	vperm.xlane v30, v10;
	v36 =	vmul.f32 v36, v50;
	v46 =	vld [tilespmem:s28+$0xFFFFFED0];
	[tilespmem:s28+$0x170] =	vst v42  }
0x231: {  	v28 =	vmul.f32 v28, v39;
	v42 =	vperm.xlane v30, v1;
	[tilespmem:s28+$0xFFFFFF00] =	vst v44;
	v44 =	vld [tilespmem:s28+$0xC0]  }
0x232: {  	v37 =	vmul.f32 v37, v41;
	[tilespmem:s28+$0x90] =	vst v36;
	v36 =	vmul.f32 v51, v43;
	v39 =	vld [tilespmem:s28+$0x130]  }
0x233: {  	v43 =	vperm.xlane v30, v5;
	v41 =	vmul.f32 v48, v42;
	v48 =	vld [tilespmem:s28+$0xD0];
	[tilespmem:s28+$0x120] =	vst v38  }
0x234: {  	v32 =	vmul.f32 v32, v22;
	v38 =	vld [tilespmem:s28+$0x30];
	v51 =	vmul.f32 v52, v53;
	[tilespmem:s28+$0x110] =	vst v45  }
0x235: {  	v45 =	vmul.f32 v46, v42;
	v46 =	vperm.xlane v30, v3;
	v52 =	vld [tilespmem:s28+$0xE0];
	[tilespmem:s28+$0x140] =	vst v40  }
0x236: {  	v35 =	vmul.f32 v35, v53;
	v40 =	vperm.xlane v30, v12;
	[tilespmem:s28+$0xFFFFFEF0] =	vst v37;
	v37 =	vld [tilespmem:s28+$0xFFFFFF70]  }
0x237: {  	v54 =	vperm.xlane v30, v8;
	v33 =	vmul.f32 v33, v47;
	[tilespmem:s28+$0xFFFFFE90] =	vst v32;
	v32 =	vld [tilespmem:s28+$0xFFFFFF60]  }
0x238: {  	v56 =	vperm.xlane v30, v7;
	v55 =	vld [tilespmem:s28+$0xFFFFFEB0];
	[tilespmem:s28+$0x70] =	vst v35;
	v35 =	vmul.f32 v44, v40  }
0x239: {  	v44 =	vperm.xlane v30, v9;
	v48 =	vmul.f32 v48, v40;
	[tilespmem:s28+$0xFFFFFFB0] =	vst v33;
	v33 =	vld [tilespmem:s28+$0xFFFFFFD0]  }
0x23a: {  	v30 =	vperm.xlane v30, v4;
	v57 =	vld [tilespmem:s28+$0xFFFFFF80];
	v40 =	vmul.f32 v52, v40;
	[tilespmem:s28+$0xF0] =	vst v36  }
0x23b: {  	v29 =	vmul.f32 v29, v50;
	v36 =	vmul.f32 v38, v44;
	v38 =	vld [tilespmem:s28+$0xA0];
	[tilespmem:s28+$0x160] =	vst v28  }
0x23c: {  	v34 =	vmul.f32 v34, v30;
	v28 =	vmul.f32 v49, v30;
	v49 =	vld [tilespmem:s28+$0x50];
	[tilespmem:s28+$0xC0] =	vst v35  }
0x23d: {  	v30 =	vmul.f32 v32, v30;
	v52 =	vmul.f32 v55, v42;
	[tilespmem:s28+$0x30] =	vst v36;
	v32 =	vld [tilespmem:s28+$0x40]  }
0x23e: {  	v35 =	vmul.f32 v37, v43;
	v33 =	vmul.f32 v33, v56;
	v36 =	vld [tilespmem:s28+$0x20];
	[tilespmem:s28+$0x80] =	vst v51  }
0x23f: {  	v31 =	vmul.f32 v31, v43;
	v37 =	vld [tilespmem:s28+$0xFFFFFF10];
	v51 =	vmul.f32 v57, v43;
	[tilespmem:s28+$0xB0] =	vst v29  }
0x240: {  	v21 =	vmul.f32 v21, v54;
	[tilespmem:s28+$0xFFFFFF50] =	vst v28;
	v29 =	vld [tilespmem:s28+$0xFFFFFFE0];
	v38 =	vmul.f32 v38, v50  }
0x241: {  	v27 =	vmul.f32 v27, v54;
	v24 =	vmul.f32 v24, v47;
	v28 =	vld [tilespmem:s30+$0x160];
	[tilespmem:s28+$0xFFFFFEC0] =	vst v41  }
0x242: {  	v43 =	vmul.f32 v49, v44;
	v41 =	vld [tilespmem:s28+$0xFFFFFF30];
	[tilespmem:s28+$0xFFFFFF40] =	vst v34;
	v34 =	vmul.f32 v32, v44  }
0x243: {  	v25 =	vmul.f32 v39, v25;
	[tilespmem:s28+$0xFFFFFED0] =	vst v45;
	v42 =	vmul.f32 v36, v54  }
0x244: {  	v26 =	vmul.f32 v26, v46;
	v37 =	vmul.f32 v37, v46;
	[tilespmem:s28+$0x0] =	vst v21  }
0x245: {  	v21 =	vmul.f32 v17, v56;
	v39 =	vmul.f32 v29, v56;
	[tilespmem:s28+$0xD0] =	vst v48  }
0x246: {  	v17 =	vmul.f32 v19, v47;
	v19 =	vmul.f32 v20, v53;
	[tilespmem:s28+$0xFFFFFF90] =	vst v31  }
0x247: {  	v18 =	vmul.f32 v18, v22;
	v20 =	vmul.f32 v41, v46;
	[tilespmem:s28+$0xFFFFFFC0] =	vst v24  }
0x248: {  	[tilespmem:s28+$0x10] =	vst v27  }
0x249: {  	[tilespmem:s28+$0xFFFFFFA0] =	vst v17  }
0x24a: {  	[tilespmem:s28+$0xFFFFFEA0] =	vst v18  }
0x24b: {  	[tilespmem:s28+$0xFFFFFF30] =	vst v20  }
0x24c: {  	v17 =	vld [tilespmem:s30+$0xFFFFFFF0];
	[tilespmem:s28+$0xFFFFFF20] =	vst v26  }
0x24d: {  	v18 =	vld [tilespmem:s30+$0xFFFFFEA0];
	[tilespmem:s28+$0x60] =	vst v19  }
0x24e: {  	v19 =	vld [tilespmem:s30+$0xFFFFFFA0];
	[tilespmem:s28+$0xFFFFFFF0] =	vst v21  }
0x24f: {  	v32 =	vld [tilespmem:s30+$0xFFFFFE90];
	[tilespmem:s28+$0x130] =	vst v25  }
0x250: {  	v36 =	vld [tilespmem:s30+$0x90];
	[tilespmem:s28+$0xA0] =	vst v38  }
0x251: {  	v47 =	vld [tilespmem:s30+$0xFFFFFEE0];
	[tilespmem:s28+$0xFFFFFF70] =	vst v35  }
0x252: {  	v48 =	vld [tilespmem:s30+$0x150];
	[tilespmem:s28+$0xE0] =	vst v40  }
0x253: {  	v21 =	vld [tilespmem:s30+$0x0];
	[tilespmem:s28+$0xFFFFFF10] =	vst v37  }
0x254: {  	v29 =	vld [tilespmem:s30+$0xB0];
	[tilespmem:s28+$0xFFFFFFD0] =	vst v33  }
0x255: {  	v33 =	vld [tilespmem:s30+$0xFFFFFFB0];
	[tilespmem:s28+$0xFFFFFFE0] =	vst v39  }
0x256: {  	v37 =	vld [tilespmem:s30+$0xFFFFFEF0];
	[tilespmem:s28+$0x20] =	vst v42  }
0x257: {  	v38 =	vld [tilespmem:s30+$0x120];
	[tilespmem:s28+$0xFFFFFF60] =	vst v30  }
0x258: {  	v42 =	vld [tilespmem:s30+$0x170];
	[tilespmem:s28+$0x50] =	vst v43  }
0x259: {  	v35 =	vld [tilespmem:s30+$0x70];
	[tilespmem:s28+$0xFFFFFEB0] =	vst v52  }
0x25a: {  	v44 =	vld [tilespmem:s30+$0xFFFFFF00];
	[tilespmem:s28+$0xFFFFFF80] =	vst v51  }
0x25b: {  	s31 =	sshra.s32 s31, $0x2;
	v24 =	vld [tilespmem:s30+$0xFFFFFFC0];
	[tilespmem:s28+$0x40] =	vst v34;
	s28 =	smov.u32 s30  }
0x25c: {  	v30 =	vld.idx.msk [tilespmem:v23+s31+$0x0 ss:$0x1], $0xffff  }
0x25d: {  	v40 =	vld [tilespmem:s30+$0x140]  }
0x25e: {  	v20 =	vld [tilespmem:s30+$0x60]  }
0x25f: {  	v26 =	vld [tilespmem:s30+$0xFFFFFE80]  }
0x260: {  	v27 =	vld [tilespmem:s30+$0x10]  }
.Ltmp5:
0x261: {  	v31 =	vld [tilespmem:s30+$0xFFFFFF90];
	(pc) =	sbr.rel @p0 .LBB2_13-.Ltmp5, $4  }
0x262: {  	v22 =	vperm.xlane v30, v0;
	v39 =	vperm.xlane v30, v15;
	v46 =	vld [tilespmem:s30+$0x100]  }
0x263: {  	v41 =	vperm.xlane v30, v2;
	v25 =	vperm.xlane v30, v14;
	v45 =	vld [tilespmem:s30+$0x110]  }
0x264: {  	v48 =	vmul.f32 v48, v39;
	v49 =	vmul.f32 v26, v22;
	v26 =	vld [tilespmem:s30+$0xFFFFFF20]  }
0x265: {  	v43 =	vperm.xlane v30, v13;
	v47 =	vmul.f32 v47, v41;
	v34 =	vld [tilespmem:s30+$0xFFFFFF40]  }
0x266: {  	[tilespmem:s28+$0xFFFFFE80] =	vst v49  }
0x267: {  	[tilespmem:s28+$0x150] =	vst v48;
	v42 =	vmul.f32 v42, v39  }
0x268: {  	v44 =	vmul.f32 v44, v41;
	[tilespmem:s28+$0xFFFFFEE0] =	vst v47  }
0x269: {  	v38 =	vmul.f32 v38, v25;
	[tilespmem:s28+$0x170] =	vst v42  }
0x26a: {  	v40 =	vmul.f32 v40, v25;
	[tilespmem:s28+$0xFFFFFF00] =	vst v44  }
0x26b: {  	v37 =	vmul.f32 v37, v41;
	[tilespmem:s28+$0x120] =	vst v38  }
0x26c: {  	v32 =	vmul.f32 v32, v22;
	[tilespmem:s28+$0x140] =	vst v40  }
0x26d: {  	v28 =	vmul.f32 v28, v39;
	[tilespmem:s28+$0xFFFFFEF0] =	vst v37  }
0x26e: {  	v48 =	vperm.xlane v30, v11;
	v18 =	vmul.f32 v18, v22;
	[tilespmem:s28+$0xFFFFFE90] =	vst v32  }
0x26f: {  	v23 =	vmul.f32 v46, v43;
	[tilespmem:s28+$0x160] =	vst v28  }
0x270: {  	v36 =	vmul.f32 v36, v48;
	[tilespmem:s28+$0xFFFFFEA0] =	vst v18  }
0x271: {  	v54 =	vmul.f32 v45, v43;
	v38 =	vperm.xlane v30, v10;
	[tilespmem:s28+$0x100] =	vst v23  }
0x272: {  	v44 =	vperm.xlane v30, v6;
	v29 =	vmul.f32 v29, v48;
	[tilespmem:s28+$0x90] =	vst v36  }
0x273: {  	v61 =	vld [tilespmem:s28+$0xF0];
	v47 =	vperm.xlane v30, v4;
	[tilespmem:s28+$0x110] =	vst v54;
	v35 =	vmul.f32 v35, v38  }
0x274: {  	v53 =	vld [tilespmem:s28+$0xC0];
	v58 =	vmul.f32 v33, v44;
	[tilespmem:s28+$0xB0] =	vst v29  }
0x275: {  	v56 =	vld [tilespmem:s28+$0x30];
	v34 =	vmul.f32 v34, v47;
	[tilespmem:s28+$0x70] =	vst v35  }
0x276: {  	v62 =	vld [tilespmem:s28+$0x80];
	v19 =	vmul.f32 v19, v44;
	[tilespmem:s28+$0xFFFFFFB0] =	vst v58  }
0x277: {  	v55 =	vld [tilespmem:s28+$0xFFFFFF50];
	v45 =	vperm.xlane v30, v12;
	v18 =	vmul.f32 v20, v38;
	[tilespmem:s28+$0xFFFFFF40] =	vst v34  }
0x278: {  	v57 =	vld [tilespmem:s28+$0xD0];
	v32 =	vperm.xlane v30, v9;
	v59 =	vmul.f32 v61, v43;
	[tilespmem:s28+$0xFFFFFFA0] =	vst v19  }
0x279: {  	v42 =	vmul.f32 v53, v45;
	[tilespmem:s28+$0x60] =	vst v18  }
0x27a: {  	v60 =	vmul.f32 v56, v32;
	[tilespmem:s28+$0xF0] =	vst v59  }
0x27b: {  	v61 =	vmul.f32 v62, v38;
	[tilespmem:s28+$0xC0] =	vst v42  }
0x27c: {  	v40 =	vld [tilespmem:s28+$0xA0];
	v41 =	vmul.f32 v55, v47;
	[tilespmem:s28+$0x30] =	vst v60  }
0x27d: {  	v29 =	vperm.xlane v30, v8;
	v53 =	vmul.f32 v57, v45;
	[tilespmem:s28+$0x80] =	vst v61  }
0x27e: {  	v56 =	vmul.f32 v24, v44;
	[tilespmem:s28+$0xFFFFFF50] =	vst v41  }
0x27f: {  	v52 =	vld [tilespmem:s28+$0xFFFFFEC0];
	v21 =	vmul.f32 v21, v29;
	[tilespmem:s28+$0xD0] =	vst v53  }
0x280: {  	v63 =	vld [tilespmem:s28+$0xFFFFFED0];
	v57 =	vmul.f32 v27, v29;
	v58 =	vperm.xlane v30, v3;
	[tilespmem:s28+$0xFFFFFFC0] =	vst v56  }
0x281: {  	v19 =	vperm.xlane v30, v7;
	v18 =	vmul.f32 v40, v48;
	[tilespmem:s28+$0x0] =	vst v21  }
0x282: {  	v51 =	vld [tilespmem:s28+$0xFFFFFF10];
	v42 =	vperm.xlane v30, v1;
	[tilespmem:s28+$0x10] =	vst v57;
	v61 =	vmul.f32 v26, v58  }
0x283: {  	v35 =	vld [tilespmem:s28+$0xFFFFFF70];
	v17 =	vmul.f32 v17, v19;
	[tilespmem:s28+$0xA0] =	vst v18  }
0x284: {  	v36 =	vld [tilespmem:s28+$0x130];
	v41 =	vperm.xlane v30, v5;
	v62 =	vmul.f32 v52, v42;
	[tilespmem:s28+$0xFFFFFF20] =	vst v61  }
0x285: {  	v33 =	vld [tilespmem:s28+$0xFFFFFFD0];
	v23 =	vmul.f32 v63, v42;
	[tilespmem:s28+$0xFFFFFFF0] =	vst v17  }
0x286: {  	v54 =	vld [tilespmem:s28+$0xFFFFFFE0];
	v55 =	vmul.f32 v31, v41;
	[tilespmem:s28+$0xFFFFFEC0] =	vst v62  }
0x287: {  	v63 =	vld [tilespmem:s28+$0xFFFFFF30];
	v18 =	vmul.f32 v51, v58;
	[tilespmem:s28+$0xFFFFFED0] =	vst v23  }
0x288: {  	v43 =	vld [tilespmem:s28+$0xE0];
	[tilespmem:s28+$0xFFFFFF90] =	vst v55;
	v17 =	vmul.f32 v35, v41  }
0x289: {  	v52 =	vld [tilespmem:s28+$0x20];
	v62 =	vmul.f32 v36, v25;
	[tilespmem:s28+$0xFFFFFF10] =	vst v18  }
0x28a: {  	v39 =	vld [tilespmem:s28+$0xFFFFFF60];
	[tilespmem:s28+$0xFFFFFF70] =	vst v17;
	v17 =	vmul.f32 v33, v19  }
0x28b: {  	v49 =	vld [tilespmem:s28+$0x50];
	[tilespmem:s28+$0x130] =	vst v62;
	v19 =	vmul.f32 v54, v19  }
0x28c: {  	v50 =	vld [tilespmem:s28+$0xFFFFFEB0];
	v60 =	vmul.f32 v63, v58;
	[tilespmem:s28+$0xFFFFFFD0] =	vst v17  }
0x28d: {  	v46 =	vld [tilespmem:s28+$0xFFFFFF80];
	v63 =	vmul.f32 v43, v45;
	[tilespmem:s28+$0xFFFFFFE0] =	vst v19  }
0x28e: {  	v59 =	vld [tilespmem:s28+$0x40];
	v18 =	vmul.f32 v52, v29;
	[tilespmem:s28+$0xFFFFFF30] =	vst v60  }
0x28f: {  	v17 =	vmul.f32 v39, v47;
	[tilespmem:s28+$0xE0] =	vst v63  }
0x290: {  	v19 =	vmul.f32 v49, v32;
	[tilespmem:s28+$0x20] =	vst v18  }
0x291: {  	v18 =	vmul.f32 v50, v42;
	[tilespmem:s28+$0xFFFFFF60] =	vst v17  }
0x292: {  	v17 =	vmul.f32 v46, v41;
	[tilespmem:s28+$0x50] =	vst v19  }
0x293: {  	v19 =	vmul.f32 v59, v32;
	[tilespmem:s28+$0xFFFFFEB0] =	vst v18  }
0x294: {  	s26 =	sshrl.u32 s26, $0x2;
	[tilespmem:s28+$0xFFFFFF80] =	vst v17  }
0x295: {  	s31 =	sadd.s32 $0xCA80, s26;
	[tilespmem:s28+$0x40] =	vst v19  }
0x296: {  	[spmem:s2] =	stream.indirect.scatter.add.f32 [tilespmem:s14], [sflag:$0x2], $0x30, s31, s8, $0xb8;
	[tilespmem:$0x1FC80] =	vst v63  }
0x297: {  	s26 =	sadd.s32 $0xCB00, s26  }
0x298: {  	[spmem:s2] =	stream.indirect.scatter.add.f32 [tilespmem:s16], [sflag:$0x2], $0x30, s26, s8, $0xb8;
	[tilespmem:$0x1FC80] =	vst v63  }
0x299: {  	p0 =	seq.s32 s24, $0x27;
	_ =	swait.ge [sflag:s17], $0x1800  }
.Ltmp6:
0x29a: {  	[sflag:s17] =	ssyncset.done $0x0;
	(pc) =	sbr.rel @p0 .LBB2_16-.Ltmp6, $4  }
0x29b: {  	[sflag:s17] =	ssyncadd.s32 $0xFFFFE800  }
0x29c: {  	_ =	swait.ge [sflag:s17], $0x1800  }
0x29d: {  	[sflag:s17] =	ssyncset.done $0x0  }
0x29e: {  	[sflag:s17] =	ssyncadd.s32 $0xFFFFE800  }
0x29f: {  	v17 =	vld [tilespmem:s25+$0x7C80];
	_ =	sdelay $0x4  }
0x2a0: {  	v17 =	vadd.s32 v16, v17  }
0x2a1: {  	[tilespmem:$0x1FA80] =	vst v17  }
0x2a2: {  	v17 =	vld [tilespmem:s25+$0x7C90];
	_ =	sdelay $0x4  }
0x2a3: {  	v17 =	vadd.s32 v16, v17  }
0x2a4: {  	[tilespmem:$0x1FA90] =	vst v17  }
0x2a5: {  	v17 =	vld [tilespmem:s25+$0x7CA0];
	_ =	sdelay $0x4  }
0x2a6: {  	v17 =	vadd.s32 v16, v17  }
0x2a7: {  	[tilespmem:$0x1FAA0] =	vst v17  }
0x2a8: {  	v17 =	vld [tilespmem:s25+$0x7CB0];
	_ =	sdelay $0x4  }
0x2a9: {  	v17 =	vadd.s32 v16, v17  }
0x2aa: {  	[tilespmem:$0x1FAB0] =	vst v17  }
0x2ab: {  	v17 =	vld [tilespmem:s25+$0x7CC0];
	_ =	sdelay $0x4  }
0x2ac: {  	v17 =	vadd.s32 v16, v17  }
0x2ad: {  	[tilespmem:$0x1FAC0] =	vst v17  }
0x2ae: {  	v17 =	vld [tilespmem:s25+$0x7CD0];
	_ =	sdelay $0x4  }
0x2af: {  	v17 =	vadd.s32 v16, v17  }
0x2b0: {  	[tilespmem:$0x1FAD0] =	vst v17  }
0x2b1: {  	v17 =	vld [tilespmem:s25+$0x7CE0];
	_ =	sdelay $0x4  }
0x2b2: {  	v17 =	vadd.s32 v16, v17  }
0x2b3: {  	[tilespmem:$0x1FAE0] =	vst v17  }
0x2b4: {  	v17 =	vld [tilespmem:s25+$0x7CF0];
	_ =	sdelay $0x4  }
0x2b5: {  	v17 =	vadd.s32 v16, v17  }
0x2b6: {  	[tilespmem:$0x1FAF0] =	vst v17  }
0x2b7: {  	[tilespmem:s10], [sflag:$0x1] =	stream.indirect.gather [hbm4b:s6+s8], $0x30, s9, s8, $0xb8;
	[tilespmem:$0x1FC80] =	vst v63  }
0x2b8: {  	v17 =	vld [tilespmem:s25+$0x7D00];
	_ =	sdelay $0x4  }
0x2b9: {  	v17 =	vadd.s32 v16, v17  }
0x2ba: {  	[tilespmem:$0x1FB00] =	vst v17  }
0x2bb: {  	v17 =	vld [tilespmem:s25+$0x7D10];
	_ =	sdelay $0x4  }
0x2bc: {  	v17 =	vadd.s32 v16, v17  }
0x2bd: {  	[tilespmem:$0x1FB10] =	vst v17  }
0x2be: {  	v17 =	vld [tilespmem:s25+$0x7D20];
	_ =	sdelay $0x4  }
0x2bf: {  	v17 =	vadd.s32 v16, v17  }
0x2c0: {  	[tilespmem:$0x1FB20] =	vst v17  }
0x2c1: {  	v17 =	vld [tilespmem:s25+$0x7D30];
	_ =	sdelay $0x4  }
0x2c2: {  	v17 =	vadd.s32 v16, v17  }
0x2c3: {  	[tilespmem:$0x1FB30] =	vst v17  }
0x2c4: {  	v17 =	vld [tilespmem:s25+$0x7D40];
	_ =	sdelay $0x4  }
0x2c5: {  	v17 =	vadd.s32 v16, v17  }
0x2c6: {  	[tilespmem:$0x1FB40] =	vst v17  }
0x2c7: {  	v17 =	vld [tilespmem:s25+$0x7D50];
	_ =	sdelay $0x4  }
0x2c8: {  	v17 =	vadd.s32 v16, v17  }
0x2c9: {  	[tilespmem:$0x1FB50] =	vst v17  }
0x2ca: {  	v17 =	vld [tilespmem:s25+$0x7D60];
	_ =	sdelay $0x4  }
0x2cb: {  	v17 =	vadd.s32 v16, v17  }
0x2cc: {  	[tilespmem:$0x1FB60] =	vst v17  }
0x2cd: {  	v17 =	vld [tilespmem:s25+$0x7D70];
	_ =	sdelay $0x4  }
0x2ce: {  	v17 =	vadd.s32 v16, v17  }
0x2cf: {  	[tilespmem:$0x1FB70] =	vst v17  }
0x2d0: {  	[tilespmem:s12], [sflag:$0x1] =	stream.indirect.gather [hbm4b:s6+s8], $0x30, s11, s8, $0xb8;
	[tilespmem:$0x1FC80] =	vst v63  }
0x2d1: {  	_ =	swait.ge [sflag:s17], $0x1800  }
0x2d2: {  	[sflag:s17] =	ssyncset.done $0x0  }
0x2d3: {  	[sflag:s17] =	ssyncadd.s32 $0xFFFFE800  }
0x2d4: {  	_ =	swait.ge [sflag:s17], $0x1800  }
0x2d5: {  	[sflag:s17] =	ssyncset.done $0x0  }
0x2d6: {  	[sflag:s17] =	ssyncadd.s32 $0xFFFFE800  }
0x2d7: {  	v17 =	vld [tilespmem:s25+$0x7D80];
	_ =	sdelay $0x4  }
0x2d8: {  	v17 =	vadd.s32 v16, v17  }
0x2d9: {  	[tilespmem:$0x1FB80] =	vst v17  }
0x2da: {  	v17 =	vld [tilespmem:s25+$0x7D90];
	_ =	sdelay $0x4  }
0x2db: {  	v17 =	vadd.s32 v16, v17  }
0x2dc: {  	[tilespmem:$0x1FB90] =	vst v17  }
0x2dd: {  	v17 =	vld [tilespmem:s25+$0x7DA0];
	_ =	sdelay $0x4  }
0x2de: {  	v17 =	vadd.s32 v16, v17  }
0x2df: {  	[tilespmem:$0x1FBA0] =	vst v17  }
0x2e0: {  	v17 =	vld [tilespmem:s25+$0x7DB0];
	_ =	sdelay $0x4  }
0x2e1: {  	v17 =	vadd.s32 v16, v17  }
0x2e2: {  	[tilespmem:$0x1FBB0] =	vst v17  }
0x2e3: {  	v17 =	vld [tilespmem:s25+$0x7DC0];
	_ =	sdelay $0x4  }
0x2e4: {  	v17 =	vadd.s32 v16, v17  }
0x2e5: {  	[tilespmem:$0x1FBC0] =	vst v17  }
0x2e6: {  	v17 =	vld [tilespmem:s25+$0x7DD0];
	_ =	sdelay $0x4  }
0x2e7: {  	v17 =	vadd.s32 v16, v17  }
0x2e8: {  	[tilespmem:$0x1FBD0] =	vst v17  }
0x2e9: {  	v17 =	vld [tilespmem:s25+$0x7DE0];
	_ =	sdelay $0x4  }
0x2ea: {  	v17 =	vadd.s32 v16, v17  }
0x2eb: {  	[tilespmem:$0x1FBE0] =	vst v17  }
0x2ec: {  	v17 =	vld [tilespmem:s25+$0x7DF0];
	_ =	sdelay $0x4  }
0x2ed: {  	v17 =	vadd.s32 v16, v17  }
0x2ee: {  	[tilespmem:$0x1FBF0] =	vst v17  }
0x2ef: {  	[tilespmem:s14], [sflag:$0x1] =	stream.indirect.gather [hbm4b:s6+s8], $0x30, s13, s8, $0xb8;
	[tilespmem:$0x1FC80] =	vst v63  }
0x2f0: {  	v17 =	vld [tilespmem:s25+$0x7E00];
	_ =	sdelay $0x4  }
0x2f1: {  	v17 =	vadd.s32 v16, v17  }
0x2f2: {  	[tilespmem:$0x1FC00] =	vst v17  }
0x2f3: {  	v17 =	vld [tilespmem:s25+$0x7E10];
	_ =	sdelay $0x4  }
0x2f4: {  	v17 =	vadd.s32 v16, v17  }
0x2f5: {  	[tilespmem:$0x1FC10] =	vst v17  }
0x2f6: {  	v17 =	vld [tilespmem:s25+$0x7E20];
	_ =	sdelay $0x4  }
0x2f7: {  	v17 =	vadd.s32 v16, v17  }
0x2f8: {  	[tilespmem:$0x1FC20] =	vst v17  }
0x2f9: {  	v17 =	vld [tilespmem:s25+$0x7E30];
	_ =	sdelay $0x4  }
0x2fa: {  	v17 =	vadd.s32 v16, v17  }
0x2fb: {  	[tilespmem:$0x1FC30] =	vst v17  }
0x2fc: {  	v17 =	vld [tilespmem:s25+$0x7E40];
	_ =	sdelay $0x4  }
0x2fd: {  	v17 =	vadd.s32 v16, v17  }
0x2fe: {  	[tilespmem:$0x1FC40] =	vst v17  }
0x2ff: {  	v17 =	vld [tilespmem:s25+$0x7E50];
	_ =	sdelay $0x4  }
0x300: {  	v17 =	vadd.s32 v16, v17  }
0x301: {  	[tilespmem:$0x1FC50] =	vst v17  }
0x302: {  	v17 =	vld [tilespmem:s25+$0x7E60];
	_ =	sdelay $0x4  }
0x303: {  	v17 =	vadd.s32 v16, v17  }
0x304: {  	[tilespmem:$0x1FC60] =	vst v17  }
0x305: {  	v17 =	vld [tilespmem:s25+$0x7E70];
	_ =	sdelay $0x2  }
.Ltmp7:
0x306: {  	_ = 	snop;
	(pc) =	sbr.rel .LBB2_10-.Ltmp7, $4  }
0x307: {  	_ = 	snop  }
0x308: {  	v17 =	vadd.s32 v16, v17  }
0x309: {  	s24 =	sadd.s32 $0x1, s24;
	s22 =	sadd.s32 $0x200, s22;
	s23 =	sadd.s32 $0x200, s23;
	[tilespmem:$0x1FC70] =	vst v17  }
0x30a: {  	[tilespmem:s16], [sflag:$0x1] =	stream.indirect.gather [hbm4b:s6+s8], $0x30, s15, s8, $0xb8;
	[tilespmem:$0x1FC80] =	vst v63  }
.LBB2_16:
0x30b: {  	_ =	swait.ge [sflag:s17], $0x1800  }
0x30c: {  	p0 =	sgt.s32 s20, $0x2;
	s22 =	smov.u32 s20;
	[sflag:s17] =	ssyncset.done $0x0  }
0x30d: {  	s23 =	simm.f32 $1.000000000e+00;
	s24 =	simm.f32 $0.0e+00;
	[sflag:s17] =	ssyncadd.s32 $0xFFFFE800  }
0x30e: {  	s22 =	simm.s32 @!p0 $0x2;
	p0 =	seq.s32 s20, $0x1;
	_ =	swait.ge [sflag:s17], $0x1800  }
0x30f: {  	s22 =	smul.u32 $0x2800, s22;
	s23 =	simm.s32 @!p0 $0x40000000;
	[sflag:s17] =	ssyncset.done $0x0  }
0x310: {  	s24 =	simm.s32 @!p0 $0x3F800000;
	v16 =	vmov s23;
	s23 =	simm.s32 $0x0;
	[sflag:s17] =	ssyncadd.s32 $0xFFFFE800  }
0x311: {  	v17 =	vmov s24;
	s24 =	simm.s32 $0x0;
	s22 =	sadd.s32 $0xFFFFB000, s22;
	[bflag:$0x0] =	sbarrier.arrive $0xFFFF  }
.LBB2_17:
0x312: {  	s25 =	sshll.u32 s24, $0x7  }
0x313: {  	s28 =	sadd.s32 s3, s25  }
0x314: {  	s26 =	smul.u32 $0x30, s28;
	_ =	sdelay $0x1  }
0x315: {  	s29 =	sadd.s32 s28, s22;
	s25 =	sadd.s32 s26, s2  }
0x316: {  	[tilespmem:s10], [sflag:$0x3] =	stream.linear.gather [spmem:s25], $0x1800, $0x38;
	[tilespmem:$0x1FC80] =	vst v63  }
0x317: {  	s29 =	smul.u32 $0x6, s29;
	_ =	swait.ge [sflag:s18], $0x1800  }
0x318: {  	[sflag:s18] =	ssyncset.done $0x0  }
0x319: {  	s29 =	sadd.s32 s6, s29;
	[sflag:s18] =	ssyncadd.s32 $0xFFFFE800  }
0x31a: {  	[tilespmem:s14], [sflag:$0x3] =	stream.linear.gather [hbm4b:s29+s23], $0x1800, $0x38;
	[tilespmem:$0x1FC80] =	vst v63  }
0x31b: {  	_ =	swait.ge [sflag:s18], $0x1800  }
0x31c: {  	[sflag:s18] =	ssyncset.done $0x0  }
0x31d: {  	s29 =	simm.s32 $0x0;
	[sflag:s18] =	ssyncadd.s32 $0xFFFFE800  }
0x31e: {  	v19 =	vld [tilespmem:s29+$0x1CA80]  }
0x31f: {  	v20 =	vld [tilespmem:s29+$0x1CA90]  }
0x320: {  	v18 =	vld [tilespmem:s29+$0x1CAA0]  }
0x321: {  	v22 =	vld [tilespmem:s29+$0x19A80]  }
0x322: {  	s30 =	simm.s32 $0xC0;
	v21 =	vld [tilespmem:s29+$0x19A90]  }
.LBB2_18:
0x323: {  	p0 =	sne.s32 s30, $0x5F40;
	v23 =	vld [tilespmem:s29+$0x19AA0];
	_ =	sdelay $0x2  }
0x324: {  	v24 =	vmul.f32 v19, v17;
	v22 =	vmul.f32 v22, v16  }
0x325: {  	s31 =	sshra.s32 s30, $0x2;
	v25 =	vmul.f32 v20, v17;
	v21 =	vmul.f32 v21, v16  }
.Ltmp8:
0x326: {  	v19 =	vld [tilespmem:s31+$0x1CA80];
	v22 =	vsub.f32 v22, v24;
	v23 =	vmul.f32 v23, v16;
	v24 =	vmul.f32 v18, v17;
	(pc) =	sbr.rel @p0 .LBB2_18-.Ltmp8, $4  }
0x327: {  	v20 =	vld [tilespmem:s31+$0x1CA90];
	v21 =	vsub.f32 v21, v25  }
0x328: {  	v18 =	vld [tilespmem:s31+$0x1CAA0];
	[tilespmem:s29+$0x19A80] =	vst v22;
	v23 =	vsub.f32 v23, v24  }
0x329: {  	v22 =	vld [tilespmem:s31+$0x19A80];
	[tilespmem:s29+$0x19A90] =	vst v21  }
0x32a: {  	s30 =	sadd.s32 $0xC0, s30;
	v21 =	vld [tilespmem:s31+$0x19A90];
	[tilespmem:s29+$0x19AA0] =	vst v23;
	s29 =	smov.u32 s31  }
0x32b: {  	v23 =	vld [tilespmem:s29+$0x19AA0];
	_ =	sdelay $0x2  }
0x32c: {  	v19 =	vmul.f32 v19, v17;
	v22 =	vmul.f32 v22, v16  }
0x32d: {  	v20 =	vmul.f32 v20, v17;
	v21 =	vmul.f32 v21, v16  }
0x32e: {  	v18 =	vmul.f32 v18, v17;
	v19 =	vsub.f32 v22, v19;
	v63 =	vmul.f32 v23, v16  }
0x32f: {  	s28 =	sadd.s32 s21, s28;
	v20 =	vsub.f32 v21, v20  }
0x330: {  	s28 =	smul.u32 $0x6, s28;
	[tilespmem:s29+$0x19A80] =	vst v19;
	v18 =	vsub.f32 v63, v18  }
0x331: {  	[tilespmem:s29+$0x19A90] =	vst v20  }
0x332: {  	s28 =	sadd.s32 s6, s28;
	[tilespmem:s29+$0x19AA0] =	vst v18  }
0x333: {  	[hbm4b:s28+s19] =	stream.linear.scatter [tilespmem:s10], [sflag:$0x3], $0x1800, $0x38;
	[tilespmem:$0x1FC80] =	vst v63  }
0x334: {  	s26 =	sshrl.u32 s26, $0x3;
	s24 =	sadd.s32 $0x1, s24;
	_ =	swait.ge [sflag:s18], $0x1800  }
0x335: {  	s25 =	sshrl.u32 s25, $0x3;
	p0 =	sne.s32 s24, $0x5;
	[sflag:s18] =	ssyncset.done $0x0  }
.Ltmp9:
0x336: {  	s26 =	sadd.s32 s5, s26;
	[sflag:s18] =	ssyncadd.s32 $0xFFFFE800;
	(pc) =	sbr.rel @p0 .LBB2_17-.Ltmp9, $4  }
0x337: {  	[spmem:s25], [sflag:s4] =	dma.local [hbm:s26], $0x300  }
0x338: {  	_ =	swait.ge [sflag:s18], $0x300  }
0x339: {  	[sflag:s18] =	ssyncset.done $0x0  }
0x33a: {  	[sflag:s18] =	ssyncadd.s32 $0xFFFFFD00  }
0x33b: {  	s20 =	sadd.s32 $0x1, s20  }
0x33c: {  	p0 =	sne.s32 s20, $0x7  }
.Ltmp10:
0x33d: {  	_ = 	snop;
	(pc) =	sbr.rel @p0 .LBB2_9-.Ltmp10, $2  }
0x33e: {  	_ =	sdelay $0x1  }
0x33f: {  	[bflag:$0x0] =	sbarrier.arrive $0xFFFF;
	_ =	sdelay $0x1  }
0x340: {  	_ =	sfence.sel $0x180000  }
0x341: {  	[bflag:$0x0] =	sbarrier.arrive $0xFFFF  }
0x342: {  	p0 =	sne.s32 s0, $0x0;
	_ =	strace $0x90000047  }
0x343: {  	s0 =	sadd.s32 @!p0 $0x100000, s1;
	[bflag:$0x2] =	sbarrier.arrive $0xFFFF  }
0x344: {  	[sflag:s0] =	ssyncadd.tile.s32 @!p0 $0x1;
	_ =	shalt  }
.Lfunc_end2:
_tile_overlayer_lowered:
.L_overlay_start_2:
0x345: {  	(tag) =	ssettag $0x2  }
0x346: {  	s0 =	rddreg [dreg:$0x0];
	s2 =	stileid.u32  }
0x347: {  	s1 =	rddreg [dreg:$0x1];
	p0 =	sne.s32 s2, $0x0  }
0x348: {  	s3 =	rddreg [dreg:$0x2];
	[bflag:$0x3] =	sbarrier.arrive $0xFFFF;
	s2 =	simm.s32 @!p0 $0x1C03  }
0x349: {  	[timem:s3], [sflag:s2] =	dma.local @!p0 [hbm:s0], s1  }
0x34a: {  	s0 =	simm.s32 @!p0 $0x3  }
0x34b: {  	_ =	swait.ge @!p0 [sflag:s0], s1  }
0x34c: {  	s1 =	ssub.s32 @!p0 $0x0, s1;
	[sflag:s0] =	ssyncset.done @!p0 $0x0  }
0x34d: {  	[sflag:s0] =	ssyncadd.s32 @!p0 s1  }
0x34e: {  	[bflag:$0x3] =	sbarrier.arrive $0xFFFF  }
0x34f: {  	_ =	shalt  }

</sc_bundles>
